<compile_context>
chip_gen: v7x
topology: tpu7x:2x2x1
jax: 0.10.2.dev20260603
libtpu: 0.0.44.dev20260713+nightly
codegen_flags: <defaults>
</compile_context>

<pallas_src>
import functools
import jax
import jax.numpy as jnp
from jax import lax
from jax.experimental import pallas as pl
from jax.experimental.pallas import tpu as pltpu
from jax.experimental.pallas import tpu_sc as plsc

NC, NS, L = 2, 16, 16
NW = NC * NS
NGRP = 16
NHALF = 2
NB = 4
PF = 2


def _sc_sample(T2, scal, wq0a, wq1a, yoa, wy0a, wy1a, B, H, W, C):
    P = H * W
    NI = H // NGRP
    JW = W // NHALF
    WW = JW + 2
    RWORDS = WW * C
    OWORDS = JW * C
    JPAD = wq0a.shape[-1]
    IPAD = yoa.shape[-1]

    mesh = plsc.VectorSubcoreMesh(core_axis_name="c", subcore_axis_name="s")

    @functools.partial(
        pl.kernel,
        mesh=mesh,
        out_type=jax.ShapeDtypeStruct((B * P * C,), jnp.float32),
        compiler_params=pltpu.CompilerParams(
            needs_layout_passes=False, use_tc_tiling_on_sc=False
        ),
        scratch_types=[
            pltpu.VMEM((16,), jnp.int32),
            pltpu.VMEM((JW * L,), jnp.float32),
            pltpu.VMEM((JW * L,), jnp.float32),
            pltpu.VMEM((IPAD,), jnp.int32),
            pltpu.VMEM((IPAD,), jnp.float32),
            pltpu.VMEM((IPAD,), jnp.float32),
            pltpu.VMEM((NB * RWORDS,), jnp.float32),
            pltpu.VMEM((2 * OWORDS,), jnp.float32),
            pltpu.SemaphoreType.DMA,
            pltpu.SemaphoreType.DMA,
        ],
    )
    def k(T2_hbm, scal_hbm, wq0_hbm, wq1_hbm, yo_hbm, wy0_hbm, wy1_hbm,
          out_hbm, scal_v, wq0ev, wq1ev, yov, wy0v, wy1v, RB, OB, rsem, osem):
        wid = lax.axis_index("s") * NC + lax.axis_index("c")
        g = wid // NHALF
        h = wid % NHALF
        i0 = g * NI
        j0 = h * JW

        def fire_row(b, sy, tx, r):
            src = T2_hbm.at[b * H + sy + r, pl.ds(tx * C, RWORDS)]
            pltpu.async_copy(src, RB.at[pl.ds((r % NB) * RWORDS, RWORDS)],
                             rsem)

        def wait_row(b):
            pltpu.make_async_copy(
                T2_hbm.at[b * H, pl.ds(0, RWORDS)],
                RB.at[pl.ds(0, RWORDS)], rsem
            ).wait()

        def fire_out(b, i_abs, p):
            dst = out_hbm.at[pl.ds((b * P + i_abs * W + j0) * C, OWORDS)]
            pltpu.async_copy(OB.at[pl.ds(p * OWORDS, OWORDS)], dst, osem)

        def drain_out():
            pltpu.make_async_copy(
                OB.at[pl.ds(0, OWORDS)], out_hbm.at[pl.ds(0, OWORDS)], osem
            ).wait()

        def batch(b, carry0):
            pltpu.sync_copy(scal_hbm.at[b, wid], scal_v)
            pltpu.sync_copy(wq0_hbm.at[b, h], wq0ev)
            pltpu.sync_copy(wq1_hbm.at[b, h], wq1ev)
            pltpu.sync_copy(yo_hbm.at[b, g], yov)
            pltpu.sync_copy(wy0_hbm.at[b, g], wy0v)
            pltpu.sync_copy(wy1_hbm.at[b, g], wy1v)
            sv = scal_v[pl.ds(0, L)]
            tx = sv[0]
            sy = sv[1]
            arel = sv[2]
            cl = sv[3]
            ch = sv[4]
            jlo8 = sv[5]
            ng = sv[6]
            jend = sv[7]
            lastv = yov[pl.ds(NI - 1, L)]
            cap = lastv[0] + 2

            def row(i_loc, carry):
                fired, waited = carry
                yv0 = yov[pl.ds(i_loc, L)]
                o0 = yv0[0]
                need = o0 + 2
                want = jnp.minimum(need + PF, cap)

                def fcond(s):
                    return s < want

                def fbody(s):
                    fire_row(b, sy, tx, s)
                    return s + 1

                fired = lax.while_loop(fcond, fbody, fired)

                def wcond(s):
                    return s < need

                def wbody(s):
                    wait_row(b)
                    return s + 1

                waited = lax.while_loop(wcond, wbody, waited)

                r0 = (o0 % NB) * RWORDS
                r1 = ((o0 + 1) % NB) * RWORDS
                wv0 = wy0v[pl.ds(i_loc, L)]
                wv1 = wy1v[pl.ds(i_loc, L)]
                gy0 = jnp.full((L,), wv0[0], dtype=jnp.float32)
                gy1 = jnp.full((L,), wv1[0], dtype=jnp.float32)
                p = i_loc % 2

                t_glob = b * NI + i_loc

                @pl.when(t_glob >= 2)
                def _():
                    drain_out()

                po = p * OWORDS

                def jone(jl, c2):
                    m = jnp.minimum(jnp.maximum(jl + arel, cl), ch) * C
                    t0 = wq0ev[pl.ds(jl * L, L)]
                    t1 = wq1ev[pl.ds(jl * L, L)]
                    wA = gy0 * t0
                    wB = gy1 * t0
                    wC = gy0 * t1
                    wD = gy1 * t1
                    ob = po + jl * C
                    for cc in range(C // L):
                        va = RB[pl.ds(r0 + m + cc * L, L)]
                        vb = RB[pl.ds(r1 + m + cc * L, L)]
                        vc = RB[pl.ds(r0 + m + C + cc * L, L)]
                        vd = RB[pl.ds(r1 + m + C + cc * L, L)]
                        acc = (wA * va + wB * vb) + (wC * vc + wD * vd)
                        OB[pl.ds(ob + cc * L, L)] = acc
                    return c2

                GRP = 8

                def jgroup(t, c2):
                    js = jlo8 + t * GRP
                    mb = (js + arel) * C
                    NCC = C // L
                    cur0 = [RB[pl.ds(r0 + mb + cc * L, L)]
                            for cc in range(NCC)]
                    cur1 = [RB[pl.ds(r1 + mb + cc * L, L)]
                            for cc in range(NCC)]
                    for kk in range(GRP):
                        nb = mb + (kk + 1) * C
                        nxt0 = [RB[pl.ds(r0 + nb + cc * L, L)]
                                for cc in range(NCC)]
                        nxt1 = [RB[pl.ds(r1 + nb + cc * L, L)]
                                for cc in range(NCC)]
                        jl = js + kk
                        t0 = wq0ev[pl.ds(jl * L, L)]
                        t1 = wq1ev[pl.ds(jl * L, L)]
                        wA = gy0 * t0
                        wB = gy1 * t0
                        wC = gy0 * t1
                        wD = gy1 * t1
                        ob = po + jl * C
                        for cc in range(NCC):
                            acc = (wA * cur0[cc] + wB * cur1[cc]) + \
                                (wC * nxt0[cc] + wD * nxt1[cc])
                            OB[pl.ds(ob + cc * L, L)] = acc
                        cur0 = nxt0
                        cur1 = nxt1
                    return c2

                lax.fori_loop(0, jlo8, jone, 0)
                lax.fori_loop(0, ng, jgroup, 0)
                lax.fori_loop(jend, JW, jone, 0)
                fire_out(b, i0 + i_loc, p)
                return (fired, waited)

            lax.fori_loop(0, NI, row, (jnp.int32(0), jnp.int32(0)))
            return carry0

        lax.fori_loop(0, B, batch, 0)
        drain_out()
        drain_out()

    return k(T2, scal, wq0a, wq1a, yoa, wy0a, wy1a)


def kernel(U, theta, out_size):
    B, C, H, W = U.shape
    oh, ow = H, W
    P = H * W
    NI = H // NGRP
    JW = W // NHALF
    WW = JW + 2
    NR = NI + 2
    zero = (jnp.asarray(out_size) - oh).astype(U.dtype)
    ox = jnp.linspace(-1.0, 1.0, ow)
    oy = jnp.linspace(-1.0, 1.0, oh)
    x = (theta[:, 0, 0][:, None] + ox[None, :]) + zero
    y = (theta[:, 1, 0][:, None] + oy[None, :]) + zero
    x = (x + 1.0) * (float(W) - 1.0) / 2.0
    y = (y + 1.0) * (float(H) - 1.0) / 2.0
    x0 = jnp.clip(jnp.floor(x).astype(jnp.int32), 0, W - 2)
    x1 = jnp.clip(jnp.ceil(x).astype(jnp.int32), 0, W - 1)
    y0 = jnp.clip(jnp.floor(y).astype(jnp.int32), 0, H - 2)
    y1 = jnp.clip(jnp.ceil(y).astype(jnp.int32), 0, H - 1)
    wx0 = x1.astype(x.dtype) - x
    wx1 = x - x0.astype(x.dtype)
    wy0 = y1.astype(y.dtype) - y
    wy1 = y - y0.astype(y.dtype)

    qoffx = jnp.floor(theta[:, 0, 0] * (float(W) - 1.0) / 2.0).astype(
        jnp.int32)
    qoffy = jnp.floor(theta[:, 1, 0] * (float(H) - 1.0) / 2.0).astype(
        jnp.int32)
    jj = jnp.arange(W, dtype=jnp.int32)
    ii = jnp.arange(H, dtype=jnp.int32)
    qx = jnp.clip(jj[None, :] + qoffx[:, None], 0, W - 2)
    qy = jnp.clip(ii[None, :] + qoffy[:, None], 0, H - 2)
    fz = jnp.float32(0.0)
    wq0 = jnp.where(x0 == qx, wx0, fz) + jnp.where(x1 == qx, wx1, fz)
    wq1 = jnp.where(x0 == qx + 1, wx0, fz) + jnp.where(x1 == qx + 1, wx1, fz)
    wyq0 = jnp.where(y0 == qy, wy0, fz) + jnp.where(y1 == qy, wy1, fz)
    wyq1 = jnp.where(y0 == qy + 1, wy0, fz) + jnp.where(y1 == qy + 1, wy1, fz)

    tx = jnp.minimum(qx[:, ::JW], W - WW)
    sy = jnp.minimum(qy[:, ::NI], H - NR)
    gg = jnp.arange(NW, dtype=jnp.int32) // NHALF
    hh = jnp.arange(NW, dtype=jnp.int32) % NHALF
    arel = hh[None, :] * JW + qoffx[:, None] - tx[:, hh]
    j0h = (hh * JW)[None, :]
    jlo_raw = jnp.clip(-qoffx[:, None] - j0h, 0, JW)
    jhi_raw = jnp.clip((W - 1) - qoffx[:, None] - j0h, 0, JW)
    jlo8 = jnp.minimum((jlo_raw + 7) // 8 * 8, JW)
    ngrp8 = jnp.maximum(jhi_raw - jlo8, 0) // 8
    jend = jlo8 + 8 * ngrp8
    scal = jnp.zeros((B, NW, 16), jnp.int32)
    scal = scal.at[:, :, 0].set(tx[:, hh])
    scal = scal.at[:, :, 1].set(sy[:, gg])
    scal = scal.at[:, :, 2].set(arel)
    scal = scal.at[:, :, 3].set(-tx[:, hh])
    scal = scal.at[:, :, 4].set((W - 2) - tx[:, hh])
    scal = scal.at[:, :, 5].set(jlo8)
    scal = scal.at[:, :, 6].set(ngrp8)
    scal = scal.at[:, :, 7].set(jend)

    wq0a = jnp.broadcast_to(
        wq0.reshape(B, NHALF, JW, 1), (B, NHALF, JW, 16)
    ).reshape(B, NHALF, JW * 16)
    wq1a = jnp.broadcast_to(
        wq1.reshape(B, NHALF, JW, 1), (B, NHALF, JW, 16)
    ).reshape(B, NHALF, JW * 16)

    IPAD = NI + 24
    yo = qy.reshape(B, NGRP, NI) - sy[:, :, None]
    yoa = jnp.zeros((B, NGRP, IPAD), jnp.int32).at[:, :, :NI].set(yo)
    wy0a = jnp.zeros((B, NGRP, IPAD), jnp.float32).at[:, :, :NI].set(
        wyq0.reshape(B, NGRP, NI))
    wy1a = jnp.zeros((B, NGRP, IPAD), jnp.float32).at[:, :, :NI].set(
        wyq1.reshape(B, NGRP, NI))

    T2 = U.reshape(B * H, W * C)
    out = _sc_sample(T2, scal, wq0a, wq1a, yoa, wy0a, wy1a, B, H, W, C)
    return out.reshape(B, C, oh, ow)

# --- scband reference (transcript-rebuilt; emitter-appended) ---
"""Pipeline reference for scband-spatial-transformer-89696097010069 (READ-ONLY COPY).

The authoritative reference and input builder live on the scoring server;
editing this copy changes nothing except your own understanding.
"""

import jax, jax.numpy as jnp
import numpy as np


def setup_inputs(seed: int = 0) -> dict:
    key = jax.random.key(seed)
    k1, k2 = jax.random.split(key)
    U = jax.random.normal(k1, (4, 96, 384, 384), dtype=jnp.float32)
    # small random translation-style offsets added to the sampling grid
    theta = jax.random.normal(k2, (4, 2, 1), dtype=jnp.float32) * 0.1
    return {"U": U, "theta": theta, "out_size": 384}


def _meshgrid(oh, ow):
    x_t = jnp.tile(jnp.linspace(-1.0, 1.0, ow)[None, :], (oh, 1))
    y_t = jnp.tile(jnp.linspace(-1.0, 1.0, oh)[:, None], (1, ow))
    x_t_flat = x_t.reshape(1, -1)
    y_t_flat = y_t.reshape(1, -1)
    return jnp.concatenate([x_t_flat, y_t_flat], axis=0)  # [2, oh*ow]


def _interpolate(im, x, y, oh, ow):
    B, C, H, W = im.shape
    x = (x + 1.0) * (float(W) - 1.0) / 2.0
    y = (y + 1.0) * (float(H) - 1.0) / 2.0
    x0 = jnp.clip(jnp.floor(x).astype(jnp.int32), 0, W - 2)
    x1 = jnp.clip(jnp.ceil(x).astype(jnp.int32), 0, W - 1)
    y0 = jnp.clip(jnp.floor(y).astype(jnp.int32), 0, H - 2)
    y1 = jnp.clip(jnp.ceil(y).astype(jnp.int32), 0, H - 1)
    dim2 = W
    dim1 = W * H
    base = jnp.repeat(jnp.arange(B, dtype=jnp.int32) * dim1, oh * ow)
    base_y0 = base + y0 * dim2
    base_y1 = base + y1 * dim2
    idx_a = base_y0 + x0
    idx_b = base_y1 + x0
    idx_c = base_y0 + x1
    idx_d = base_y1 + x1
    # faithful to the original: reshape NCHW tensor to [-1, C] and gather rows
    im_flat = im.reshape(-1, C)
    Ia = jnp.take(im_flat, idx_a, axis=0)
    Ib = jnp.take(im_flat, idx_b, axis=0)
    Ic = jnp.take(im_flat, idx_c, axis=0)
    Id = jnp.take(im_flat, idx_d, axis=0)
    x0_f = x0.astype(x.dtype)
    x1_f = x1.astype(x.dtype)
    y0_f = y0.astype(y.dtype)
    y1_f = y1.astype(y.dtype)
    wa = ((x1_f - x) * (y1_f - y))[:, None]
    wb = ((x1_f - x) * (y - y0_f))[:, None]
    wc = ((x - x0_f) * (y1_f - y))[:, None]
    wd = ((x - x0_f) * (y - y0_f))[:, None]
    return wa * Ia + wb * Ib + wc * Ic + wd * Id


def reference(U, theta, out_size):
    B, C, H, W = U.shape
    oh = H
    ow = W
    out_size_zero = (jnp.asarray(out_size) - oh).astype(U.dtype)
    grid = _meshgrid(oh, ow)  # [2, oh*ow]
    grid = jnp.tile(grid.reshape(-1)[None, :], (B, 1)).reshape(B, 2, -1)
    T_g = theta + grid + out_size_zero
    x_s_flat = T_g[:, 0:1, :].reshape(-1)
    y_s_flat = T_g[:, 1:2, :].reshape(-1)
    input_transformed = _interpolate(U, x_s_flat, y_s_flat, oh, ow)
    return input_transformed.reshape(B, C, oh, ow)

if __name__ == "__main__":
    import jax
    _d = setup_inputs()
    print(jax.jit(kernel)(*tuple(_d.values())))

</pallas_src>

<mosaic_0001>
#map = affine_map<(d0, d1) -> (0, 0)>
#map1 = affine_map<(d0, d1) -> (0, 0, 0)>
#map2 = affine_map<(d0, d1) -> (0)>
module attributes {stable_mosaic.version = 14 : i64} {
  func.func @k(%arg0: i32, %arg1: i32, %arg2: memref<1536x36864xf32, #tpu.memory_space<hbm>>, %arg3: memref<4x32x16xi32, #tpu.memory_space<hbm>>, %arg4: memref<4x2x3072xf32, #tpu.memory_space<hbm>>, %arg5: memref<4x2x3072xf32, #tpu.memory_space<hbm>>, %arg6: memref<4x16x48xi32, #tpu.memory_space<hbm>>, %arg7: memref<4x16x48xf32, #tpu.memory_space<hbm>>, %arg8: memref<4x16x48xf32, #tpu.memory_space<hbm>>, %arg9: memref<56623104xf32, #tpu.memory_space<hbm>>, %arg10: memref<16xi32, #tpu.memory_space<vmem>>, %arg11: memref<3072xf32, #tpu.memory_space<vmem>>, %arg12: memref<3072xf32, #tpu.memory_space<vmem>>, %arg13: memref<48xi32, #tpu.memory_space<vmem>>, %arg14: memref<48xf32, #tpu.memory_space<vmem>>, %arg15: memref<48xf32, #tpu.memory_space<vmem>>, %arg16: memref<74496xf32, #tpu.memory_space<vmem>>, %arg17: memref<36864xf32, #tpu.memory_space<vmem>>, %arg18: memref<!tpu.dma_semaphore, #tpu.memory_space<semaphore_mem>>, %arg19: memref<!tpu.dma_semaphore, #tpu.memory_space<semaphore_mem>>) attributes {dimension_semantics = [#tpu.dimension_semantics<core_parallel>, #tpu.dimension_semantics<subcore_parallel>], iteration_bounds = array<i64: 2, 16>, scalar_prefetch = 0 : i64, scratch_operands = 10 : i64, tpu.core_type = #tpu.core_type<sc_vector_subcore>, window_params = [{transform_indices = #map}, {transform_indices = #map1}, {transform_indices = #map1}, {transform_indices = #map1}, {transform_indices = #map1}, {transform_indices = #map1}, {transform_indices = #map1}, {transform_indices = #map2}]} {
    %mul3A = arith.constant 2 : i32
    %mul3A_0 = arith.muli %arg1, %mul3A : i32
    %add3A = arith.addi %mul3A_0, %arg0 : i32
    %jit3A = arith.constant 2 : i32
    %div3A = arith.divsi %add3A, %jit3A : i32
    %sign3A = arith.constant 0 : i32
    %sign3A_1 = arith.cmpi sgt, %add3A, %sign3A : i32
    %sign3A_2 = arith.extui %sign3A_1 : i1 to i32
    %sign3A_3 = arith.constant 0 : i32
    %sign3A_4 = arith.cmpi slt, %add3A, %sign3A_3 : i32
    %sign3A_5 = arith.extui %sign3A_4 : i1 to i32
    %sign3A_6 = arith.subi %sign3A_2, %sign3A_5 : i32
    %sign3A_7 = arith.constant 0 : i32
    %sign3A_8 = arith.cmpi sgt, %jit3A, %sign3A_7 : i32
    %sign3A_9 = arith.extui %sign3A_8 : i1 to i32
    %sign3A_10 = arith.constant 0 : i32
    %sign3A_11 = arith.cmpi slt, %jit3A, %sign3A_10 : i32
    %sign3A_12 = arith.extui %sign3A_11 : i1 to i32
    %sign3A_13 = arith.subi %sign3A_9, %sign3A_12 : i32
    %ne3A = arith.cmpi ne, %sign3A_6, %sign3A_13 : i32
    %rem3A = arith.remsi %add3A, %jit3A : i32
    %ne3A_14 = arith.constant 0 : i32
    %ne3A_15 = arith.cmpi ne, %rem3A, %ne3A_14 : i32
    %and3A = arith.andi %ne3A, %ne3A_15 : i1
    %sub3A = arith.constant 1 : i32
    %sub3A_16 = arith.subi %div3A, %sub3A : i32
    %select_n3A = arith.select %and3A, %sub3A_16, %div3A : i32
    %jit3A_17 = arith.constant 2 : i32
    %eq3A = arith.constant 0 : i32
    %eq3A_18 = arith.cmpi eq, %jit3A_17, %eq3A : i32
    %jit3A_19 = arith.constant 1 : i32
    %select_n3A_20 = arith.select %eq3A_18, %jit3A_19, %jit3A_17 : i32
    %rem3A_21 = arith.remsi %add3A, %select_n3A_20 : i32
    %ne3A_22 = arith.constant 0 : i32
    %ne3A_23 = arith.cmpi ne, %rem3A_21, %ne3A_22 : i32
    %lt3A = arith.constant 0 : i32
    %lt3A_24 = arith.cmpi slt, %rem3A_21, %lt3A : i32
    %lt3A_25 = arith.constant 0 : i32
    %lt3A_26 = arith.cmpi slt, %select_n3A_20, %lt3A_25 : i32
    %ne3A_27 = arith.xori %lt3A_24, %lt3A_26 : i1
    %and3A_28 = arith.andi %ne3A_27, %ne3A_23 : i1
    %add3A_29 = arith.addi %rem3A_21, %select_n3A_20 : i32
    %select_n3A_30 = arith.select %and3A_28, %add3A_29, %rem3A_21 : i32
    %mul3A_31 = arith.constant 24 : i32
    %mul3A_32 = arith.muli %select_n3A, %mul3A_31 : i32
    %mul3A_33 = arith.constant 192 : i32
    %mul3A_34 = arith.muli %select_n3A_30, %mul3A_33 : i32
    %scan3A = arith.constant 0 : i32
    %scan3A_35 = arith.constant 0 : i32
    %scan3A_36 = arith.constant 4 : i32
    %scan3A_37 = arith.addi %scan3A_35, %scan3A_36 : i32
    %scan3A_38 = arith.constant 1 : i32
    scf.for %scan3A_55 = %scan3A_35 to %scan3A_37 step %scan3A_38  : i32 {
      "tpu.region"() ({
        %run_scoped3A = tpu.sem_alloc : memref<!tpu.dma_semaphore, #tpu.memory_space<semaphore_mem>>
        %dma_start3A = arith.constant 0 : i32
        %dma_start3A_85 = tpu.memref_slice %arg3[%scan3A_55, %add3A, %dma_start3A] : memref<4x32x16xi32, #tpu.memory_space<hbm>> -> memref<1x1x16xi32, #tpu.memory_space<hbm>>
        %dma_start3A_86 = tpu.memref_squeeze %dma_start3A_85 : memref<1x1x16xi32, #tpu.memory_space<hbm>> -> memref<16xi32, #tpu.memory_space<hbm>>
        %dma_start3A_87 = arith.constant 0 : i32
        %dma_start3A_88 = tpu.memref_slice %arg3[%scan3A_55, %add3A, %dma_start3A_87] : memref<4x32x16xi32, #tpu.memory_space<hbm>> -> memref<1x1x16xi32, #tpu.memory_space<hbm>>
        %dma_start3A_89 = tpu.memref_squeeze %dma_start3A_88 : memref<1x1x16xi32, #tpu.memory_space<hbm>> -> memref<16xi32, #tpu.memory_space<hbm>>
        tpu.enqueue_dma source(%dma_start3A_89 : memref<16xi32, #tpu.memory_space<hbm>>) target(%arg10 : memref<16xi32, #tpu.memory_space<vmem>>) target_semaphore(%run_scoped3A : memref<!tpu.dma_semaphore, #tpu.memory_space<semaphore_mem>>)
        %dma_wait3A_90 = arith.constant 0 : i32
        %dma_wait3A_91 = tpu.memref_slice %arg3[%scan3A_55, %add3A, %dma_wait3A_90] : memref<4x32x16xi32, #tpu.memory_space<hbm>> -> memref<1x1x16xi32, #tpu.memory_space<hbm>>
        %dma_wait3A_92 = tpu.memref_squeeze %dma_wait3A_91 : memref<1x1x16xi32, #tpu.memory_space<hbm>> -> memref<16xi32, #tpu.memory_space<hbm>>
        %dma_wait3A_93 = arith.constant 0 : i32
        %dma_wait3A_94 = tpu.memref_slice %arg3[%scan3A_55, %add3A, %dma_wait3A_93] : memref<4x32x16xi32, #tpu.memory_space<hbm>> -> memref<1x1x16xi32, #tpu.memory_space<hbm>>
        %dma_wait3A_95 = tpu.memref_squeeze %dma_wait3A_94 : memref<1x1x16xi32, #tpu.memory_space<hbm>> -> memref<16xi32, #tpu.memory_space<hbm>>
        tpu.wait_dma2 semaphore(%run_scoped3A : memref<!tpu.dma_semaphore, #tpu.memory_space<semaphore_mem>>) src(%dma_wait3A_95 : memref<16xi32, #tpu.memory_space<hbm>>) dst(%arg10 : memref<16xi32, #tpu.memory_space<vmem>>)
        tpu.yield
      }) : () -> ()
      "tpu.region"() ({
        %run_scoped3A = tpu.sem_alloc : memref<!tpu.dma_semaphore, #tpu.memory_space<semaphore_mem>>
        %dma_start3A = arith.constant 0 : i32
        %dma_start3A_85 = tpu.memref_slice %arg4[%scan3A_55, %select_n3A_30, %dma_start3A] : memref<4x2x3072xf32, #tpu.memory_space<hbm>> -> memref<1x1x3072xf32, #tpu.memory_space<hbm>>
        %dma_start3A_86 = tpu.memref_squeeze %dma_start3A_85 : memref<1x1x3072xf32, #tpu.memory_space<hbm>> -> memref<3072xf32, #tpu.memory_space<hbm>>
        %dma_start3A_87 = arith.constant 0 : i32
        %dma_start3A_88 = tpu.memref_slice %arg4[%scan3A_55, %select_n3A_30, %dma_start3A_87] : memref<4x2x3072xf32, #tpu.memory_space<hbm>> -> memref<1x1x3072xf32, #tpu.memory_space<hbm>>
        %dma_start3A_89 = tpu.memref_squeeze %dma_start3A_88 : memref<1x1x3072xf32, #tpu.memory_space<hbm>> -> memref<3072xf32, #tpu.memory_space<hbm>>
        tpu.enqueue_dma source(%dma_start3A_89 : memref<3072xf32, #tpu.memory_space<hbm>>) target(%arg11 : memref<3072xf32, #tpu.memory_space<vmem>>) target_semaphore(%run_scoped3A : memref<!tpu.dma_semaphore, #tpu.memory_space<semaphore_mem>>)
        %dma_wait3A_90 = arith.constant 0 : i32
        %dma_wait3A_91 = tpu.memref_slice %arg4[%scan3A_55, %select_n3A_30, %dma_wait3A_90] : memref<4x2x3072xf32, #tpu.memory_space<hbm>> -> memref<1x1x3072xf32, #tpu.memory_space<hbm>>
        %dma_wait3A_92 = tpu.memref_squeeze %dma_wait3A_91 : memref<1x1x3072xf32, #tpu.memory_space<hbm>> -> memref<3072xf32, #tpu.memory_space<hbm>>
        %dma_wait3A_93 = arith.constant 0 : i32
        %dma_wait3A_94 = tpu.memref_slice %arg4[%scan3A_55, %select_n3A_30, %dma_wait3A_93] : memref<4x2x3072xf32, #tpu.memory_space<hbm>> -> memref<1x1x3072xf32, #tpu.memory_space<hbm>>
        %dma_wait3A_95 = tpu.memref_squeeze %dma_wait3A_94 : memref<1x1x3072xf32, #tpu.memory_space<hbm>> -> memref<3072xf32, #tpu.memory_space<hbm>>
        tpu.wait_dma2 semaphore(%run_scoped3A : memref<!tpu.dma_semaphore, #tpu.memory_space<semaphore_mem>>) src(%dma_wait3A_95 : memref<3072xf32, #tpu.memory_space<hbm>>) dst(%arg11 : memref<3072xf32, #tpu.memory_space<vmem>>)
        tpu.yield
      }) : () -> ()
      "tpu.region"() ({
        %run_scoped3A = tpu.sem_alloc : memref<!tpu.dma_semaphore, #tpu.memory_space<semaphore_mem>>
        %dma_start3A = arith.constant 0 : i32
        %dma_start3A_85 = tpu.memref_slice %arg5[%scan3A_55, %select_n3A_30, %dma_start3A] : memref<4x2x3072xf32, #tpu.memory_space<hbm>> -> memref<1x1x3072xf32, #tpu.memory_space<hbm>>
        %dma_start3A_86 = tpu.memref_squeeze %dma_start3A_85 : memref<1x1x3072xf32, #tpu.memory_space<hbm>> -> memref<3072xf32, #tpu.memory_space<hbm>>
        %dma_start3A_87 = arith.constant 0 : i32
        %dma_start3A_88 = tpu.memref_slice %arg5[%scan3A_55, %select_n3A_30, %dma_start3A_87] : memref<4x2x3072xf32, #tpu.memory_space<hbm>> -> memref<1x1x3072xf32, #tpu.memory_space<hbm>>
        %dma_start3A_89 = tpu.memref_squeeze %dma_start3A_88 : memref<1x1x3072xf32, #tpu.memory_space<hbm>> -> memref<3072xf32, #tpu.memory_space<hbm>>
        tpu.enqueue_dma source(%dma_start3A_89 : memref<3072xf32, #tpu.memory_space<hbm>>) target(%arg12 : memref<3072xf32, #tpu.memory_space<vmem>>) target_semaphore(%run_scoped3A : memref<!tpu.dma_semaphore, #tpu.memory_space<semaphore_mem>>)
        %dma_wait3A_90 = arith.constant 0 : i32
        %dma_wait3A_91 = tpu.memref_slice %arg5[%scan3A_55, %select_n3A_30, %dma_wait3A_90] : memref<4x2x3072xf32, #tpu.memory_space<hbm>> -> memref<1x1x3072xf32, #tpu.memory_space<hbm>>
        %dma_wait3A_92 = tpu.memref_squeeze %dma_wait3A_91 : memref<1x1x3072xf32, #tpu.memory_space<hbm>> -> memref<3072xf32, #tpu.memory_space<hbm>>
        %dma_wait3A_93 = arith.constant 0 : i32
        %dma_wait3A_94 = tpu.memref_slice %arg5[%scan3A_55, %select_n3A_30, %dma_wait3A_93] : memref<4x2x3072xf32, #tpu.memory_space<hbm>> -> memref<1x1x3072xf32, #tpu.memory_space<hbm>>
        %dma_wait3A_95 = tpu.memref_squeeze %dma_wait3A_94 : memref<1x1x3072xf32, #tpu.memory_space<hbm>> -> memref<3072xf32, #tpu.memory_space<hbm>>
        tpu.wait_dma2 semaphore(%run_scoped3A : memref<!tpu.dma_semaphore, #tpu.memory_space<semaphore_mem>>) src(%dma_wait3A_95 : memref<3072xf32, #tpu.memory_space<hbm>>) dst(%arg12 : memref<3072xf32, #tpu.memory_space<vmem>>)
        tpu.yield
      }) : () -> ()
      "tpu.region"() ({
        %run_scoped3A = tpu.sem_alloc : memref<!tpu.dma_semaphore, #tpu.memory_space<semaphore_mem>>
        %dma_start3A = arith.constant 0 : i32
        %dma_start3A_85 = tpu.memref_slice %arg6[%scan3A_55, %select_n3A, %dma_start3A] : memref<4x16x48xi32, #tpu.memory_space<hbm>> -> memref<1x1x48xi32, #tpu.memory_space<hbm>>
        %dma_start3A_86 = tpu.memref_squeeze %dma_start3A_85 : memref<1x1x48xi32, #tpu.memory_space<hbm>> -> memref<48xi32, #tpu.memory_space<hbm>>
        %dma_start3A_87 = arith.constant 0 : i32
        %dma_start3A_88 = tpu.memref_slice %arg6[%scan3A_55, %select_n3A, %dma_start3A_87] : memref<4x16x48xi32, #tpu.memory_space<hbm>> -> memref<1x1x48xi32, #tpu.memory_space<hbm>>
        %dma_start3A_89 = tpu.memref_squeeze %dma_start3A_88 : memref<1x1x48xi32, #tpu.memory_space<hbm>> -> memref<48xi32, #tpu.memory_space<hbm>>
        tpu.enqueue_dma source(%dma_start3A_89 : memref<48xi32, #tpu.memory_space<hbm>>) target(%arg13 : memref<48xi32, #tpu.memory_space<vmem>>) target_semaphore(%run_scoped3A : memref<!tpu.dma_semaphore, #tpu.memory_space<semaphore_mem>>)
        %dma_wait3A_90 = arith.constant 0 : i32
        %dma_wait3A_91 = tpu.memref_slice %arg6[%scan3A_55, %select_n3A, %dma_wait3A_90] : memref<4x16x48xi32, #tpu.memory_space<hbm>> -> memref<1x1x48xi32, #tpu.memory_space<hbm>>
        %dma_wait3A_92 = tpu.memref_squeeze %dma_wait3A_91 : memref<1x1x48xi32, #tpu.memory_space<hbm>> -> memref<48xi32, #tpu.memory_space<hbm>>
        %dma_wait3A_93 = arith.constant 0 : i32
        %dma_wait3A_94 = tpu.memref_slice %arg6[%scan3A_55, %select_n3A, %dma_wait3A_93] : memref<4x16x48xi32, #tpu.memory_space<hbm>> -> memref<1x1x48xi32, #tpu.memory_space<hbm>>
        %dma_wait3A_95 = tpu.memref_squeeze %dma_wait3A_94 : memref<1x1x48xi32, #tpu.memory_space<hbm>> -> memref<48xi32, #tpu.memory_space<hbm>>
        tpu.wait_dma2 semaphore(%run_scoped3A : memref<!tpu.dma_semaphore, #tpu.memory_space<semaphore_mem>>) src(%dma_wait3A_95 : memref<48xi32, #tpu.memory_space<hbm>>) dst(%arg13 : memref<48xi32, #tpu.memory_space<vmem>>)
        tpu.yield
      }) : () -> ()
      "tpu.region"() ({
        %run_scoped3A = tpu.sem_alloc : memref<!tpu.dma_semaphore, #tpu.memory_space<semaphore_mem>>
        %dma_start3A = arith.constant 0 : i32
        %dma_start3A_85 = tpu.memref_slice %arg7[%scan3A_55, %select_n3A, %dma_start3A] : memref<4x16x48xf32, #tpu.memory_space<hbm>> -> memref<1x1x48xf32, #tpu.memory_space<hbm>>
        %dma_start3A_86 = tpu.memref_squeeze %dma_start3A_85 : memref<1x1x48xf32, #tpu.memory_space<hbm>> -> memref<48xf32, #tpu.memory_space<hbm>>
        %dma_start3A_87 = arith.constant 0 : i32
        %dma_start3A_88 = tpu.memref_slice %arg7[%scan3A_55, %select_n3A, %dma_start3A_87] : memref<4x16x48xf32, #tpu.memory_space<hbm>> -> memref<1x1x48xf32, #tpu.memory_space<hbm>>
        %dma_start3A_89 = tpu.memref_squeeze %dma_start3A_88 : memref<1x1x48xf32, #tpu.memory_space<hbm>> -> memref<48xf32, #tpu.memory_space<hbm>>
        tpu.enqueue_dma source(%dma_start3A_89 : memref<48xf32, #tpu.memory_space<hbm>>) target(%arg14 : memref<48xf32, #tpu.memory_space<vmem>>) target_semaphore(%run_scoped3A : memref<!tpu.dma_semaphore, #tpu.memory_space<semaphore_mem>>)
        %dma_wait3A_90 = arith.constant 0 : i32
        %dma_wait3A_91 = tpu.memref_slice %arg7[%scan3A_55, %select_n3A, %dma_wait3A_90] : memref<4x16x48xf32, #tpu.memory_space<hbm>> -> memref<1x1x48xf32, #tpu.memory_space<hbm>>
        %dma_wait3A_92 = tpu.memref_squeeze %dma_wait3A_91 : memref<1x1x48xf32, #tpu.memory_space<hbm>> -> memref<48xf32, #tpu.memory_space<hbm>>
        %dma_wait3A_93 = arith.constant 0 : i32
        %dma_wait3A_94 = tpu.memref_slice %arg7[%scan3A_55, %select_n3A, %dma_wait3A_93] : memref<4x16x48xf32, #tpu.memory_space<hbm>> -> memref<1x1x48xf32, #tpu.memory_space<hbm>>
        %dma_wait3A_95 = tpu.memref_squeeze %dma_wait3A_94 : memref<1x1x48xf32, #tpu.memory_space<hbm>> -> memref<48xf32, #tpu.memory_space<hbm>>
        tpu.wait_dma2 semaphore(%run_scoped3A : memref<!tpu.dma_semaphore, #tpu.memory_space<semaphore_mem>>) src(%dma_wait3A_95 : memref<48xf32, #tpu.memory_space<hbm>>) dst(%arg14 : memref<48xf32, #tpu.memory_space<vmem>>)
        tpu.yield
      }) : () -> ()
      "tpu.region"() ({
        %run_scoped3A = tpu.sem_alloc : memref<!tpu.dma_semaphore, #tpu.memory_space<semaphore_mem>>
        %dma_start3A = arith.constant 0 : i32
        %dma_start3A_85 = tpu.memref_slice %arg8[%scan3A_55, %select_n3A, %dma_start3A] : memref<4x16x48xf32, #tpu.memory_space<hbm>> -> memref<1x1x48xf32, #tpu.memory_space<hbm>>
        %dma_start3A_86 = tpu.memref_squeeze %dma_start3A_85 : memref<1x1x48xf32, #tpu.memory_space<hbm>> -> memref<48xf32, #tpu.memory_space<hbm>>
        %dma_start3A_87 = arith.constant 0 : i32
        %dma_start3A_88 = tpu.memref_slice %arg8[%scan3A_55, %select_n3A, %dma_start3A_87] : memref<4x16x48xf32, #tpu.memory_space<hbm>> -> memref<1x1x48xf32, #tpu.memory_space<hbm>>
        %dma_start3A_89 = tpu.memref_squeeze %dma_start3A_88 : memref<1x1x48xf32, #tpu.memory_space<hbm>> -> memref<48xf32, #tpu.memory_space<hbm>>
        tpu.enqueue_dma source(%dma_start3A_89 : memref<48xf32, #tpu.memory_space<hbm>>) target(%arg15 : memref<48xf32, #tpu.memory_space<vmem>>) target_semaphore(%run_scoped3A : memref<!tpu.dma_semaphore, #tpu.memory_space<semaphore_mem>>)
        %dma_wait3A_90 = arith.constant 0 : i32
        %dma_wait3A_91 = tpu.memref_slice %arg8[%scan3A_55, %select_n3A, %dma_wait3A_90] : memref<4x16x48xf32, #tpu.memory_space<hbm>> -> memref<1x1x48xf32, #tpu.memory_space<hbm>>
        %dma_wait3A_92 = tpu.memref_squeeze %dma_wait3A_91 : memref<1x1x48xf32, #tpu.memory_space<hbm>> -> memref<48xf32, #tpu.memory_space<hbm>>
        %dma_wait3A_93 = arith.constant 0 : i32
        %dma_wait3A_94 = tpu.memref_slice %arg8[%scan3A_55, %select_n3A, %dma_wait3A_93] : memref<4x16x48xf32, #tpu.memory_space<hbm>> -> memref<1x1x48xf32, #tpu.memory_space<hbm>>
        %dma_wait3A_95 = tpu.memref_squeeze %dma_wait3A_94 : memref<1x1x48xf32, #tpu.memory_space<hbm>> -> memref<48xf32, #tpu.memory_space<hbm>>
        tpu.wait_dma2 semaphore(%run_scoped3A : memref<!tpu.dma_semaphore, #tpu.memory_space<semaphore_mem>>) src(%dma_wait3A_95 : memref<48xf32, #tpu.memory_space<hbm>>) dst(%arg15 : memref<48xf32, #tpu.memory_space<vmem>>)
        tpu.yield
      }) : () -> ()
      %get3A = arith.constant 0 : index
      %get3A_56 = tpu.vector_load %arg10[%get3A] {strides = array<i32>} : memref<16xi32, #tpu.memory_space<vmem>>, vector<16xi32>,
      %slice3A = vector.extract_strided_slice %get3A_56 {offsets = [0], sizes = [1], strides = [1]} : vector<16xi32> to vector<1xi32>
      %squeeze3A = vector.extract %slice3A[0] : i32 from vector<1xi32>
      %slice3A_57 = vector.extract_strided_slice %get3A_56 {offsets = [1], sizes = [1], strides = [1]} : vector<16xi32> to vector<1xi32>
      %squeeze3A_58 = vector.extract %slice3A_57[0] : i32 from vector<1xi32>
      %slice3A_59 = vector.extract_strided_slice %get3A_56 {offsets = [2], sizes = [1], strides = [1]} : vector<16xi32> to vector<1xi32>
      %squeeze3A_60 = vector.extract %slice3A_59[0] : i32 from vector<1xi32>
      %slice3A_61 = vector.extract_strided_slice %get3A_56 {offsets = [3], sizes = [1], strides = [1]} : vector<16xi32> to vector<1xi32>
      %squeeze3A_62 = vector.extract %slice3A_61[0] : i32 from vector<1xi32>
      %slice3A_63 = vector.extract_strided_slice %get3A_56 {offsets = [4], sizes = [1], strides = [1]} : vector<16xi32> to vector<1xi32>
      %squeeze3A_64 = vector.extract %slice3A_63[0] : i32 from vector<1xi32>
      %slice3A_65 = vector.extract_strided_slice %get3A_56 {offsets = [5], sizes = [1], strides = [1]} : vector<16xi32> to vector<1xi32>
      %squeeze3A_66 = vector.extract %slice3A_65[0] : i32 from vector<1xi32>
      %slice3A_67 = vector.extract_strided_slice %get3A_56 {offsets = [6], sizes = [1], strides = [1]} : vector<16xi32> to vector<1xi32>
      %squeeze3A_68 = vector.extract %slice3A_67[0] : i32 from vector<1xi32>
      %slice3A_69 = vector.extract_strided_slice %get3A_56 {offsets = [7], sizes = [1], strides = [1]} : vector<16xi32> to vector<1xi32>
      %squeeze3A_70 = vector.extract %slice3A_69[0] : i32 from vector<1xi32>
      %get3A_71 = arith.constant 23 : index
      %get3A_72 = tpu.vector_load %arg13[%get3A_71] {strides = array<i32>} : memref<48xi32, #tpu.memory_space<vmem>>, vector<16xi32>,
      %slice3A_73 = vector.extract_strided_slice %get3A_72 {offsets = [0], sizes = [1], strides = [1]} : vector<16xi32> to vector<1xi32>
      %squeeze3A_74 = vector.extract %slice3A_73[0] : i32 from vector<1xi32>
      %add3A_75 = arith.constant 2 : i32
      %add3A_76 = arith.addi %squeeze3A_74, %add3A_75 : i32
      %scan3A_77 = arith.constant 0 : i32
      %scan3A_78 = arith.constant 0 : i32
      %scan3A_79 = arith.constant 0 : i32
      %scan3A_80 = arith.constant 24 : i32
      %scan3A_81 = arith.addi %scan3A_79, %scan3A_80 : i32
      %scan3A_82 = arith.constant 1 : i32
      %scan3A_83:2 = scf.for %scan3A_85 = %scan3A_79 to %scan3A_81 step %scan3A_82 iter_args(%scan3A_86 = %scan3A_77, %scan3A_87 = %scan3A_78) -> (i32, i32)  : i32 {
        %get3A_88 = arith.index_cast %scan3A_85 : i32 to index
        %get3A_89 = tpu.vector_load %arg13[%get3A_88] {strides = array<i32>} : memref<48xi32, #tpu.memory_space<vmem>>, vector<16xi32>,
        %slice3A_90 = vector.extract_strided_slice %get3A_89 {offsets = [0], sizes = [1], strides = [1]} : vector<16xi32> to vector<1xi32>
        %squeeze3A_91 = vector.extract %slice3A_90[0] : i32 from vector<1xi32>
        %add3A_92 = arith.constant 2 : i32
        %add3A_93 = arith.addi %squeeze3A_91, %add3A_92 : i32
        %add3A_94 = arith.constant 2 : i32
        %add3A_95 = arith.addi %add3A_93, %add3A_94 : i32
        %min3A = arith.minsi %add3A_95, %add3A_76 : i32
        %while3A = scf.while (%while3A_211 = %scan3A_86) : (i32) -> i32 {
          %lt3A_212 = arith.cmpi slt, %while3A_211, %min3A : i32
          scf.condition(%lt3A_212) %while3A_211 : i32
        } do {
        ^bb0(%while3A_211: i32):
          %mul3A_212 = arith.constant 384 : i32
          %mul3A_213 = arith.muli %scan3A_55, %mul3A_212 : i32
          %add3A_214 = arith.addi %mul3A_213, %squeeze3A_58 : i32
          %add3A_215 = arith.addi %add3A_214, %while3A_211 : i32
          %mul3A_216 = arith.constant 96 : i32
          %mul3A_217 = arith.muli %squeeze3A, %mul3A_216 : i32
          %jit3A_218 = arith.constant 4 : i32
          %eq3A_219 = arith.constant 0 : i32
          %eq3A_220 = arith.cmpi eq, %jit3A_218, %eq3A_219 : i32
          %jit3A_221 = arith.constant 1 : i32
          %select_n3A_222 = arith.select %eq3A_220, %jit3A_221, %jit3A_218 : i32
          %rem3A_223 = arith.remsi %while3A_211, %select_n3A_222 : i32
          %ne3A_224 = arith.constant 0 : i32
          %ne3A_225 = arith.cmpi ne, %rem3A_223, %ne3A_224 : i32
          %lt3A_226 = arith.constant 0 : i32
          %lt3A_227 = arith.cmpi slt, %rem3A_223, %lt3A_226 : i32
          %lt3A_228 = arith.constant 0 : i32
          %lt3A_229 = arith.cmpi slt, %select_n3A_222, %lt3A_228 : i32
          %ne3A_230 = arith.xori %lt3A_227, %lt3A_229 : i1
          %and3A_231 = arith.andi %ne3A_230, %ne3A_225 : i1
          %add3A_232 = arith.addi %rem3A_223, %select_n3A_222 : i32
          %select_n3A_233 = arith.select %and3A_231, %add3A_232, %rem3A_223 : i32
          %mul3A_234 = arith.constant 18624 : i32
          %mul3A_235 = arith.muli %select_n3A_233, %mul3A_234 : i32
          %dma_start3A_236 = tpu.memref_slice %arg16[%mul3A_235] : memref<74496xf32, #tpu.memory_space<vmem>> -> memref<18624xf32, #tpu.memory_space<vmem>>
          %dma_start3A_237 = tpu.memref_slice %arg2[%add3A_215, %mul3A_217] : memref<1536x36864xf32, #tpu.memory_space<hbm>> -> memref<1x18624xf32, #tpu.memory_space<hbm>>
          %dma_start3A_238 = tpu.memref_squeeze %dma_start3A_237 : memref<1x18624xf32, #tpu.memory_space<hbm>> -> memref<18624xf32, #tpu.memory_space<hbm>>
          %dma_start3A_239 = tpu.memref_slice %arg16[%mul3A_235] : memref<74496xf32, #tpu.memory_space<vmem>> -> memref<18624xf32, #tpu.memory_space<vmem>>
          %dma_start3A_240 = tpu.memref_slice %arg2[%add3A_215, %mul3A_217] : memref<1536x36864xf32, #tpu.memory_space<hbm>> -> memref<1x18624xf32, #tpu.memory_space<hbm>>
          %dma_start3A_241 = tpu.memref_squeeze %dma_start3A_240 : memref<1x18624xf32, #tpu.memory_space<hbm>> -> memref<18624xf32, #tpu.memory_space<hbm>>
          tpu.enqueue_dma source(%dma_start3A_241 : memref<18624xf32, #tpu.memory_space<hbm>>) target(%dma_start3A_239 : memref<18624xf32, #tpu.memory_space<vmem>>) target_semaphore(%arg18 : memref<!tpu.dma_semaphore, #tpu.memory_space<semaphore_mem>>)
          %add3A_242 = arith.constant 1 : i32
          %add3A_243 = arith.addi %while3A_211, %add3A_242 : i32
          scf.yield %add3A_243 : i32
        }
        %while3A_96 = scf.while (%while3A_211 = %scan3A_87) : (i32) -> i32 {
          %lt3A_212 = arith.cmpi slt, %while3A_211, %add3A_93 : i32
          scf.condition(%lt3A_212) %while3A_211 : i32
        } do {
        ^bb0(%while3A_211: i32):
          %mul3A_212 = arith.constant 384 : i32
          %mul3A_213 = arith.muli %scan3A_55, %mul3A_212 : i32
          %dma_wait3A_214 = arith.constant 0 : i32
          %dma_wait3A_215 = tpu.memref_slice %arg16[%dma_wait3A_214] : memref<74496xf32, #tpu.memory_space<vmem>> -> memref<18624xf32, #tpu.memory_space<vmem>>
          %dma_wait3A_216 = arith.constant 0 : i32
          %dma_wait3A_217 = tpu.memref_slice %arg2[%mul3A_213, %dma_wait3A_216] : memref<1536x36864xf32, #tpu.memory_space<hbm>> -> memref<1x18624xf32, #tpu.memory_space<hbm>>
          %dma_wait3A_218 = tpu.memref_squeeze %dma_wait3A_217 : memref<1x18624xf32, #tpu.memory_space<hbm>> -> memref<18624xf32, #tpu.memory_space<hbm>>
          %dma_wait3A_219 = arith.constant 0 : i32
          %dma_wait3A_220 = tpu.memref_slice %arg16[%dma_wait3A_219] : memref<74496xf32, #tpu.memory_space<vmem>> -> memref<18624xf32, #tpu.memory_space<vmem>>
          %dma_wait3A_221 = arith.constant 0 : i32
          %dma_wait3A_222 = tpu.memref_slice %arg2[%mul3A_213, %dma_wait3A_221] : memref<1536x36864xf32, #tpu.memory_space<hbm>> -> memref<1x18624xf32, #tpu.memory_space<hbm>>
          %dma_wait3A_223 = tpu.memref_squeeze %dma_wait3A_222 : memref<1x18624xf32, #tpu.memory_space<hbm>> -> memref<18624xf32, #tpu.memory_space<hbm>>
          tpu.wait_dma2 semaphore(%arg18 : memref<!tpu.dma_semaphore, #tpu.memory_space<semaphore_mem>>) src(%dma_wait3A_223 : memref<18624xf32, #tpu.memory_space<hbm>>) dst(%dma_wait3A_220 : memref<18624xf32, #tpu.memory_space<vmem>>)
          %add3A_224 = arith.constant 1 : i32
          %add3A_225 = arith.addi %while3A_211, %add3A_224 : i32
          scf.yield %add3A_225 : i32
        }
        %jit3A_97 = arith.constant 4 : i32
        %eq3A_98 = arith.constant 0 : i32
        %eq3A_99 = arith.cmpi eq, %jit3A_97, %eq3A_98 : i32
        %jit3A_100 = arith.constant 1 : i32
        %select_n3A_101 = arith.select %eq3A_99, %jit3A_100, %jit3A_97 : i32
        %rem3A_102 = arith.remsi %squeeze3A_91, %select_n3A_101 : i32
        %ne3A_103 = arith.constant 0 : i32
        %ne3A_104 = arith.cmpi ne, %rem3A_102, %ne3A_103 : i32
        %lt3A_105 = arith.constant 0 : i32
        %lt3A_106 = arith.cmpi slt, %rem3A_102, %lt3A_105 : i32
        %lt3A_107 = arith.constant 0 : i32
        %lt3A_108 = arith.cmpi slt, %select_n3A_101, %lt3A_107 : i32
        %ne3A_109 = arith.xori %lt3A_106, %lt3A_108 : i1
        %and3A_110 = arith.andi %ne3A_109, %ne3A_104 : i1
        %add3A_111 = arith.addi %rem3A_102, %select_n3A_101 : i32
        %select_n3A_112 = arith.select %and3A_110, %add3A_111, %rem3A_102 : i32
        %mul3A_113 = arith.constant 18624 : i32
        %mul3A_114 = arith.muli %select_n3A_112, %mul3A_113 : i32
        %add3A_115 = arith.constant 1 : i32
        %add3A_116 = arith.addi %squeeze3A_91, %add3A_115 : i32
        %jit3A_117 = arith.constant 4 : i32
        %eq3A_118 = arith.constant 0 : i32
        %eq3A_119 = arith.cmpi eq, %jit3A_117, %eq3A_118 : i32
        %jit3A_120 = arith.constant 1 : i32
        %select_n3A_121 = arith.select %eq3A_119, %jit3A_120, %jit3A_117 : i32
        %rem3A_122 = arith.remsi %add3A_116, %select_n3A_121 : i32
        %ne3A_123 = arith.constant 0 : i32
        %ne3A_124 = arith.cmpi ne, %rem3A_122, %ne3A_123 : i32
        %lt3A_125 = arith.constant 0 : i32
        %lt3A_126 = arith.cmpi slt, %rem3A_122, %lt3A_125 : i32
        %lt3A_127 = arith.constant 0 : i32
        %lt3A_128 = arith.cmpi slt, %select_n3A_121, %lt3A_127 : i32
        %ne3A_129 = arith.xori %lt3A_126, %lt3A_128 : i1
        %and3A_130 = arith.andi %ne3A_129, %ne3A_124 : i1
        %add3A_131 = arith.addi %rem3A_122, %select_n3A_121 : i32
        %select_n3A_132 = arith.select %and3A_130, %add3A_131, %rem3A_122 : i32
        %mul3A_133 = arith.constant 18624 : i32
        %mul3A_134 = arith.muli %select_n3A_132, %mul3A_133 : i32
        %get3A_135 = arith.index_cast %scan3A_85 : i32 to index
        %get3A_136 = tpu.vector_load %arg14[%get3A_135] {strides = array<i32>} : memref<48xf32, #tpu.memory_space<vmem>>, vector<16xf32>,
        %get3A_137 = arith.index_cast %scan3A_85 : i32 to index
        %get3A_138 = tpu.vector_load %arg15[%get3A_137] {strides = array<i32>} : memref<48xf32, #tpu.memory_space<vmem>>, vector<16xf32>,
        %slice3A_139 = vector.extract_strided_slice %get3A_136 {offsets = [0], sizes = [1], strides = [1]} : vector<16xf32> to vector<1xf32>
        %squeeze3A_140 = vector.extract %slice3A_139[0] : f32 from vector<1xf32>
        %broadcast_in_dim3A = vector.broadcast %squeeze3A_140 : f32 to vector<16xf32>
        %slice3A_141 = vector.extract_strided_slice %get3A_138 {offsets = [0], sizes = [1], strides = [1]} : vector<16xf32> to vector<1xf32>
        %squeeze3A_142 = vector.extract %slice3A_141[0] : f32 from vector<1xf32>
        %broadcast_in_dim3A_143 = vector.broadcast %squeeze3A_142 : f32 to vector<16xf32>
        %jit3A_144 = arith.constant 2 : i32
        %eq3A_145 = arith.constant 0 : i32
        %eq3A_146 = arith.cmpi eq, %jit3A_144, %eq3A_145 : i32
        %jit3A_147 = arith.constant 1 : i32
        %select_n3A_148 = arith.select %eq3A_146, %jit3A_147, %jit3A_144 : i32
        %rem3A_149 = arith.remsi %scan3A_85, %select_n3A_148 : i32
        %ne3A_150 = arith.constant 0 : i32
        %ne3A_151 = arith.cmpi ne, %rem3A_149, %ne3A_150 : i32
        %lt3A_152 = arith.constant 0 : i32
        %lt3A_153 = arith.cmpi slt, %rem3A_149, %lt3A_152 : i32
        %lt3A_154 = arith.constant 0 : i32
        %lt3A_155 = arith.cmpi slt, %select_n3A_148, %lt3A_154 : i32
        %ne3A_156 = arith.xori %lt3A_153, %lt3A_155 : i1
        %and3A_157 = arith.andi %ne3A_156, %ne3A_151 : i1
        %add3A_158 = arith.addi %rem3A_149, %select_n3A_148 : i32
        %select_n3A_159 = arith.select %and3A_157, %add3A_158, %rem3A_149 : i32
        %mul3A_160 = arith.constant 24 : i32
        %mul3A_161 = arith.muli %scan3A_55, %mul3A_160 : i32
        %add3A_162 = arith.addi %mul3A_161, %scan3A_85 : i32
        %ge3A = arith.constant 2 : i32
        %ge3A_163 = arith.cmpi sge, %add3A_162, %ge3A : i32
        %convert_element_type3A = arith.extui %ge3A_163 : i1 to i32
        %cond3A = arith.constant 0 : i32
        %cond3A_164 = arith.cmpi ne, %convert_element_type3A, %cond3A : i32
        scf.if %cond3A_164 {
          %dma_wait3A_211 = arith.constant 0 : i32
          %dma_wait3A_212 = tpu.memref_slice %arg17[%dma_wait3A_211] : memref<36864xf32, #tpu.memory_space<vmem>> -> memref<18432xf32, #tpu.memory_space<vmem>>
          %dma_wait3A_213 = arith.constant 0 : i32
          %dma_wait3A_214 = tpu.memref_slice %arg9[%dma_wait3A_213] : memref<56623104xf32, #tpu.memory_space<hbm>> -> memref<18432xf32, #tpu.memory_space<hbm>>
          %dma_wait3A_215 = arith.constant 0 : i32
          %dma_wait3A_216 = tpu.memref_slice %arg9[%dma_wait3A_215] : memref<56623104xf32, #tpu.memory_space<hbm>> -> memref<18432xf32, #tpu.memory_space<hbm>>
          %dma_wait3A_217 = arith.constant 0 : i32
          %dma_wait3A_218 = tpu.memref_slice %arg17[%dma_wait3A_217] : memref<36864xf32, #tpu.memory_space<vmem>> -> memref<18432xf32, #tpu.memory_space<vmem>>
          tpu.wait_dma2 semaphore(%arg19 : memref<!tpu.dma_semaphore, #tpu.memory_space<semaphore_mem>>) src(%dma_wait3A_218 : memref<18432xf32, #tpu.memory_space<vmem>>) dst(%dma_wait3A_216 : memref<18432xf32, #tpu.memory_space<hbm>>)
        } else {
        }
        %mul3A_165 = arith.constant 18432 : i32
        %mul3A_166 = arith.muli %select_n3A_159, %mul3A_165 : i32
        %while3A_167 = arith.constant 0 : i32
        %while3A_168 = arith.constant 0 : i32
        %while3A_169 = arith.subi %squeeze3A_66, %while3A_168 : i32
        %while3A_170 = arith.addi %while3A_168, %while3A_169 : i32
        %while3A_171 = arith.constant 1 : i32
        %while3A_172 = arith.divsi %while3A_169, %while3A_171 : i32
        %while3A_173 = arith.muli %while3A_172, %while3A_171 : i32
        %while3A_174 = arith.addi %while3A_168, %while3A_173 : i32
        %while3A_175 = arith.constant 1 : i32
        scf.for %while3A_211 = %while3A_168 to %while3A_174 step %while3A_175  : i32 {
          %add3A_212 = arith.addi %while3A_211, %squeeze3A_60 : i32
          %max3A = arith.maxsi %add3A_212, %squeeze3A_62 : i32
          %min3A_213 = arith.minsi %max3A, %squeeze3A_64 : i32
          %mul3A_214 = arith.constant 96 : i32
          %mul3A_215 = arith.muli %min3A_213, %mul3A_214 : i32
          %mul3A_216 = arith.constant 16 : i32
          %mul3A_217 = arith.muli %while3A_211, %mul3A_216 : i32
          %get3A_218 = arith.index_cast %mul3A_217 : i32 to index
          %get3A_219 = tpu.vector_load %arg11[%get3A_218] {strides = array<i32>} : memref<3072xf32, #tpu.memory_space<vmem>>, vector<16xf32>,
          %mul3A_220 = arith.constant 16 : i32
          %mul3A_221 = arith.muli %while3A_211, %mul3A_220 : i32
          %get3A_222 = arith.index_cast %mul3A_221 : i32 to index
          %get3A_223 = tpu.vector_load %arg12[%get3A_222] {strides = array<i32>} : memref<3072xf32, #tpu.memory_space<vmem>>, vector<16xf32>,
          %mul3A_224 = arith.mulf %broadcast_in_dim3A, %get3A_219 : vector<16xf32>
          %mul3A_225 = arith.mulf %broadcast_in_dim3A_143, %get3A_219 : vector<16xf32>
          %mul3A_226 = arith.mulf %broadcast_in_dim3A, %get3A_223 : vector<16xf32>
          %mul3A_227 = arith.mulf %broadcast_in_dim3A_143, %get3A_223 : vector<16xf32>
          %mul3A_228 = arith.constant 96 : i32
          %mul3A_229 = arith.muli %while3A_211, %mul3A_228 : i32
          %add3A_230 = arith.addi %mul3A_166, %mul3A_229 : i32
          %add3A_231 = arith.addi %mul3A_114, %mul3A_215 : i32
          %add3A_232 = arith.constant 0 : i32
          %add3A_233 = arith.addi %add3A_231, %add3A_232 : i32
          %get3A_234 = arith.index_cast %add3A_233 : i32 to index
          %get3A_235 = tpu.vector_load %arg16[%get3A_234] {strides = array<i32>} : memref<74496xf32, #tpu.memory_space<vmem>>, vector<16xf32>,
          %add3A_236 = arith.addi %mul3A_134, %mul3A_215 : i32
          %add3A_237 = arith.constant 0 : i32
          %add3A_238 = arith.addi %add3A_236, %add3A_237 : i32
          %get3A_239 = arith.index_cast %add3A_238 : i32 to index
          %get3A_240 = tpu.vector_load %arg16[%get3A_239] {strides = array<i32>} : memref<74496xf32, #tpu.memory_space<vmem>>, vector<16xf32>,
          %add3A_241 = arith.addi %mul3A_114, %mul3A_215 : i32
          %add3A_242 = arith.constant 96 : i32
          %add3A_243 = arith.addi %add3A_241, %add3A_242 : i32
          %add3A_244 = arith.constant 0 : i32
          %add3A_245 = arith.addi %add3A_243, %add3A_244 : i32
          %get3A_246 = arith.index_cast %add3A_245 : i32 to index
          %get3A_247 = tpu.vector_load %arg16[%get3A_246] {strides = array<i32>} : memref<74496xf32, #tpu.memory_space<vmem>>, vector<16xf32>,
          %add3A_248 = arith.addi %mul3A_134, %mul3A_215 : i32
          %add3A_249 = arith.constant 96 : i32
          %add3A_250 = arith.addi %add3A_248, %add3A_249 : i32
          %add3A_251 = arith.constant 0 : i32
          %add3A_252 = arith.addi %add3A_250, %add3A_251 : i32
          %get3A_253 = arith.index_cast %add3A_252 : i32 to index
          %get3A_254 = tpu.vector_load %arg16[%get3A_253] {strides = array<i32>} : memref<74496xf32, #tpu.memory_space<vmem>>, vector<16xf32>,
          %mul3A_255 = arith.mulf %mul3A_224, %get3A_235 : vector<16xf32>
          %mul3A_256 = arith.mulf %mul3A_225, %get3A_240 : vector<16xf32>
          %add3A_257 = arith.addf %mul3A_255, %mul3A_256 : vector<16xf32>
          %mul3A_258 = arith.mulf %mul3A_226, %get3A_247 : vector<16xf32>
          %mul3A_259 = arith.mulf %mul3A_227, %get3A_254 : vector<16xf32>
          %add3A_260 = arith.addf %mul3A_258, %mul3A_259 : vector<16xf32>
          %add3A_261 = arith.addf %add3A_257, %add3A_260 : vector<16xf32>
          %add3A_262 = arith.constant 0 : i32
          %add3A_263 = arith.addi %add3A_230, %add3A_262 : i32
          %swap3A = arith.index_cast %add3A_263 : i32 to index
          %swap3A_264 = tpu.vector_load %arg17[%swap3A] {strides = array<i32>} : memref<36864xf32, #tpu.memory_space<vmem>>, vector<16xf32>,
          tpu.vector_store %arg17[%swap3A], %add3A_261 {strides = array<i32>} : memref<36864xf32, #tpu.memory_space<vmem>>, vector<16xf32>,
          %add3A_265 = arith.addi %mul3A_114, %mul3A_215 : i32
          %add3A_266 = arith.constant 16 : i32
          %add3A_267 = arith.addi %add3A_265, %add3A_266 : i32
          %get3A_268 = arith.index_cast %add3A_267 : i32 to index
          %get3A_269 = tpu.vector_load %arg16[%get3A_268] {strides = array<i32>} : memref<74496xf32, #tpu.memory_space<vmem>>, vector<16xf32>,
          %add3A_270 = arith.addi %mul3A_134, %mul3A_215 : i32
          %add3A_271 = arith.constant 16 : i32
          %add3A_272 = arith.addi %add3A_270, %add3A_271 : i32
          %get3A_273 = arith.index_cast %add3A_272 : i32 to index
          %get3A_274 = tpu.vector_load %arg16[%get3A_273] {strides = array<i32>} : memref<74496xf32, #tpu.memory_space<vmem>>, vector<16xf32>,
          %add3A_275 = arith.addi %mul3A_114, %mul3A_215 : i32
          %add3A_276 = arith.constant 96 : i32
          %add3A_277 = arith.addi %add3A_275, %add3A_276 : i32
          %add3A_278 = arith.constant 16 : i32
          %add3A_279 = arith.addi %add3A_277, %add3A_278 : i32
          %get3A_280 = arith.index_cast %add3A_279 : i32 to index
          %get3A_281 = tpu.vector_load %arg16[%get3A_280] {strides = array<i32>} : memref<74496xf32, #tpu.memory_space<vmem>>, vector<16xf32>,
          %add3A_282 = arith.addi %mul3A_134, %mul3A_215 : i32
          %add3A_283 = arith.constant 96 : i32
          %add3A_284 = arith.addi %add3A_282, %add3A_283 : i32
          %add3A_285 = arith.constant 16 : i32
          %add3A_286 = arith.addi %add3A_284, %add3A_285 : i32
          %get3A_287 = arith.index_cast %add3A_286 : i32 to index
          %get3A_288 = tpu.vector_load %arg16[%get3A_287] {strides = array<i32>} : memref<74496xf32, #tpu.memory_space<vmem>>, vector<16xf32>,
          %mul3A_289 = arith.mulf %mul3A_224, %get3A_269 : vector<16xf32>
          %mul3A_290 = arith.mulf %mul3A_225, %get3A_274 : vector<16xf32>
          %add3A_291 = arith.addf %mul3A_289, %mul3A_290 : vector<16xf32>
          %mul3A_292 = arith.mulf %mul3A_226, %get3A_281 : vector<16xf32>
          %mul3A_293 = arith.mulf %mul3A_227, %get3A_288 : vector<16xf32>
          %add3A_294 = arith.addf %mul3A_292, %mul3A_293 : vector<16xf32>
          %add3A_295 = arith.addf %add3A_291, %add3A_294 : vector<16xf32>
          %add3A_296 = arith.constant 16 : i32
          %add3A_297 = arith.addi %add3A_230, %add3A_296 : i32
          %swap3A_298 = arith.index_cast %add3A_297 : i32 to index
          %swap3A_299 = tpu.vector_load %arg17[%swap3A_298] {strides = array<i32>} : memref<36864xf32, #tpu.memory_space<vmem>>, vector<16xf32>,
          tpu.vector_store %arg17[%swap3A_298], %add3A_295 {strides = array<i32>} : memref<36864xf32, #tpu.memory_space<vmem>>, vector<16xf32>,
          %add3A_300 = arith.addi %mul3A_114, %mul3A_215 : i32
          %add3A_301 = arith.constant 32 : i32
          %add3A_302 = arith.addi %add3A_300, %add3A_301 : i32
          %get3A_303 = arith.index_cast %add3A_302 : i32 to index
          %get3A_304 = tpu.vector_load %arg16[%get3A_303] {strides = array<i32>} : memref<74496xf32, #tpu.memory_space<vmem>>, vector<16xf32>,
          %add3A_305 = arith.addi %mul3A_134, %mul3A_215 : i32
          %add3A_306 = arith.constant 32 : i32
          %add3A_307 = arith.addi %add3A_305, %add3A_306 : i32
          %get3A_308 = arith.index_cast %add3A_307 : i32 to index
          %get3A_309 = tpu.vector_load %arg16[%get3A_308] {strides = array<i32>} : memref<74496xf32, #tpu.memory_space<vmem>>, vector<16xf32>,
          %add3A_310 = arith.addi %mul3A_114, %mul3A_215 : i32
          %add3A_311 = arith.constant 96 : i32
          %add3A_312 = arith.addi %add3A_310, %add3A_311 : i32
          %add3A_313 = arith.constant 32 : i32
          %add3A_314 = arith.addi %add3A_312, %add3A_313 : i32
          %get3A_315 = arith.index_cast %add3A_314 : i32 to index
          %get3A_316 = tpu.vector_load %arg16[%get3A_315] {strides = array<i32>} : memref<74496xf32, #tpu.memory_space<vmem>>, vector<16xf32>,
          %add3A_317 = arith.addi %mul3A_134, %mul3A_215 : i32
          %add3A_318 = arith.constant 96 : i32
          %add3A_319 = arith.addi %add3A_317, %add3A_318 : i32
          %add3A_320 = arith.constant 32 : i32
          %add3A_321 = arith.addi %add3A_319, %add3A_320 : i32
          %get3A_322 = arith.index_cast %add3A_321 : i32 to index
          %get3A_323 = tpu.vector_load %arg16[%get3A_322] {strides = array<i32>} : memref<74496xf32, #tpu.memory_space<vmem>>, vector<16xf32>,
          %mul3A_324 = arith.mulf %mul3A_224, %get3A_304 : vector<16xf32>
          %mul3A_325 = arith.mulf %mul3A_225, %get3A_309 : vector<16xf32>
          %add3A_326 = arith.addf %mul3A_324, %mul3A_325 : vector<16xf32>
          %mul3A_327 = arith.mulf %mul3A_226, %get3A_316 : vector<16xf32>
          %mul3A_328 = arith.mulf %mul3A_227, %get3A_323 : vector<16xf32>
          %add3A_329 = arith.addf %mul3A_327, %mul3A_328 : vector<16xf32>
          %add3A_330 = arith.addf %add3A_326, %add3A_329 : vector<16xf32>
          %add3A_331 = arith.constant 32 : i32
          %add3A_332 = arith.addi %add3A_230, %add3A_331 : i32
          %swap3A_333 = arith.index_cast %add3A_332 : i32 to index
          %swap3A_334 = tpu.vector_load %arg17[%swap3A_333] {strides = array<i32>} : memref<36864xf32, #tpu.memory_space<vmem>>, vector<16xf32>,
          tpu.vector_store %arg17[%swap3A_333], %add3A_330 {strides = array<i32>} : memref<36864xf32, #tpu.memory_space<vmem>>, vector<16xf32>,
          %add3A_335 = arith.addi %mul3A_114, %mul3A_215 : i32
          %add3A_336 = arith.constant 48 : i32
          %add3A_337 = arith.addi %add3A_335, %add3A_336 : i32
          %get3A_338 = arith.index_cast %add3A_337 : i32 to index
          %get3A_339 = tpu.vector_load %arg16[%get3A_338] {strides = array<i32>} : memref<74496xf32, #tpu.memory_space<vmem>>, vector<16xf32>,
          %add3A_340 = arith.addi %mul3A_134, %mul3A_215 : i32
          %add3A_341 = arith.constant 48 : i32
          %add3A_342 = arith.addi %add3A_340, %add3A_341 : i32
          %get3A_343 = arith.index_cast %add3A_342 : i32 to index
          %get3A_344 = tpu.vector_load %arg16[%get3A_343] {strides = array<i32>} : memref<74496xf32, #tpu.memory_space<vmem>>, vector<16xf32>,
          %add3A_345 = arith.addi %mul3A_114, %mul3A_215 : i32
          %add3A_346 = arith.constant 96 : i32
          %add3A_347 = arith.addi %add3A_345, %add3A_346 : i32
          %add3A_348 = arith.constant 48 : i32
          %add3A_349 = arith.addi %add3A_347, %add3A_348 : i32
          %get3A_350 = arith.index_cast %add3A_349 : i32 to index
          %get3A_351 = tpu.vector_load %arg16[%get3A_350] {strides = array<i32>} : memref<74496xf32, #tpu.memory_space<vmem>>, vector<16xf32>,
          %add3A_352 = arith.addi %mul3A_134, %mul3A_215 : i32
          %add3A_353 = arith.constant 96 : i32
          %add3A_354 = arith.addi %add3A_352, %add3A_353 : i32
          %add3A_355 = arith.constant 48 : i32
          %add3A_356 = arith.addi %add3A_354, %add3A_355 : i32
          %get3A_357 = arith.index_cast %add3A_356 : i32 to index
          %get3A_358 = tpu.vector_load %arg16[%get3A_357] {strides = array<i32>} : memref<74496xf32, #tpu.memory_space<vmem>>, vector<16xf32>,
          %mul3A_359 = arith.mulf %mul3A_224, %get3A_339 : vector<16xf32>
          %mul3A_360 = arith.mulf %mul3A_225, %get3A_344 : vector<16xf32>
          %add3A_361 = arith.addf %mul3A_359, %mul3A_360 : vector<16xf32>
          %mul3A_362 = arith.mulf %mul3A_226, %get3A_351 : vector<16xf32>
          %mul3A_363 = arith.mulf %mul3A_227, %get3A_358 : vector<16xf32>
          %add3A_364 = arith.addf %mul3A_362, %mul3A_363 : vector<16xf32>
          %add3A_365 = arith.addf %add3A_361, %add3A_364 : vector<16xf32>
          %add3A_366 = arith.constant 48 : i32
          %add3A_367 = arith.addi %add3A_230, %add3A_366 : i32
          %swap3A_368 = arith.index_cast %add3A_367 : i32 to index
          %swap3A_369 = tpu.vector_load %arg17[%swap3A_368] {strides = array<i32>} : memref<36864xf32, #tpu.memory_space<vmem>>, vector<16xf32>,
          tpu.vector_store %arg17[%swap3A_368], %add3A_365 {strides = array<i32>} : memref<36864xf32, #tpu.memory_space<vmem>>, vector<16xf32>,
          %add3A_370 = arith.addi %mul3A_114, %mul3A_215 : i32
          %add3A_371 = arith.constant 64 : i32
          %add3A_372 = arith.addi %add3A_370, %add3A_371 : i32
          %get3A_373 = arith.index_cast %add3A_372 : i32 to index
          %get3A_374 = tpu.vector_load %arg16[%get3A_373] {strides = array<i32>} : memref<74496xf32, #tpu.memory_space<vmem>>, vector<16xf32>,
          %add3A_375 = arith.addi %mul3A_134, %mul3A_215 : i32
          %add3A_376 = arith.constant 64 : i32
          %add3A_377 = arith.addi %add3A_375, %add3A_376 : i32
          %get3A_378 = arith.index_cast %add3A_377 : i32 to index
          %get3A_379 = tpu.vector_load %arg16[%get3A_378] {strides = array<i32>} : memref<74496xf32, #tpu.memory_space<vmem>>, vector<16xf32>,
          %add3A_380 = arith.addi %mul3A_114, %mul3A_215 : i32
          %add3A_381 = arith.constant 96 : i32
          %add3A_382 = arith.addi %add3A_380, %add3A_381 : i32
          %add3A_383 = arith.constant 64 : i32
          %add3A_384 = arith.addi %add3A_382, %add3A_383 : i32
          %get3A_385 = arith.index_cast %add3A_384 : i32 to index
          %get3A_386 = tpu.vector_load %arg16[%get3A_385] {strides = array<i32>} : memref<74496xf32, #tpu.memory_space<vmem>>, vector<16xf32>,
          %add3A_387 = arith.addi %mul3A_134, %mul3A_215 : i32
          %add3A_388 = arith.constant 96 : i32
          %add3A_389 = arith.addi %add3A_387, %add3A_388 : i32
          %add3A_390 = arith.constant 64 : i32
          %add3A_391 = arith.addi %add3A_389, %add3A_390 : i32
          %get3A_392 = arith.index_cast %add3A_391 : i32 to index
          %get3A_393 = tpu.vector_load %arg16[%get3A_392] {strides = array<i32>} : memref<74496xf32, #tpu.memory_space<vmem>>, vector<16xf32>,
          %mul3A_394 = arith.mulf %mul3A_224, %get3A_374 : vector<16xf32>
          %mul3A_395 = arith.mulf %mul3A_225, %get3A_379 : vector<16xf32>
          %add3A_396 = arith.addf %mul3A_394, %mul3A_395 : vector<16xf32>
          %mul3A_397 = arith.mulf %mul3A_226, %get3A_386 : vector<16xf32>
          %mul3A_398 = arith.mulf %mul3A_227, %get3A_393 : vector<16xf32>
          %add3A_399 = arith.addf %mul3A_397, %mul3A_398 : vector<16xf32>
          %add3A_400 = arith.addf %add3A_396, %add3A_399 : vector<16xf32>
          %add3A_401 = arith.constant 64 : i32
          %add3A_402 = arith.addi %add3A_230, %add3A_401 : i32
          %swap3A_403 = arith.index_cast %add3A_402 : i32 to index
          %swap3A_404 = tpu.vector_load %arg17[%swap3A_403] {strides = array<i32>} : memref<36864xf32, #tpu.memory_space<vmem>>, vector<16xf32>,
          tpu.vector_store %arg17[%swap3A_403], %add3A_400 {strides = array<i32>} : memref<36864xf32, #tpu.memory_space<vmem>>, vector<16xf32>,
          %add3A_405 = arith.addi %mul3A_114, %mul3A_215 : i32
          %add3A_406 = arith.constant 80 : i32
          %add3A_407 = arith.addi %add3A_405, %add3A_406 : i32
          %get3A_408 = arith.index_cast %add3A_407 : i32 to index
          %get3A_409 = tpu.vector_load %arg16[%get3A_408] {strides = array<i32>} : memref<74496xf32, #tpu.memory_space<vmem>>, vector<16xf32>,
          %add3A_410 = arith.addi %mul3A_134, %mul3A_215 : i32
          %add3A_411 = arith.constant 80 : i32
          %add3A_412 = arith.addi %add3A_410, %add3A_411 : i32
          %get3A_413 = arith.index_cast %add3A_412 : i32 to index
          %get3A_414 = tpu.vector_load %arg16[%get3A_413] {strides = array<i32>} : memref<74496xf32, #tpu.memory_space<vmem>>, vector<16xf32>,
          %add3A_415 = arith.addi %mul3A_114, %mul3A_215 : i32
          %add3A_416 = arith.constant 96 : i32
          %add3A_417 = arith.addi %add3A_415, %add3A_416 : i32
          %add3A_418 = arith.constant 80 : i32
          %add3A_419 = arith.addi %add3A_417, %add3A_418 : i32
          %get3A_420 = arith.index_cast %add3A_419 : i32 to index
          %get3A_421 = tpu.vector_load %arg16[%get3A_420] {strides = array<i32>} : memref<74496xf32, #tpu.memory_space<vmem>>, vector<16xf32>,
          %add3A_422 = arith.addi %mul3A_134, %mul3A_215 : i32
          %add3A_423 = arith.constant 96 : i32
          %add3A_424 = arith.addi %add3A_422, %add3A_423 : i32
          %add3A_425 = arith.constant 80 : i32
          %add3A_426 = arith.addi %add3A_424, %add3A_425 : i32
          %get3A_427 = arith.index_cast %add3A_426 : i32 to index
          %get3A_428 = tpu.vector_load %arg16[%get3A_427] {strides = array<i32>} : memref<74496xf32, #tpu.memory_space<vmem>>, vector<16xf32>,
          %mul3A_429 = arith.mulf %mul3A_224, %get3A_409 : vector<16xf32>
          %mul3A_430 = arith.mulf %mul3A_225, %get3A_414 : vector<16xf32>
          %add3A_431 = arith.addf %mul3A_429, %mul3A_430 : vector<16xf32>
          %mul3A_432 = arith.mulf %mul3A_226, %get3A_421 : vector<16xf32>
          %mul3A_433 = arith.mulf %mul3A_227, %get3A_428 : vector<16xf32>
          %add3A_434 = arith.addf %mul3A_432, %mul3A_433 : vector<16xf32>
          %add3A_435 = arith.addf %add3A_431, %add3A_434 : vector<16xf32>
          %add3A_436 = arith.constant 80 : i32
          %add3A_437 = arith.addi %add3A_230, %add3A_436 : i32
          %swap3A_438 = arith.index_cast %add3A_437 : i32 to index
          %swap3A_439 = tpu.vector_load %arg17[%swap3A_438] {strides = array<i32>} : memref<36864xf32, #tpu.memory_space<vmem>>, vector<16xf32>,
          tpu.vector_store %arg17[%swap3A_438], %add3A_435 {strides = array<i32>} : memref<36864xf32, #tpu.memory_space<vmem>>, vector<16xf32>,
        }
        %while3A_176 = arith.constant 1 : i32
        scf.for %while3A_211 = %while3A_174 to %while3A_170 step %while3A_176  : i32 {
          %add3A_212 = arith.addi %while3A_211, %squeeze3A_60 : i32
          %max3A = arith.maxsi %add3A_212, %squeeze3A_62 : i32
          %min3A_213 = arith.minsi %max3A, %squeeze3A_64 : i32
          %mul3A_214 = arith.constant 96 : i32
          %mul3A_215 = arith.muli %min3A_213, %mul3A_214 : i32
          %mul3A_216 = arith.constant 16 : i32
          %mul3A_217 = arith.muli %while3A_211, %mul3A_216 : i32
          %get3A_218 = arith.index_cast %mul3A_217 : i32 to index
          %get3A_219 = tpu.vector_load %arg11[%get3A_218] {strides = array<i32>} : memref<3072xf32, #tpu.memory_space<vmem>>, vector<16xf32>,
          %mul3A_220 = arith.constant 16 : i32
          %mul3A_221 = arith.muli %while3A_211, %mul3A_220 : i32
          %get3A_222 = arith.index_cast %mul3A_221 : i32 to index
          %get3A_223 = tpu.vector_load %arg12[%get3A_222] {strides = array<i32>} : memref<3072xf32, #tpu.memory_space<vmem>>, vector<16xf32>,
          %mul3A_224 = arith.mulf %broadcast_in_dim3A, %get3A_219 : vector<16xf32>
          %mul3A_225 = arith.mulf %broadcast_in_dim3A_143, %get3A_219 : vector<16xf32>
          %mul3A_226 = arith.mulf %broadcast_in_dim3A, %get3A_223 : vector<16xf32>
          %mul3A_227 = arith.mulf %broadcast_in_dim3A_143, %get3A_223 : vector<16xf32>
          %mul3A_228 = arith.constant 96 : i32
          %mul3A_229 = arith.muli %while3A_211, %mul3A_228 : i32
          %add3A_230 = arith.addi %mul3A_166, %mul3A_229 : i32
          %add3A_231 = arith.addi %mul3A_114, %mul3A_215 : i32
          %add3A_232 = arith.constant 0 : i32
          %add3A_233 = arith.addi %add3A_231, %add3A_232 : i32
          %get3A_234 = arith.index_cast %add3A_233 : i32 to index
          %get3A_235 = tpu.vector_load %arg16[%get3A_234] {strides = array<i32>} : memref<74496xf32, #tpu.memory_space<vmem>>, vector<16xf32>,
          %add3A_236 = arith.addi %mul3A_134, %mul3A_215 : i32
          %add3A_237 = arith.constant 0 : i32
          %add3A_238 = arith.addi %add3A_236, %add3A_237 : i32
          %get3A_239 = arith.index_cast %add3A_238 : i32 to index
          %get3A_240 = tpu.vector_load %arg16[%get3A_239] {strides = array<i32>} : memref<74496xf32, #tpu.memory_space<vmem>>, vector<16xf32>,
          %add3A_241 = arith.addi %mul3A_114, %mul3A_215 : i32
          %add3A_242 = arith.constant 96 : i32
          %add3A_243 = arith.addi %add3A_241, %add3A_242 : i32
          %add3A_244 = arith.constant 0 : i32
          %add3A_245 = arith.addi %add3A_243, %add3A_244 : i32
          %get3A_246 = arith.index_cast %add3A_245 : i32 to index
          %get3A_247 = tpu.vector_load %arg16[%get3A_246] {strides = array<i32>} : memref<74496xf32, #tpu.memory_space<vmem>>, vector<16xf32>,
          %add3A_248 = arith.addi %mul3A_134, %mul3A_215 : i32
          %add3A_249 = arith.constant 96 : i32
          %add3A_250 = arith.addi %add3A_248, %add3A_249 : i32
          %add3A_251 = arith.constant 0 : i32
          %add3A_252 = arith.addi %add3A_250, %add3A_251 : i32
          %get3A_253 = arith.index_cast %add3A_252 : i32 to index
          %get3A_254 = tpu.vector_load %arg16[%get3A_253] {strides = array<i32>} : memref<74496xf32, #tpu.memory_space<vmem>>, vector<16xf32>,
          %mul3A_255 = arith.mulf %mul3A_224, %get3A_235 : vector<16xf32>
          %mul3A_256 = arith.mulf %mul3A_225, %get3A_240 : vector<16xf32>
          %add3A_257 = arith.addf %mul3A_255, %mul3A_256 : vector<16xf32>
          %mul3A_258 = arith.mulf %mul3A_226, %get3A_247 : vector<16xf32>
          %mul3A_259 = arith.mulf %mul3A_227, %get3A_254 : vector<16xf32>
          %add3A_260 = arith.addf %mul3A_258, %mul3A_259 : vector<16xf32>
          %add3A_261 = arith.addf %add3A_257, %add3A_260 : vector<16xf32>
          %add3A_262 = arith.constant 0 : i32
          %add3A_263 = arith.addi %add3A_230, %add3A_262 : i32
          %swap3A = arith.index_cast %add3A_263 : i32 to index
          %swap3A_264 = tpu.vector_load %arg17[%swap3A] {strides = array<i32>} : memref<36864xf32, #tpu.memory_space<vmem>>, vector<16xf32>,
          tpu.vector_store %arg17[%swap3A], %add3A_261 {strides = array<i32>} : memref<36864xf32, #tpu.memory_space<vmem>>, vector<16xf32>,
          %add3A_265 = arith.addi %mul3A_114, %mul3A_215 : i32
          %add3A_266 = arith.constant 16 : i32
          %add3A_267 = arith.addi %add3A_265, %add3A_266 : i32
          %get3A_268 = arith.index_cast %add3A_267 : i32 to index
          %get3A_269 = tpu.vector_load %arg16[%get3A_268] {strides = array<i32>} : memref<74496xf32, #tpu.memory_space<vmem>>, vector<16xf32>,
          %add3A_270 = arith.addi %mul3A_134, %mul3A_215 : i32
          %add3A_271 = arith.constant 16 : i32
          %add3A_272 = arith.addi %add3A_270, %add3A_271 : i32
          %get3A_273 = arith.index_cast %add3A_272 : i32 to index
          %get3A_274 = tpu.vector_load %arg16[%get3A_273] {strides = array<i32>} : memref<74496xf32, #tpu.memory_space<vmem>>, vector<16xf32>,
          %add3A_275 = arith.addi %mul3A_114, %mul3A_215 : i32
          %add3A_276 = arith.constant 96 : i32
          %add3A_277 = arith.addi %add3A_275, %add3A_276 : i32
          %add3A_278 = arith.constant 16 : i32
          %add3A_279 = arith.addi %add3A_277, %add3A_278 : i32
          %get3A_280 = arith.index_cast %add3A_279 : i32 to index
          %get3A_281 = tpu.vector_load %arg16[%get3A_280] {strides = array<i32>} : memref<74496xf32, #tpu.memory_space<vmem>>, vector<16xf32>,
          %add3A_282 = arith.addi %mul3A_134, %mul3A_215 : i32
          %add3A_283 = arith.constant 96 : i32
          %add3A_284 = arith.addi %add3A_282, %add3A_283 : i32
          %add3A_285 = arith.constant 16 : i32
          %add3A_286 = arith.addi %add3A_284, %add3A_285 : i32
          %get3A_287 = arith.index_cast %add3A_286 : i32 to index
          %get3A_288 = tpu.vector_load %arg16[%get3A_287] {strides = array<i32>} : memref<74496xf32, #tpu.memory_space<vmem>>, vector<16xf32>,
          %mul3A_289 = arith.mulf %mul3A_224, %get3A_269 : vector<16xf32>
          %mul3A_290 = arith.mulf %mul3A_225, %get3A_274 : vector<16xf32>
          %add3A_291 = arith.addf %mul3A_289, %mul3A_290 : vector<16xf32>
          %mul3A_292 = arith.mulf %mul3A_226, %get3A_281 : vector<16xf32>
          %mul3A_293 = arith.mulf %mul3A_227, %get3A_288 : vector<16xf32>
          %add3A_294 = arith.addf %mul3A_292, %mul3A_293 : vector<16xf32>
          %add3A_295 = arith.addf %add3A_291, %add3A_294 : vector<16xf32>
          %add3A_296 = arith.constant 16 : i32
          %add3A_297 = arith.addi %add3A_230, %add3A_296 : i32
          %swap3A_298 = arith.index_cast %add3A_297 : i32 to index
          %swap3A_299 = tpu.vector_load %arg17[%swap3A_298] {strides = array<i32>} : memref<36864xf32, #tpu.memory_space<vmem>>, vector<16xf32>,
          tpu.vector_store %arg17[%swap3A_298], %add3A_295 {strides = array<i32>} : memref<36864xf32, #tpu.memory_space<vmem>>, vector<16xf32>,
          %add3A_300 = arith.addi %mul3A_114, %mul3A_215 : i32
          %add3A_301 = arith.constant 32 : i32
          %add3A_302 = arith.addi %add3A_300, %add3A_301 : i32
          %get3A_303 = arith.index_cast %add3A_302 : i32 to index
          %get3A_304 = tpu.vector_load %arg16[%get3A_303] {strides = array<i32>} : memref<74496xf32, #tpu.memory_space<vmem>>, vector<16xf32>,
          %add3A_305 = arith.addi %mul3A_134, %mul3A_215 : i32
          %add3A_306 = arith.constant 32 : i32
          %add3A_307 = arith.addi %add3A_305, %add3A_306 : i32
          %get3A_308 = arith.index_cast %add3A_307 : i32 to index
          %get3A_309 = tpu.vector_load %arg16[%get3A_308] {strides = array<i32>} : memref<74496xf32, #tpu.memory_space<vmem>>, vector<16xf32>,
          %add3A_310 = arith.addi %mul3A_114, %mul3A_215 : i32
          %add3A_311 = arith.constant 96 : i32
          %add3A_312 = arith.addi %add3A_310, %add3A_311 : i32
          %add3A_313 = arith.constant 32 : i32
          %add3A_314 = arith.addi %add3A_312, %add3A_313 : i32
          %get3A_315 = arith.index_cast %add3A_314 : i32 to index
          %get3A_316 = tpu.vector_load %arg16[%get3A_315] {strides = array<i32>} : memref<74496xf32, #tpu.memory_space<vmem>>, vector<16xf32>,
          %add3A_317 = arith.addi %mul3A_134, %mul3A_215 : i32
          %add3A_318 = arith.constant 96 : i32
          %add3A_319 = arith.addi %add3A_317, %add3A_318 : i32
          %add3A_320 = arith.constant 32 : i32
          %add3A_321 = arith.addi %add3A_319, %add3A_320 : i32
          %get3A_322 = arith.index_cast %add3A_321 : i32 to index
          %get3A_323 = tpu.vector_load %arg16[%get3A_322] {strides = array<i32>} : memref<74496xf32, #tpu.memory_space<vmem>>, vector<16xf32>,
          %mul3A_324 = arith.mulf %mul3A_224, %get3A_304 : vector<16xf32>
          %mul3A_325 = arith.mulf %mul3A_225, %get3A_309 : vector<16xf32>
          %add3A_326 = arith.addf %mul3A_324, %mul3A_325 : vector<16xf32>
          %mul3A_327 = arith.mulf %mul3A_226, %get3A_316 : vector<16xf32>
          %mul3A_328 = arith.mulf %mul3A_227, %get3A_323 : vector<16xf32>
          %add3A_329 = arith.addf %mul3A_327, %mul3A_328 : vector<16xf32>
          %add3A_330 = arith.addf %add3A_326, %add3A_329 : vector<16xf32>
          %add3A_331 = arith.constant 32 : i32
          %add3A_332 = arith.addi %add3A_230, %add3A_331 : i32
          %swap3A_333 = arith.index_cast %add3A_332 : i32 to index
          %swap3A_334 = tpu.vector_load %arg17[%swap3A_333] {strides = array<i32>} : memref<36864xf32, #tpu.memory_space<vmem>>, vector<16xf32>,
          tpu.vector_store %arg17[%swap3A_333], %add3A_330 {strides = array<i32>} : memref<36864xf32, #tpu.memory_space<vmem>>, vector<16xf32>,
          %add3A_335 = arith.addi %mul3A_114, %mul3A_215 : i32
          %add3A_336 = arith.constant 48 : i32
          %add3A_337 = arith.addi %add3A_335, %add3A_336 : i32
          %get3A_338 = arith.index_cast %add3A_337 : i32 to index
          %get3A_339 = tpu.vector_load %arg16[%get3A_338] {strides = array<i32>} : memref<74496xf32, #tpu.memory_space<vmem>>, vector<16xf32>,
          %add3A_340 = arith.addi %mul3A_134, %mul3A_215 : i32
          %add3A_341 = arith.constant 48 : i32
          %add3A_342 = arith.addi %add3A_340, %add3A_341 : i32
          %get3A_343 = arith.index_cast %add3A_342 : i32 to index
          %get3A_344 = tpu.vector_load %arg16[%get3A_343] {strides = array<i32>} : memref<74496xf32, #tpu.memory_space<vmem>>, vector<16xf32>,
          %add3A_345 = arith.addi %mul3A_114, %mul3A_215 : i32
          %add3A_346 = arith.constant 96 : i32
          %add3A_347 = arith.addi %add3A_345, %add3A_346 : i32
          %add3A_348 = arith.constant 48 : i32
          %add3A_349 = arith.addi %add3A_347, %add3A_348 : i32
          %get3A_350 = arith.index_cast %add3A_349 : i32 to index
          %get3A_351 = tpu.vector_load %arg16[%get3A_350] {strides = array<i32>} : memref<74496xf32, #tpu.memory_space<vmem>>, vector<16xf32>,
          %add3A_352 = arith.addi %mul3A_134, %mul3A_215 : i32
          %add3A_353 = arith.constant 96 : i32
          %add3A_354 = arith.addi %add3A_352, %add3A_353 : i32
          %add3A_355 = arith.constant 48 : i32
          %add3A_356 = arith.addi %add3A_354, %add3A_355 : i32
          %get3A_357 = arith.index_cast %add3A_356 : i32 to index
          %get3A_358 = tpu.vector_load %arg16[%get3A_357] {strides = array<i32>} : memref<74496xf32, #tpu.memory_space<vmem>>, vector<16xf32>,
          %mul3A_359 = arith.mulf %mul3A_224, %get3A_339 : vector<16xf32>
          %mul3A_360 = arith.mulf %mul3A_225, %get3A_344 : vector<16xf32>
          %add3A_361 = arith.addf %mul3A_359, %mul3A_360 : vector<16xf32>
          %mul3A_362 = arith.mulf %mul3A_226, %get3A_351 : vector<16xf32>
          %mul3A_363 = arith.mulf %mul3A_227, %get3A_358 : vector<16xf32>
          %add3A_364 = arith.addf %mul3A_362, %mul3A_363 : vector<16xf32>
          %add3A_365 = arith.addf %add3A_361, %add3A_364 : vector<16xf32>
          %add3A_366 = arith.constant 48 : i32
          %add3A_367 = arith.addi %add3A_230, %add3A_366 : i32
          %swap3A_368 = arith.index_cast %add3A_367 : i32 to index
          %swap3A_369 = tpu.vector_load %arg17[%swap3A_368] {strides = array<i32>} : memref<36864xf32, #tpu.memory_space<vmem>>, vector<16xf32>,
          tpu.vector_store %arg17[%swap3A_368], %add3A_365 {strides = array<i32>} : memref<36864xf32, #tpu.memory_space<vmem>>, vector<16xf32>,
          %add3A_370 = arith.addi %mul3A_114, %mul3A_215 : i32
          %add3A_371 = arith.constant 64 : i32
          %add3A_372 = arith.addi %add3A_370, %add3A_371 : i32
          %get3A_373 = arith.index_cast %add3A_372 : i32 to index
          %get3A_374 = tpu.vector_load %arg16[%get3A_373] {strides = array<i32>} : memref<74496xf32, #tpu.memory_space<vmem>>, vector<16xf32>,
          %add3A_375 = arith.addi %mul3A_134, %mul3A_215 : i32
          %add3A_376 = arith.constant 64 : i32
          %add3A_377 = arith.addi %add3A_375, %add3A_376 : i32
          %get3A_378 = arith.index_cast %add3A_377 : i32 to index
          %get3A_379 = tpu.vector_load %arg16[%get3A_378] {strides = array<i32>} : memref<74496xf32, #tpu.memory_space<vmem>>, vector<16xf32>,
          %add3A_380 = arith.addi %mul3A_114, %mul3A_215 : i32
          %add3A_381 = arith.constant 96 : i32
          %add3A_382 = arith.addi %add3A_380, %add3A_381 : i32
          %add3A_383 = arith.constant 64 : i32
          %add3A_384 = arith.addi %add3A_382, %add3A_383 : i32
          %get3A_385 = arith.index_cast %add3A_384 : i32 to index
          %get3A_386 = tpu.vector_load %arg16[%get3A_385] {strides = array<i32>} : memref<74496xf32, #tpu.memory_space<vmem>>, vector<16xf32>,
          %add3A_387 = arith.addi %mul3A_134, %mul3A_215 : i32
          %add3A_388 = arith.constant 96 : i32
          %add3A_389 = arith.addi %add3A_387, %add3A_388 : i32
          %add3A_390 = arith.constant 64 : i32
          %add3A_391 = arith.addi %add3A_389, %add3A_390 : i32
          %get3A_392 = arith.index_cast %add3A_391 : i32 to index
          %get3A_393 = tpu.vector_load %arg16[%get3A_392] {strides = array<i32>} : memref<74496xf32, #tpu.memory_space<vmem>>, vector<16xf32>,
          %mul3A_394 = arith.mulf %mul3A_224, %get3A_374 : vector<16xf32>
          %mul3A_395 = arith.mulf %mul3A_225, %get3A_379 : vector<16xf32>
          %add3A_396 = arith.addf %mul3A_394, %mul3A_395 : vector<16xf32>
          %mul3A_397 = arith.mulf %mul3A_226, %get3A_386 : vector<16xf32>
          %mul3A_398 = arith.mulf %mul3A_227, %get3A_393 : vector<16xf32>
          %add3A_399 = arith.addf %mul3A_397, %mul3A_398 : vector<16xf32>
          %add3A_400 = arith.addf %add3A_396, %add3A_399 : vector<16xf32>
          %add3A_401 = arith.constant 64 : i32
          %add3A_402 = arith.addi %add3A_230, %add3A_401 : i32
          %swap3A_403 = arith.index_cast %add3A_402 : i32 to index
          %swap3A_404 = tpu.vector_load %arg17[%swap3A_403] {strides = array<i32>} : memref<36864xf32, #tpu.memory_space<vmem>>, vector<16xf32>,
          tpu.vector_store %arg17[%swap3A_403], %add3A_400 {strides = array<i32>} : memref<36864xf32, #tpu.memory_space<vmem>>, vector<16xf32>,
          %add3A_405 = arith.addi %mul3A_114, %mul3A_215 : i32
          %add3A_406 = arith.constant 80 : i32
          %add3A_407 = arith.addi %add3A_405, %add3A_406 : i32
          %get3A_408 = arith.index_cast %add3A_407 : i32 to index
          %get3A_409 = tpu.vector_load %arg16[%get3A_408] {strides = array<i32>} : memref<74496xf32, #tpu.memory_space<vmem>>, vector<16xf32>,
          %add3A_410 = arith.addi %mul3A_134, %mul3A_215 : i32
          %add3A_411 = arith.constant 80 : i32
          %add3A_412 = arith.addi %add3A_410, %add3A_411 : i32
          %get3A_413 = arith.index_cast %add3A_412 : i32 to index
          %get3A_414 = tpu.vector_load %arg16[%get3A_413] {strides = array<i32>} : memref<74496xf32, #tpu.memory_space<vmem>>, vector<16xf32>,
          %add3A_415 = arith.addi %mul3A_114, %mul3A_215 : i32
          %add3A_416 = arith.constant 96 : i32
          %add3A_417 = arith.addi %add3A_415, %add3A_416 : i32
          %add3A_418 = arith.constant 80 : i32
          %add3A_419 = arith.addi %add3A_417, %add3A_418 : i32
          %get3A_420 = arith.index_cast %add3A_419 : i32 to index
          %get3A_421 = tpu.vector_load %arg16[%get3A_420] {strides = array<i32>} : memref<74496xf32, #tpu.memory_space<vmem>>, vector<16xf32>,
          %add3A_422 = arith.addi %mul3A_134, %mul3A_215 : i32
          %add3A_423 = arith.constant 96 : i32
          %add3A_424 = arith.addi %add3A_422, %add3A_423 : i32
          %add3A_425 = arith.constant 80 : i32
          %add3A_426 = arith.addi %add3A_424, %add3A_425 : i32
          %get3A_427 = arith.index_cast %add3A_426 : i32 to index
          %get3A_428 = tpu.vector_load %arg16[%get3A_427] {strides = array<i32>} : memref<74496xf32, #tpu.memory_space<vmem>>, vector<16xf32>,
          %mul3A_429 = arith.mulf %mul3A_224, %get3A_409 : vector<16xf32>
          %mul3A_430 = arith.mulf %mul3A_225, %get3A_414 : vector<16xf32>
          %add3A_431 = arith.addf %mul3A_429, %mul3A_430 : vector<16xf32>
          %mul3A_432 = arith.mulf %mul3A_226, %get3A_421 : vector<16xf32>
          %mul3A_433 = arith.mulf %mul3A_227, %get3A_428 : vector<16xf32>
          %add3A_434 = arith.addf %mul3A_432, %mul3A_433 : vector<16xf32>
          %add3A_435 = arith.addf %add3A_431, %add3A_434 : vector<16xf32>
          %add3A_436 = arith.constant 80 : i32
          %add3A_437 = arith.addi %add3A_230, %add3A_436 : i32
          %swap3A_438 = arith.index_cast %add3A_437 : i32 to index
          %swap3A_439 = tpu.vector_load %arg17[%swap3A_438] {strides = array<i32>} : memref<36864xf32, #tpu.memory_space<vmem>>, vector<16xf32>,
          tpu.vector_store %arg17[%swap3A_438], %add3A_435 {strides = array<i32>} : memref<36864xf32, #tpu.memory_space<vmem>>, vector<16xf32>,
        }
        %while3A_177 = arith.constant 0 : i32
        %while3A_178 = arith.constant 0 : i32
        %while3A_179 = arith.subi %squeeze3A_68, %while3A_178 : i32
        %while3A_180 = arith.addi %while3A_178, %while3A_179 : i32
        %while3A_181 = arith.constant 1 : i32
        %while3A_182 = arith.divsi %while3A_179, %while3A_181 : i32
        %while3A_183 = arith.muli %while3A_182, %while3A_181 : i32
        %while3A_184 = arith.addi %while3A_178, %while3A_183 : i32
        %while3A_185 = arith.constant 1 : i32
        scf.for %while3A_211 = %while3A_178 to %while3A_184 step %while3A_185  : i32 {
          %mul3A_212 = arith.constant 8 : i32
          %mul3A_213 = arith.muli %while3A_211, %mul3A_212 : i32
          %add3A_214 = arith.addi %squeeze3A_66, %mul3A_213 : i32
          %add3A_215 = arith.addi %add3A_214, %squeeze3A_60 : i32
          %mul3A_216 = arith.constant 96 : i32
          %mul3A_217 = arith.muli %add3A_215, %mul3A_216 : i32
          %add3A_218 = arith.addi %mul3A_114, %mul3A_217 : i32
          %add3A_219 = arith.constant 0 : i32
          %add3A_220 = arith.addi %add3A_218, %add3A_219 : i32
          %get3A_221 = arith.index_cast %add3A_220 : i32 to index
          %get3A_222 = tpu.vector_load %arg16[%get3A_221] {strides = array<i32>} : memref<74496xf32, #tpu.memory_space<vmem>>, vector<16xf32>,
          %add3A_223 = arith.addi %mul3A_114, %mul3A_217 : i32
          %add3A_224 = arith.constant 16 : i32
          %add3A_225 = arith.addi %add3A_223, %add3A_224 : i32
          %get3A_226 = arith.index_cast %add3A_225 : i32 to index
          %get3A_227 = tpu.vector_load %arg16[%get3A_226] {strides = array<i32>} : memref<74496xf32, #tpu.memory_space<vmem>>, vector<16xf32>,
          %add3A_228 = arith.addi %mul3A_114, %mul3A_217 : i32
          %add3A_229 = arith.constant 32 : i32
          %add3A_230 = arith.addi %add3A_228, %add3A_229 : i32
          %get3A_231 = arith.index_cast %add3A_230 : i32 to index
          %get3A_232 = tpu.vector_load %arg16[%get3A_231] {strides = array<i32>} : memref<74496xf32, #tpu.memory_space<vmem>>, vector<16xf32>,
          %add3A_233 = arith.addi %mul3A_114, %mul3A_217 : i32
          %add3A_234 = arith.constant 48 : i32
          %add3A_235 = arith.addi %add3A_233, %add3A_234 : i32
          %get3A_236 = arith.index_cast %add3A_235 : i32 to index
          %get3A_237 = tpu.vector_load %arg16[%get3A_236] {strides = array<i32>} : memref<74496xf32, #tpu.memory_space<vmem>>, vector<16xf32>,
          %add3A_238 = arith.addi %mul3A_114, %mul3A_217 : i32
          %add3A_239 = arith.constant 64 : i32
          %add3A_240 = arith.addi %add3A_238, %add3A_239 : i32
          %get3A_241 = arith.index_cast %add3A_240 : i32 to index
          %get3A_242 = tpu.vector_load %arg16[%get3A_241] {strides = array<i32>} : memref<74496xf32, #tpu.memory_space<vmem>>, vector<16xf32>,
          %add3A_243 = arith.addi %mul3A_114, %mul3A_217 : i32
          %add3A_244 = arith.constant 80 : i32
          %add3A_245 = arith.addi %add3A_243, %add3A_244 : i32
          %get3A_246 = arith.index_cast %add3A_245 : i32 to index
          %get3A_247 = tpu.vector_load %arg16[%get3A_246] {strides = array<i32>} : memref<74496xf32, #tpu.memory_space<vmem>>, vector<16xf32>,
          %add3A_248 = arith.addi %mul3A_134, %mul3A_217 : i32
          %add3A_249 = arith.constant 0 : i32
          %add3A_250 = arith.addi %add3A_248, %add3A_249 : i32
          %get3A_251 = arith.index_cast %add3A_250 : i32 to index
          %get3A_252 = tpu.vector_load %arg16[%get3A_251] {strides = array<i32>} : memref<74496xf32, #tpu.memory_space<vmem>>, vector<16xf32>,
          %add3A_253 = arith.addi %mul3A_134, %mul3A_217 : i32
          %add3A_254 = arith.constant 16 : i32
          %add3A_255 = arith.addi %add3A_253, %add3A_254 : i32
          %get3A_256 = arith.index_cast %add3A_255 : i32 to index
          %get3A_257 = tpu.vector_load %arg16[%get3A_256] {strides = array<i32>} : memref<74496xf32, #tpu.memory_space<vmem>>, vector<16xf32>,
          %add3A_258 = arith.addi %mul3A_134, %mul3A_217 : i32
          %add3A_259 = arith.constant 32 : i32
          %add3A_260 = arith.addi %add3A_258, %add3A_259 : i32
          %get3A_261 = arith.index_cast %add3A_260 : i32 to index
          %get3A_262 = tpu.vector_load %arg16[%get3A_261] {strides = array<i32>} : memref<74496xf32, #tpu.memory_space<vmem>>, vector<16xf32>,
          %add3A_263 = arith.addi %mul3A_134, %mul3A_217 : i32
          %add3A_264 = arith.constant 48 : i32
          %add3A_265 = arith.addi %add3A_263, %add3A_264 : i32
          %get3A_266 = arith.index_cast %add3A_265 : i32 to index
          %get3A_267 = tpu.vector_load %arg16[%get3A_266] {strides = array<i32>} : memref<74496xf32, #tpu.memory_space<vmem>>, vector<16xf32>,
          %add3A_268 = arith.addi %mul3A_134, %mul3A_217 : i32
          %add3A_269 = arith.constant 64 : i32
          %add3A_270 = arith.addi %add3A_268, %add3A_269 : i32
          %get3A_271 = arith.index_cast %add3A_270 : i32 to index
          %get3A_272 = tpu.vector_load %arg16[%get3A_271] {strides = array<i32>} : memref<74496xf32, #tpu.memory_space<vmem>>, vector<16xf32>,
          %add3A_273 = arith.addi %mul3A_134, %mul3A_217 : i32
          %add3A_274 = arith.constant 80 : i32
          %add3A_275 = arith.addi %add3A_273, %add3A_274 : i32
          %get3A_276 = arith.index_cast %add3A_275 : i32 to index
          %get3A_277 = tpu.vector_load %arg16[%get3A_276] {strides = array<i32>} : memref<74496xf32, #tpu.memory_space<vmem>>, vector<16xf32>,
          %add3A_278 = arith.constant 96 : i32
          %add3A_279 = arith.addi %mul3A_217, %add3A_278 : i32
          %add3A_280 = arith.addi %mul3A_114, %add3A_279 : i32
          %add3A_281 = arith.constant 0 : i32
          %add3A_282 = arith.addi %add3A_280, %add3A_281 : i32
          %get3A_283 = arith.index_cast %add3A_282 : i32 to index
          %get3A_284 = tpu.vector_load %arg16[%get3A_283] {strides = array<i32>} : memref<74496xf32, #tpu.memory_space<vmem>>, vector<16xf32>,
          %add3A_285 = arith.addi %mul3A_114, %add3A_279 : i32
          %add3A_286 = arith.constant 16 : i32
          %add3A_287 = arith.addi %add3A_285, %add3A_286 : i32
          %get3A_288 = arith.index_cast %add3A_287 : i32 to index
          %get3A_289 = tpu.vector_load %arg16[%get3A_288] {strides = array<i32>} : memref<74496xf32, #tpu.memory_space<vmem>>, vector<16xf32>,
          %add3A_290 = arith.addi %mul3A_114, %add3A_279 : i32
          %add3A_291 = arith.constant 32 : i32
          %add3A_292 = arith.addi %add3A_290, %add3A_291 : i32
          %get3A_293 = arith.index_cast %add3A_292 : i32 to index
          %get3A_294 = tpu.vector_load %arg16[%get3A_293] {strides = array<i32>} : memref<74496xf32, #tpu.memory_space<vmem>>, vector<16xf32>,
          %add3A_295 = arith.addi %mul3A_114, %add3A_279 : i32
          %add3A_296 = arith.constant 48 : i32
          %add3A_297 = arith.addi %add3A_295, %add3A_296 : i32
          %get3A_298 = arith.index_cast %add3A_297 : i32 to index
          %get3A_299 = tpu.vector_load %arg16[%get3A_298] {strides = array<i32>} : memref<74496xf32, #tpu.memory_space<vmem>>, vector<16xf32>,
          %add3A_300 = arith.addi %mul3A_114, %add3A_279 : i32
          %add3A_301 = arith.constant 64 : i32
          %add3A_302 = arith.addi %add3A_300, %add3A_301 : i32
          %get3A_303 = arith.index_cast %add3A_302 : i32 to index
          %get3A_304 = tpu.vector_load %arg16[%get3A_303] {strides = array<i32>} : memref<74496xf32, #tpu.memory_space<vmem>>, vector<16xf32>,
          %add3A_305 = arith.addi %mul3A_114, %add3A_279 : i32
          %add3A_306 = arith.constant 80 : i32
          %add3A_307 = arith.addi %add3A_305, %add3A_306 : i32
          %get3A_308 = arith.index_cast %add3A_307 : i32 to index
          %get3A_309 = tpu.vector_load %arg16[%get3A_308] {strides = array<i32>} : memref<74496xf32, #tpu.memory_space<vmem>>, vector<16xf32>,
          %add3A_310 = arith.addi %mul3A_134, %add3A_279 : i32
          %add3A_311 = arith.constant 0 : i32
          %add3A_312 = arith.addi %add3A_310, %add3A_311 : i32
          %get3A_313 = arith.index_cast %add3A_312 : i32 to index
          %get3A_314 = tpu.vector_load %arg16[%get3A_313] {strides = array<i32>} : memref<74496xf32, #tpu.memory_space<vmem>>, vector<16xf32>,
          %add3A_315 = arith.addi %mul3A_134, %add3A_279 : i32
          %add3A_316 = arith.constant 16 : i32
          %add3A_317 = arith.addi %add3A_315, %add3A_316 : i32
          %get3A_318 = arith.index_cast %add3A_317 : i32 to index
          %get3A_319 = tpu.vector_load %arg16[%get3A_318] {strides = array<i32>} : memref<74496xf32, #tpu.memory_space<vmem>>, vector<16xf32>,
          %add3A_320 = arith.addi %mul3A_134, %add3A_279 : i32
          %add3A_321 = arith.constant 32 : i32
          %add3A_322 = arith.addi %add3A_320, %add3A_321 : i32
          %get3A_323 = arith.index_cast %add3A_322 : i32 to index
          %get3A_324 = tpu.vector_load %arg16[%get3A_323] {strides = array<i32>} : memref<74496xf32, #tpu.memory_space<vmem>>, vector<16xf32>,
          %add3A_325 = arith.addi %mul3A_134, %add3A_279 : i32
          %add3A_326 = arith.constant 48 : i32
          %add3A_327 = arith.addi %add3A_325, %add3A_326 : i32
          %get3A_328 = arith.index_cast %add3A_327 : i32 to index
          %get3A_329 = tpu.vector_load %arg16[%get3A_328] {strides = array<i32>} : memref<74496xf32, #tpu.memory_space<vmem>>, vector<16xf32>,
          %add3A_330 = arith.addi %mul3A_134, %add3A_279 : i32
          %add3A_331 = arith.constant 64 : i32
          %add3A_332 = arith.addi %add3A_330, %add3A_331 : i32
          %get3A_333 = arith.index_cast %add3A_332 : i32 to index
          %get3A_334 = tpu.vector_load %arg16[%get3A_333] {strides = array<i32>} : memref<74496xf32, #tpu.memory_space<vmem>>, vector<16xf32>,
          %add3A_335 = arith.addi %mul3A_134, %add3A_279 : i32
          %add3A_336 = arith.constant 80 : i32
          %add3A_337 = arith.addi %add3A_335, %add3A_336 : i32
          %get3A_338 = arith.index_cast %add3A_337 : i32 to index
          %get3A_339 = tpu.vector_load %arg16[%get3A_338] {strides = array<i32>} : memref<74496xf32, #tpu.memory_space<vmem>>, vector<16xf32>,
          %add3A_340 = arith.constant 0 : i32
          %add3A_341 = arith.addi %add3A_214, %add3A_340 : i32
          %mul3A_342 = arith.constant 16 : i32
          %mul3A_343 = arith.muli %add3A_341, %mul3A_342 : i32
          %get3A_344 = arith.index_cast %mul3A_343 : i32 to index
          %get3A_345 = tpu.vector_load %arg11[%get3A_344] {strides = array<i32>} : memref<3072xf32, #tpu.memory_space<vmem>>, vector<16xf32>,
          %mul3A_346 = arith.constant 16 : i32
          %mul3A_347 = arith.muli %add3A_341, %mul3A_346 : i32
          %get3A_348 = arith.index_cast %mul3A_347 : i32 to index
          %get3A_349 = tpu.vector_load %arg12[%get3A_348] {strides = array<i32>} : memref<3072xf32, #tpu.memory_space<vmem>>, vector<16xf32>,
          %mul3A_350 = arith.mulf %broadcast_in_dim3A, %get3A_345 : vector<16xf32>
          %mul3A_351 = arith.mulf %broadcast_in_dim3A_143, %get3A_345 : vector<16xf32>
          %mul3A_352 = arith.mulf %broadcast_in_dim3A, %get3A_349 : vector<16xf32>
          %mul3A_353 = arith.mulf %broadcast_in_dim3A_143, %get3A_349 : vector<16xf32>
          %mul3A_354 = arith.constant 96 : i32
          %mul3A_355 = arith.muli %add3A_341, %mul3A_354 : i32
          %add3A_356 = arith.addi %mul3A_166, %mul3A_355 : i32
          %mul3A_357 = arith.mulf %mul3A_350, %get3A_222 : vector<16xf32>
          %mul3A_358 = arith.mulf %mul3A_351, %get3A_252 : vector<16xf32>
          %add3A_359 = arith.addf %mul3A_357, %mul3A_358 : vector<16xf32>
          %mul3A_360 = arith.mulf %mul3A_352, %get3A_284 : vector<16xf32>
          %mul3A_361 = arith.mulf %mul3A_353, %get3A_314 : vector<16xf32>
          %add3A_362 = arith.addf %mul3A_360, %mul3A_361 : vector<16xf32>
          %add3A_363 = arith.addf %add3A_359, %add3A_362 : vector<16xf32>
          %add3A_364 = arith.constant 0 : i32
          %add3A_365 = arith.addi %add3A_356, %add3A_364 : i32
          %swap3A = arith.index_cast %add3A_365 : i32 to index
          %swap3A_366 = tpu.vector_load %arg17[%swap3A] {strides = array<i32>} : memref<36864xf32, #tpu.memory_space<vmem>>, vector<16xf32>,
          tpu.vector_store %arg17[%swap3A], %add3A_363 {strides = array<i32>} : memref<36864xf32, #tpu.memory_space<vmem>>, vector<16xf32>,
          %mul3A_367 = arith.mulf %mul3A_350, %get3A_227 : vector<16xf32>
          %mul3A_368 = arith.mulf %mul3A_351, %get3A_257 : vector<16xf32>
          %add3A_369 = arith.addf %mul3A_367, %mul3A_368 : vector<16xf32>
          %mul3A_370 = arith.mulf %mul3A_352, %get3A_289 : vector<16xf32>
          %mul3A_371 = arith.mulf %mul3A_353, %get3A_319 : vector<16xf32>
          %add3A_372 = arith.addf %mul3A_370, %mul3A_371 : vector<16xf32>
          %add3A_373 = arith.addf %add3A_369, %add3A_372 : vector<16xf32>
          %add3A_374 = arith.constant 16 : i32
          %add3A_375 = arith.addi %add3A_356, %add3A_374 : i32
          %swap3A_376 = arith.index_cast %add3A_375 : i32 to index
          %swap3A_377 = tpu.vector_load %arg17[%swap3A_376] {strides = array<i32>} : memref<36864xf32, #tpu.memory_space<vmem>>, vector<16xf32>,
          tpu.vector_store %arg17[%swap3A_376], %add3A_373 {strides = array<i32>} : memref<36864xf32, #tpu.memory_space<vmem>>, vector<16xf32>,
          %mul3A_378 = arith.mulf %mul3A_350, %get3A_232 : vector<16xf32>
          %mul3A_379 = arith.mulf %mul3A_351, %get3A_262 : vector<16xf32>
          %add3A_380 = arith.addf %mul3A_378, %mul3A_379 : vector<16xf32>
          %mul3A_381 = arith.mulf %mul3A_352, %get3A_294 : vector<16xf32>
          %mul3A_382 = arith.mulf %mul3A_353, %get3A_324 : vector<16xf32>
          %add3A_383 = arith.addf %mul3A_381, %mul3A_382 : vector<16xf32>
          %add3A_384 = arith.addf %add3A_380, %add3A_383 : vector<16xf32>
          %add3A_385 = arith.constant 32 : i32
          %add3A_386 = arith.addi %add3A_356, %add3A_385 : i32
          %swap3A_387 = arith.index_cast %add3A_386 : i32 to index
          %swap3A_388 = tpu.vector_load %arg17[%swap3A_387] {strides = array<i32>} : memref<36864xf32, #tpu.memory_space<vmem>>, vector<16xf32>,
          tpu.vector_store %arg17[%swap3A_387], %add3A_384 {strides = array<i32>} : memref<36864xf32, #tpu.memory_space<vmem>>, vector<16xf32>,
          %mul3A_389 = arith.mulf %mul3A_350, %get3A_237 : vector<16xf32>
          %mul3A_390 = arith.mulf %mul3A_351, %get3A_267 : vector<16xf32>
          %add3A_391 = arith.addf %mul3A_389, %mul3A_390 : vector<16xf32>
          %mul3A_392 = arith.mulf %mul3A_352, %get3A_299 : vector<16xf32>
          %mul3A_393 = arith.mulf %mul3A_353, %get3A_329 : vector<16xf32>
          %add3A_394 = arith.addf %mul3A_392, %mul3A_393 : vector<16xf32>
          %add3A_395 = arith.addf %add3A_391, %add3A_394 : vector<16xf32>
          %add3A_396 = arith.constant 48 : i32
          %add3A_397 = arith.addi %add3A_356, %add3A_396 : i32
          %swap3A_398 = arith.index_cast %add3A_397 : i32 to index
          %swap3A_399 = tpu.vector_load %arg17[%swap3A_398] {strides = array<i32>} : memref<36864xf32, #tpu.memory_space<vmem>>, vector<16xf32>,
          tpu.vector_store %arg17[%swap3A_398], %add3A_395 {strides = array<i32>} : memref<36864xf32, #tpu.memory_space<vmem>>, vector<16xf32>,
          %mul3A_400 = arith.mulf %mul3A_350, %get3A_242 : vector<16xf32>
          %mul3A_401 = arith.mulf %mul3A_351, %get3A_272 : vector<16xf32>
          %add3A_402 = arith.addf %mul3A_400, %mul3A_401 : vector<16xf32>
          %mul3A_403 = arith.mulf %mul3A_352, %get3A_304 : vector<16xf32>
          %mul3A_404 = arith.mulf %mul3A_353, %get3A_334 : vector<16xf32>
          %add3A_405 = arith.addf %mul3A_403, %mul3A_404 : vector<16xf32>
          %add3A_406 = arith.addf %add3A_402, %add3A_405 : vector<16xf32>
          %add3A_407 = arith.constant 64 : i32
          %add3A_408 = arith.addi %add3A_356, %add3A_407 : i32
          %swap3A_409 = arith.index_cast %add3A_408 : i32 to index
          %swap3A_410 = tpu.vector_load %arg17[%swap3A_409] {strides = array<i32>} : memref<36864xf32, #tpu.memory_space<vmem>>, vector<16xf32>,
          tpu.vector_store %arg17[%swap3A_409], %add3A_406 {strides = array<i32>} : memref<36864xf32, #tpu.memory_space<vmem>>, vector<16xf32>,
          %mul3A_411 = arith.mulf %mul3A_350, %get3A_247 : vector<16xf32>
          %mul3A_412 = arith.mulf %mul3A_351, %get3A_277 : vector<16xf32>
          %add3A_413 = arith.addf %mul3A_411, %mul3A_412 : vector<16xf32>
          %mul3A_414 = arith.mulf %mul3A_352, %get3A_309 : vector<16xf32>
          %mul3A_415 = arith.mulf %mul3A_353, %get3A_339 : vector<16xf32>
          %add3A_416 = arith.addf %mul3A_414, %mul3A_415 : vector<16xf32>
          %add3A_417 = arith.addf %add3A_413, %add3A_416 : vector<16xf32>
          %add3A_418 = arith.constant 80 : i32
          %add3A_419 = arith.addi %add3A_356, %add3A_418 : i32
          %swap3A_420 = arith.index_cast %add3A_419 : i32 to index
          %swap3A_421 = tpu.vector_load %arg17[%swap3A_420] {strides = array<i32>} : memref<36864xf32, #tpu.memory_space<vmem>>, vector<16xf32>,
          tpu.vector_store %arg17[%swap3A_420], %add3A_417 {strides = array<i32>} : memref<36864xf32, #tpu.memory_space<vmem>>, vector<16xf32>,
          %add3A_422 = arith.constant 192 : i32
          %add3A_423 = arith.addi %mul3A_217, %add3A_422 : i32
          %add3A_424 = arith.addi %mul3A_114, %add3A_423 : i32
          %add3A_425 = arith.constant 0 : i32
          %add3A_426 = arith.addi %add3A_424, %add3A_425 : i32
          %get3A_427 = arith.index_cast %add3A_426 : i32 to index
          %get3A_428 = tpu.vector_load %arg16[%get3A_427] {strides = array<i32>} : memref<74496xf32, #tpu.memory_space<vmem>>, vector<16xf32>,
          %add3A_429 = arith.addi %mul3A_114, %add3A_423 : i32
          %add3A_430 = arith.constant 16 : i32
          %add3A_431 = arith.addi %add3A_429, %add3A_430 : i32
          %get3A_432 = arith.index_cast %add3A_431 : i32 to index
          %get3A_433 = tpu.vector_load %arg16[%get3A_432] {strides = array<i32>} : memref<74496xf32, #tpu.memory_space<vmem>>, vector<16xf32>,
          %add3A_434 = arith.addi %mul3A_114, %add3A_423 : i32
          %add3A_435 = arith.constant 32 : i32
          %add3A_436 = arith.addi %add3A_434, %add3A_435 : i32
          %get3A_437 = arith.index_cast %add3A_436 : i32 to index
          %get3A_438 = tpu.vector_load %arg16[%get3A_437] {strides = array<i32>} : memref<74496xf32, #tpu.memory_space<vmem>>, vector<16xf32>,
          %add3A_439 = arith.addi %mul3A_114, %add3A_423 : i32
          %add3A_440 = arith.constant 48 : i32
          %add3A_441 = arith.addi %add3A_439, %add3A_440 : i32
          %get3A_442 = arith.index_cast %add3A_441 : i32 to index
          %get3A_443 = tpu.vector_load %arg16[%get3A_442] {strides = array<i32>} : memref<74496xf32, #tpu.memory_space<vmem>>, vector<16xf32>,
          %add3A_444 = arith.addi %mul3A_114, %add3A_423 : i32
          %add3A_445 = arith.constant 64 : i32
          %add3A_446 = arith.addi %add3A_444, %add3A_445 : i32
          %get3A_447 = arith.index_cast %add3A_446 : i32 to index
          %get3A_448 = tpu.vector_load %arg16[%get3A_447] {strides = array<i32>} : memref<74496xf32, #tpu.memory_space<vmem>>, vector<16xf32>,
          %add3A_449 = arith.addi %mul3A_114, %add3A_423 : i32
          %add3A_450 = arith.constant 80 : i32
          %add3A_451 = arith.addi %add3A_449, %add3A_450 : i32
          %get3A_452 = arith.index_cast %add3A_451 : i32 to index
          %get3A_453 = tpu.vector_load %arg16[%get3A_452] {strides = array<i32>} : memref<74496xf32, #tpu.memory_space<vmem>>, vector<16xf32>,
          %add3A_454 = arith.addi %mul3A_134, %add3A_423 : i32
          %add3A_455 = arith.constant 0 : i32
          %add3A_456 = arith.addi %add3A_454, %add3A_455 : i32
          %get3A_457 = arith.index_cast %add3A_456 : i32 to index
          %get3A_458 = tpu.vector_load %arg16[%get3A_457] {strides = array<i32>} : memref<74496xf32, #tpu.memory_space<vmem>>, vector<16xf32>,
          %add3A_459 = arith.addi %mul3A_134, %add3A_423 : i32
          %add3A_460 = arith.constant 16 : i32
          %add3A_461 = arith.addi %add3A_459, %add3A_460 : i32
          %get3A_462 = arith.index_cast %add3A_461 : i32 to index
          %get3A_463 = tpu.vector_load %arg16[%get3A_462] {strides = array<i32>} : memref<74496xf32, #tpu.memory_space<vmem>>, vector<16xf32>,
          %add3A_464 = arith.addi %mul3A_134, %add3A_423 : i32
          %add3A_465 = arith.constant 32 : i32
          %add3A_466 = arith.addi %add3A_464, %add3A_465 : i32
          %get3A_467 = arith.index_cast %add3A_466 : i32 to index
          %get3A_468 = tpu.vector_load %arg16[%get3A_467] {strides = array<i32>} : memref<74496xf32, #tpu.memory_space<vmem>>, vector<16xf32>,
          %add3A_469 = arith.addi %mul3A_134, %add3A_423 : i32
          %add3A_470 = arith.constant 48 : i32
          %add3A_471 = arith.addi %add3A_469, %add3A_470 : i32
          %get3A_472 = arith.index_cast %add3A_471 : i32 to index
          %get3A_473 = tpu.vector_load %arg16[%get3A_472] {strides = array<i32>} : memref<74496xf32, #tpu.memory_space<vmem>>, vector<16xf32>,
          %add3A_474 = arith.addi %mul3A_134, %add3A_423 : i32
          %add3A_475 = arith.constant 64 : i32
          %add3A_476 = arith.addi %add3A_474, %add3A_475 : i32
          %get3A_477 = arith.index_cast %add3A_476 : i32 to index
          %get3A_478 = tpu.vector_load %arg16[%get3A_477] {strides = array<i32>} : memref<74496xf32, #tpu.memory_space<vmem>>, vector<16xf32>,
          %add3A_479 = arith.addi %mul3A_134, %add3A_423 : i32
          %add3A_480 = arith.constant 80 : i32
          %add3A_481 = arith.addi %add3A_479, %add3A_480 : i32
          %get3A_482 = arith.index_cast %add3A_481 : i32 to index
          %get3A_483 = tpu.vector_load %arg16[%get3A_482] {strides = array<i32>} : memref<74496xf32, #tpu.memory_space<vmem>>, vector<16xf32>,
          %add3A_484 = arith.constant 1 : i32
          %add3A_485 = arith.addi %add3A_214, %add3A_484 : i32
          %mul3A_486 = arith.constant 16 : i32
          %mul3A_487 = arith.muli %add3A_485, %mul3A_486 : i32
          %get3A_488 = arith.index_cast %mul3A_487 : i32 to index
          %get3A_489 = tpu.vector_load %arg11[%get3A_488] {strides = array<i32>} : memref<3072xf32, #tpu.memory_space<vmem>>, vector<16xf32>,
          %mul3A_490 = arith.constant 16 : i32
          %mul3A_491 = arith.muli %add3A_485, %mul3A_490 : i32
          %get3A_492 = arith.index_cast %mul3A_491 : i32 to index
          %get3A_493 = tpu.vector_load %arg12[%get3A_492] {strides = array<i32>} : memref<3072xf32, #tpu.memory_space<vmem>>, vector<16xf32>,
          %mul3A_494 = arith.mulf %broadcast_in_dim3A, %get3A_489 : vector<16xf32>
          %mul3A_495 = arith.mulf %broadcast_in_dim3A_143, %get3A_489 : vector<16xf32>
          %mul3A_496 = arith.mulf %broadcast_in_dim3A, %get3A_493 : vector<16xf32>
          %mul3A_497 = arith.mulf %broadcast_in_dim3A_143, %get3A_493 : vector<16xf32>
          %mul3A_498 = arith.constant 96 : i32
          %mul3A_499 = arith.muli %add3A_485, %mul3A_498 : i32
          %add3A_500 = arith.addi %mul3A_166, %mul3A_499 : i32
          %mul3A_501 = arith.mulf %mul3A_494, %get3A_284 : vector<16xf32>
          %mul3A_502 = arith.mulf %mul3A_495, %get3A_314 : vector<16xf32>
          %add3A_503 = arith.addf %mul3A_501, %mul3A_502 : vector<16xf32>
          %mul3A_504 = arith.mulf %mul3A_496, %get3A_428 : vector<16xf32>
          %mul3A_505 = arith.mulf %mul3A_497, %get3A_458 : vector<16xf32>
          %add3A_506 = arith.addf %mul3A_504, %mul3A_505 : vector<16xf32>
          %add3A_507 = arith.addf %add3A_503, %add3A_506 : vector<16xf32>
          %add3A_508 = arith.constant 0 : i32
          %add3A_509 = arith.addi %add3A_500, %add3A_508 : i32
          %swap3A_510 = arith.index_cast %add3A_509 : i32 to index
          %swap3A_511 = tpu.vector_load %arg17[%swap3A_510] {strides = array<i32>} : memref<36864xf32, #tpu.memory_space<vmem>>, vector<16xf32>,
          tpu.vector_store %arg17[%swap3A_510], %add3A_507 {strides = array<i32>} : memref<36864xf32, #tpu.memory_space<vmem>>, vector<16xf32>,
          %mul3A_512 = arith.mulf %mul3A_494, %get3A_289 : vector<16xf32>
          %mul3A_513 = arith.mulf %mul3A_495, %get3A_319 : vector<16xf32>
          %add3A_514 = arith.addf %mul3A_512, %mul3A_513 : vector<16xf32>
          %mul3A_515 = arith.mulf %mul3A_496, %get3A_433 : vector<16xf32>
          %mul3A_516 = arith.mulf %mul3A_497, %get3A_463 : vector<16xf32>
          %add3A_517 = arith.addf %mul3A_515, %mul3A_516 : vector<16xf32>
          %add3A_518 = arith.addf %add3A_514, %add3A_517 : vector<16xf32>
          %add3A_519 = arith.constant 16 : i32
          %add3A_520 = arith.addi %add3A_500, %add3A_519 : i32
          %swap3A_521 = arith.index_cast %add3A_520 : i32 to index
          %swap3A_522 = tpu.vector_load %arg17[%swap3A_521] {strides = array<i32>} : memref<36864xf32, #tpu.memory_space<vmem>>, vector<16xf32>,
          tpu.vector_store %arg17[%swap3A_521], %add3A_518 {strides = array<i32>} : memref<36864xf32, #tpu.memory_space<vmem>>, vector<16xf32>,
          %mul3A_523 = arith.mulf %mul3A_494, %get3A_294 : vector<16xf32>
          %mul3A_524 = arith.mulf %mul3A_495, %get3A_324 : vector<16xf32>
          %add3A_525 = arith.addf %mul3A_523, %mul3A_524 : vector<16xf32>
          %mul3A_526 = arith.mulf %mul3A_496, %get3A_438 : vector<16xf32>
          %mul3A_527 = arith.mulf %mul3A_497, %get3A_468 : vector<16xf32>
          %add3A_528 = arith.addf %mul3A_526, %mul3A_527 : vector<16xf32>
          %add3A_529 = arith.addf %add3A_525, %add3A_528 : vector<16xf32>
          %add3A_530 = arith.constant 32 : i32
          %add3A_531 = arith.addi %add3A_500, %add3A_530 : i32
          %swap3A_532 = arith.index_cast %add3A_531 : i32 to index
          %swap3A_533 = tpu.vector_load %arg17[%swap3A_532] {strides = array<i32>} : memref<36864xf32, #tpu.memory_space<vmem>>, vector<16xf32>,
          tpu.vector_store %arg17[%swap3A_532], %add3A_529 {strides = array<i32>} : memref<36864xf32, #tpu.memory_space<vmem>>, vector<16xf32>,
          %mul3A_534 = arith.mulf %mul3A_494, %get3A_299 : vector<16xf32>
          %mul3A_535 = arith.mulf %mul3A_495, %get3A_329 : vector<16xf32>
          %add3A_536 = arith.addf %mul3A_534, %mul3A_535 : vector<16xf32>
          %mul3A_537 = arith.mulf %mul3A_496, %get3A_443 : vector<16xf32>
          %mul3A_538 = arith.mulf %mul3A_497, %get3A_473 : vector<16xf32>
          %add3A_539 = arith.addf %mul3A_537, %mul3A_538 : vector<16xf32>
          %add3A_540 = arith.addf %add3A_536, %add3A_539 : vector<16xf32>
          %add3A_541 = arith.constant 48 : i32
          %add3A_542 = arith.addi %add3A_500, %add3A_541 : i32
          %swap3A_543 = arith.index_cast %add3A_542 : i32 to index
          %swap3A_544 = tpu.vector_load %arg17[%swap3A_543] {strides = array<i32>} : memref<36864xf32, #tpu.memory_space<vmem>>, vector<16xf32>,
          tpu.vector_store %arg17[%swap3A_543], %add3A_540 {strides = array<i32>} : memref<36864xf32, #tpu.memory_space<vmem>>, vector<16xf32>,
          %mul3A_545 = arith.mulf %mul3A_494, %get3A_304 : vector<16xf32>
          %mul3A_546 = arith.mulf %mul3A_495, %get3A_334 : vector<16xf32>
          %add3A_547 = arith.addf %mul3A_545, %mul3A_546 : vector<16xf32>
          %mul3A_548 = arith.mulf %mul3A_496, %get3A_448 : vector<16xf32>
          %mul3A_549 = arith.mulf %mul3A_497, %get3A_478 : vector<16xf32>
          %add3A_550 = arith.addf %mul3A_548, %mul3A_549 : vector<16xf32>
          %add3A_551 = arith.addf %add3A_547, %add3A_550 : vector<16xf32>
          %add3A_552 = arith.constant 64 : i32
          %add3A_553 = arith.addi %add3A_500, %add3A_552 : i32
          %swap3A_554 = arith.index_cast %add3A_553 : i32 to index
          %swap3A_555 = tpu.vector_load %arg17[%swap3A_554] {strides = array<i32>} : memref<36864xf32, #tpu.memory_space<vmem>>, vector<16xf32>,
          tpu.vector_store %arg17[%swap3A_554], %add3A_551 {strides = array<i32>} : memref<36864xf32, #tpu.memory_space<vmem>>, vector<16xf32>,
          %mul3A_556 = arith.mulf %mul3A_494, %get3A_309 : vector<16xf32>
          %mul3A_557 = arith.mulf %mul3A_495, %get3A_339 : vector<16xf32>
          %add3A_558 = arith.addf %mul3A_556, %mul3A_557 : vector<16xf32>
          %mul3A_559 = arith.mulf %mul3A_496, %get3A_453 : vector<16xf32>
          %mul3A_560 = arith.mulf %mul3A_497, %get3A_483 : vector<16xf32>
          %add3A_561 = arith.addf %mul3A_559, %mul3A_560 : vector<16xf32>
          %add3A_562 = arith.addf %add3A_558, %add3A_561 : vector<16xf32>
          %add3A_563 = arith.constant 80 : i32
          %add3A_564 = arith.addi %add3A_500, %add3A_563 : i32
          %swap3A_565 = arith.index_cast %add3A_564 : i32 to index
          %swap3A_566 = tpu.vector_load %arg17[%swap3A_565] {strides = array<i32>} : memref<36864xf32, #tpu.memory_space<vmem>>, vector<16xf32>,
          tpu.vector_store %arg17[%swap3A_565], %add3A_562 {strides = array<i32>} : memref<36864xf32, #tpu.memory_space<vmem>>, vector<16xf32>,
          %add3A_567 = arith.constant 288 : i32
          %add3A_568 = arith.addi %mul3A_217, %add3A_567 : i32
          %add3A_569 = arith.addi %mul3A_114, %add3A_568 : i32
          %add3A_570 = arith.constant 0 : i32
          %add3A_571 = arith.addi %add3A_569, %add3A_570 : i32
          %get3A_572 = arith.index_cast %add3A_571 : i32 to index
          %get3A_573 = tpu.vector_load %arg16[%get3A_572] {strides = array<i32>} : memref<74496xf32, #tpu.memory_space<vmem>>, vector<16xf32>,
          %add3A_574 = arith.addi %mul3A_114, %add3A_568 : i32
          %add3A_575 = arith.constant 16 : i32
          %add3A_576 = arith.addi %add3A_574, %add3A_575 : i32
          %get3A_577 = arith.index_cast %add3A_576 : i32 to index
          %get3A_578 = tpu.vector_load %arg16[%get3A_577] {strides = array<i32>} : memref<74496xf32, #tpu.memory_space<vmem>>, vector<16xf32>,
          %add3A_579 = arith.addi %mul3A_114, %add3A_568 : i32
          %add3A_580 = arith.constant 32 : i32
          %add3A_581 = arith.addi %add3A_579, %add3A_580 : i32
          %get3A_582 = arith.index_cast %add3A_581 : i32 to index
          %get3A_583 = tpu.vector_load %arg16[%get3A_582] {strides = array<i32>} : memref<74496xf32, #tpu.memory_space<vmem>>, vector<16xf32>,
          %add3A_584 = arith.addi %mul3A_114, %add3A_568 : i32
          %add3A_585 = arith.constant 48 : i32
          %add3A_586 = arith.addi %add3A_584, %add3A_585 : i32
          %get3A_587 = arith.index_cast %add3A_586 : i32 to index
          %get3A_588 = tpu.vector_load %arg16[%get3A_587] {strides = array<i32>} : memref<74496xf32, #tpu.memory_space<vmem>>, vector<16xf32>,
          %add3A_589 = arith.addi %mul3A_114, %add3A_568 : i32
          %add3A_590 = arith.constant 64 : i32
          %add3A_591 = arith.addi %add3A_589, %add3A_590 : i32
          %get3A_592 = arith.index_cast %add3A_591 : i32 to index
          %get3A_593 = tpu.vector_load %arg16[%get3A_592] {strides = array<i32>} : memref<74496xf32, #tpu.memory_space<vmem>>, vector<16xf32>,
          %add3A_594 = arith.addi %mul3A_114, %add3A_568 : i32
          %add3A_595 = arith.constant 80 : i32
          %add3A_596 = arith.addi %add3A_594, %add3A_595 : i32
          %get3A_597 = arith.index_cast %add3A_596 : i32 to index
          %get3A_598 = tpu.vector_load %arg16[%get3A_597] {strides = array<i32>} : memref<74496xf32, #tpu.memory_space<vmem>>, vector<16xf32>,
          %add3A_599 = arith.addi %mul3A_134, %add3A_568 : i32
          %add3A_600 = arith.constant 0 : i32
          %add3A_601 = arith.addi %add3A_599, %add3A_600 : i32
          %get3A_602 = arith.index_cast %add3A_601 : i32 to index
          %get3A_603 = tpu.vector_load %arg16[%get3A_602] {strides = array<i32>} : memref<74496xf32, #tpu.memory_space<vmem>>, vector<16xf32>,
          %add3A_604 = arith.addi %mul3A_134, %add3A_568 : i32
          %add3A_605 = arith.constant 16 : i32
          %add3A_606 = arith.addi %add3A_604, %add3A_605 : i32
          %get3A_607 = arith.index_cast %add3A_606 : i32 to index
          %get3A_608 = tpu.vector_load %arg16[%get3A_607] {strides = array<i32>} : memref<74496xf32, #tpu.memory_space<vmem>>, vector<16xf32>,
          %add3A_609 = arith.addi %mul3A_134, %add3A_568 : i32
          %add3A_610 = arith.constant 32 : i32
          %add3A_611 = arith.addi %add3A_609, %add3A_610 : i32
          %get3A_612 = arith.index_cast %add3A_611 : i32 to index
          %get3A_613 = tpu.vector_load %arg16[%get3A_612] {strides = array<i32>} : memref<74496xf32, #tpu.memory_space<vmem>>, vector<16xf32>,
          %add3A_614 = arith.addi %mul3A_134, %add3A_568 : i32
          %add3A_615 = arith.constant 48 : i32
          %add3A_616 = arith.addi %add3A_614, %add3A_615 : i32
          %get3A_617 = arith.index_cast %add3A_616 : i32 to index
          %get3A_618 = tpu.vector_load %arg16[%get3A_617] {strides = array<i32>} : memref<74496xf32, #tpu.memory_space<vmem>>, vector<16xf32>,
          %add3A_619 = arith.addi %mul3A_134, %add3A_568 : i32
          %add3A_620 = arith.constant 64 : i32
          %add3A_621 = arith.addi %add3A_619, %add3A_620 : i32
          %get3A_622 = arith.index_cast %add3A_621 : i32 to index
          %get3A_623 = tpu.vector_load %arg16[%get3A_622] {strides = array<i32>} : memref<74496xf32, #tpu.memory_space<vmem>>, vector<16xf32>,
          %add3A_624 = arith.addi %mul3A_134, %add3A_568 : i32
          %add3A_625 = arith.constant 80 : i32
          %add3A_626 = arith.addi %add3A_624, %add3A_625 : i32
          %get3A_627 = arith.index_cast %add3A_626 : i32 to index
          %get3A_628 = tpu.vector_load %arg16[%get3A_627] {strides = array<i32>} : memref<74496xf32, #tpu.memory_space<vmem>>, vector<16xf32>,
          %add3A_629 = arith.constant 2 : i32
          %add3A_630 = arith.addi %add3A_214, %add3A_629 : i32
          %mul3A_631 = arith.constant 16 : i32
          %mul3A_632 = arith.muli %add3A_630, %mul3A_631 : i32
          %get3A_633 = arith.index_cast %mul3A_632 : i32 to index
          %get3A_634 = tpu.vector_load %arg11[%get3A_633] {strides = array<i32>} : memref<3072xf32, #tpu.memory_space<vmem>>, vector<16xf32>,
          %mul3A_635 = arith.constant 16 : i32
          %mul3A_636 = arith.muli %add3A_630, %mul3A_635 : i32
          %get3A_637 = arith.index_cast %mul3A_636 : i32 to index
          %get3A_638 = tpu.vector_load %arg12[%get3A_637] {strides = array<i32>} : memref<3072xf32, #tpu.memory_space<vmem>>, vector<16xf32>,
          %mul3A_639 = arith.mulf %broadcast_in_dim3A, %get3A_634 : vector<16xf32>
          %mul3A_640 = arith.mulf %broadcast_in_dim3A_143, %get3A_634 : vector<16xf32>
          %mul3A_641 = arith.mulf %broadcast_in_dim3A, %get3A_638 : vector<16xf32>
          %mul3A_642 = arith.mulf %broadcast_in_dim3A_143, %get3A_638 : vector<16xf32>
          %mul3A_643 = arith.constant 96 : i32
          %mul3A_644 = arith.muli %add3A_630, %mul3A_643 : i32
          %add3A_645 = arith.addi %mul3A_166, %mul3A_644 : i32
          %mul3A_646 = arith.mulf %mul3A_639, %get3A_428 : vector<16xf32>
          %mul3A_647 = arith.mulf %mul3A_640, %get3A_458 : vector<16xf32>
          %add3A_648 = arith.addf %mul3A_646, %mul3A_647 : vector<16xf32>
          %mul3A_649 = arith.mulf %mul3A_641, %get3A_573 : vector<16xf32>
          %mul3A_650 = arith.mulf %mul3A_642, %get3A_603 : vector<16xf32>
          %add3A_651 = arith.addf %mul3A_649, %mul3A_650 : vector<16xf32>
          %add3A_652 = arith.addf %add3A_648, %add3A_651 : vector<16xf32>
          %add3A_653 = arith.constant 0 : i32
          %add3A_654 = arith.addi %add3A_645, %add3A_653 : i32
          %swap3A_655 = arith.index_cast %add3A_654 : i32 to index
          %swap3A_656 = tpu.vector_load %arg17[%swap3A_655] {strides = array<i32>} : memref<36864xf32, #tpu.memory_space<vmem>>, vector<16xf32>,
          tpu.vector_store %arg17[%swap3A_655], %add3A_652 {strides = array<i32>} : memref<36864xf32, #tpu.memory_space<vmem>>, vector<16xf32>,
          %mul3A_657 = arith.mulf %mul3A_639, %get3A_433 : vector<16xf32>
          %mul3A_658 = arith.mulf %mul3A_640, %get3A_463 : vector<16xf32>
          %add3A_659 = arith.addf %mul3A_657, %mul3A_658 : vector<16xf32>
          %mul3A_660 = arith.mulf %mul3A_641, %get3A_578 : vector<16xf32>
          %mul3A_661 = arith.mulf %mul3A_642, %get3A_608 : vector<16xf32>
          %add3A_662 = arith.addf %mul3A_660, %mul3A_661 : vector<16xf32>
          %add3A_663 = arith.addf %add3A_659, %add3A_662 : vector<16xf32>
          %add3A_664 = arith.constant 16 : i32
          %add3A_665 = arith.addi %add3A_645, %add3A_664 : i32
          %swap3A_666 = arith.index_cast %add3A_665 : i32 to index
          %swap3A_667 = tpu.vector_load %arg17[%swap3A_666] {strides = array<i32>} : memref<36864xf32, #tpu.memory_space<vmem>>, vector<16xf32>,
          tpu.vector_store %arg17[%swap3A_666], %add3A_663 {strides = array<i32>} : memref<36864xf32, #tpu.memory_space<vmem>>, vector<16xf32>,
          %mul3A_668 = arith.mulf %mul3A_639, %get3A_438 : vector<16xf32>
          %mul3A_669 = arith.mulf %mul3A_640, %get3A_468 : vector<16xf32>
          %add3A_670 = arith.addf %mul3A_668, %mul3A_669 : vector<16xf32>
          %mul3A_671 = arith.mulf %mul3A_641, %get3A_583 : vector<16xf32>
          %mul3A_672 = arith.mulf %mul3A_642, %get3A_613 : vector<16xf32>
          %add3A_673 = arith.addf %mul3A_671, %mul3A_672 : vector<16xf32>
          %add3A_674 = arith.addf %add3A_670, %add3A_673 : vector<16xf32>
          %add3A_675 = arith.constant 32 : i32
          %add3A_676 = arith.addi %add3A_645, %add3A_675 : i32
          %swap3A_677 = arith.index_cast %add3A_676 : i32 to index
          %swap3A_678 = tpu.vector_load %arg17[%swap3A_677] {strides = array<i32>} : memref<36864xf32, #tpu.memory_space<vmem>>, vector<16xf32>,
          tpu.vector_store %arg17[%swap3A_677], %add3A_674 {strides = array<i32>} : memref<36864xf32, #tpu.memory_space<vmem>>, vector<16xf32>,
          %mul3A_679 = arith.mulf %mul3A_639, %get3A_443 : vector<16xf32>
          %mul3A_680 = arith.mulf %mul3A_640, %get3A_473 : vector<16xf32>
          %add3A_681 = arith.addf %mul3A_679, %mul3A_680 : vector<16xf32>
          %mul3A_682 = arith.mulf %mul3A_641, %get3A_588 : vector<16xf32>
          %mul3A_683 = arith.mulf %mul3A_642, %get3A_618 : vector<16xf32>
          %add3A_684 = arith.addf %mul3A_682, %mul3A_683 : vector<16xf32>
          %add3A_685 = arith.addf %add3A_681, %add3A_684 : vector<16xf32>
          %add3A_686 = arith.constant 48 : i32
          %add3A_687 = arith.addi %add3A_645, %add3A_686 : i32
          %swap3A_688 = arith.index_cast %add3A_687 : i32 to index
          %swap3A_689 = tpu.vector_load %arg17[%swap3A_688] {strides = array<i32>} : memref<36864xf32, #tpu.memory_space<vmem>>, vector<16xf32>,
          tpu.vector_store %arg17[%swap3A_688], %add3A_685 {strides = array<i32>} : memref<36864xf32, #tpu.memory_space<vmem>>, vector<16xf32>,
          %mul3A_690 = arith.mulf %mul3A_639, %get3A_448 : vector<16xf32>
          %mul3A_691 = arith.mulf %mul3A_640, %get3A_478 : vector<16xf32>
          %add3A_692 = arith.addf %mul3A_690, %mul3A_691 : vector<16xf32>
          %mul3A_693 = arith.mulf %mul3A_641, %get3A_593 : vector<16xf32>
          %mul3A_694 = arith.mulf %mul3A_642, %get3A_623 : vector<16xf32>
          %add3A_695 = arith.addf %mul3A_693, %mul3A_694 : vector<16xf32>
          %add3A_696 = arith.addf %add3A_692, %add3A_695 : vector<16xf32>
          %add3A_697 = arith.constant 64 : i32
          %add3A_698 = arith.addi %add3A_645, %add3A_697 : i32
          %swap3A_699 = arith.index_cast %add3A_698 : i32 to index
          %swap3A_700 = tpu.vector_load %arg17[%swap3A_699] {strides = array<i32>} : memref<36864xf32, #tpu.memory_space<vmem>>, vector<16xf32>,
          tpu.vector_store %arg17[%swap3A_699], %add3A_696 {strides = array<i32>} : memref<36864xf32, #tpu.memory_space<vmem>>, vector<16xf32>,
          %mul3A_701 = arith.mulf %mul3A_639, %get3A_453 : vector<16xf32>
          %mul3A_702 = arith.mulf %mul3A_640, %get3A_483 : vector<16xf32>
          %add3A_703 = arith.addf %mul3A_701, %mul3A_702 : vector<16xf32>
          %mul3A_704 = arith.mulf %mul3A_641, %get3A_598 : vector<16xf32>
          %mul3A_705 = arith.mulf %mul3A_642, %get3A_628 : vector<16xf32>
          %add3A_706 = arith.addf %mul3A_704, %mul3A_705 : vector<16xf32>
          %add3A_707 = arith.addf %add3A_703, %add3A_706 : vector<16xf32>
          %add3A_708 = arith.constant 80 : i32
          %add3A_709 = arith.addi %add3A_645, %add3A_708 : i32
          %swap3A_710 = arith.index_cast %add3A_709 : i32 to index
          %swap3A_711 = tpu.vector_load %arg17[%swap3A_710] {strides = array<i32>} : memref<36864xf32, #tpu.memory_space<vmem>>, vector<16xf32>,
          tpu.vector_store %arg17[%swap3A_710], %add3A_707 {strides = array<i32>} : memref<36864xf32, #tpu.memory_space<vmem>>, vector<16xf32>,
          %add3A_712 = arith.constant 384 : i32
          %add3A_713 = arith.addi %mul3A_217, %add3A_712 : i32
          %add3A_714 = arith.addi %mul3A_114, %add3A_713 : i32
          %add3A_715 = arith.constant 0 : i32
          %add3A_716 = arith.addi %add3A_714, %add3A_715 : i32
          %get3A_717 = arith.index_cast %add3A_716 : i32 to index
          %get3A_718 = tpu.vector_load %arg16[%get3A_717] {strides = array<i32>} : memref<74496xf32, #tpu.memory_space<vmem>>, vector<16xf32>,
          %add3A_719 = arith.addi %mul3A_114, %add3A_713 : i32
          %add3A_720 = arith.constant 16 : i32
          %add3A_721 = arith.addi %add3A_719, %add3A_720 : i32
          %get3A_722 = arith.index_cast %add3A_721 : i32 to index
          %get3A_723 = tpu.vector_load %arg16[%get3A_722] {strides = array<i32>} : memref<74496xf32, #tpu.memory_space<vmem>>, vector<16xf32>,
          %add3A_724 = arith.addi %mul3A_114, %add3A_713 : i32
          %add3A_725 = arith.constant 32 : i32
          %add3A_726 = arith.addi %add3A_724, %add3A_725 : i32
          %get3A_727 = arith.index_cast %add3A_726 : i32 to index
          %get3A_728 = tpu.vector_load %arg16[%get3A_727] {strides = array<i32>} : memref<74496xf32, #tpu.memory_space<vmem>>, vector<16xf32>,
          %add3A_729 = arith.addi %mul3A_114, %add3A_713 : i32
          %add3A_730 = arith.constant 48 : i32
          %add3A_731 = arith.addi %add3A_729, %add3A_730 : i32
          %get3A_732 = arith.index_cast %add3A_731 : i32 to index
          %get3A_733 = tpu.vector_load %arg16[%get3A_732] {strides = array<i32>} : memref<74496xf32, #tpu.memory_space<vmem>>, vector<16xf32>,
          %add3A_734 = arith.addi %mul3A_114, %add3A_713 : i32
          %add3A_735 = arith.constant 64 : i32
          %add3A_736 = arith.addi %add3A_734, %add3A_735 : i32
          %get3A_737 = arith.index_cast %add3A_736 : i32 to index
          %get3A_738 = tpu.vector_load %arg16[%get3A_737] {strides = array<i32>} : memref<74496xf32, #tpu.memory_space<vmem>>, vector<16xf32>,
          %add3A_739 = arith.addi %mul3A_114, %add3A_713 : i32
          %add3A_740 = arith.constant 80 : i32
          %add3A_741 = arith.addi %add3A_739, %add3A_740 : i32
          %get3A_742 = arith.index_cast %add3A_741 : i32 to index
          %get3A_743 = tpu.vector_load %arg16[%get3A_742] {strides = array<i32>} : memref<74496xf32, #tpu.memory_space<vmem>>, vector<16xf32>,
          %add3A_744 = arith.addi %mul3A_134, %add3A_713 : i32
          %add3A_745 = arith.constant 0 : i32
          %add3A_746 = arith.addi %add3A_744, %add3A_745 : i32
          %get3A_747 = arith.index_cast %add3A_746 : i32 to index
          %get3A_748 = tpu.vector_load %arg16[%get3A_747] {strides = array<i32>} : memref<74496xf32, #tpu.memory_space<vmem>>, vector<16xf32>,
          %add3A_749 = arith.addi %mul3A_134, %add3A_713 : i32
          %add3A_750 = arith.constant 16 : i32
          %add3A_751 = arith.addi %add3A_749, %add3A_750 : i32
          %get3A_752 = arith.index_cast %add3A_751 : i32 to index
          %get3A_753 = tpu.vector_load %arg16[%get3A_752] {strides = array<i32>} : memref<74496xf32, #tpu.memory_space<vmem>>, vector<16xf32>,
          %add3A_754 = arith.addi %mul3A_134, %add3A_713 : i32
          %add3A_755 = arith.constant 32 : i32
          %add3A_756 = arith.addi %add3A_754, %add3A_755 : i32
          %get3A_757 = arith.index_cast %add3A_756 : i32 to index
          %get3A_758 = tpu.vector_load %arg16[%get3A_757] {strides = array<i32>} : memref<74496xf32, #tpu.memory_space<vmem>>, vector<16xf32>,
          %add3A_759 = arith.addi %mul3A_134, %add3A_713 : i32
          %add3A_760 = arith.constant 48 : i32
          %add3A_761 = arith.addi %add3A_759, %add3A_760 : i32
          %get3A_762 = arith.index_cast %add3A_761 : i32 to index
          %get3A_763 = tpu.vector_load %arg16[%get3A_762] {strides = array<i32>} : memref<74496xf32, #tpu.memory_space<vmem>>, vector<16xf32>,
          %add3A_764 = arith.addi %mul3A_134, %add3A_713 : i32
          %add3A_765 = arith.constant 64 : i32
          %add3A_766 = arith.addi %add3A_764, %add3A_765 : i32
          %get3A_767 = arith.index_cast %add3A_766 : i32 to index
          %get3A_768 = tpu.vector_load %arg16[%get3A_767] {strides = array<i32>} : memref<74496xf32, #tpu.memory_space<vmem>>, vector<16xf32>,
          %add3A_769 = arith.addi %mul3A_134, %add3A_713 : i32
          %add3A_770 = arith.constant 80 : i32
          %add3A_771 = arith.addi %add3A_769, %add3A_770 : i32
          %get3A_772 = arith.index_cast %add3A_771 : i32 to index
          %get3A_773 = tpu.vector_load %arg16[%get3A_772] {strides = array<i32>} : memref<74496xf32, #tpu.memory_space<vmem>>, vector<16xf32>,
          %add3A_774 = arith.constant 3 : i32
          %add3A_775 = arith.addi %add3A_214, %add3A_774 : i32
          %mul3A_776 = arith.constant 16 : i32
          %mul3A_777 = arith.muli %add3A_775, %mul3A_776 : i32
          %get3A_778 = arith.index_cast %mul3A_777 : i32 to index
          %get3A_779 = tpu.vector_load %arg11[%get3A_778] {strides = array<i32>} : memref<3072xf32, #tpu.memory_space<vmem>>, vector<16xf32>,
          %mul3A_780 = arith.constant 16 : i32
          %mul3A_781 = arith.muli %add3A_775, %mul3A_780 : i32
          %get3A_782 = arith.index_cast %mul3A_781 : i32 to index
          %get3A_783 = tpu.vector_load %arg12[%get3A_782] {strides = array<i32>} : memref<3072xf32, #tpu.memory_space<vmem>>, vector<16xf32>,
          %mul3A_784 = arith.mulf %broadcast_in_dim3A, %get3A_779 : vector<16xf32>
          %mul3A_785 = arith.mulf %broadcast_in_dim3A_143, %get3A_779 : vector<16xf32>
          %mul3A_786 = arith.mulf %broadcast_in_dim3A, %get3A_783 : vector<16xf32>
          %mul3A_787 = arith.mulf %broadcast_in_dim3A_143, %get3A_783 : vector<16xf32>
          %mul3A_788 = arith.constant 96 : i32
          %mul3A_789 = arith.muli %add3A_775, %mul3A_788 : i32
          %add3A_790 = arith.addi %mul3A_166, %mul3A_789 : i32
          %mul3A_791 = arith.mulf %mul3A_784, %get3A_573 : vector<16xf32>
          %mul3A_792 = arith.mulf %mul3A_785, %get3A_603 : vector<16xf32>
          %add3A_793 = arith.addf %mul3A_791, %mul3A_792 : vector<16xf32>
          %mul3A_794 = arith.mulf %mul3A_786, %get3A_718 : vector<16xf32>
          %mul3A_795 = arith.mulf %mul3A_787, %get3A_748 : vector<16xf32>
          %add3A_796 = arith.addf %mul3A_794, %mul3A_795 : vector<16xf32>
          %add3A_797 = arith.addf %add3A_793, %add3A_796 : vector<16xf32>
          %add3A_798 = arith.constant 0 : i32
          %add3A_799 = arith.addi %add3A_790, %add3A_798 : i32
          %swap3A_800 = arith.index_cast %add3A_799 : i32 to index
          %swap3A_801 = tpu.vector_load %arg17[%swap3A_800] {strides = array<i32>} : memref<36864xf32, #tpu.memory_space<vmem>>, vector<16xf32>,
          tpu.vector_store %arg17[%swap3A_800], %add3A_797 {strides = array<i32>} : memref<36864xf32, #tpu.memory_space<vmem>>, vector<16xf32>,
          %mul3A_802 = arith.mulf %mul3A_784, %get3A_578 : vector<16xf32>
          %mul3A_803 = arith.mulf %mul3A_785, %get3A_608 : vector<16xf32>
          %add3A_804 = arith.addf %mul3A_802, %mul3A_803 : vector<16xf32>
          %mul3A_805 = arith.mulf %mul3A_786, %get3A_723 : vector<16xf32>
          %mul3A_806 = arith.mulf %mul3A_787, %get3A_753 : vector<16xf32>
          %add3A_807 = arith.addf %mul3A_805, %mul3A_806 : vector<16xf32>
          %add3A_808 = arith.addf %add3A_804, %add3A_807 : vector<16xf32>
          %add3A_809 = arith.constant 16 : i32
          %add3A_810 = arith.addi %add3A_790, %add3A_809 : i32
          %swap3A_811 = arith.index_cast %add3A_810 : i32 to index
          %swap3A_812 = tpu.vector_load %arg17[%swap3A_811] {strides = array<i32>} : memref<36864xf32, #tpu.memory_space<vmem>>, vector<16xf32>,
          tpu.vector_store %arg17[%swap3A_811], %add3A_808 {strides = array<i32>} : memref<36864xf32, #tpu.memory_space<vmem>>, vector<16xf32>,
          %mul3A_813 = arith.mulf %mul3A_784, %get3A_583 : vector<16xf32>
          %mul3A_814 = arith.mulf %mul3A_785, %get3A_613 : vector<16xf32>
          %add3A_815 = arith.addf %mul3A_813, %mul3A_814 : vector<16xf32>
          %mul3A_816 = arith.mulf %mul3A_786, %get3A_728 : vector<16xf32>
          %mul3A_817 = arith.mulf %mul3A_787, %get3A_758 : vector<16xf32>
          %add3A_818 = arith.addf %mul3A_816, %mul3A_817 : vector<16xf32>
          %add3A_819 = arith.addf %add3A_815, %add3A_818 : vector<16xf32>
          %add3A_820 = arith.constant 32 : i32
          %add3A_821 = arith.addi %add3A_790, %add3A_820 : i32
          %swap3A_822 = arith.index_cast %add3A_821 : i32 to index
          %swap3A_823 = tpu.vector_load %arg17[%swap3A_822] {strides = array<i32>} : memref<36864xf32, #tpu.memory_space<vmem>>, vector<16xf32>,
          tpu.vector_store %arg17[%swap3A_822], %add3A_819 {strides = array<i32>} : memref<36864xf32, #tpu.memory_space<vmem>>, vector<16xf32>,
          %mul3A_824 = arith.mulf %mul3A_784, %get3A_588 : vector<16xf32>
          %mul3A_825 = arith.mulf %mul3A_785, %get3A_618 : vector<16xf32>
          %add3A_826 = arith.addf %mul3A_824, %mul3A_825 : vector<16xf32>
          %mul3A_827 = arith.mulf %mul3A_786, %get3A_733 : vector<16xf32>
          %mul3A_828 = arith.mulf %mul3A_787, %get3A_763 : vector<16xf32>
          %add3A_829 = arith.addf %mul3A_827, %mul3A_828 : vector<16xf32>
          %add3A_830 = arith.addf %add3A_826, %add3A_829 : vector<16xf32>
          %add3A_831 = arith.constant 48 : i32
          %add3A_832 = arith.addi %add3A_790, %add3A_831 : i32
          %swap3A_833 = arith.index_cast %add3A_832 : i32 to index
          %swap3A_834 = tpu.vector_load %arg17[%swap3A_833] {strides = array<i32>} : memref<36864xf32, #tpu.memory_space<vmem>>, vector<16xf32>,
          tpu.vector_store %arg17[%swap3A_833], %add3A_830 {strides = array<i32>} : memref<36864xf32, #tpu.memory_space<vmem>>, vector<16xf32>,
          %mul3A_835 = arith.mulf %mul3A_784, %get3A_593 : vector<16xf32>
          %mul3A_836 = arith.mulf %mul3A_785, %get3A_623 : vector<16xf32>
          %add3A_837 = arith.addf %mul3A_835, %mul3A_836 : vector<16xf32>
          %mul3A_838 = arith.mulf %mul3A_786, %get3A_738 : vector<16xf32>
          %mul3A_839 = arith.mulf %mul3A_787, %get3A_768 : vector<16xf32>
          %add3A_840 = arith.addf %mul3A_838, %mul3A_839 : vector<16xf32>
          %add3A_841 = arith.addf %add3A_837, %add3A_840 : vector<16xf32>
          %add3A_842 = arith.constant 64 : i32
          %add3A_843 = arith.addi %add3A_790, %add3A_842 : i32
          %swap3A_844 = arith.index_cast %add3A_843 : i32 to index
          %swap3A_845 = tpu.vector_load %arg17[%swap3A_844] {strides = array<i32>} : memref<36864xf32, #tpu.memory_space<vmem>>, vector<16xf32>,
          tpu.vector_store %arg17[%swap3A_844], %add3A_841 {strides = array<i32>} : memref<36864xf32, #tpu.memory_space<vmem>>, vector<16xf32>,
          %mul3A_846 = arith.mulf %mul3A_784, %get3A_598 : vector<16xf32>
          %mul3A_847 = arith.mulf %mul3A_785, %get3A_628 : vector<16xf32>
          %add3A_848 = arith.addf %mul3A_846, %mul3A_847 : vector<16xf32>
          %mul3A_849 = arith.mulf %mul3A_786, %get3A_743 : vector<16xf32>
          %mul3A_850 = arith.mulf %mul3A_787, %get3A_773 : vector<16xf32>
          %add3A_851 = arith.addf %mul3A_849, %mul3A_850 : vector<16xf32>
          %add3A_852 = arith.addf %add3A_848, %add3A_851 : vector<16xf32>
          %add3A_853 = arith.constant 80 : i32
          %add3A_854 = arith.addi %add3A_790, %add3A_853 : i32
          %swap3A_855 = arith.index_cast %add3A_854 : i32 to index
          %swap3A_856 = tpu.vector_load %arg17[%swap3A_855] {strides = array<i32>} : memref<36864xf32, #tpu.memory_space<vmem>>, vector<16xf32>,
          tpu.vector_store %arg17[%swap3A_855], %add3A_852 {strides = array<i32>} : memref<36864xf32, #tpu.memory_space<vmem>>, vector<16xf32>,
          %add3A_857 = arith.constant 480 : i32
          %add3A_858 = arith.addi %mul3A_217, %add3A_857 : i32
          %add3A_859 = arith.addi %mul3A_114, %add3A_858 : i32
          %add3A_860 = arith.constant 0 : i32
          %add3A_861 = arith.addi %add3A_859, %add3A_860 : i32
          %get3A_862 = arith.index_cast %add3A_861 : i32 to index
          %get3A_863 = tpu.vector_load %arg16[%get3A_862] {strides = array<i32>} : memref<74496xf32, #tpu.memory_space<vmem>>, vector<16xf32>,
          %add3A_864 = arith.addi %mul3A_114, %add3A_858 : i32
          %add3A_865 = arith.constant 16 : i32
          %add3A_866 = arith.addi %add3A_864, %add3A_865 : i32
          %get3A_867 = arith.index_cast %add3A_866 : i32 to index
          %get3A_868 = tpu.vector_load %arg16[%get3A_867] {strides = array<i32>} : memref<74496xf32, #tpu.memory_space<vmem>>, vector<16xf32>,
          %add3A_869 = arith.addi %mul3A_114, %add3A_858 : i32
          %add3A_870 = arith.constant 32 : i32
          %add3A_871 = arith.addi %add3A_869, %add3A_870 : i32
          %get3A_872 = arith.index_cast %add3A_871 : i32 to index
          %get3A_873 = tpu.vector_load %arg16[%get3A_872] {strides = array<i32>} : memref<74496xf32, #tpu.memory_space<vmem>>, vector<16xf32>,
          %add3A_874 = arith.addi %mul3A_114, %add3A_858 : i32
          %add3A_875 = arith.constant 48 : i32
          %add3A_876 = arith.addi %add3A_874, %add3A_875 : i32
          %get3A_877 = arith.index_cast %add3A_876 : i32 to index
          %get3A_878 = tpu.vector_load %arg16[%get3A_877] {strides = array<i32>} : memref<74496xf32, #tpu.memory_space<vmem>>, vector<16xf32>,
          %add3A_879 = arith.addi %mul3A_114, %add3A_858 : i32
          %add3A_880 = arith.constant 64 : i32
          %add3A_881 = arith.addi %add3A_879, %add3A_880 : i32
          %get3A_882 = arith.index_cast %add3A_881 : i32 to index
          %get3A_883 = tpu.vector_load %arg16[%get3A_882] {strides = array<i32>} : memref<74496xf32, #tpu.memory_space<vmem>>, vector<16xf32>,
          %add3A_884 = arith.addi %mul3A_114, %add3A_858 : i32
          %add3A_885 = arith.constant 80 : i32
          %add3A_886 = arith.addi %add3A_884, %add3A_885 : i32
          %get3A_887 = arith.index_cast %add3A_886 : i32 to index
          %get3A_888 = tpu.vector_load %arg16[%get3A_887] {strides = array<i32>} : memref<74496xf32, #tpu.memory_space<vmem>>, vector<16xf32>,
          %add3A_889 = arith.addi %mul3A_134, %add3A_858 : i32
          %add3A_890 = arith.constant 0 : i32
          %add3A_891 = arith.addi %add3A_889, %add3A_890 : i32
          %get3A_892 = arith.index_cast %add3A_891 : i32 to index
          %get3A_893 = tpu.vector_load %arg16[%get3A_892] {strides = array<i32>} : memref<74496xf32, #tpu.memory_space<vmem>>, vector<16xf32>,
          %add3A_894 = arith.addi %mul3A_134, %add3A_858 : i32
          %add3A_895 = arith.constant 16 : i32
          %add3A_896 = arith.addi %add3A_894, %add3A_895 : i32
          %get3A_897 = arith.index_cast %add3A_896 : i32 to index
          %get3A_898 = tpu.vector_load %arg16[%get3A_897] {strides = array<i32>} : memref<74496xf32, #tpu.memory_space<vmem>>, vector<16xf32>,
          %add3A_899 = arith.addi %mul3A_134, %add3A_858 : i32
          %add3A_900 = arith.constant 32 : i32
          %add3A_901 = arith.addi %add3A_899, %add3A_900 : i32
          %get3A_902 = arith.index_cast %add3A_901 : i32 to index
          %get3A_903 = tpu.vector_load %arg16[%get3A_902] {strides = array<i32>} : memref<74496xf32, #tpu.memory_space<vmem>>, vector<16xf32>,
          %add3A_904 = arith.addi %mul3A_134, %add3A_858 : i32
          %add3A_905 = arith.constant 48 : i32
          %add3A_906 = arith.addi %add3A_904, %add3A_905 : i32
          %get3A_907 = arith.index_cast %add3A_906 : i32 to index
          %get3A_908 = tpu.vector_load %arg16[%get3A_907] {strides = array<i32>} : memref<74496xf32, #tpu.memory_space<vmem>>, vector<16xf32>,
          %add3A_909 = arith.addi %mul3A_134, %add3A_858 : i32
          %add3A_910 = arith.constant 64 : i32
          %add3A_911 = arith.addi %add3A_909, %add3A_910 : i32
          %get3A_912 = arith.index_cast %add3A_911 : i32 to index
          %get3A_913 = tpu.vector_load %arg16[%get3A_912] {strides = array<i32>} : memref<74496xf32, #tpu.memory_space<vmem>>, vector<16xf32>,
          %add3A_914 = arith.addi %mul3A_134, %add3A_858 : i32
          %add3A_915 = arith.constant 80 : i32
          %add3A_916 = arith.addi %add3A_914, %add3A_915 : i32
          %get3A_917 = arith.index_cast %add3A_916 : i32 to index
          %get3A_918 = tpu.vector_load %arg16[%get3A_917] {strides = array<i32>} : memref<74496xf32, #tpu.memory_space<vmem>>, vector<16xf32>,
          %add3A_919 = arith.constant 4 : i32
          %add3A_920 = arith.addi %add3A_214, %add3A_919 : i32
          %mul3A_921 = arith.constant 16 : i32
          %mul3A_922 = arith.muli %add3A_920, %mul3A_921 : i32
          %get3A_923 = arith.index_cast %mul3A_922 : i32 to index
          %get3A_924 = tpu.vector_load %arg11[%get3A_923] {strides = array<i32>} : memref<3072xf32, #tpu.memory_space<vmem>>, vector<16xf32>,
          %mul3A_925 = arith.constant 16 : i32
          %mul3A_926 = arith.muli %add3A_920, %mul3A_925 : i32
          %get3A_927 = arith.index_cast %mul3A_926 : i32 to index
          %get3A_928 = tpu.vector_load %arg12[%get3A_927] {strides = array<i32>} : memref<3072xf32, #tpu.memory_space<vmem>>, vector<16xf32>,
          %mul3A_929 = arith.mulf %broadcast_in_dim3A, %get3A_924 : vector<16xf32>
          %mul3A_930 = arith.mulf %broadcast_in_dim3A_143, %get3A_924 : vector<16xf32>
          %mul3A_931 = arith.mulf %broadcast_in_dim3A, %get3A_928 : vector<16xf32>
          %mul3A_932 = arith.mulf %broadcast_in_dim3A_143, %get3A_928 : vector<16xf32>
          %mul3A_933 = arith.constant 96 : i32
          %mul3A_934 = arith.muli %add3A_920, %mul3A_933 : i32
          %add3A_935 = arith.addi %mul3A_166, %mul3A_934 : i32
          %mul3A_936 = arith.mulf %mul3A_929, %get3A_718 : vector<16xf32>
          %mul3A_937 = arith.mulf %mul3A_930, %get3A_748 : vector<16xf32>
          %add3A_938 = arith.addf %mul3A_936, %mul3A_937 : vector<16xf32>
          %mul3A_939 = arith.mulf %mul3A_931, %get3A_863 : vector<16xf32>
          %mul3A_940 = arith.mulf %mul3A_932, %get3A_893 : vector<16xf32>
          %add3A_941 = arith.addf %mul3A_939, %mul3A_940 : vector<16xf32>
          %add3A_942 = arith.addf %add3A_938, %add3A_941 : vector<16xf32>
          %add3A_943 = arith.constant 0 : i32
          %add3A_944 = arith.addi %add3A_935, %add3A_943 : i32
          %swap3A_945 = arith.index_cast %add3A_944 : i32 to index
          %swap3A_946 = tpu.vector_load %arg17[%swap3A_945] {strides = array<i32>} : memref<36864xf32, #tpu.memory_space<vmem>>, vector<16xf32>,
          tpu.vector_store %arg17[%swap3A_945], %add3A_942 {strides = array<i32>} : memref<36864xf32, #tpu.memory_space<vmem>>, vector<16xf32>,
          %mul3A_947 = arith.mulf %mul3A_929, %get3A_723 : vector<16xf32>
          %mul3A_948 = arith.mulf %mul3A_930, %get3A_753 : vector<16xf32>
          %add3A_949 = arith.addf %mul3A_947, %mul3A_948 : vector<16xf32>
          %mul3A_950 = arith.mulf %mul3A_931, %get3A_868 : vector<16xf32>
          %mul3A_951 = arith.mulf %mul3A_932, %get3A_898 : vector<16xf32>
          %add3A_952 = arith.addf %mul3A_950, %mul3A_951 : vector<16xf32>
          %add3A_953 = arith.addf %add3A_949, %add3A_952 : vector<16xf32>
          %add3A_954 = arith.constant 16 : i32
          %add3A_955 = arith.addi %add3A_935, %add3A_954 : i32
          %swap3A_956 = arith.index_cast %add3A_955 : i32 to index
          %swap3A_957 = tpu.vector_load %arg17[%swap3A_956] {strides = array<i32>} : memref<36864xf32, #tpu.memory_space<vmem>>, vector<16xf32>,
          tpu.vector_store %arg17[%swap3A_956], %add3A_953 {strides = array<i32>} : memref<36864xf32, #tpu.memory_space<vmem>>, vector<16xf32>,
          %mul3A_958 = arith.mulf %mul3A_929, %get3A_728 : vector<16xf32>
          %mul3A_959 = arith.mulf %mul3A_930, %get3A_758 : vector<16xf32>
          %add3A_960 = arith.addf %mul3A_958, %mul3A_959 : vector<16xf32>
          %mul3A_961 = arith.mulf %mul3A_931, %get3A_873 : vector<16xf32>
          %mul3A_962 = arith.mulf %mul3A_932, %get3A_903 : vector<16xf32>
          %add3A_963 = arith.addf %mul3A_961, %mul3A_962 : vector<16xf32>
          %add3A_964 = arith.addf %add3A_960, %add3A_963 : vector<16xf32>
          %add3A_965 = arith.constant 32 : i32
          %add3A_966 = arith.addi %add3A_935, %add3A_965 : i32
          %swap3A_967 = arith.index_cast %add3A_966 : i32 to index
          %swap3A_968 = tpu.vector_load %arg17[%swap3A_967] {strides = array<i32>} : memref<36864xf32, #tpu.memory_space<vmem>>, vector<16xf32>,
          tpu.vector_store %arg17[%swap3A_967], %add3A_964 {strides = array<i32>} : memref<36864xf32, #tpu.memory_space<vmem>>, vector<16xf32>,
          %mul3A_969 = arith.mulf %mul3A_929, %get3A_733 : vector<16xf32>
          %mul3A_970 = arith.mulf %mul3A_930, %get3A_763 : vector<16xf32>
          %add3A_971 = arith.addf %mul3A_969, %mul3A_970 : vector<16xf32>
          %mul3A_972 = arith.mulf %mul3A_931, %get3A_878 : vector<16xf32>
          %mul3A_973 = arith.mulf %mul3A_932, %get3A_908 : vector<16xf32>
          %add3A_974 = arith.addf %mul3A_972, %mul3A_973 : vector<16xf32>
          %add3A_975 = arith.addf %add3A_971, %add3A_974 : vector<16xf32>
          %add3A_976 = arith.constant 48 : i32
          %add3A_977 = arith.addi %add3A_935, %add3A_976 : i32
          %swap3A_978 = arith.index_cast %add3A_977 : i32 to index
          %swap3A_979 = tpu.vector_load %arg17[%swap3A_978] {strides = array<i32>} : memref<36864xf32, #tpu.memory_space<vmem>>, vector<16xf32>,
          tpu.vector_store %arg17[%swap3A_978], %add3A_975 {strides = array<i32>} : memref<36864xf32, #tpu.memory_space<vmem>>, vector<16xf32>,
          %mul3A_980 = arith.mulf %mul3A_929, %get3A_738 : vector<16xf32>
          %mul3A_981 = arith.mulf %mul3A_930, %get3A_768 : vector<16xf32>
          %add3A_982 = arith.addf %mul3A_980, %mul3A_981 : vector<16xf32>
          %mul3A_983 = arith.mulf %mul3A_931, %get3A_883 : vector<16xf32>
          %mul3A_984 = arith.mulf %mul3A_932, %get3A_913 : vector<16xf32>
          %add3A_985 = arith.addf %mul3A_983, %mul3A_984 : vector<16xf32>
          %add3A_986 = arith.addf %add3A_982, %add3A_985 : vector<16xf32>
          %add3A_987 = arith.constant 64 : i32
          %add3A_988 = arith.addi %add3A_935, %add3A_987 : i32
          %swap3A_989 = arith.index_cast %add3A_988 : i32 to index
          %swap3A_990 = tpu.vector_load %arg17[%swap3A_989] {strides = array<i32>} : memref<36864xf32, #tpu.memory_space<vmem>>, vector<16xf32>,
          tpu.vector_store %arg17[%swap3A_989], %add3A_986 {strides = array<i32>} : memref<36864xf32, #tpu.memory_space<vmem>>, vector<16xf32>,
          %mul3A_991 = arith.mulf %mul3A_929, %get3A_743 : vector<16xf32>
          %mul3A_992 = arith.mulf %mul3A_930, %get3A_773 : vector<16xf32>
          %add3A_993 = arith.addf %mul3A_991, %mul3A_992 : vector<16xf32>
          %mul3A_994 = arith.mulf %mul3A_931, %get3A_888 : vector<16xf32>
          %mul3A_995 = arith.mulf %mul3A_932, %get3A_918 : vector<16xf32>
          %add3A_996 = arith.addf %mul3A_994, %mul3A_995 : vector<16xf32>
          %add3A_997 = arith.addf %add3A_993, %add3A_996 : vector<16xf32>
          %add3A_998 = arith.constant 80 : i32
          %add3A_999 = arith.addi %add3A_935, %add3A_998 : i32
          %swap3A_1000 = arith.index_cast %add3A_999 : i32 to index
          %swap3A_1001 = tpu.vector_load %arg17[%swap3A_1000] {strides = array<i32>} : memref<36864xf32, #tpu.memory_space<vmem>>, vector<16xf32>,
          tpu.vector_store %arg17[%swap3A_1000], %add3A_997 {strides = array<i32>} : memref<36864xf32, #tpu.memory_space<vmem>>, vector<16xf32>,
          %add3A_1002 = arith.constant 576 : i32
          %add3A_1003 = arith.addi %mul3A_217, %add3A_1002 : i32
          %add3A_1004 = arith.addi %mul3A_114, %add3A_1003 : i32
          %add3A_1005 = arith.constant 0 : i32
          %add3A_1006 = arith.addi %add3A_1004, %add3A_1005 : i32
          %get3A_1007 = arith.index_cast %add3A_1006 : i32 to index
          %get3A_1008 = tpu.vector_load %arg16[%get3A_1007] {strides = array<i32>} : memref<74496xf32, #tpu.memory_space<vmem>>, vector<16xf32>,
          %add3A_1009 = arith.addi %mul3A_114, %add3A_1003 : i32
          %add3A_1010 = arith.constant 16 : i32
          %add3A_1011 = arith.addi %add3A_1009, %add3A_1010 : i32
          %get3A_1012 = arith.index_cast %add3A_1011 : i32 to index
          %get3A_1013 = tpu.vector_load %arg16[%get3A_1012] {strides = array<i32>} : memref<74496xf32, #tpu.memory_space<vmem>>, vector<16xf32>,
          %add3A_1014 = arith.addi %mul3A_114, %add3A_1003 : i32
          %add3A_1015 = arith.constant 32 : i32
          %add3A_1016 = arith.addi %add3A_1014, %add3A_1015 : i32
          %get3A_1017 = arith.index_cast %add3A_1016 : i32 to index
          %get3A_1018 = tpu.vector_load %arg16[%get3A_1017] {strides = array<i32>} : memref<74496xf32, #tpu.memory_space<vmem>>, vector<16xf32>,
          %add3A_1019 = arith.addi %mul3A_114, %add3A_1003 : i32
          %add3A_1020 = arith.constant 48 : i32
          %add3A_1021 = arith.addi %add3A_1019, %add3A_1020 : i32
          %get3A_1022 = arith.index_cast %add3A_1021 : i32 to index
          %get3A_1023 = tpu.vector_load %arg16[%get3A_1022] {strides = array<i32>} : memref<74496xf32, #tpu.memory_space<vmem>>, vector<16xf32>,
          %add3A_1024 = arith.addi %mul3A_114, %add3A_1003 : i32
          %add3A_1025 = arith.constant 64 : i32
          %add3A_1026 = arith.addi %add3A_1024, %add3A_1025 : i32
          %get3A_1027 = arith.index_cast %add3A_1026 : i32 to index
          %get3A_1028 = tpu.vector_load %arg16[%get3A_1027] {strides = array<i32>} : memref<74496xf32, #tpu.memory_space<vmem>>, vector<16xf32>,
          %add3A_1029 = arith.addi %mul3A_114, %add3A_1003 : i32
          %add3A_1030 = arith.constant 80 : i32
          %add3A_1031 = arith.addi %add3A_1029, %add3A_1030 : i32
          %get3A_1032 = arith.index_cast %add3A_1031 : i32 to index
          %get3A_1033 = tpu.vector_load %arg16[%get3A_1032] {strides = array<i32>} : memref<74496xf32, #tpu.memory_space<vmem>>, vector<16xf32>,
          %add3A_1034 = arith.addi %mul3A_134, %add3A_1003 : i32
          %add3A_1035 = arith.constant 0 : i32
          %add3A_1036 = arith.addi %add3A_1034, %add3A_1035 : i32
          %get3A_1037 = arith.index_cast %add3A_1036 : i32 to index
          %get3A_1038 = tpu.vector_load %arg16[%get3A_1037] {strides = array<i32>} : memref<74496xf32, #tpu.memory_space<vmem>>, vector<16xf32>,
          %add3A_1039 = arith.addi %mul3A_134, %add3A_1003 : i32
          %add3A_1040 = arith.constant 16 : i32
          %add3A_1041 = arith.addi %add3A_1039, %add3A_1040 : i32
          %get3A_1042 = arith.index_cast %add3A_1041 : i32 to index
          %get3A_1043 = tpu.vector_load %arg16[%get3A_1042] {strides = array<i32>} : memref<74496xf32, #tpu.memory_space<vmem>>, vector<16xf32>,
          %add3A_1044 = arith.addi %mul3A_134, %add3A_1003 : i32
          %add3A_1045 = arith.constant 32 : i32
          %add3A_1046 = arith.addi %add3A_1044, %add3A_1045 : i32
          %get3A_1047 = arith.index_cast %add3A_1046 : i32 to index
          %get3A_1048 = tpu.vector_load %arg16[%get3A_1047] {strides = array<i32>} : memref<74496xf32, #tpu.memory_space<vmem>>, vector<16xf32>,
          %add3A_1049 = arith.addi %mul3A_134, %add3A_1003 : i32
          %add3A_1050 = arith.constant 48 : i32
          %add3A_1051 = arith.addi %add3A_1049, %add3A_1050 : i32
          %get3A_1052 = arith.index_cast %add3A_1051 : i32 to index
          %get3A_1053 = tpu.vector_load %arg16[%get3A_1052] {strides = array<i32>} : memref<74496xf32, #tpu.memory_space<vmem>>, vector<16xf32>,
          %add3A_1054 = arith.addi %mul3A_134, %add3A_1003 : i32
          %add3A_1055 = arith.constant 64 : i32
          %add3A_1056 = arith.addi %add3A_1054, %add3A_1055 : i32
          %get3A_1057 = arith.index_cast %add3A_1056 : i32 to index
          %get3A_1058 = tpu.vector_load %arg16[%get3A_1057] {strides = array<i32>} : memref<74496xf32, #tpu.memory_space<vmem>>, vector<16xf32>,
          %add3A_1059 = arith.addi %mul3A_134, %add3A_1003 : i32
          %add3A_1060 = arith.constant 80 : i32
          %add3A_1061 = arith.addi %add3A_1059, %add3A_1060 : i32
          %get3A_1062 = arith.index_cast %add3A_1061 : i32 to index
          %get3A_1063 = tpu.vector_load %arg16[%get3A_1062] {strides = array<i32>} : memref<74496xf32, #tpu.memory_space<vmem>>, vector<16xf32>,
          %add3A_1064 = arith.constant 5 : i32
          %add3A_1065 = arith.addi %add3A_214, %add3A_1064 : i32
          %mul3A_1066 = arith.constant 16 : i32
          %mul3A_1067 = arith.muli %add3A_1065, %mul3A_1066 : i32
          %get3A_1068 = arith.index_cast %mul3A_1067 : i32 to index
          %get3A_1069 = tpu.vector_load %arg11[%get3A_1068] {strides = array<i32>} : memref<3072xf32, #tpu.memory_space<vmem>>, vector<16xf32>,
          %mul3A_1070 = arith.constant 16 : i32
          %mul3A_1071 = arith.muli %add3A_1065, %mul3A_1070 : i32
          %get3A_1072 = arith.index_cast %mul3A_1071 : i32 to index
          %get3A_1073 = tpu.vector_load %arg12[%get3A_1072] {strides = array<i32>} : memref<3072xf32, #tpu.memory_space<vmem>>, vector<16xf32>,
          %mul3A_1074 = arith.mulf %broadcast_in_dim3A, %get3A_1069 : vector<16xf32>
          %mul3A_1075 = arith.mulf %broadcast_in_dim3A_143, %get3A_1069 : vector<16xf32>
          %mul3A_1076 = arith.mulf %broadcast_in_dim3A, %get3A_1073 : vector<16xf32>
          %mul3A_1077 = arith.mulf %broadcast_in_dim3A_143, %get3A_1073 : vector<16xf32>
          %mul3A_1078 = arith.constant 96 : i32
          %mul3A_1079 = arith.muli %add3A_1065, %mul3A_1078 : i32
          %add3A_1080 = arith.addi %mul3A_166, %mul3A_1079 : i32
          %mul3A_1081 = arith.mulf %mul3A_1074, %get3A_863 : vector<16xf32>
          %mul3A_1082 = arith.mulf %mul3A_1075, %get3A_893 : vector<16xf32>
          %add3A_1083 = arith.addf %mul3A_1081, %mul3A_1082 : vector<16xf32>
          %mul3A_1084 = arith.mulf %mul3A_1076, %get3A_1008 : vector<16xf32>
          %mul3A_1085 = arith.mulf %mul3A_1077, %get3A_1038 : vector<16xf32>
          %add3A_1086 = arith.addf %mul3A_1084, %mul3A_1085 : vector<16xf32>
          %add3A_1087 = arith.addf %add3A_1083, %add3A_1086 : vector<16xf32>
          %add3A_1088 = arith.constant 0 : i32
          %add3A_1089 = arith.addi %add3A_1080, %add3A_1088 : i32
          %swap3A_1090 = arith.index_cast %add3A_1089 : i32 to index
          %swap3A_1091 = tpu.vector_load %arg17[%swap3A_1090] {strides = array<i32>} : memref<36864xf32, #tpu.memory_space<vmem>>, vector<16xf32>,
          tpu.vector_store %arg17[%swap3A_1090], %add3A_1087 {strides = array<i32>} : memref<36864xf32, #tpu.memory_space<vmem>>, vector<16xf32>,
          %mul3A_1092 = arith.mulf %mul3A_1074, %get3A_868 : vector<16xf32>
          %mul3A_1093 = arith.mulf %mul3A_1075, %get3A_898 : vector<16xf32>
          %add3A_1094 = arith.addf %mul3A_1092, %mul3A_1093 : vector<16xf32>
          %mul3A_1095 = arith.mulf %mul3A_1076, %get3A_1013 : vector<16xf32>
          %mul3A_1096 = arith.mulf %mul3A_1077, %get3A_1043 : vector<16xf32>
          %add3A_1097 = arith.addf %mul3A_1095, %mul3A_1096 : vector<16xf32>
          %add3A_1098 = arith.addf %add3A_1094, %add3A_1097 : vector<16xf32>
          %add3A_1099 = arith.constant 16 : i32
          %add3A_1100 = arith.addi %add3A_1080, %add3A_1099 : i32
          %swap3A_1101 = arith.index_cast %add3A_1100 : i32 to index
          %swap3A_1102 = tpu.vector_load %arg17[%swap3A_1101] {strides = array<i32>} : memref<36864xf32, #tpu.memory_space<vmem>>, vector<16xf32>,
          tpu.vector_store %arg17[%swap3A_1101], %add3A_1098 {strides = array<i32>} : memref<36864xf32, #tpu.memory_space<vmem>>, vector<16xf32>,
          %mul3A_1103 = arith.mulf %mul3A_1074, %get3A_873 : vector<16xf32>
          %mul3A_1104 = arith.mulf %mul3A_1075, %get3A_903 : vector<16xf32>
          %add3A_1105 = arith.addf %mul3A_1103, %mul3A_1104 : vector<16xf32>
          %mul3A_1106 = arith.mulf %mul3A_1076, %get3A_1018 : vector<16xf32>
          %mul3A_1107 = arith.mulf %mul3A_1077, %get3A_1048 : vector<16xf32>
          %add3A_1108 = arith.addf %mul3A_1106, %mul3A_1107 : vector<16xf32>
          %add3A_1109 = arith.addf %add3A_1105, %add3A_1108 : vector<16xf32>
          %add3A_1110 = arith.constant 32 : i32
          %add3A_1111 = arith.addi %add3A_1080, %add3A_1110 : i32
          %swap3A_1112 = arith.index_cast %add3A_1111 : i32 to index
          %swap3A_1113 = tpu.vector_load %arg17[%swap3A_1112] {strides = array<i32>} : memref<36864xf32, #tpu.memory_space<vmem>>, vector<16xf32>,
          tpu.vector_store %arg17[%swap3A_1112], %add3A_1109 {strides = array<i32>} : memref<36864xf32, #tpu.memory_space<vmem>>, vector<16xf32>,
          %mul3A_1114 = arith.mulf %mul3A_1074, %get3A_878 : vector<16xf32>
          %mul3A_1115 = arith.mulf %mul3A_1075, %get3A_908 : vector<16xf32>
          %add3A_1116 = arith.addf %mul3A_1114, %mul3A_1115 : vector<16xf32>
          %mul3A_1117 = arith.mulf %mul3A_1076, %get3A_1023 : vector<16xf32>
          %mul3A_1118 = arith.mulf %mul3A_1077, %get3A_1053 : vector<16xf32>
          %add3A_1119 = arith.addf %mul3A_1117, %mul3A_1118 : vector<16xf32>
          %add3A_1120 = arith.addf %add3A_1116, %add3A_1119 : vector<16xf32>
          %add3A_1121 = arith.constant 48 : i32
          %add3A_1122 = arith.addi %add3A_1080, %add3A_1121 : i32
          %swap3A_1123 = arith.index_cast %add3A_1122 : i32 to index
          %swap3A_1124 = tpu.vector_load %arg17[%swap3A_1123] {strides = array<i32>} : memref<36864xf32, #tpu.memory_space<vmem>>, vector<16xf32>,
          tpu.vector_store %arg17[%swap3A_1123], %add3A_1120 {strides = array<i32>} : memref<36864xf32, #tpu.memory_space<vmem>>, vector<16xf32>,
          %mul3A_1125 = arith.mulf %mul3A_1074, %get3A_883 : vector<16xf32>
          %mul3A_1126 = arith.mulf %mul3A_1075, %get3A_913 : vector<16xf32>
          %add3A_1127 = arith.addf %mul3A_1125, %mul3A_1126 : vector<16xf32>
          %mul3A_1128 = arith.mulf %mul3A_1076, %get3A_1028 : vector<16xf32>
          %mul3A_1129 = arith.mulf %mul3A_1077, %get3A_1058 : vector<16xf32>
          %add3A_1130 = arith.addf %mul3A_1128, %mul3A_1129 : vector<16xf32>
          %add3A_1131 = arith.addf %add3A_1127, %add3A_1130 : vector<16xf32>
          %add3A_1132 = arith.constant 64 : i32
          %add3A_1133 = arith.addi %add3A_1080, %add3A_1132 : i32
          %swap3A_1134 = arith.index_cast %add3A_1133 : i32 to index
          %swap3A_1135 = tpu.vector_load %arg17[%swap3A_1134] {strides = array<i32>} : memref<36864xf32, #tpu.memory_space<vmem>>, vector<16xf32>,
          tpu.vector_store %arg17[%swap3A_1134], %add3A_1131 {strides = array<i32>} : memref<36864xf32, #tpu.memory_space<vmem>>, vector<16xf32>,
          %mul3A_1136 = arith.mulf %mul3A_1074, %get3A_888 : vector<16xf32>
          %mul3A_1137 = arith.mulf %mul3A_1075, %get3A_918 : vector<16xf32>
          %add3A_1138 = arith.addf %mul3A_1136, %mul3A_1137 : vector<16xf32>
          %mul3A_1139 = arith.mulf %mul3A_1076, %get3A_1033 : vector<16xf32>
          %mul3A_1140 = arith.mulf %mul3A_1077, %get3A_1063 : vector<16xf32>
          %add3A_1141 = arith.addf %mul3A_1139, %mul3A_1140 : vector<16xf32>
          %add3A_1142 = arith.addf %add3A_1138, %add3A_1141 : vector<16xf32>
          %add3A_1143 = arith.constant 80 : i32
          %add3A_1144 = arith.addi %add3A_1080, %add3A_1143 : i32
          %swap3A_1145 = arith.index_cast %add3A_1144 : i32 to index
          %swap3A_1146 = tpu.vector_load %arg17[%swap3A_1145] {strides = array<i32>} : memref<36864xf32, #tpu.memory_space<vmem>>, vector<16xf32>,
          tpu.vector_store %arg17[%swap3A_1145], %add3A_1142 {strides = array<i32>} : memref<36864xf32, #tpu.memory_space<vmem>>, vector<16xf32>,
          %add3A_1147 = arith.constant 672 : i32
          %add3A_1148 = arith.addi %mul3A_217, %add3A_1147 : i32
          %add3A_1149 = arith.addi %mul3A_114, %add3A_1148 : i32
          %add3A_1150 = arith.constant 0 : i32
          %add3A_1151 = arith.addi %add3A_1149, %add3A_1150 : i32
          %get3A_1152 = arith.index_cast %add3A_1151 : i32 to index
          %get3A_1153 = tpu.vector_load %arg16[%get3A_1152] {strides = array<i32>} : memref<74496xf32, #tpu.memory_space<vmem>>, vector<16xf32>,
          %add3A_1154 = arith.addi %mul3A_114, %add3A_1148 : i32
          %add3A_1155 = arith.constant 16 : i32
          %add3A_1156 = arith.addi %add3A_1154, %add3A_1155 : i32
          %get3A_1157 = arith.index_cast %add3A_1156 : i32 to index
          %get3A_1158 = tpu.vector_load %arg16[%get3A_1157] {strides = array<i32>} : memref<74496xf32, #tpu.memory_space<vmem>>, vector<16xf32>,
          %add3A_1159 = arith.addi %mul3A_114, %add3A_1148 : i32
          %add3A_1160 = arith.constant 32 : i32
          %add3A_1161 = arith.addi %add3A_1159, %add3A_1160 : i32
          %get3A_1162 = arith.index_cast %add3A_1161 : i32 to index
          %get3A_1163 = tpu.vector_load %arg16[%get3A_1162] {strides = array<i32>} : memref<74496xf32, #tpu.memory_space<vmem>>, vector<16xf32>,
          %add3A_1164 = arith.addi %mul3A_114, %add3A_1148 : i32
          %add3A_1165 = arith.constant 48 : i32
          %add3A_1166 = arith.addi %add3A_1164, %add3A_1165 : i32
          %get3A_1167 = arith.index_cast %add3A_1166 : i32 to index
          %get3A_1168 = tpu.vector_load %arg16[%get3A_1167] {strides = array<i32>} : memref<74496xf32, #tpu.memory_space<vmem>>, vector<16xf32>,
          %add3A_1169 = arith.addi %mul3A_114, %add3A_1148 : i32
          %add3A_1170 = arith.constant 64 : i32
          %add3A_1171 = arith.addi %add3A_1169, %add3A_1170 : i32
          %get3A_1172 = arith.index_cast %add3A_1171 : i32 to index
          %get3A_1173 = tpu.vector_load %arg16[%get3A_1172] {strides = array<i32>} : memref<74496xf32, #tpu.memory_space<vmem>>, vector<16xf32>,
          %add3A_1174 = arith.addi %mul3A_114, %add3A_1148 : i32
          %add3A_1175 = arith.constant 80 : i32
          %add3A_1176 = arith.addi %add3A_1174, %add3A_1175 : i32
          %get3A_1177 = arith.index_cast %add3A_1176 : i32 to index
          %get3A_1178 = tpu.vector_load %arg16[%get3A_1177] {strides = array<i32>} : memref<74496xf32, #tpu.memory_space<vmem>>, vector<16xf32>,
          %add3A_1179 = arith.addi %mul3A_134, %add3A_1148 : i32
          %add3A_1180 = arith.constant 0 : i32
          %add3A_1181 = arith.addi %add3A_1179, %add3A_1180 : i32
          %get3A_1182 = arith.index_cast %add3A_1181 : i32 to index
          %get3A_1183 = tpu.vector_load %arg16[%get3A_1182] {strides = array<i32>} : memref<74496xf32, #tpu.memory_space<vmem>>, vector<16xf32>,
          %add3A_1184 = arith.addi %mul3A_134, %add3A_1148 : i32
          %add3A_1185 = arith.constant 16 : i32
          %add3A_1186 = arith.addi %add3A_1184, %add3A_1185 : i32
          %get3A_1187 = arith.index_cast %add3A_1186 : i32 to index
          %get3A_1188 = tpu.vector_load %arg16[%get3A_1187] {strides = array<i32>} : memref<74496xf32, #tpu.memory_space<vmem>>, vector<16xf32>,
          %add3A_1189 = arith.addi %mul3A_134, %add3A_1148 : i32
          %add3A_1190 = arith.constant 32 : i32
          %add3A_1191 = arith.addi %add3A_1189, %add3A_1190 : i32
          %get3A_1192 = arith.index_cast %add3A_1191 : i32 to index
          %get3A_1193 = tpu.vector_load %arg16[%get3A_1192] {strides = array<i32>} : memref<74496xf32, #tpu.memory_space<vmem>>, vector<16xf32>,
          %add3A_1194 = arith.addi %mul3A_134, %add3A_1148 : i32
          %add3A_1195 = arith.constant 48 : i32
          %add3A_1196 = arith.addi %add3A_1194, %add3A_1195 : i32
          %get3A_1197 = arith.index_cast %add3A_1196 : i32 to index
          %get3A_1198 = tpu.vector_load %arg16[%get3A_1197] {strides = array<i32>} : memref<74496xf32, #tpu.memory_space<vmem>>, vector<16xf32>,
          %add3A_1199 = arith.addi %mul3A_134, %add3A_1148 : i32
          %add3A_1200 = arith.constant 64 : i32
          %add3A_1201 = arith.addi %add3A_1199, %add3A_1200 : i32
          %get3A_1202 = arith.index_cast %add3A_1201 : i32 to index
          %get3A_1203 = tpu.vector_load %arg16[%get3A_1202] {strides = array<i32>} : memref<74496xf32, #tpu.memory_space<vmem>>, vector<16xf32>,
          %add3A_1204 = arith.addi %mul3A_134, %add3A_1148 : i32
          %add3A_1205 = arith.constant 80 : i32
          %add3A_1206 = arith.addi %add3A_1204, %add3A_1205 : i32
          %get3A_1207 = arith.index_cast %add3A_1206 : i32 to index
          %get3A_1208 = tpu.vector_load %arg16[%get3A_1207] {strides = array<i32>} : memref<74496xf32, #tpu.memory_space<vmem>>, vector<16xf32>,
          %add3A_1209 = arith.constant 6 : i32
          %add3A_1210 = arith.addi %add3A_214, %add3A_1209 : i32
          %mul3A_1211 = arith.constant 16 : i32
          %mul3A_1212 = arith.muli %add3A_1210, %mul3A_1211 : i32
          %get3A_1213 = arith.index_cast %mul3A_1212 : i32 to index
          %get3A_1214 = tpu.vector_load %arg11[%get3A_1213] {strides = array<i32>} : memref<3072xf32, #tpu.memory_space<vmem>>, vector<16xf32>,
          %mul3A_1215 = arith.constant 16 : i32
          %mul3A_1216 = arith.muli %add3A_1210, %mul3A_1215 : i32
          %get3A_1217 = arith.index_cast %mul3A_1216 : i32 to index
          %get3A_1218 = tpu.vector_load %arg12[%get3A_1217] {strides = array<i32>} : memref<3072xf32, #tpu.memory_space<vmem>>, vector<16xf32>,
          %mul3A_1219 = arith.mulf %broadcast_in_dim3A, %get3A_1214 : vector<16xf32>
          %mul3A_1220 = arith.mulf %broadcast_in_dim3A_143, %get3A_1214 : vector<16xf32>
          %mul3A_1221 = arith.mulf %broadcast_in_dim3A, %get3A_1218 : vector<16xf32>
          %mul3A_1222 = arith.mulf %broadcast_in_dim3A_143, %get3A_1218 : vector<16xf32>
          %mul3A_1223 = arith.constant 96 : i32
          %mul3A_1224 = arith.muli %add3A_1210, %mul3A_1223 : i32
          %add3A_1225 = arith.addi %mul3A_166, %mul3A_1224 : i32
          %mul3A_1226 = arith.mulf %mul3A_1219, %get3A_1008 : vector<16xf32>
          %mul3A_1227 = arith.mulf %mul3A_1220, %get3A_1038 : vector<16xf32>
          %add3A_1228 = arith.addf %mul3A_1226, %mul3A_1227 : vector<16xf32>
          %mul3A_1229 = arith.mulf %mul3A_1221, %get3A_1153 : vector<16xf32>
          %mul3A_1230 = arith.mulf %mul3A_1222, %get3A_1183 : vector<16xf32>
          %add3A_1231 = arith.addf %mul3A_1229, %mul3A_1230 : vector<16xf32>
          %add3A_1232 = arith.addf %add3A_1228, %add3A_1231 : vector<16xf32>
          %add3A_1233 = arith.constant 0 : i32
          %add3A_1234 = arith.addi %add3A_1225, %add3A_1233 : i32
          %swap3A_1235 = arith.index_cast %add3A_1234 : i32 to index
          %swap3A_1236 = tpu.vector_load %arg17[%swap3A_1235] {strides = array<i32>} : memref<36864xf32, #tpu.memory_space<vmem>>, vector<16xf32>,
          tpu.vector_store %arg17[%swap3A_1235], %add3A_1232 {strides = array<i32>} : memref<36864xf32, #tpu.memory_space<vmem>>, vector<16xf32>,
          %mul3A_1237 = arith.mulf %mul3A_1219, %get3A_1013 : vector<16xf32>
          %mul3A_1238 = arith.mulf %mul3A_1220, %get3A_1043 : vector<16xf32>
          %add3A_1239 = arith.addf %mul3A_1237, %mul3A_1238 : vector<16xf32>
          %mul3A_1240 = arith.mulf %mul3A_1221, %get3A_1158 : vector<16xf32>
          %mul3A_1241 = arith.mulf %mul3A_1222, %get3A_1188 : vector<16xf32>
          %add3A_1242 = arith.addf %mul3A_1240, %mul3A_1241 : vector<16xf32>
          %add3A_1243 = arith.addf %add3A_1239, %add3A_1242 : vector<16xf32>
          %add3A_1244 = arith.constant 16 : i32
          %add3A_1245 = arith.addi %add3A_1225, %add3A_1244 : i32
          %swap3A_1246 = arith.index_cast %add3A_1245 : i32 to index
          %swap3A_1247 = tpu.vector_load %arg17[%swap3A_1246] {strides = array<i32>} : memref<36864xf32, #tpu.memory_space<vmem>>, vector<16xf32>,
          tpu.vector_store %arg17[%swap3A_1246], %add3A_1243 {strides = array<i32>} : memref<36864xf32, #tpu.memory_space<vmem>>, vector<16xf32>,
          %mul3A_1248 = arith.mulf %mul3A_1219, %get3A_1018 : vector<16xf32>
          %mul3A_1249 = arith.mulf %mul3A_1220, %get3A_1048 : vector<16xf32>
          %add3A_1250 = arith.addf %mul3A_1248, %mul3A_1249 : vector<16xf32>
          %mul3A_1251 = arith.mulf %mul3A_1221, %get3A_1163 : vector<16xf32>
          %mul3A_1252 = arith.mulf %mul3A_1222, %get3A_1193 : vector<16xf32>
          %add3A_1253 = arith.addf %mul3A_1251, %mul3A_1252 : vector<16xf32>
          %add3A_1254 = arith.addf %add3A_1250, %add3A_1253 : vector<16xf32>
          %add3A_1255 = arith.constant 32 : i32
          %add3A_1256 = arith.addi %add3A_1225, %add3A_1255 : i32
          %swap3A_1257 = arith.index_cast %add3A_1256 : i32 to index
          %swap3A_1258 = tpu.vector_load %arg17[%swap3A_1257] {strides = array<i32>} : memref<36864xf32, #tpu.memory_space<vmem>>, vector<16xf32>,
          tpu.vector_store %arg17[%swap3A_1257], %add3A_1254 {strides = array<i32>} : memref<36864xf32, #tpu.memory_space<vmem>>, vector<16xf32>,
          %mul3A_1259 = arith.mulf %mul3A_1219, %get3A_1023 : vector<16xf32>
          %mul3A_1260 = arith.mulf %mul3A_1220, %get3A_1053 : vector<16xf32>
          %add3A_1261 = arith.addf %mul3A_1259, %mul3A_1260 : vector<16xf32>
          %mul3A_1262 = arith.mulf %mul3A_1221, %get3A_1168 : vector<16xf32>
          %mul3A_1263 = arith.mulf %mul3A_1222, %get3A_1198 : vector<16xf32>
          %add3A_1264 = arith.addf %mul3A_1262, %mul3A_1263 : vector<16xf32>
          %add3A_1265 = arith.addf %add3A_1261, %add3A_1264 : vector<16xf32>
          %add3A_1266 = arith.constant 48 : i32
          %add3A_1267 = arith.addi %add3A_1225, %add3A_1266 : i32
          %swap3A_1268 = arith.index_cast %add3A_1267 : i32 to index
          %swap3A_1269 = tpu.vector_load %arg17[%swap3A_1268] {strides = array<i32>} : memref<36864xf32, #tpu.memory_space<vmem>>, vector<16xf32>,
          tpu.vector_store %arg17[%swap3A_1268], %add3A_1265 {strides = array<i32>} : memref<36864xf32, #tpu.memory_space<vmem>>, vector<16xf32>,
          %mul3A_1270 = arith.mulf %mul3A_1219, %get3A_1028 : vector<16xf32>
          %mul3A_1271 = arith.mulf %mul3A_1220, %get3A_1058 : vector<16xf32>
          %add3A_1272 = arith.addf %mul3A_1270, %mul3A_1271 : vector<16xf32>
          %mul3A_1273 = arith.mulf %mul3A_1221, %get3A_1173 : vector<16xf32>
          %mul3A_1274 = arith.mulf %mul3A_1222, %get3A_1203 : vector<16xf32>
          %add3A_1275 = arith.addf %mul3A_1273, %mul3A_1274 : vector<16xf32>
          %add3A_1276 = arith.addf %add3A_1272, %add3A_1275 : vector<16xf32>
          %add3A_1277 = arith.constant 64 : i32
          %add3A_1278 = arith.addi %add3A_1225, %add3A_1277 : i32
          %swap3A_1279 = arith.index_cast %add3A_1278 : i32 to index
          %swap3A_1280 = tpu.vector_load %arg17[%swap3A_1279] {strides = array<i32>} : memref<36864xf32, #tpu.memory_space<vmem>>, vector<16xf32>,
          tpu.vector_store %arg17[%swap3A_1279], %add3A_1276 {strides = array<i32>} : memref<36864xf32, #tpu.memory_space<vmem>>, vector<16xf32>,
          %mul3A_1281 = arith.mulf %mul3A_1219, %get3A_1033 : vector<16xf32>
          %mul3A_1282 = arith.mulf %mul3A_1220, %get3A_1063 : vector<16xf32>
          %add3A_1283 = arith.addf %mul3A_1281, %mul3A_1282 : vector<16xf32>
          %mul3A_1284 = arith.mulf %mul3A_1221, %get3A_1178 : vector<16xf32>
          %mul3A_1285 = arith.mulf %mul3A_1222, %get3A_1208 : vector<16xf32>
          %add3A_1286 = arith.addf %mul3A_1284, %mul3A_1285 : vector<16xf32>
          %add3A_1287 = arith.addf %add3A_1283, %add3A_1286 : vector<16xf32>
          %add3A_1288 = arith.constant 80 : i32
          %add3A_1289 = arith.addi %add3A_1225, %add3A_1288 : i32
          %swap3A_1290 = arith.index_cast %add3A_1289 : i32 to index
          %swap3A_1291 = tpu.vector_load %arg17[%swap3A_1290] {strides = array<i32>} : memref<36864xf32, #tpu.memory_space<vmem>>, vector<16xf32>,
          tpu.vector_store %arg17[%swap3A_1290], %add3A_1287 {strides = array<i32>} : memref<36864xf32, #tpu.memory_space<vmem>>, vector<16xf32>,
          %add3A_1292 = arith.constant 768 : i32
          %add3A_1293 = arith.addi %mul3A_217, %add3A_1292 : i32
          %add3A_1294 = arith.addi %mul3A_114, %add3A_1293 : i32
          %add3A_1295 = arith.constant 0 : i32
          %add3A_1296 = arith.addi %add3A_1294, %add3A_1295 : i32
          %get3A_1297 = arith.index_cast %add3A_1296 : i32 to index
          %get3A_1298 = tpu.vector_load %arg16[%get3A_1297] {strides = array<i32>} : memref<74496xf32, #tpu.memory_space<vmem>>, vector<16xf32>,
          %add3A_1299 = arith.addi %mul3A_114, %add3A_1293 : i32
          %add3A_1300 = arith.constant 16 : i32
          %add3A_1301 = arith.addi %add3A_1299, %add3A_1300 : i32
          %get3A_1302 = arith.index_cast %add3A_1301 : i32 to index
          %get3A_1303 = tpu.vector_load %arg16[%get3A_1302] {strides = array<i32>} : memref<74496xf32, #tpu.memory_space<vmem>>, vector<16xf32>,
          %add3A_1304 = arith.addi %mul3A_114, %add3A_1293 : i32
          %add3A_1305 = arith.constant 32 : i32
          %add3A_1306 = arith.addi %add3A_1304, %add3A_1305 : i32
          %get3A_1307 = arith.index_cast %add3A_1306 : i32 to index
          %get3A_1308 = tpu.vector_load %arg16[%get3A_1307] {strides = array<i32>} : memref<74496xf32, #tpu.memory_space<vmem>>, vector<16xf32>,
          %add3A_1309 = arith.addi %mul3A_114, %add3A_1293 : i32
          %add3A_1310 = arith.constant 48 : i32
          %add3A_1311 = arith.addi %add3A_1309, %add3A_1310 : i32
          %get3A_1312 = arith.index_cast %add3A_1311 : i32 to index
          %get3A_1313 = tpu.vector_load %arg16[%get3A_1312] {strides = array<i32>} : memref<74496xf32, #tpu.memory_space<vmem>>, vector<16xf32>,
          %add3A_1314 = arith.addi %mul3A_114, %add3A_1293 : i32
          %add3A_1315 = arith.constant 64 : i32
          %add3A_1316 = arith.addi %add3A_1314, %add3A_1315 : i32
          %get3A_1317 = arith.index_cast %add3A_1316 : i32 to index
          %get3A_1318 = tpu.vector_load %arg16[%get3A_1317] {strides = array<i32>} : memref<74496xf32, #tpu.memory_space<vmem>>, vector<16xf32>,
          %add3A_1319 = arith.addi %mul3A_114, %add3A_1293 : i32
          %add3A_1320 = arith.constant 80 : i32
          %add3A_1321 = arith.addi %add3A_1319, %add3A_1320 : i32
          %get3A_1322 = arith.index_cast %add3A_1321 : i32 to index
          %get3A_1323 = tpu.vector_load %arg16[%get3A_1322] {strides = array<i32>} : memref<74496xf32, #tpu.memory_space<vmem>>, vector<16xf32>,
          %add3A_1324 = arith.addi %mul3A_134, %add3A_1293 : i32
          %add3A_1325 = arith.constant 0 : i32
          %add3A_1326 = arith.addi %add3A_1324, %add3A_1325 : i32
          %get3A_1327 = arith.index_cast %add3A_1326 : i32 to index
          %get3A_1328 = tpu.vector_load %arg16[%get3A_1327] {strides = array<i32>} : memref<74496xf32, #tpu.memory_space<vmem>>, vector<16xf32>,
          %add3A_1329 = arith.addi %mul3A_134, %add3A_1293 : i32
          %add3A_1330 = arith.constant 16 : i32
          %add3A_1331 = arith.addi %add3A_1329, %add3A_1330 : i32
          %get3A_1332 = arith.index_cast %add3A_1331 : i32 to index
          %get3A_1333 = tpu.vector_load %arg16[%get3A_1332] {strides = array<i32>} : memref<74496xf32, #tpu.memory_space<vmem>>, vector<16xf32>,
          %add3A_1334 = arith.addi %mul3A_134, %add3A_1293 : i32
          %add3A_1335 = arith.constant 32 : i32
          %add3A_1336 = arith.addi %add3A_1334, %add3A_1335 : i32
          %get3A_1337 = arith.index_cast %add3A_1336 : i32 to index
          %get3A_1338 = tpu.vector_load %arg16[%get3A_1337] {strides = array<i32>} : memref<74496xf32, #tpu.memory_space<vmem>>, vector<16xf32>,
          %add3A_1339 = arith.addi %mul3A_134, %add3A_1293 : i32
          %add3A_1340 = arith.constant 48 : i32
          %add3A_1341 = arith.addi %add3A_1339, %add3A_1340 : i32
          %get3A_1342 = arith.index_cast %add3A_1341 : i32 to index
          %get3A_1343 = tpu.vector_load %arg16[%get3A_1342] {strides = array<i32>} : memref<74496xf32, #tpu.memory_space<vmem>>, vector<16xf32>,
          %add3A_1344 = arith.addi %mul3A_134, %add3A_1293 : i32
          %add3A_1345 = arith.constant 64 : i32
          %add3A_1346 = arith.addi %add3A_1344, %add3A_1345 : i32
          %get3A_1347 = arith.index_cast %add3A_1346 : i32 to index
          %get3A_1348 = tpu.vector_load %arg16[%get3A_1347] {strides = array<i32>} : memref<74496xf32, #tpu.memory_space<vmem>>, vector<16xf32>,
          %add3A_1349 = arith.addi %mul3A_134, %add3A_1293 : i32
          %add3A_1350 = arith.constant 80 : i32
          %add3A_1351 = arith.addi %add3A_1349, %add3A_1350 : i32
          %get3A_1352 = arith.index_cast %add3A_1351 : i32 to index
          %get3A_1353 = tpu.vector_load %arg16[%get3A_1352] {strides = array<i32>} : memref<74496xf32, #tpu.memory_space<vmem>>, vector<16xf32>,
          %add3A_1354 = arith.constant 7 : i32
          %add3A_1355 = arith.addi %add3A_214, %add3A_1354 : i32
          %mul3A_1356 = arith.constant 16 : i32
          %mul3A_1357 = arith.muli %add3A_1355, %mul3A_1356 : i32
          %get3A_1358 = arith.index_cast %mul3A_1357 : i32 to index
          %get3A_1359 = tpu.vector_load %arg11[%get3A_1358] {strides = array<i32>} : memref<3072xf32, #tpu.memory_space<vmem>>, vector<16xf32>,
          %mul3A_1360 = arith.constant 16 : i32
          %mul3A_1361 = arith.muli %add3A_1355, %mul3A_1360 : i32
          %get3A_1362 = arith.index_cast %mul3A_1361 : i32 to index
          %get3A_1363 = tpu.vector_load %arg12[%get3A_1362] {strides = array<i32>} : memref<3072xf32, #tpu.memory_space<vmem>>, vector<16xf32>,
          %mul3A_1364 = arith.mulf %broadcast_in_dim3A, %get3A_1359 : vector<16xf32>
          %mul3A_1365 = arith.mulf %broadcast_in_dim3A_143, %get3A_1359 : vector<16xf32>
          %mul3A_1366 = arith.mulf %broadcast_in_dim3A, %get3A_1363 : vector<16xf32>
          %mul3A_1367 = arith.mulf %broadcast_in_dim3A_143, %get3A_1363 : vector<16xf32>
          %mul3A_1368 = arith.constant 96 : i32
          %mul3A_1369 = arith.muli %add3A_1355, %mul3A_1368 : i32
          %add3A_1370 = arith.addi %mul3A_166, %mul3A_1369 : i32
          %mul3A_1371 = arith.mulf %mul3A_1364, %get3A_1153 : vector<16xf32>
          %mul3A_1372 = arith.mulf %mul3A_1365, %get3A_1183 : vector<16xf32>
          %add3A_1373 = arith.addf %mul3A_1371, %mul3A_1372 : vector<16xf32>
          %mul3A_1374 = arith.mulf %mul3A_1366, %get3A_1298 : vector<16xf32>
          %mul3A_1375 = arith.mulf %mul3A_1367, %get3A_1328 : vector<16xf32>
          %add3A_1376 = arith.addf %mul3A_1374, %mul3A_1375 : vector<16xf32>
          %add3A_1377 = arith.addf %add3A_1373, %add3A_1376 : vector<16xf32>
          %add3A_1378 = arith.constant 0 : i32
          %add3A_1379 = arith.addi %add3A_1370, %add3A_1378 : i32
          %swap3A_1380 = arith.index_cast %add3A_1379 : i32 to index
          %swap3A_1381 = tpu.vector_load %arg17[%swap3A_1380] {strides = array<i32>} : memref<36864xf32, #tpu.memory_space<vmem>>, vector<16xf32>,
          tpu.vector_store %arg17[%swap3A_1380], %add3A_1377 {strides = array<i32>} : memref<36864xf32, #tpu.memory_space<vmem>>, vector<16xf32>,
          %mul3A_1382 = arith.mulf %mul3A_1364, %get3A_1158 : vector<16xf32>
          %mul3A_1383 = arith.mulf %mul3A_1365, %get3A_1188 : vector<16xf32>
          %add3A_1384 = arith.addf %mul3A_1382, %mul3A_1383 : vector<16xf32>
          %mul3A_1385 = arith.mulf %mul3A_1366, %get3A_1303 : vector<16xf32>
          %mul3A_1386 = arith.mulf %mul3A_1367, %get3A_1333 : vector<16xf32>
          %add3A_1387 = arith.addf %mul3A_1385, %mul3A_1386 : vector<16xf32>
          %add3A_1388 = arith.addf %add3A_1384, %add3A_1387 : vector<16xf32>
          %add3A_1389 = arith.constant 16 : i32
          %add3A_1390 = arith.addi %add3A_1370, %add3A_1389 : i32
          %swap3A_1391 = arith.index_cast %add3A_1390 : i32 to index
          %swap3A_1392 = tpu.vector_load %arg17[%swap3A_1391] {strides = array<i32>} : memref<36864xf32, #tpu.memory_space<vmem>>, vector<16xf32>,
          tpu.vector_store %arg17[%swap3A_1391], %add3A_1388 {strides = array<i32>} : memref<36864xf32, #tpu.memory_space<vmem>>, vector<16xf32>,
          %mul3A_1393 = arith.mulf %mul3A_1364, %get3A_1163 : vector<16xf32>
          %mul3A_1394 = arith.mulf %mul3A_1365, %get3A_1193 : vector<16xf32>
          %add3A_1395 = arith.addf %mul3A_1393, %mul3A_1394 : vector<16xf32>
          %mul3A_1396 = arith.mulf %mul3A_1366, %get3A_1308 : vector<16xf32>
          %mul3A_1397 = arith.mulf %mul3A_1367, %get3A_1338 : vector<16xf32>
          %add3A_1398 = arith.addf %mul3A_1396, %mul3A_1397 : vector<16xf32>
          %add3A_1399 = arith.addf %add3A_1395, %add3A_1398 : vector<16xf32>
          %add3A_1400 = arith.constant 32 : i32
          %add3A_1401 = arith.addi %add3A_1370, %add3A_1400 : i32
          %swap3A_1402 = arith.index_cast %add3A_1401 : i32 to index
          %swap3A_1403 = tpu.vector_load %arg17[%swap3A_1402] {strides = array<i32>} : memref<36864xf32, #tpu.memory_space<vmem>>, vector<16xf32>,
          tpu.vector_store %arg17[%swap3A_1402], %add3A_1399 {strides = array<i32>} : memref<36864xf32, #tpu.memory_space<vmem>>, vector<16xf32>,
          %mul3A_1404 = arith.mulf %mul3A_1364, %get3A_1168 : vector<16xf32>
          %mul3A_1405 = arith.mulf %mul3A_1365, %get3A_1198 : vector<16xf32>
          %add3A_1406 = arith.addf %mul3A_1404, %mul3A_1405 : vector<16xf32>
          %mul3A_1407 = arith.mulf %mul3A_1366, %get3A_1313 : vector<16xf32>
          %mul3A_1408 = arith.mulf %mul3A_1367, %get3A_1343 : vector<16xf32>
          %add3A_1409 = arith.addf %mul3A_1407, %mul3A_1408 : vector<16xf32>
          %add3A_1410 = arith.addf %add3A_1406, %add3A_1409 : vector<16xf32>
          %add3A_1411 = arith.constant 48 : i32
          %add3A_1412 = arith.addi %add3A_1370, %add3A_1411 : i32
          %swap3A_1413 = arith.index_cast %add3A_1412 : i32 to index
          %swap3A_1414 = tpu.vector_load %arg17[%swap3A_1413] {strides = array<i32>} : memref<36864xf32, #tpu.memory_space<vmem>>, vector<16xf32>,
          tpu.vector_store %arg17[%swap3A_1413], %add3A_1410 {strides = array<i32>} : memref<36864xf32, #tpu.memory_space<vmem>>, vector<16xf32>,
          %mul3A_1415 = arith.mulf %mul3A_1364, %get3A_1173 : vector<16xf32>
          %mul3A_1416 = arith.mulf %mul3A_1365, %get3A_1203 : vector<16xf32>
          %add3A_1417 = arith.addf %mul3A_1415, %mul3A_1416 : vector<16xf32>
          %mul3A_1418 = arith.mulf %mul3A_1366, %get3A_1318 : vector<16xf32>
          %mul3A_1419 = arith.mulf %mul3A_1367, %get3A_1348 : vector<16xf32>
          %add3A_1420 = arith.addf %mul3A_1418, %mul3A_1419 : vector<16xf32>
          %add3A_1421 = arith.addf %add3A_1417, %add3A_1420 : vector<16xf32>
          %add3A_1422 = arith.constant 64 : i32
          %add3A_1423 = arith.addi %add3A_1370, %add3A_1422 : i32
          %swap3A_1424 = arith.index_cast %add3A_1423 : i32 to index
          %swap3A_1425 = tpu.vector_load %arg17[%swap3A_1424] {strides = array<i32>} : memref<36864xf32, #tpu.memory_space<vmem>>, vector<16xf32>,
          tpu.vector_store %arg17[%swap3A_1424], %add3A_1421 {strides = array<i32>} : memref<36864xf32, #tpu.memory_space<vmem>>, vector<16xf32>,
          %mul3A_1426 = arith.mulf %mul3A_1364, %get3A_1178 : vector<16xf32>
          %mul3A_1427 = arith.mulf %mul3A_1365, %get3A_1208 : vector<16xf32>
          %add3A_1428 = arith.addf %mul3A_1426, %mul3A_1427 : vector<16xf32>
          %mul3A_1429 = arith.mulf %mul3A_1366, %get3A_1323 : vector<16xf32>
          %mul3A_1430 = arith.mulf %mul3A_1367, %get3A_1353 : vector<16xf32>
          %add3A_1431 = arith.addf %mul3A_1429, %mul3A_1430 : vector<16xf32>
          %add3A_1432 = arith.addf %add3A_1428, %add3A_1431 : vector<16xf32>
          %add3A_1433 = arith.constant 80 : i32
          %add3A_1434 = arith.addi %add3A_1370, %add3A_1433 : i32
          %swap3A_1435 = arith.index_cast %add3A_1434 : i32 to index
          %swap3A_1436 = tpu.vector_load %arg17[%swap3A_1435] {strides = array<i32>} : memref<36864xf32, #tpu.memory_space<vmem>>, vector<16xf32>,
          tpu.vector_store %arg17[%swap3A_1435], %add3A_1432 {strides = array<i32>} : memref<36864xf32, #tpu.memory_space<vmem>>, vector<16xf32>,
        }
        %while3A_186 = arith.constant 1 : i32
        scf.for %while3A_211 = %while3A_184 to %while3A_180 step %while3A_186  : i32 {
          %mul3A_212 = arith.constant 8 : i32
          %mul3A_213 = arith.muli %while3A_211, %mul3A_212 : i32
          %add3A_214 = arith.addi %squeeze3A_66, %mul3A_213 : i32
          %add3A_215 = arith.addi %add3A_214, %squeeze3A_60 : i32
          %mul3A_216 = arith.constant 96 : i32
          %mul3A_217 = arith.muli %add3A_215, %mul3A_216 : i32
          %add3A_218 = arith.addi %mul3A_114, %mul3A_217 : i32
          %add3A_219 = arith.constant 0 : i32
          %add3A_220 = arith.addi %add3A_218, %add3A_219 : i32
          %get3A_221 = arith.index_cast %add3A_220 : i32 to index
          %get3A_222 = tpu.vector_load %arg16[%get3A_221] {strides = array<i32>} : memref<74496xf32, #tpu.memory_space<vmem>>, vector<16xf32>,
          %add3A_223 = arith.addi %mul3A_114, %mul3A_217 : i32
          %add3A_224 = arith.constant 16 : i32
          %add3A_225 = arith.addi %add3A_223, %add3A_224 : i32
          %get3A_226 = arith.index_cast %add3A_225 : i32 to index
          %get3A_227 = tpu.vector_load %arg16[%get3A_226] {strides = array<i32>} : memref<74496xf32, #tpu.memory_space<vmem>>, vector<16xf32>,
          %add3A_228 = arith.addi %mul3A_114, %mul3A_217 : i32
          %add3A_229 = arith.constant 32 : i32
          %add3A_230 = arith.addi %add3A_228, %add3A_229 : i32
          %get3A_231 = arith.index_cast %add3A_230 : i32 to index
          %get3A_232 = tpu.vector_load %arg16[%get3A_231] {strides = array<i32>} : memref<74496xf32, #tpu.memory_space<vmem>>, vector<16xf32>,
          %add3A_233 = arith.addi %mul3A_114, %mul3A_217 : i32
          %add3A_234 = arith.constant 48 : i32
          %add3A_235 = arith.addi %add3A_233, %add3A_234 : i32
          %get3A_236 = arith.index_cast %add3A_235 : i32 to index
          %get3A_237 = tpu.vector_load %arg16[%get3A_236] {strides = array<i32>} : memref<74496xf32, #tpu.memory_space<vmem>>, vector<16xf32>,
          %add3A_238 = arith.addi %mul3A_114, %mul3A_217 : i32
          %add3A_239 = arith.constant 64 : i32
          %add3A_240 = arith.addi %add3A_238, %add3A_239 : i32
          %get3A_241 = arith.index_cast %add3A_240 : i32 to index
          %get3A_242 = tpu.vector_load %arg16[%get3A_241] {strides = array<i32>} : memref<74496xf32, #tpu.memory_space<vmem>>, vector<16xf32>,
          %add3A_243 = arith.addi %mul3A_114, %mul3A_217 : i32
          %add3A_244 = arith.constant 80 : i32
          %add3A_245 = arith.addi %add3A_243, %add3A_244 : i32
          %get3A_246 = arith.index_cast %add3A_245 : i32 to index
          %get3A_247 = tpu.vector_load %arg16[%get3A_246] {strides = array<i32>} : memref<74496xf32, #tpu.memory_space<vmem>>, vector<16xf32>,
          %add3A_248 = arith.addi %mul3A_134, %mul3A_217 : i32
          %add3A_249 = arith.constant 0 : i32
          %add3A_250 = arith.addi %add3A_248, %add3A_249 : i32
          %get3A_251 = arith.index_cast %add3A_250 : i32 to index
          %get3A_252 = tpu.vector_load %arg16[%get3A_251] {strides = array<i32>} : memref<74496xf32, #tpu.memory_space<vmem>>, vector<16xf32>,
          %add3A_253 = arith.addi %mul3A_134, %mul3A_217 : i32
          %add3A_254 = arith.constant 16 : i32
          %add3A_255 = arith.addi %add3A_253, %add3A_254 : i32
          %get3A_256 = arith.index_cast %add3A_255 : i32 to index
          %get3A_257 = tpu.vector_load %arg16[%get3A_256] {strides = array<i32>} : memref<74496xf32, #tpu.memory_space<vmem>>, vector<16xf32>,
          %add3A_258 = arith.addi %mul3A_134, %mul3A_217 : i32
          %add3A_259 = arith.constant 32 : i32
          %add3A_260 = arith.addi %add3A_258, %add3A_259 : i32
          %get3A_261 = arith.index_cast %add3A_260 : i32 to index
          %get3A_262 = tpu.vector_load %arg16[%get3A_261] {strides = array<i32>} : memref<74496xf32, #tpu.memory_space<vmem>>, vector<16xf32>,
          %add3A_263 = arith.addi %mul3A_134, %mul3A_217 : i32
          %add3A_264 = arith.constant 48 : i32
          %add3A_265 = arith.addi %add3A_263, %add3A_264 : i32
          %get3A_266 = arith.index_cast %add3A_265 : i32 to index
          %get3A_267 = tpu.vector_load %arg16[%get3A_266] {strides = array<i32>} : memref<74496xf32, #tpu.memory_space<vmem>>, vector<16xf32>,
          %add3A_268 = arith.addi %mul3A_134, %mul3A_217 : i32
          %add3A_269 = arith.constant 64 : i32
          %add3A_270 = arith.addi %add3A_268, %add3A_269 : i32
          %get3A_271 = arith.index_cast %add3A_270 : i32 to index
          %get3A_272 = tpu.vector_load %arg16[%get3A_271] {strides = array<i32>} : memref<74496xf32, #tpu.memory_space<vmem>>, vector<16xf32>,
          %add3A_273 = arith.addi %mul3A_134, %mul3A_217 : i32
          %add3A_274 = arith.constant 80 : i32
          %add3A_275 = arith.addi %add3A_273, %add3A_274 : i32
          %get3A_276 = arith.index_cast %add3A_275 : i32 to index
          %get3A_277 = tpu.vector_load %arg16[%get3A_276] {strides = array<i32>} : memref<74496xf32, #tpu.memory_space<vmem>>, vector<16xf32>,
          %add3A_278 = arith.constant 96 : i32
          %add3A_279 = arith.addi %mul3A_217, %add3A_278 : i32
          %add3A_280 = arith.addi %mul3A_114, %add3A_279 : i32
          %add3A_281 = arith.constant 0 : i32
          %add3A_282 = arith.addi %add3A_280, %add3A_281 : i32
          %get3A_283 = arith.index_cast %add3A_282 : i32 to index
          %get3A_284 = tpu.vector_load %arg16[%get3A_283] {strides = array<i32>} : memref<74496xf32, #tpu.memory_space<vmem>>, vector<16xf32>,
          %add3A_285 = arith.addi %mul3A_114, %add3A_279 : i32
          %add3A_286 = arith.constant 16 : i32
          %add3A_287 = arith.addi %add3A_285, %add3A_286 : i32
          %get3A_288 = arith.index_cast %add3A_287 : i32 to index
          %get3A_289 = tpu.vector_load %arg16[%get3A_288] {strides = array<i32>} : memref<74496xf32, #tpu.memory_space<vmem>>, vector<16xf32>,
          %add3A_290 = arith.addi %mul3A_114, %add3A_279 : i32
          %add3A_291 = arith.constant 32 : i32
          %add3A_292 = arith.addi %add3A_290, %add3A_291 : i32
          %get3A_293 = arith.index_cast %add3A_292 : i32 to index
          %get3A_294 = tpu.vector_load %arg16[%get3A_293] {strides = array<i32>} : memref<74496xf32, #tpu.memory_space<vmem>>, vector<16xf32>,
          %add3A_295 = arith.addi %mul3A_114, %add3A_279 : i32
          %add3A_296 = arith.constant 48 : i32
          %add3A_297 = arith.addi %add3A_295, %add3A_296 : i32
          %get3A_298 = arith.index_cast %add3A_297 : i32 to index
          %get3A_299 = tpu.vector_load %arg16[%get3A_298] {strides = array<i32>} : memref<74496xf32, #tpu.memory_space<vmem>>, vector<16xf32>,
          %add3A_300 = arith.addi %mul3A_114, %add3A_279 : i32
          %add3A_301 = arith.constant 64 : i32
          %add3A_302 = arith.addi %add3A_300, %add3A_301 : i32
          %get3A_303 = arith.index_cast %add3A_302 : i32 to index
          %get3A_304 = tpu.vector_load %arg16[%get3A_303] {strides = array<i32>} : memref<74496xf32, #tpu.memory_space<vmem>>, vector<16xf32>,
          %add3A_305 = arith.addi %mul3A_114, %add3A_279 : i32
          %add3A_306 = arith.constant 80 : i32
          %add3A_307 = arith.addi %add3A_305, %add3A_306 : i32
          %get3A_308 = arith.index_cast %add3A_307 : i32 to index
          %get3A_309 = tpu.vector_load %arg16[%get3A_308] {strides = array<i32>} : memref<74496xf32, #tpu.memory_space<vmem>>, vector<16xf32>,
          %add3A_310 = arith.addi %mul3A_134, %add3A_279 : i32
          %add3A_311 = arith.constant 0 : i32
          %add3A_312 = arith.addi %add3A_310, %add3A_311 : i32
          %get3A_313 = arith.index_cast %add3A_312 : i32 to index
          %get3A_314 = tpu.vector_load %arg16[%get3A_313] {strides = array<i32>} : memref<74496xf32, #tpu.memory_space<vmem>>, vector<16xf32>,
          %add3A_315 = arith.addi %mul3A_134, %add3A_279 : i32
          %add3A_316 = arith.constant 16 : i32
          %add3A_317 = arith.addi %add3A_315, %add3A_316 : i32
          %get3A_318 = arith.index_cast %add3A_317 : i32 to index
          %get3A_319 = tpu.vector_load %arg16[%get3A_318] {strides = array<i32>} : memref<74496xf32, #tpu.memory_space<vmem>>, vector<16xf32>,
          %add3A_320 = arith.addi %mul3A_134, %add3A_279 : i32
          %add3A_321 = arith.constant 32 : i32
          %add3A_322 = arith.addi %add3A_320, %add3A_321 : i32
          %get3A_323 = arith.index_cast %add3A_322 : i32 to index
          %get3A_324 = tpu.vector_load %arg16[%get3A_323] {strides = array<i32>} : memref<74496xf32, #tpu.memory_space<vmem>>, vector<16xf32>,
          %add3A_325 = arith.addi %mul3A_134, %add3A_279 : i32
          %add3A_326 = arith.constant 48 : i32
          %add3A_327 = arith.addi %add3A_325, %add3A_326 : i32
          %get3A_328 = arith.index_cast %add3A_327 : i32 to index
          %get3A_329 = tpu.vector_load %arg16[%get3A_328] {strides = array<i32>} : memref<74496xf32, #tpu.memory_space<vmem>>, vector<16xf32>,
          %add3A_330 = arith.addi %mul3A_134, %add3A_279 : i32
          %add3A_331 = arith.constant 64 : i32
          %add3A_332 = arith.addi %add3A_330, %add3A_331 : i32
          %get3A_333 = arith.index_cast %add3A_332 : i32 to index
          %get3A_334 = tpu.vector_load %arg16[%get3A_333] {strides = array<i32>} : memref<74496xf32, #tpu.memory_space<vmem>>, vector<16xf32>,
          %add3A_335 = arith.addi %mul3A_134, %add3A_279 : i32
          %add3A_336 = arith.constant 80 : i32
          %add3A_337 = arith.addi %add3A_335, %add3A_336 : i32
          %get3A_338 = arith.index_cast %add3A_337 : i32 to index
          %get3A_339 = tpu.vector_load %arg16[%get3A_338] {strides = array<i32>} : memref<74496xf32, #tpu.memory_space<vmem>>, vector<16xf32>,
          %add3A_340 = arith.constant 0 : i32
          %add3A_341 = arith.addi %add3A_214, %add3A_340 : i32
          %mul3A_342 = arith.constant 16 : i32
          %mul3A_343 = arith.muli %add3A_341, %mul3A_342 : i32
          %get3A_344 = arith.index_cast %mul3A_343 : i32 to index
          %get3A_345 = tpu.vector_load %arg11[%get3A_344] {strides = array<i32>} : memref<3072xf32, #tpu.memory_space<vmem>>, vector<16xf32>,
          %mul3A_346 = arith.constant 16 : i32
          %mul3A_347 = arith.muli %add3A_341, %mul3A_346 : i32
          %get3A_348 = arith.index_cast %mul3A_347 : i32 to index
          %get3A_349 = tpu.vector_load %arg12[%get3A_348] {strides = array<i32>} : memref<3072xf32, #tpu.memory_space<vmem>>, vector<16xf32>,
          %mul3A_350 = arith.mulf %broadcast_in_dim3A, %get3A_345 : vector<16xf32>
          %mul3A_351 = arith.mulf %broadcast_in_dim3A_143, %get3A_345 : vector<16xf32>
          %mul3A_352 = arith.mulf %broadcast_in_dim3A, %get3A_349 : vector<16xf32>
          %mul3A_353 = arith.mulf %broadcast_in_dim3A_143, %get3A_349 : vector<16xf32>
          %mul3A_354 = arith.constant 96 : i32
          %mul3A_355 = arith.muli %add3A_341, %mul3A_354 : i32
          %add3A_356 = arith.addi %mul3A_166, %mul3A_355 : i32
          %mul3A_357 = arith.mulf %mul3A_350, %get3A_222 : vector<16xf32>
          %mul3A_358 = arith.mulf %mul3A_351, %get3A_252 : vector<16xf32>
          %add3A_359 = arith.addf %mul3A_357, %mul3A_358 : vector<16xf32>
          %mul3A_360 = arith.mulf %mul3A_352, %get3A_284 : vector<16xf32>
          %mul3A_361 = arith.mulf %mul3A_353, %get3A_314 : vector<16xf32>
          %add3A_362 = arith.addf %mul3A_360, %mul3A_361 : vector<16xf32>
          %add3A_363 = arith.addf %add3A_359, %add3A_362 : vector<16xf32>
          %add3A_364 = arith.constant 0 : i32
          %add3A_365 = arith.addi %add3A_356, %add3A_364 : i32
          %swap3A = arith.index_cast %add3A_365 : i32 to index
          %swap3A_366 = tpu.vector_load %arg17[%swap3A] {strides = array<i32>} : memref<36864xf32, #tpu.memory_space<vmem>>, vector<16xf32>,
          tpu.vector_store %arg17[%swap3A], %add3A_363 {strides = array<i32>} : memref<36864xf32, #tpu.memory_space<vmem>>, vector<16xf32>,
          %mul3A_367 = arith.mulf %mul3A_350, %get3A_227 : vector<16xf32>
          %mul3A_368 = arith.mulf %mul3A_351, %get3A_257 : vector<16xf32>
          %add3A_369 = arith.addf %mul3A_367, %mul3A_368 : vector<16xf32>
          %mul3A_370 = arith.mulf %mul3A_352, %get3A_289 : vector<16xf32>
          %mul3A_371 = arith.mulf %mul3A_353, %get3A_319 : vector<16xf32>
          %add3A_372 = arith.addf %mul3A_370, %mul3A_371 : vector<16xf32>
          %add3A_373 = arith.addf %add3A_369, %add3A_372 : vector<16xf32>
          %add3A_374 = arith.constant 16 : i32
          %add3A_375 = arith.addi %add3A_356, %add3A_374 : i32
          %swap3A_376 = arith.index_cast %add3A_375 : i32 to index
          %swap3A_377 = tpu.vector_load %arg17[%swap3A_376] {strides = array<i32>} : memref<36864xf32, #tpu.memory_space<vmem>>, vector<16xf32>,
          tpu.vector_store %arg17[%swap3A_376], %add3A_373 {strides = array<i32>} : memref<36864xf32, #tpu.memory_space<vmem>>, vector<16xf32>,
          %mul3A_378 = arith.mulf %mul3A_350, %get3A_232 : vector<16xf32>
          %mul3A_379 = arith.mulf %mul3A_351, %get3A_262 : vector<16xf32>
          %add3A_380 = arith.addf %mul3A_378, %mul3A_379 : vector<16xf32>
          %mul3A_381 = arith.mulf %mul3A_352, %get3A_294 : vector<16xf32>
          %mul3A_382 = arith.mulf %mul3A_353, %get3A_324 : vector<16xf32>
          %add3A_383 = arith.addf %mul3A_381, %mul3A_382 : vector<16xf32>
          %add3A_384 = arith.addf %add3A_380, %add3A_383 : vector<16xf32>
          %add3A_385 = arith.constant 32 : i32
          %add3A_386 = arith.addi %add3A_356, %add3A_385 : i32
          %swap3A_387 = arith.index_cast %add3A_386 : i32 to index
          %swap3A_388 = tpu.vector_load %arg17[%swap3A_387] {strides = array<i32>} : memref<36864xf32, #tpu.memory_space<vmem>>, vector<16xf32>,
          tpu.vector_store %arg17[%swap3A_387], %add3A_384 {strides = array<i32>} : memref<36864xf32, #tpu.memory_space<vmem>>, vector<16xf32>,
          %mul3A_389 = arith.mulf %mul3A_350, %get3A_237 : vector<16xf32>
          %mul3A_390 = arith.mulf %mul3A_351, %get3A_267 : vector<16xf32>
          %add3A_391 = arith.addf %mul3A_389, %mul3A_390 : vector<16xf32>
          %mul3A_392 = arith.mulf %mul3A_352, %get3A_299 : vector<16xf32>
          %mul3A_393 = arith.mulf %mul3A_353, %get3A_329 : vector<16xf32>
          %add3A_394 = arith.addf %mul3A_392, %mul3A_393 : vector<16xf32>
          %add3A_395 = arith.addf %add3A_391, %add3A_394 : vector<16xf32>
          %add3A_396 = arith.constant 48 : i32
          %add3A_397 = arith.addi %add3A_356, %add3A_396 : i32
          %swap3A_398 = arith.index_cast %add3A_397 : i32 to index
          %swap3A_399 = tpu.vector_load %arg17[%swap3A_398] {strides = array<i32>} : memref<36864xf32, #tpu.memory_space<vmem>>, vector<16xf32>,
          tpu.vector_store %arg17[%swap3A_398], %add3A_395 {strides = array<i32>} : memref<36864xf32, #tpu.memory_space<vmem>>, vector<16xf32>,
          %mul3A_400 = arith.mulf %mul3A_350, %get3A_242 : vector<16xf32>
          %mul3A_401 = arith.mulf %mul3A_351, %get3A_272 : vector<16xf32>
          %add3A_402 = arith.addf %mul3A_400, %mul3A_401 : vector<16xf32>
          %mul3A_403 = arith.mulf %mul3A_352, %get3A_304 : vector<16xf32>
          %mul3A_404 = arith.mulf %mul3A_353, %get3A_334 : vector<16xf32>
          %add3A_405 = arith.addf %mul3A_403, %mul3A_404 : vector<16xf32>
          %add3A_406 = arith.addf %add3A_402, %add3A_405 : vector<16xf32>
          %add3A_407 = arith.constant 64 : i32
          %add3A_408 = arith.addi %add3A_356, %add3A_407 : i32
          %swap3A_409 = arith.index_cast %add3A_408 : i32 to index
          %swap3A_410 = tpu.vector_load %arg17[%swap3A_409] {strides = array<i32>} : memref<36864xf32, #tpu.memory_space<vmem>>, vector<16xf32>,
          tpu.vector_store %arg17[%swap3A_409], %add3A_406 {strides = array<i32>} : memref<36864xf32, #tpu.memory_space<vmem>>, vector<16xf32>,
          %mul3A_411 = arith.mulf %mul3A_350, %get3A_247 : vector<16xf32>
          %mul3A_412 = arith.mulf %mul3A_351, %get3A_277 : vector<16xf32>
          %add3A_413 = arith.addf %mul3A_411, %mul3A_412 : vector<16xf32>
          %mul3A_414 = arith.mulf %mul3A_352, %get3A_309 : vector<16xf32>
          %mul3A_415 = arith.mulf %mul3A_353, %get3A_339 : vector<16xf32>
          %add3A_416 = arith.addf %mul3A_414, %mul3A_415 : vector<16xf32>
          %add3A_417 = arith.addf %add3A_413, %add3A_416 : vector<16xf32>
          %add3A_418 = arith.constant 80 : i32
          %add3A_419 = arith.addi %add3A_356, %add3A_418 : i32
          %swap3A_420 = arith.index_cast %add3A_419 : i32 to index
          %swap3A_421 = tpu.vector_load %arg17[%swap3A_420] {strides = array<i32>} : memref<36864xf32, #tpu.memory_space<vmem>>, vector<16xf32>,
          tpu.vector_store %arg17[%swap3A_420], %add3A_417 {strides = array<i32>} : memref<36864xf32, #tpu.memory_space<vmem>>, vector<16xf32>,
          %add3A_422 = arith.constant 192 : i32
          %add3A_423 = arith.addi %mul3A_217, %add3A_422 : i32
          %add3A_424 = arith.addi %mul3A_114, %add3A_423 : i32
          %add3A_425 = arith.constant 0 : i32
          %add3A_426 = arith.addi %add3A_424, %add3A_425 : i32
          %get3A_427 = arith.index_cast %add3A_426 : i32 to index
          %get3A_428 = tpu.vector_load %arg16[%get3A_427] {strides = array<i32>} : memref<74496xf32, #tpu.memory_space<vmem>>, vector<16xf32>,
          %add3A_429 = arith.addi %mul3A_114, %add3A_423 : i32
          %add3A_430 = arith.constant 16 : i32
          %add3A_431 = arith.addi %add3A_429, %add3A_430 : i32
          %get3A_432 = arith.index_cast %add3A_431 : i32 to index
          %get3A_433 = tpu.vector_load %arg16[%get3A_432] {strides = array<i32>} : memref<74496xf32, #tpu.memory_space<vmem>>, vector<16xf32>,
          %add3A_434 = arith.addi %mul3A_114, %add3A_423 : i32
          %add3A_435 = arith.constant 32 : i32
          %add3A_436 = arith.addi %add3A_434, %add3A_435 : i32
          %get3A_437 = arith.index_cast %add3A_436 : i32 to index
          %get3A_438 = tpu.vector_load %arg16[%get3A_437] {strides = array<i32>} : memref<74496xf32, #tpu.memory_space<vmem>>, vector<16xf32>,
          %add3A_439 = arith.addi %mul3A_114, %add3A_423 : i32
          %add3A_440 = arith.constant 48 : i32
          %add3A_441 = arith.addi %add3A_439, %add3A_440 : i32
          %get3A_442 = arith.index_cast %add3A_441 : i32 to index
          %get3A_443 = tpu.vector_load %arg16[%get3A_442] {strides = array<i32>} : memref<74496xf32, #tpu.memory_space<vmem>>, vector<16xf32>,
          %add3A_444 = arith.addi %mul3A_114, %add3A_423 : i32
          %add3A_445 = arith.constant 64 : i32
          %add3A_446 = arith.addi %add3A_444, %add3A_445 : i32
          %get3A_447 = arith.index_cast %add3A_446 : i32 to index
          %get3A_448 = tpu.vector_load %arg16[%get3A_447] {strides = array<i32>} : memref<74496xf32, #tpu.memory_space<vmem>>, vector<16xf32>,
          %add3A_449 = arith.addi %mul3A_114, %add3A_423 : i32
          %add3A_450 = arith.constant 80 : i32
          %add3A_451 = arith.addi %add3A_449, %add3A_450 : i32
          %get3A_452 = arith.index_cast %add3A_451 : i32 to index
          %get3A_453 = tpu.vector_load %arg16[%get3A_452] {strides = array<i32>} : memref<74496xf32, #tpu.memory_space<vmem>>, vector<16xf32>,
          %add3A_454 = arith.addi %mul3A_134, %add3A_423 : i32
          %add3A_455 = arith.constant 0 : i32
          %add3A_456 = arith.addi %add3A_454, %add3A_455 : i32
          %get3A_457 = arith.index_cast %add3A_456 : i32 to index
          %get3A_458 = tpu.vector_load %arg16[%get3A_457] {strides = array<i32>} : memref<74496xf32, #tpu.memory_space<vmem>>, vector<16xf32>,
          %add3A_459 = arith.addi %mul3A_134, %add3A_423 : i32
          %add3A_460 = arith.constant 16 : i32
          %add3A_461 = arith.addi %add3A_459, %add3A_460 : i32
          %get3A_462 = arith.index_cast %add3A_461 : i32 to index
          %get3A_463 = tpu.vector_load %arg16[%get3A_462] {strides = array<i32>} : memref<74496xf32, #tpu.memory_space<vmem>>, vector<16xf32>,
          %add3A_464 = arith.addi %mul3A_134, %add3A_423 : i32
          %add3A_465 = arith.constant 32 : i32
          %add3A_466 = arith.addi %add3A_464, %add3A_465 : i32
          %get3A_467 = arith.index_cast %add3A_466 : i32 to index
          %get3A_468 = tpu.vector_load %arg16[%get3A_467] {strides = array<i32>} : memref<74496xf32, #tpu.memory_space<vmem>>, vector<16xf32>,
          %add3A_469 = arith.addi %mul3A_134, %add3A_423 : i32
          %add3A_470 = arith.constant 48 : i32
          %add3A_471 = arith.addi %add3A_469, %add3A_470 : i32
          %get3A_472 = arith.index_cast %add3A_471 : i32 to index
          %get3A_473 = tpu.vector_load %arg16[%get3A_472] {strides = array<i32>} : memref<74496xf32, #tpu.memory_space<vmem>>, vector<16xf32>,
          %add3A_474 = arith.addi %mul3A_134, %add3A_423 : i32
          %add3A_475 = arith.constant 64 : i32
          %add3A_476 = arith.addi %add3A_474, %add3A_475 : i32
          %get3A_477 = arith.index_cast %add3A_476 : i32 to index
          %get3A_478 = tpu.vector_load %arg16[%get3A_477] {strides = array<i32>} : memref<74496xf32, #tpu.memory_space<vmem>>, vector<16xf32>,
          %add3A_479 = arith.addi %mul3A_134, %add3A_423 : i32
          %add3A_480 = arith.constant 80 : i32
          %add3A_481 = arith.addi %add3A_479, %add3A_480 : i32
          %get3A_482 = arith.index_cast %add3A_481 : i32 to index
          %get3A_483 = tpu.vector_load %arg16[%get3A_482] {strides = array<i32>} : memref<74496xf32, #tpu.memory_space<vmem>>, vector<16xf32>,
          %add3A_484 = arith.constant 1 : i32
          %add3A_485 = arith.addi %add3A_214, %add3A_484 : i32
          %mul3A_486 = arith.constant 16 : i32
          %mul3A_487 = arith.muli %add3A_485, %mul3A_486 : i32
          %get3A_488 = arith.index_cast %mul3A_487 : i32 to index
          %get3A_489 = tpu.vector_load %arg11[%get3A_488] {strides = array<i32>} : memref<3072xf32, #tpu.memory_space<vmem>>, vector<16xf32>,
          %mul3A_490 = arith.constant 16 : i32
          %mul3A_491 = arith.muli %add3A_485, %mul3A_490 : i32
          %get3A_492 = arith.index_cast %mul3A_491 : i32 to index
          %get3A_493 = tpu.vector_load %arg12[%get3A_492] {strides = array<i32>} : memref<3072xf32, #tpu.memory_space<vmem>>, vector<16xf32>,
          %mul3A_494 = arith.mulf %broadcast_in_dim3A, %get3A_489 : vector<16xf32>
          %mul3A_495 = arith.mulf %broadcast_in_dim3A_143, %get3A_489 : vector<16xf32>
          %mul3A_496 = arith.mulf %broadcast_in_dim3A, %get3A_493 : vector<16xf32>
          %mul3A_497 = arith.mulf %broadcast_in_dim3A_143, %get3A_493 : vector<16xf32>
          %mul3A_498 = arith.constant 96 : i32
          %mul3A_499 = arith.muli %add3A_485, %mul3A_498 : i32
          %add3A_500 = arith.addi %mul3A_166, %mul3A_499 : i32
          %mul3A_501 = arith.mulf %mul3A_494, %get3A_284 : vector<16xf32>
          %mul3A_502 = arith.mulf %mul3A_495, %get3A_314 : vector<16xf32>
          %add3A_503 = arith.addf %mul3A_501, %mul3A_502 : vector<16xf32>
          %mul3A_504 = arith.mulf %mul3A_496, %get3A_428 : vector<16xf32>
          %mul3A_505 = arith.mulf %mul3A_497, %get3A_458 : vector<16xf32>
          %add3A_506 = arith.addf %mul3A_504, %mul3A_505 : vector<16xf32>
          %add3A_507 = arith.addf %add3A_503, %add3A_506 : vector<16xf32>
          %add3A_508 = arith.constant 0 : i32
          %add3A_509 = arith.addi %add3A_500, %add3A_508 : i32
          %swap3A_510 = arith.index_cast %add3A_509 : i32 to index
          %swap3A_511 = tpu.vector_load %arg17[%swap3A_510] {strides = array<i32>} : memref<36864xf32, #tpu.memory_space<vmem>>, vector<16xf32>,
          tpu.vector_store %arg17[%swap3A_510], %add3A_507 {strides = array<i32>} : memref<36864xf32, #tpu.memory_space<vmem>>, vector<16xf32>,
          %mul3A_512 = arith.mulf %mul3A_494, %get3A_289 : vector<16xf32>
          %mul3A_513 = arith.mulf %mul3A_495, %get3A_319 : vector<16xf32>
          %add3A_514 = arith.addf %mul3A_512, %mul3A_513 : vector<16xf32>
          %mul3A_515 = arith.mulf %mul3A_496, %get3A_433 : vector<16xf32>
          %mul3A_516 = arith.mulf %mul3A_497, %get3A_463 : vector<16xf32>
          %add3A_517 = arith.addf %mul3A_515, %mul3A_516 : vector<16xf32>
          %add3A_518 = arith.addf %add3A_514, %add3A_517 : vector<16xf32>
          %add3A_519 = arith.constant 16 : i32
          %add3A_520 = arith.addi %add3A_500, %add3A_519 : i32
          %swap3A_521 = arith.index_cast %add3A_520 : i32 to index
          %swap3A_522 = tpu.vector_load %arg17[%swap3A_521] {strides = array<i32>} : memref<36864xf32, #tpu.memory_space<vmem>>, vector<16xf32>,
          tpu.vector_store %arg17[%swap3A_521], %add3A_518 {strides = array<i32>} : memref<36864xf32, #tpu.memory_space<vmem>>, vector<16xf32>,
          %mul3A_523 = arith.mulf %mul3A_494, %get3A_294 : vector<16xf32>
          %mul3A_524 = arith.mulf %mul3A_495, %get3A_324 : vector<16xf32>
          %add3A_525 = arith.addf %mul3A_523, %mul3A_524 : vector<16xf32>
          %mul3A_526 = arith.mulf %mul3A_496, %get3A_438 : vector<16xf32>
          %mul3A_527 = arith.mulf %mul3A_497, %get3A_468 : vector<16xf32>
          %add3A_528 = arith.addf %mul3A_526, %mul3A_527 : vector<16xf32>
          %add3A_529 = arith.addf %add3A_525, %add3A_528 : vector<16xf32>
          %add3A_530 = arith.constant 32 : i32
          %add3A_531 = arith.addi %add3A_500, %add3A_530 : i32
          %swap3A_532 = arith.index_cast %add3A_531 : i32 to index
          %swap3A_533 = tpu.vector_load %arg17[%swap3A_532] {strides = array<i32>} : memref<36864xf32, #tpu.memory_space<vmem>>, vector<16xf32>,
          tpu.vector_store %arg17[%swap3A_532], %add3A_529 {strides = array<i32>} : memref<36864xf32, #tpu.memory_space<vmem>>, vector<16xf32>,
          %mul3A_534 = arith.mulf %mul3A_494, %get3A_299 : vector<16xf32>
          %mul3A_535 = arith.mulf %mul3A_495, %get3A_329 : vector<16xf32>
          %add3A_536 = arith.addf %mul3A_534, %mul3A_535 : vector<16xf32>
          %mul3A_537 = arith.mulf %mul3A_496, %get3A_443 : vector<16xf32>
          %mul3A_538 = arith.mulf %mul3A_497, %get3A_473 : vector<16xf32>
          %add3A_539 = arith.addf %mul3A_537, %mul3A_538 : vector<16xf32>
          %add3A_540 = arith.addf %add3A_536, %add3A_539 : vector<16xf32>
          %add3A_541 = arith.constant 48 : i32
          %add3A_542 = arith.addi %add3A_500, %add3A_541 : i32
          %swap3A_543 = arith.index_cast %add3A_542 : i32 to index
          %swap3A_544 = tpu.vector_load %arg17[%swap3A_543] {strides = array<i32>} : memref<36864xf32, #tpu.memory_space<vmem>>, vector<16xf32>,
          tpu.vector_store %arg17[%swap3A_543], %add3A_540 {strides = array<i32>} : memref<36864xf32, #tpu.memory_space<vmem>>, vector<16xf32>,
          %mul3A_545 = arith.mulf %mul3A_494, %get3A_304 : vector<16xf32>
          %mul3A_546 = arith.mulf %mul3A_495, %get3A_334 : vector<16xf32>
          %add3A_547 = arith.addf %mul3A_545, %mul3A_546 : vector<16xf32>
          %mul3A_548 = arith.mulf %mul3A_496, %get3A_448 : vector<16xf32>
          %mul3A_549 = arith.mulf %mul3A_497, %get3A_478 : vector<16xf32>
          %add3A_550 = arith.addf %mul3A_548, %mul3A_549 : vector<16xf32>
          %add3A_551 = arith.addf %add3A_547, %add3A_550 : vector<16xf32>
          %add3A_552 = arith.constant 64 : i32
          %add3A_553 = arith.addi %add3A_500, %add3A_552 : i32
          %swap3A_554 = arith.index_cast %add3A_553 : i32 to index
          %swap3A_555 = tpu.vector_load %arg17[%swap3A_554] {strides = array<i32>} : memref<36864xf32, #tpu.memory_space<vmem>>, vector<16xf32>,
          tpu.vector_store %arg17[%swap3A_554], %add3A_551 {strides = array<i32>} : memref<36864xf32, #tpu.memory_space<vmem>>, vector<16xf32>,
          %mul3A_556 = arith.mulf %mul3A_494, %get3A_309 : vector<16xf32>
          %mul3A_557 = arith.mulf %mul3A_495, %get3A_339 : vector<16xf32>
          %add3A_558 = arith.addf %mul3A_556, %mul3A_557 : vector<16xf32>
          %mul3A_559 = arith.mulf %mul3A_496, %get3A_453 : vector<16xf32>
          %mul3A_560 = arith.mulf %mul3A_497, %get3A_483 : vector<16xf32>
          %add3A_561 = arith.addf %mul3A_559, %mul3A_560 : vector<16xf32>
          %add3A_562 = arith.addf %add3A_558, %add3A_561 : vector<16xf32>
          %add3A_563 = arith.constant 80 : i32
          %add3A_564 = arith.addi %add3A_500, %add3A_563 : i32
          %swap3A_565 = arith.index_cast %add3A_564 : i32 to index
          %swap3A_566 = tpu.vector_load %arg17[%swap3A_565] {strides = array<i32>} : memref<36864xf32, #tpu.memory_space<vmem>>, vector<16xf32>,
          tpu.vector_store %arg17[%swap3A_565], %add3A_562 {strides = array<i32>} : memref<36864xf32, #tpu.memory_space<vmem>>, vector<16xf32>,
          %add3A_567 = arith.constant 288 : i32
          %add3A_568 = arith.addi %mul3A_217, %add3A_567 : i32
          %add3A_569 = arith.addi %mul3A_114, %add3A_568 : i32
          %add3A_570 = arith.constant 0 : i32
          %add3A_571 = arith.addi %add3A_569, %add3A_570 : i32
          %get3A_572 = arith.index_cast %add3A_571 : i32 to index
          %get3A_573 = tpu.vector_load %arg16[%get3A_572] {strides = array<i32>} : memref<74496xf32, #tpu.memory_space<vmem>>, vector<16xf32>,
          %add3A_574 = arith.addi %mul3A_114, %add3A_568 : i32
          %add3A_575 = arith.constant 16 : i32
          %add3A_576 = arith.addi %add3A_574, %add3A_575 : i32
          %get3A_577 = arith.index_cast %add3A_576 : i32 to index
          %get3A_578 = tpu.vector_load %arg16[%get3A_577] {strides = array<i32>} : memref<74496xf32, #tpu.memory_space<vmem>>, vector<16xf32>,
          %add3A_579 = arith.addi %mul3A_114, %add3A_568 : i32
          %add3A_580 = arith.constant 32 : i32
          %add3A_581 = arith.addi %add3A_579, %add3A_580 : i32
          %get3A_582 = arith.index_cast %add3A_581 : i32 to index
          %get3A_583 = tpu.vector_load %arg16[%get3A_582] {strides = array<i32>} : memref<74496xf32, #tpu.memory_space<vmem>>, vector<16xf32>,
          %add3A_584 = arith.addi %mul3A_114, %add3A_568 : i32
          %add3A_585 = arith.constant 48 : i32
          %add3A_586 = arith.addi %add3A_584, %add3A_585 : i32
          %get3A_587 = arith.index_cast %add3A_586 : i32 to index
          %get3A_588 = tpu.vector_load %arg16[%get3A_587] {strides = array<i32>} : memref<74496xf32, #tpu.memory_space<vmem>>, vector<16xf32>,
          %add3A_589 = arith.addi %mul3A_114, %add3A_568 : i32
          %add3A_590 = arith.constant 64 : i32
          %add3A_591 = arith.addi %add3A_589, %add3A_590 : i32
          %get3A_592 = arith.index_cast %add3A_591 : i32 to index
          %get3A_593 = tpu.vector_load %arg16[%get3A_592] {strides = array<i32>} : memref<74496xf32, #tpu.memory_space<vmem>>, vector<16xf32>,
          %add3A_594 = arith.addi %mul3A_114, %add3A_568 : i32
          %add3A_595 = arith.constant 80 : i32
          %add3A_596 = arith.addi %add3A_594, %add3A_595 : i32
          %get3A_597 = arith.index_cast %add3A_596 : i32 to index
          %get3A_598 = tpu.vector_load %arg16[%get3A_597] {strides = array<i32>} : memref<74496xf32, #tpu.memory_space<vmem>>, vector<16xf32>,
          %add3A_599 = arith.addi %mul3A_134, %add3A_568 : i32
          %add3A_600 = arith.constant 0 : i32
          %add3A_601 = arith.addi %add3A_599, %add3A_600 : i32
          %get3A_602 = arith.index_cast %add3A_601 : i32 to index
          %get3A_603 = tpu.vector_load %arg16[%get3A_602] {strides = array<i32>} : memref<74496xf32, #tpu.memory_space<vmem>>, vector<16xf32>,
          %add3A_604 = arith.addi %mul3A_134, %add3A_568 : i32
          %add3A_605 = arith.constant 16 : i32
          %add3A_606 = arith.addi %add3A_604, %add3A_605 : i32
          %get3A_607 = arith.index_cast %add3A_606 : i32 to index
          %get3A_608 = tpu.vector_load %arg16[%get3A_607] {strides = array<i32>} : memref<74496xf32, #tpu.memory_space<vmem>>, vector<16xf32>,
          %add3A_609 = arith.addi %mul3A_134, %add3A_568 : i32
          %add3A_610 = arith.constant 32 : i32
          %add3A_611 = arith.addi %add3A_609, %add3A_610 : i32
          %get3A_612 = arith.index_cast %add3A_611 : i32 to index
          %get3A_613 = tpu.vector_load %arg16[%get3A_612] {strides = array<i32>} : memref<74496xf32, #tpu.memory_space<vmem>>, vector<16xf32>,
          %add3A_614 = arith.addi %mul3A_134, %add3A_568 : i32
          %add3A_615 = arith.constant 48 : i32
          %add3A_616 = arith.addi %add3A_614, %add3A_615 : i32
          %get3A_617 = arith.index_cast %add3A_616 : i32 to index
          %get3A_618 = tpu.vector_load %arg16[%get3A_617] {strides = array<i32>} : memref<74496xf32, #tpu.memory_space<vmem>>, vector<16xf32>,
          %add3A_619 = arith.addi %mul3A_134, %add3A_568 : i32
          %add3A_620 = arith.constant 64 : i32
          %add3A_621 = arith.addi %add3A_619, %add3A_620 : i32
          %get3A_622 = arith.index_cast %add3A_621 : i32 to index
          %get3A_623 = tpu.vector_load %arg16[%get3A_622] {strides = array<i32>} : memref<74496xf32, #tpu.memory_space<vmem>>, vector<16xf32>,
          %add3A_624 = arith.addi %mul3A_134, %add3A_568 : i32
          %add3A_625 = arith.constant 80 : i32
          %add3A_626 = arith.addi %add3A_624, %add3A_625 : i32
          %get3A_627 = arith.index_cast %add3A_626 : i32 to index
          %get3A_628 = tpu.vector_load %arg16[%get3A_627] {strides = array<i32>} : memref<74496xf32, #tpu.memory_space<vmem>>, vector<16xf32>,
          %add3A_629 = arith.constant 2 : i32
          %add3A_630 = arith.addi %add3A_214, %add3A_629 : i32
          %mul3A_631 = arith.constant 16 : i32
          %mul3A_632 = arith.muli %add3A_630, %mul3A_631 : i32
          %get3A_633 = arith.index_cast %mul3A_632 : i32 to index
          %get3A_634 = tpu.vector_load %arg11[%get3A_633] {strides = array<i32>} : memref<3072xf32, #tpu.memory_space<vmem>>, vector<16xf32>,
          %mul3A_635 = arith.constant 16 : i32
          %mul3A_636 = arith.muli %add3A_630, %mul3A_635 : i32
          %get3A_637 = arith.index_cast %mul3A_636 : i32 to index
          %get3A_638 = tpu.vector_load %arg12[%get3A_637] {strides = array<i32>} : memref<3072xf32, #tpu.memory_space<vmem>>, vector<16xf32>,
          %mul3A_639 = arith.mulf %broadcast_in_dim3A, %get3A_634 : vector<16xf32>
          %mul3A_640 = arith.mulf %broadcast_in_dim3A_143, %get3A_634 : vector<16xf32>
          %mul3A_641 = arith.mulf %broadcast_in_dim3A, %get3A_638 : vector<16xf32>
          %mul3A_642 = arith.mulf %broadcast_in_dim3A_143, %get3A_638 : vector<16xf32>
          %mul3A_643 = arith.constant 96 : i32
          %mul3A_644 = arith.muli %add3A_630, %mul3A_643 : i32
          %add3A_645 = arith.addi %mul3A_166, %mul3A_644 : i32
          %mul3A_646 = arith.mulf %mul3A_639, %get3A_428 : vector<16xf32>
          %mul3A_647 = arith.mulf %mul3A_640, %get3A_458 : vector<16xf32>
          %add3A_648 = arith.addf %mul3A_646, %mul3A_647 : vector<16xf32>
          %mul3A_649 = arith.mulf %mul3A_641, %get3A_573 : vector<16xf32>
          %mul3A_650 = arith.mulf %mul3A_642, %get3A_603 : vector<16xf32>
          %add3A_651 = arith.addf %mul3A_649, %mul3A_650 : vector<16xf32>
          %add3A_652 = arith.addf %add3A_648, %add3A_651 : vector<16xf32>
          %add3A_653 = arith.constant 0 : i32
          %add3A_654 = arith.addi %add3A_645, %add3A_653 : i32
          %swap3A_655 = arith.index_cast %add3A_654 : i32 to index
          %swap3A_656 = tpu.vector_load %arg17[%swap3A_655] {strides = array<i32>} : memref<36864xf32, #tpu.memory_space<vmem>>, vector<16xf32>,
          tpu.vector_store %arg17[%swap3A_655], %add3A_652 {strides = array<i32>} : memref<36864xf32, #tpu.memory_space<vmem>>, vector<16xf32>,
          %mul3A_657 = arith.mulf %mul3A_639, %get3A_433 : vector<16xf32>
          %mul3A_658 = arith.mulf %mul3A_640, %get3A_463 : vector<16xf32>
          %add3A_659 = arith.addf %mul3A_657, %mul3A_658 : vector<16xf32>
          %mul3A_660 = arith.mulf %mul3A_641, %get3A_578 : vector<16xf32>
          %mul3A_661 = arith.mulf %mul3A_642, %get3A_608 : vector<16xf32>
          %add3A_662 = arith.addf %mul3A_660, %mul3A_661 : vector<16xf32>
          %add3A_663 = arith.addf %add3A_659, %add3A_662 : vector<16xf32>
          %add3A_664 = arith.constant 16 : i32
          %add3A_665 = arith.addi %add3A_645, %add3A_664 : i32
          %swap3A_666 = arith.index_cast %add3A_665 : i32 to index
          %swap3A_667 = tpu.vector_load %arg17[%swap3A_666] {strides = array<i32>} : memref<36864xf32, #tpu.memory_space<vmem>>, vector<16xf32>,
          tpu.vector_store %arg17[%swap3A_666], %add3A_663 {strides = array<i32>} : memref<36864xf32, #tpu.memory_space<vmem>>, vector<16xf32>,
          %mul3A_668 = arith.mulf %mul3A_639, %get3A_438 : vector<16xf32>
          %mul3A_669 = arith.mulf %mul3A_640, %get3A_468 : vector<16xf32>
          %add3A_670 = arith.addf %mul3A_668, %mul3A_669 : vector<16xf32>
          %mul3A_671 = arith.mulf %mul3A_641, %get3A_583 : vector<16xf32>
          %mul3A_672 = arith.mulf %mul3A_642, %get3A_613 : vector<16xf32>
          %add3A_673 = arith.addf %mul3A_671, %mul3A_672 : vector<16xf32>
          %add3A_674 = arith.addf %add3A_670, %add3A_673 : vector<16xf32>
          %add3A_675 = arith.constant 32 : i32
          %add3A_676 = arith.addi %add3A_645, %add3A_675 : i32
          %swap3A_677 = arith.index_cast %add3A_676 : i32 to index
          %swap3A_678 = tpu.vector_load %arg17[%swap3A_677] {strides = array<i32>} : memref<36864xf32, #tpu.memory_space<vmem>>, vector<16xf32>,
          tpu.vector_store %arg17[%swap3A_677], %add3A_674 {strides = array<i32>} : memref<36864xf32, #tpu.memory_space<vmem>>, vector<16xf32>,
          %mul3A_679 = arith.mulf %mul3A_639, %get3A_443 : vector<16xf32>
          %mul3A_680 = arith.mulf %mul3A_640, %get3A_473 : vector<16xf32>
          %add3A_681 = arith.addf %mul3A_679, %mul3A_680 : vector<16xf32>
          %mul3A_682 = arith.mulf %mul3A_641, %get3A_588 : vector<16xf32>
          %mul3A_683 = arith.mulf %mul3A_642, %get3A_618 : vector<16xf32>
          %add3A_684 = arith.addf %mul3A_682, %mul3A_683 : vector<16xf32>
          %add3A_685 = arith.addf %add3A_681, %add3A_684 : vector<16xf32>
          %add3A_686 = arith.constant 48 : i32
          %add3A_687 = arith.addi %add3A_645, %add3A_686 : i32
          %swap3A_688 = arith.index_cast %add3A_687 : i32 to index
          %swap3A_689 = tpu.vector_load %arg17[%swap3A_688] {strides = array<i32>} : memref<36864xf32, #tpu.memory_space<vmem>>, vector<16xf32>,
          tpu.vector_store %arg17[%swap3A_688], %add3A_685 {strides = array<i32>} : memref<36864xf32, #tpu.memory_space<vmem>>, vector<16xf32>,
          %mul3A_690 = arith.mulf %mul3A_639, %get3A_448 : vector<16xf32>
          %mul3A_691 = arith.mulf %mul3A_640, %get3A_478 : vector<16xf32>
          %add3A_692 = arith.addf %mul3A_690, %mul3A_691 : vector<16xf32>
          %mul3A_693 = arith.mulf %mul3A_641, %get3A_593 : vector<16xf32>
          %mul3A_694 = arith.mulf %mul3A_642, %get3A_623 : vector<16xf32>
          %add3A_695 = arith.addf %mul3A_693, %mul3A_694 : vector<16xf32>
          %add3A_696 = arith.addf %add3A_692, %add3A_695 : vector<16xf32>
          %add3A_697 = arith.constant 64 : i32
          %add3A_698 = arith.addi %add3A_645, %add3A_697 : i32
          %swap3A_699 = arith.index_cast %add3A_698 : i32 to index
          %swap3A_700 = tpu.vector_load %arg17[%swap3A_699] {strides = array<i32>} : memref<36864xf32, #tpu.memory_space<vmem>>, vector<16xf32>,
          tpu.vector_store %arg17[%swap3A_699], %add3A_696 {strides = array<i32>} : memref<36864xf32, #tpu.memory_space<vmem>>, vector<16xf32>,
          %mul3A_701 = arith.mulf %mul3A_639, %get3A_453 : vector<16xf32>
          %mul3A_702 = arith.mulf %mul3A_640, %get3A_483 : vector<16xf32>
          %add3A_703 = arith.addf %mul3A_701, %mul3A_702 : vector<16xf32>
          %mul3A_704 = arith.mulf %mul3A_641, %get3A_598 : vector<16xf32>
          %mul3A_705 = arith.mulf %mul3A_642, %get3A_628 : vector<16xf32>
          %add3A_706 = arith.addf %mul3A_704, %mul3A_705 : vector<16xf32>
          %add3A_707 = arith.addf %add3A_703, %add3A_706 : vector<16xf32>
          %add3A_708 = arith.constant 80 : i32
          %add3A_709 = arith.addi %add3A_645, %add3A_708 : i32
          %swap3A_710 = arith.index_cast %add3A_709 : i32 to index
          %swap3A_711 = tpu.vector_load %arg17[%swap3A_710] {strides = array<i32>} : memref<36864xf32, #tpu.memory_space<vmem>>, vector<16xf32>,
          tpu.vector_store %arg17[%swap3A_710], %add3A_707 {strides = array<i32>} : memref<36864xf32, #tpu.memory_space<vmem>>, vector<16xf32>,
          %add3A_712 = arith.constant 384 : i32
          %add3A_713 = arith.addi %mul3A_217, %add3A_712 : i32
          %add3A_714 = arith.addi %mul3A_114, %add3A_713 : i32
          %add3A_715 = arith.constant 0 : i32
          %add3A_716 = arith.addi %add3A_714, %add3A_715 : i32
          %get3A_717 = arith.index_cast %add3A_716 : i32 to index
          %get3A_718 = tpu.vector_load %arg16[%get3A_717] {strides = array<i32>} : memref<74496xf32, #tpu.memory_space<vmem>>, vector<16xf32>,
          %add3A_719 = arith.addi %mul3A_114, %add3A_713 : i32
          %add3A_720 = arith.constant 16 : i32
          %add3A_721 = arith.addi %add3A_719, %add3A_720 : i32
          %get3A_722 = arith.index_cast %add3A_721 : i32 to index
          %get3A_723 = tpu.vector_load %arg16[%get3A_722] {strides = array<i32>} : memref<74496xf32, #tpu.memory_space<vmem>>, vector<16xf32>,
          %add3A_724 = arith.addi %mul3A_114, %add3A_713 : i32
          %add3A_725 = arith.constant 32 : i32
          %add3A_726 = arith.addi %add3A_724, %add3A_725 : i32
          %get3A_727 = arith.index_cast %add3A_726 : i32 to index
          %get3A_728 = tpu.vector_load %arg16[%get3A_727] {strides = array<i32>} : memref<74496xf32, #tpu.memory_space<vmem>>, vector<16xf32>,
          %add3A_729 = arith.addi %mul3A_114, %add3A_713 : i32
          %add3A_730 = arith.constant 48 : i32
          %add3A_731 = arith.addi %add3A_729, %add3A_730 : i32
          %get3A_732 = arith.index_cast %add3A_731 : i32 to index
          %get3A_733 = tpu.vector_load %arg16[%get3A_732] {strides = array<i32>} : memref<74496xf32, #tpu.memory_space<vmem>>, vector<16xf32>,
          %add3A_734 = arith.addi %mul3A_114, %add3A_713 : i32
          %add3A_735 = arith.constant 64 : i32
          %add3A_736 = arith.addi %add3A_734, %add3A_735 : i32
          %get3A_737 = arith.index_cast %add3A_736 : i32 to index
          %get3A_738 = tpu.vector_load %arg16[%get3A_737] {strides = array<i32>} : memref<74496xf32, #tpu.memory_space<vmem>>, vector<16xf32>,
          %add3A_739 = arith.addi %mul3A_114, %add3A_713 : i32
          %add3A_740 = arith.constant 80 : i32
          %add3A_741 = arith.addi %add3A_739, %add3A_740 : i32
          %get3A_742 = arith.index_cast %add3A_741 : i32 to index
          %get3A_743 = tpu.vector_load %arg16[%get3A_742] {strides = array<i32>} : memref<74496xf32, #tpu.memory_space<vmem>>, vector<16xf32>,
          %add3A_744 = arith.addi %mul3A_134, %add3A_713 : i32
          %add3A_745 = arith.constant 0 : i32
          %add3A_746 = arith.addi %add3A_744, %add3A_745 : i32
          %get3A_747 = arith.index_cast %add3A_746 : i32 to index
          %get3A_748 = tpu.vector_load %arg16[%get3A_747] {strides = array<i32>} : memref<74496xf32, #tpu.memory_space<vmem>>, vector<16xf32>,
          %add3A_749 = arith.addi %mul3A_134, %add3A_713 : i32
          %add3A_750 = arith.constant 16 : i32
          %add3A_751 = arith.addi %add3A_749, %add3A_750 : i32
          %get3A_752 = arith.index_cast %add3A_751 : i32 to index
          %get3A_753 = tpu.vector_load %arg16[%get3A_752] {strides = array<i32>} : memref<74496xf32, #tpu.memory_space<vmem>>, vector<16xf32>,
          %add3A_754 = arith.addi %mul3A_134, %add3A_713 : i32
          %add3A_755 = arith.constant 32 : i32
          %add3A_756 = arith.addi %add3A_754, %add3A_755 : i32
          %get3A_757 = arith.index_cast %add3A_756 : i32 to index
          %get3A_758 = tpu.vector_load %arg16[%get3A_757] {strides = array<i32>} : memref<74496xf32, #tpu.memory_space<vmem>>, vector<16xf32>,
          %add3A_759 = arith.addi %mul3A_134, %add3A_713 : i32
          %add3A_760 = arith.constant 48 : i32
          %add3A_761 = arith.addi %add3A_759, %add3A_760 : i32
          %get3A_762 = arith.index_cast %add3A_761 : i32 to index
          %get3A_763 = tpu.vector_load %arg16[%get3A_762] {strides = array<i32>} : memref<74496xf32, #tpu.memory_space<vmem>>, vector<16xf32>,
          %add3A_764 = arith.addi %mul3A_134, %add3A_713 : i32
          %add3A_765 = arith.constant 64 : i32
          %add3A_766 = arith.addi %add3A_764, %add3A_765 : i32
          %get3A_767 = arith.index_cast %add3A_766 : i32 to index
          %get3A_768 = tpu.vector_load %arg16[%get3A_767] {strides = array<i32>} : memref<74496xf32, #tpu.memory_space<vmem>>, vector<16xf32>,
          %add3A_769 = arith.addi %mul3A_134, %add3A_713 : i32
          %add3A_770 = arith.constant 80 : i32
          %add3A_771 = arith.addi %add3A_769, %add3A_770 : i32
          %get3A_772 = arith.index_cast %add3A_771 : i32 to index
          %get3A_773 = tpu.vector_load %arg16[%get3A_772] {strides = array<i32>} : memref<74496xf32, #tpu.memory_space<vmem>>, vector<16xf32>,
          %add3A_774 = arith.constant 3 : i32
          %add3A_775 = arith.addi %add3A_214, %add3A_774 : i32
          %mul3A_776 = arith.constant 16 : i32
          %mul3A_777 = arith.muli %add3A_775, %mul3A_776 : i32
          %get3A_778 = arith.index_cast %mul3A_777 : i32 to index
          %get3A_779 = tpu.vector_load %arg11[%get3A_778] {strides = array<i32>} : memref<3072xf32, #tpu.memory_space<vmem>>, vector<16xf32>,
          %mul3A_780 = arith.constant 16 : i32
          %mul3A_781 = arith.muli %add3A_775, %mul3A_780 : i32
          %get3A_782 = arith.index_cast %mul3A_781 : i32 to index
          %get3A_783 = tpu.vector_load %arg12[%get3A_782] {strides = array<i32>} : memref<3072xf32, #tpu.memory_space<vmem>>, vector<16xf32>,
          %mul3A_784 = arith.mulf %broadcast_in_dim3A, %get3A_779 : vector<16xf32>
          %mul3A_785 = arith.mulf %broadcast_in_dim3A_143, %get3A_779 : vector<16xf32>
          %mul3A_786 = arith.mulf %broadcast_in_dim3A, %get3A_783 : vector<16xf32>
          %mul3A_787 = arith.mulf %broadcast_in_dim3A_143, %get3A_783 : vector<16xf32>
          %mul3A_788 = arith.constant 96 : i32
          %mul3A_789 = arith.muli %add3A_775, %mul3A_788 : i32
          %add3A_790 = arith.addi %mul3A_166, %mul3A_789 : i32
          %mul3A_791 = arith.mulf %mul3A_784, %get3A_573 : vector<16xf32>
          %mul3A_792 = arith.mulf %mul3A_785, %get3A_603 : vector<16xf32>
          %add3A_793 = arith.addf %mul3A_791, %mul3A_792 : vector<16xf32>
          %mul3A_794 = arith.mulf %mul3A_786, %get3A_718 : vector<16xf32>
          %mul3A_795 = arith.mulf %mul3A_787, %get3A_748 : vector<16xf32>
          %add3A_796 = arith.addf %mul3A_794, %mul3A_795 : vector<16xf32>
          %add3A_797 = arith.addf %add3A_793, %add3A_796 : vector<16xf32>
          %add3A_798 = arith.constant 0 : i32
          %add3A_799 = arith.addi %add3A_790, %add3A_798 : i32
          %swap3A_800 = arith.index_cast %add3A_799 : i32 to index
          %swap3A_801 = tpu.vector_load %arg17[%swap3A_800] {strides = array<i32>} : memref<36864xf32, #tpu.memory_space<vmem>>, vector<16xf32>,
          tpu.vector_store %arg17[%swap3A_800], %add3A_797 {strides = array<i32>} : memref<36864xf32, #tpu.memory_space<vmem>>, vector<16xf32>,
          %mul3A_802 = arith.mulf %mul3A_784, %get3A_578 : vector<16xf32>
          %mul3A_803 = arith.mulf %mul3A_785, %get3A_608 : vector<16xf32>
          %add3A_804 = arith.addf %mul3A_802, %mul3A_803 : vector<16xf32>
          %mul3A_805 = arith.mulf %mul3A_786, %get3A_723 : vector<16xf32>
          %mul3A_806 = arith.mulf %mul3A_787, %get3A_753 : vector<16xf32>
          %add3A_807 = arith.addf %mul3A_805, %mul3A_806 : vector<16xf32>
          %add3A_808 = arith.addf %add3A_804, %add3A_807 : vector<16xf32>
          %add3A_809 = arith.constant 16 : i32
          %add3A_810 = arith.addi %add3A_790, %add3A_809 : i32
          %swap3A_811 = arith.index_cast %add3A_810 : i32 to index
          %swap3A_812 = tpu.vector_load %arg17[%swap3A_811] {strides = array<i32>} : memref<36864xf32, #tpu.memory_space<vmem>>, vector<16xf32>,
          tpu.vector_store %arg17[%swap3A_811], %add3A_808 {strides = array<i32>} : memref<36864xf32, #tpu.memory_space<vmem>>, vector<16xf32>,
          %mul3A_813 = arith.mulf %mul3A_784, %get3A_583 : vector<16xf32>
          %mul3A_814 = arith.mulf %mul3A_785, %get3A_613 : vector<16xf32>
          %add3A_815 = arith.addf %mul3A_813, %mul3A_814 : vector<16xf32>
          %mul3A_816 = arith.mulf %mul3A_786, %get3A_728 : vector<16xf32>
          %mul3A_817 = arith.mulf %mul3A_787, %get3A_758 : vector<16xf32>
          %add3A_818 = arith.addf %mul3A_816, %mul3A_817 : vector<16xf32>
          %add3A_819 = arith.addf %add3A_815, %add3A_818 : vector<16xf32>
          %add3A_820 = arith.constant 32 : i32
          %add3A_821 = arith.addi %add3A_790, %add3A_820 : i32
          %swap3A_822 = arith.index_cast %add3A_821 : i32 to index
          %swap3A_823 = tpu.vector_load %arg17[%swap3A_822] {strides = array<i32>} : memref<36864xf32, #tpu.memory_space<vmem>>, vector<16xf32>,
          tpu.vector_store %arg17[%swap3A_822], %add3A_819 {strides = array<i32>} : memref<36864xf32, #tpu.memory_space<vmem>>, vector<16xf32>,
          %mul3A_824 = arith.mulf %mul3A_784, %get3A_588 : vector<16xf32>
          %mul3A_825 = arith.mulf %mul3A_785, %get3A_618 : vector<16xf32>
          %add3A_826 = arith.addf %mul3A_824, %mul3A_825 : vector<16xf32>
          %mul3A_827 = arith.mulf %mul3A_786, %get3A_733 : vector<16xf32>
          %mul3A_828 = arith.mulf %mul3A_787, %get3A_763 : vector<16xf32>
          %add3A_829 = arith.addf %mul3A_827, %mul3A_828 : vector<16xf32>
          %add3A_830 = arith.addf %add3A_826, %add3A_829 : vector<16xf32>
          %add3A_831 = arith.constant 48 : i32
          %add3A_832 = arith.addi %add3A_790, %add3A_831 : i32
          %swap3A_833 = arith.index_cast %add3A_832 : i32 to index
          %swap3A_834 = tpu.vector_load %arg17[%swap3A_833] {strides = array<i32>} : memref<36864xf32, #tpu.memory_space<vmem>>, vector<16xf32>,
          tpu.vector_store %arg17[%swap3A_833], %add3A_830 {strides = array<i32>} : memref<36864xf32, #tpu.memory_space<vmem>>, vector<16xf32>,
          %mul3A_835 = arith.mulf %mul3A_784, %get3A_593 : vector<16xf32>
          %mul3A_836 = arith.mulf %mul3A_785, %get3A_623 : vector<16xf32>
          %add3A_837 = arith.addf %mul3A_835, %mul3A_836 : vector<16xf32>
          %mul3A_838 = arith.mulf %mul3A_786, %get3A_738 : vector<16xf32>
          %mul3A_839 = arith.mulf %mul3A_787, %get3A_768 : vector<16xf32>
          %add3A_840 = arith.addf %mul3A_838, %mul3A_839 : vector<16xf32>
          %add3A_841 = arith.addf %add3A_837, %add3A_840 : vector<16xf32>
          %add3A_842 = arith.constant 64 : i32
          %add3A_843 = arith.addi %add3A_790, %add3A_842 : i32
          %swap3A_844 = arith.index_cast %add3A_843 : i32 to index
          %swap3A_845 = tpu.vector_load %arg17[%swap3A_844] {strides = array<i32>} : memref<36864xf32, #tpu.memory_space<vmem>>, vector<16xf32>,
          tpu.vector_store %arg17[%swap3A_844], %add3A_841 {strides = array<i32>} : memref<36864xf32, #tpu.memory_space<vmem>>, vector<16xf32>,
          %mul3A_846 = arith.mulf %mul3A_784, %get3A_598 : vector<16xf32>
          %mul3A_847 = arith.mulf %mul3A_785, %get3A_628 : vector<16xf32>
          %add3A_848 = arith.addf %mul3A_846, %mul3A_847 : vector<16xf32>
          %mul3A_849 = arith.mulf %mul3A_786, %get3A_743 : vector<16xf32>
          %mul3A_850 = arith.mulf %mul3A_787, %get3A_773 : vector<16xf32>
          %add3A_851 = arith.addf %mul3A_849, %mul3A_850 : vector<16xf32>
          %add3A_852 = arith.addf %add3A_848, %add3A_851 : vector<16xf32>
          %add3A_853 = arith.constant 80 : i32
          %add3A_854 = arith.addi %add3A_790, %add3A_853 : i32
          %swap3A_855 = arith.index_cast %add3A_854 : i32 to index
          %swap3A_856 = tpu.vector_load %arg17[%swap3A_855] {strides = array<i32>} : memref<36864xf32, #tpu.memory_space<vmem>>, vector<16xf32>,
          tpu.vector_store %arg17[%swap3A_855], %add3A_852 {strides = array<i32>} : memref<36864xf32, #tpu.memory_space<vmem>>, vector<16xf32>,
          %add3A_857 = arith.constant 480 : i32
          %add3A_858 = arith.addi %mul3A_217, %add3A_857 : i32
          %add3A_859 = arith.addi %mul3A_114, %add3A_858 : i32
          %add3A_860 = arith.constant 0 : i32
          %add3A_861 = arith.addi %add3A_859, %add3A_860 : i32
          %get3A_862 = arith.index_cast %add3A_861 : i32 to index
          %get3A_863 = tpu.vector_load %arg16[%get3A_862] {strides = array<i32>} : memref<74496xf32, #tpu.memory_space<vmem>>, vector<16xf32>,
          %add3A_864 = arith.addi %mul3A_114, %add3A_858 : i32
          %add3A_865 = arith.constant 16 : i32
          %add3A_866 = arith.addi %add3A_864, %add3A_865 : i32
          %get3A_867 = arith.index_cast %add3A_866 : i32 to index
          %get3A_868 = tpu.vector_load %arg16[%get3A_867] {strides = array<i32>} : memref<74496xf32, #tpu.memory_space<vmem>>, vector<16xf32>,
          %add3A_869 = arith.addi %mul3A_114, %add3A_858 : i32
          %add3A_870 = arith.constant 32 : i32
          %add3A_871 = arith.addi %add3A_869, %add3A_870 : i32
          %get3A_872 = arith.index_cast %add3A_871 : i32 to index
          %get3A_873 = tpu.vector_load %arg16[%get3A_872] {strides = array<i32>} : memref<74496xf32, #tpu.memory_space<vmem>>, vector<16xf32>,
          %add3A_874 = arith.addi %mul3A_114, %add3A_858 : i32
          %add3A_875 = arith.constant 48 : i32
          %add3A_876 = arith.addi %add3A_874, %add3A_875 : i32
          %get3A_877 = arith.index_cast %add3A_876 : i32 to index
          %get3A_878 = tpu.vector_load %arg16[%get3A_877] {strides = array<i32>} : memref<74496xf32, #tpu.memory_space<vmem>>, vector<16xf32>,
          %add3A_879 = arith.addi %mul3A_114, %add3A_858 : i32
          %add3A_880 = arith.constant 64 : i32
          %add3A_881 = arith.addi %add3A_879, %add3A_880 : i32
          %get3A_882 = arith.index_cast %add3A_881 : i32 to index
          %get3A_883 = tpu.vector_load %arg16[%get3A_882] {strides = array<i32>} : memref<74496xf32, #tpu.memory_space<vmem>>, vector<16xf32>,
          %add3A_884 = arith.addi %mul3A_114, %add3A_858 : i32
          %add3A_885 = arith.constant 80 : i32
          %add3A_886 = arith.addi %add3A_884, %add3A_885 : i32
          %get3A_887 = arith.index_cast %add3A_886 : i32 to index
          %get3A_888 = tpu.vector_load %arg16[%get3A_887] {strides = array<i32>} : memref<74496xf32, #tpu.memory_space<vmem>>, vector<16xf32>,
          %add3A_889 = arith.addi %mul3A_134, %add3A_858 : i32
          %add3A_890 = arith.constant 0 : i32
          %add3A_891 = arith.addi %add3A_889, %add3A_890 : i32
          %get3A_892 = arith.index_cast %add3A_891 : i32 to index
          %get3A_893 = tpu.vector_load %arg16[%get3A_892] {strides = array<i32>} : memref<74496xf32, #tpu.memory_space<vmem>>, vector<16xf32>,
          %add3A_894 = arith.addi %mul3A_134, %add3A_858 : i32
          %add3A_895 = arith.constant 16 : i32
          %add3A_896 = arith.addi %add3A_894, %add3A_895 : i32
          %get3A_897 = arith.index_cast %add3A_896 : i32 to index
          %get3A_898 = tpu.vector_load %arg16[%get3A_897] {strides = array<i32>} : memref<74496xf32, #tpu.memory_space<vmem>>, vector<16xf32>,
          %add3A_899 = arith.addi %mul3A_134, %add3A_858 : i32
          %add3A_900 = arith.constant 32 : i32
          %add3A_901 = arith.addi %add3A_899, %add3A_900 : i32
          %get3A_902 = arith.index_cast %add3A_901 : i32 to index
          %get3A_903 = tpu.vector_load %arg16[%get3A_902] {strides = array<i32>} : memref<74496xf32, #tpu.memory_space<vmem>>, vector<16xf32>,
          %add3A_904 = arith.addi %mul3A_134, %add3A_858 : i32
          %add3A_905 = arith.constant 48 : i32
          %add3A_906 = arith.addi %add3A_904, %add3A_905 : i32
          %get3A_907 = arith.index_cast %add3A_906 : i32 to index
          %get3A_908 = tpu.vector_load %arg16[%get3A_907] {strides = array<i32>} : memref<74496xf32, #tpu.memory_space<vmem>>, vector<16xf32>,
          %add3A_909 = arith.addi %mul3A_134, %add3A_858 : i32
          %add3A_910 = arith.constant 64 : i32
          %add3A_911 = arith.addi %add3A_909, %add3A_910 : i32
          %get3A_912 = arith.index_cast %add3A_911 : i32 to index
          %get3A_913 = tpu.vector_load %arg16[%get3A_912] {strides = array<i32>} : memref<74496xf32, #tpu.memory_space<vmem>>, vector<16xf32>,
          %add3A_914 = arith.addi %mul3A_134, %add3A_858 : i32
          %add3A_915 = arith.constant 80 : i32
          %add3A_916 = arith.addi %add3A_914, %add3A_915 : i32
          %get3A_917 = arith.index_cast %add3A_916 : i32 to index
          %get3A_918 = tpu.vector_load %arg16[%get3A_917] {strides = array<i32>} : memref<74496xf32, #tpu.memory_space<vmem>>, vector<16xf32>,
          %add3A_919 = arith.constant 4 : i32
          %add3A_920 = arith.addi %add3A_214, %add3A_919 : i32
          %mul3A_921 = arith.constant 16 : i32
          %mul3A_922 = arith.muli %add3A_920, %mul3A_921 : i32
          %get3A_923 = arith.index_cast %mul3A_922 : i32 to index
          %get3A_924 = tpu.vector_load %arg11[%get3A_923] {strides = array<i32>} : memref<3072xf32, #tpu.memory_space<vmem>>, vector<16xf32>,
          %mul3A_925 = arith.constant 16 : i32
          %mul3A_926 = arith.muli %add3A_920, %mul3A_925 : i32
          %get3A_927 = arith.index_cast %mul3A_926 : i32 to index
          %get3A_928 = tpu.vector_load %arg12[%get3A_927] {strides = array<i32>} : memref<3072xf32, #tpu.memory_space<vmem>>, vector<16xf32>,
          %mul3A_929 = arith.mulf %broadcast_in_dim3A, %get3A_924 : vector<16xf32>
          %mul3A_930 = arith.mulf %broadcast_in_dim3A_143, %get3A_924 : vector<16xf32>
          %mul3A_931 = arith.mulf %broadcast_in_dim3A, %get3A_928 : vector<16xf32>
          %mul3A_932 = arith.mulf %broadcast_in_dim3A_143, %get3A_928 : vector<16xf32>
          %mul3A_933 = arith.constant 96 : i32
          %mul3A_934 = arith.muli %add3A_920, %mul3A_933 : i32
          %add3A_935 = arith.addi %mul3A_166, %mul3A_934 : i32
          %mul3A_936 = arith.mulf %mul3A_929, %get3A_718 : vector<16xf32>
          %mul3A_937 = arith.mulf %mul3A_930, %get3A_748 : vector<16xf32>
          %add3A_938 = arith.addf %mul3A_936, %mul3A_937 : vector<16xf32>
          %mul3A_939 = arith.mulf %mul3A_931, %get3A_863 : vector<16xf32>
          %mul3A_940 = arith.mulf %mul3A_932, %get3A_893 : vector<16xf32>
          %add3A_941 = arith.addf %mul3A_939, %mul3A_940 : vector<16xf32>
          %add3A_942 = arith.addf %add3A_938, %add3A_941 : vector<16xf32>
          %add3A_943 = arith.constant 0 : i32
          %add3A_944 = arith.addi %add3A_935, %add3A_943 : i32
          %swap3A_945 = arith.index_cast %add3A_944 : i32 to index
          %swap3A_946 = tpu.vector_load %arg17[%swap3A_945] {strides = array<i32>} : memref<36864xf32, #tpu.memory_space<vmem>>, vector<16xf32>,
          tpu.vector_store %arg17[%swap3A_945], %add3A_942 {strides = array<i32>} : memref<36864xf32, #tpu.memory_space<vmem>>, vector<16xf32>,
          %mul3A_947 = arith.mulf %mul3A_929, %get3A_723 : vector<16xf32>
          %mul3A_948 = arith.mulf %mul3A_930, %get3A_753 : vector<16xf32>
          %add3A_949 = arith.addf %mul3A_947, %mul3A_948 : vector<16xf32>
          %mul3A_950 = arith.mulf %mul3A_931, %get3A_868 : vector<16xf32>
          %mul3A_951 = arith.mulf %mul3A_932, %get3A_898 : vector<16xf32>
          %add3A_952 = arith.addf %mul3A_950, %mul3A_951 : vector<16xf32>
          %add3A_953 = arith.addf %add3A_949, %add3A_952 : vector<16xf32>
          %add3A_954 = arith.constant 16 : i32
          %add3A_955 = arith.addi %add3A_935, %add3A_954 : i32
          %swap3A_956 = arith.index_cast %add3A_955 : i32 to index
          %swap3A_957 = tpu.vector_load %arg17[%swap3A_956] {strides = array<i32>} : memref<36864xf32, #tpu.memory_space<vmem>>, vector<16xf32>,
          tpu.vector_store %arg17[%swap3A_956], %add3A_953 {strides = array<i32>} : memref<36864xf32, #tpu.memory_space<vmem>>, vector<16xf32>,
          %mul3A_958 = arith.mulf %mul3A_929, %get3A_728 : vector<16xf32>
          %mul3A_959 = arith.mulf %mul3A_930, %get3A_758 : vector<16xf32>
          %add3A_960 = arith.addf %mul3A_958, %mul3A_959 : vector<16xf32>
          %mul3A_961 = arith.mulf %mul3A_931, %get3A_873 : vector<16xf32>
          %mul3A_962 = arith.mulf %mul3A_932, %get3A_903 : vector<16xf32>
          %add3A_963 = arith.addf %mul3A_961, %mul3A_962 : vector<16xf32>
          %add3A_964 = arith.addf %add3A_960, %add3A_963 : vector<16xf32>
          %add3A_965 = arith.constant 32 : i32
          %add3A_966 = arith.addi %add3A_935, %add3A_965 : i32
          %swap3A_967 = arith.index_cast %add3A_966 : i32 to index
          %swap3A_968 = tpu.vector_load %arg17[%swap3A_967] {strides = array<i32>} : memref<36864xf32, #tpu.memory_space<vmem>>, vector<16xf32>,
          tpu.vector_store %arg17[%swap3A_967], %add3A_964 {strides = array<i32>} : memref<36864xf32, #tpu.memory_space<vmem>>, vector<16xf32>,
          %mul3A_969 = arith.mulf %mul3A_929, %get3A_733 : vector<16xf32>
          %mul3A_970 = arith.mulf %mul3A_930, %get3A_763 : vector<16xf32>
          %add3A_971 = arith.addf %mul3A_969, %mul3A_970 : vector<16xf32>
          %mul3A_972 = arith.mulf %mul3A_931, %get3A_878 : vector<16xf32>
          %mul3A_973 = arith.mulf %mul3A_932, %get3A_908 : vector<16xf32>
          %add3A_974 = arith.addf %mul3A_972, %mul3A_973 : vector<16xf32>
          %add3A_975 = arith.addf %add3A_971, %add3A_974 : vector<16xf32>
          %add3A_976 = arith.constant 48 : i32
          %add3A_977 = arith.addi %add3A_935, %add3A_976 : i32
          %swap3A_978 = arith.index_cast %add3A_977 : i32 to index
          %swap3A_979 = tpu.vector_load %arg17[%swap3A_978] {strides = array<i32>} : memref<36864xf32, #tpu.memory_space<vmem>>, vector<16xf32>,
          tpu.vector_store %arg17[%swap3A_978], %add3A_975 {strides = array<i32>} : memref<36864xf32, #tpu.memory_space<vmem>>, vector<16xf32>,
          %mul3A_980 = arith.mulf %mul3A_929, %get3A_738 : vector<16xf32>
          %mul3A_981 = arith.mulf %mul3A_930, %get3A_768 : vector<16xf32>
          %add3A_982 = arith.addf %mul3A_980, %mul3A_981 : vector<16xf32>
          %mul3A_983 = arith.mulf %mul3A_931, %get3A_883 : vector<16xf32>
          %mul3A_984 = arith.mulf %mul3A_932, %get3A_913 : vector<16xf32>
          %add3A_985 = arith.addf %mul3A_983, %mul3A_984 : vector<16xf32>
          %add3A_986 = arith.addf %add3A_982, %add3A_985 : vector<16xf32>
          %add3A_987 = arith.constant 64 : i32
          %add3A_988 = arith.addi %add3A_935, %add3A_987 : i32
          %swap3A_989 = arith.index_cast %add3A_988 : i32 to index
          %swap3A_990 = tpu.vector_load %arg17[%swap3A_989] {strides = array<i32>} : memref<36864xf32, #tpu.memory_space<vmem>>, vector<16xf32>,
          tpu.vector_store %arg17[%swap3A_989], %add3A_986 {strides = array<i32>} : memref<36864xf32, #tpu.memory_space<vmem>>, vector<16xf32>,
          %mul3A_991 = arith.mulf %mul3A_929, %get3A_743 : vector<16xf32>
          %mul3A_992 = arith.mulf %mul3A_930, %get3A_773 : vector<16xf32>
          %add3A_993 = arith.addf %mul3A_991, %mul3A_992 : vector<16xf32>
          %mul3A_994 = arith.mulf %mul3A_931, %get3A_888 : vector<16xf32>
          %mul3A_995 = arith.mulf %mul3A_932, %get3A_918 : vector<16xf32>
          %add3A_996 = arith.addf %mul3A_994, %mul3A_995 : vector<16xf32>
          %add3A_997 = arith.addf %add3A_993, %add3A_996 : vector<16xf32>
          %add3A_998 = arith.constant 80 : i32
          %add3A_999 = arith.addi %add3A_935, %add3A_998 : i32
          %swap3A_1000 = arith.index_cast %add3A_999 : i32 to index
          %swap3A_1001 = tpu.vector_load %arg17[%swap3A_1000] {strides = array<i32>} : memref<36864xf32, #tpu.memory_space<vmem>>, vector<16xf32>,
          tpu.vector_store %arg17[%swap3A_1000], %add3A_997 {strides = array<i32>} : memref<36864xf32, #tpu.memory_space<vmem>>, vector<16xf32>,
          %add3A_1002 = arith.constant 576 : i32
          %add3A_1003 = arith.addi %mul3A_217, %add3A_1002 : i32
          %add3A_1004 = arith.addi %mul3A_114, %add3A_1003 : i32
          %add3A_1005 = arith.constant 0 : i32
          %add3A_1006 = arith.addi %add3A_1004, %add3A_1005 : i32
          %get3A_1007 = arith.index_cast %add3A_1006 : i32 to index
          %get3A_1008 = tpu.vector_load %arg16[%get3A_1007] {strides = array<i32>} : memref<74496xf32, #tpu.memory_space<vmem>>, vector<16xf32>,
          %add3A_1009 = arith.addi %mul3A_114, %add3A_1003 : i32
          %add3A_1010 = arith.constant 16 : i32
          %add3A_1011 = arith.addi %add3A_1009, %add3A_1010 : i32
          %get3A_1012 = arith.index_cast %add3A_1011 : i32 to index
          %get3A_1013 = tpu.vector_load %arg16[%get3A_1012] {strides = array<i32>} : memref<74496xf32, #tpu.memory_space<vmem>>, vector<16xf32>,
          %add3A_1014 = arith.addi %mul3A_114, %add3A_1003 : i32
          %add3A_1015 = arith.constant 32 : i32
          %add3A_1016 = arith.addi %add3A_1014, %add3A_1015 : i32
          %get3A_1017 = arith.index_cast %add3A_1016 : i32 to index
          %get3A_1018 = tpu.vector_load %arg16[%get3A_1017] {strides = array<i32>} : memref<74496xf32, #tpu.memory_space<vmem>>, vector<16xf32>,
          %add3A_1019 = arith.addi %mul3A_114, %add3A_1003 : i32
          %add3A_1020 = arith.constant 48 : i32
          %add3A_1021 = arith.addi %add3A_1019, %add3A_1020 : i32
          %get3A_1022 = arith.index_cast %add3A_1021 : i32 to index
          %get3A_1023 = tpu.vector_load %arg16[%get3A_1022] {strides = array<i32>} : memref<74496xf32, #tpu.memory_space<vmem>>, vector<16xf32>,
          %add3A_1024 = arith.addi %mul3A_114, %add3A_1003 : i32
          %add3A_1025 = arith.constant 64 : i32
          %add3A_1026 = arith.addi %add3A_1024, %add3A_1025 : i32
          %get3A_1027 = arith.index_cast %add3A_1026 : i32 to index
          %get3A_1028 = tpu.vector_load %arg16[%get3A_1027] {strides = array<i32>} : memref<74496xf32, #tpu.memory_space<vmem>>, vector<16xf32>,
          %add3A_1029 = arith.addi %mul3A_114, %add3A_1003 : i32
          %add3A_1030 = arith.constant 80 : i32
          %add3A_1031 = arith.addi %add3A_1029, %add3A_1030 : i32
          %get3A_1032 = arith.index_cast %add3A_1031 : i32 to index
          %get3A_1033 = tpu.vector_load %arg16[%get3A_1032] {strides = array<i32>} : memref<74496xf32, #tpu.memory_space<vmem>>, vector<16xf32>,
          %add3A_1034 = arith.addi %mul3A_134, %add3A_1003 : i32
          %add3A_1035 = arith.constant 0 : i32
          %add3A_1036 = arith.addi %add3A_1034, %add3A_1035 : i32
          %get3A_1037 = arith.index_cast %add3A_1036 : i32 to index
          %get3A_1038 = tpu.vector_load %arg16[%get3A_1037] {strides = array<i32>} : memref<74496xf32, #tpu.memory_space<vmem>>, vector<16xf32>,
          %add3A_1039 = arith.addi %mul3A_134, %add3A_1003 : i32
          %add3A_1040 = arith.constant 16 : i32
          %add3A_1041 = arith.addi %add3A_1039, %add3A_1040 : i32
          %get3A_1042 = arith.index_cast %add3A_1041 : i32 to index
          %get3A_1043 = tpu.vector_load %arg16[%get3A_1042] {strides = array<i32>} : memref<74496xf32, #tpu.memory_space<vmem>>, vector<16xf32>,
          %add3A_1044 = arith.addi %mul3A_134, %add3A_1003 : i32
          %add3A_1045 = arith.constant 32 : i32
          %add3A_1046 = arith.addi %add3A_1044, %add3A_1045 : i32
          %get3A_1047 = arith.index_cast %add3A_1046 : i32 to index
          %get3A_1048 = tpu.vector_load %arg16[%get3A_1047] {strides = array<i32>} : memref<74496xf32, #tpu.memory_space<vmem>>, vector<16xf32>,
          %add3A_1049 = arith.addi %mul3A_134, %add3A_1003 : i32
          %add3A_1050 = arith.constant 48 : i32
          %add3A_1051 = arith.addi %add3A_1049, %add3A_1050 : i32
          %get3A_1052 = arith.index_cast %add3A_1051 : i32 to index
          %get3A_1053 = tpu.vector_load %arg16[%get3A_1052] {strides = array<i32>} : memref<74496xf32, #tpu.memory_space<vmem>>, vector<16xf32>,
          %add3A_1054 = arith.addi %mul3A_134, %add3A_1003 : i32
          %add3A_1055 = arith.constant 64 : i32
          %add3A_1056 = arith.addi %add3A_1054, %add3A_1055 : i32
          %get3A_1057 = arith.index_cast %add3A_1056 : i32 to index
          %get3A_1058 = tpu.vector_load %arg16[%get3A_1057] {strides = array<i32>} : memref<74496xf32, #tpu.memory_space<vmem>>, vector<16xf32>,
          %add3A_1059 = arith.addi %mul3A_134, %add3A_1003 : i32
          %add3A_1060 = arith.constant 80 : i32
          %add3A_1061 = arith.addi %add3A_1059, %add3A_1060 : i32
          %get3A_1062 = arith.index_cast %add3A_1061 : i32 to index
          %get3A_1063 = tpu.vector_load %arg16[%get3A_1062] {strides = array<i32>} : memref<74496xf32, #tpu.memory_space<vmem>>, vector<16xf32>,
          %add3A_1064 = arith.constant 5 : i32
          %add3A_1065 = arith.addi %add3A_214, %add3A_1064 : i32
          %mul3A_1066 = arith.constant 16 : i32
          %mul3A_1067 = arith.muli %add3A_1065, %mul3A_1066 : i32
          %get3A_1068 = arith.index_cast %mul3A_1067 : i32 to index
          %get3A_1069 = tpu.vector_load %arg11[%get3A_1068] {strides = array<i32>} : memref<3072xf32, #tpu.memory_space<vmem>>, vector<16xf32>,
          %mul3A_1070 = arith.constant 16 : i32
          %mul3A_1071 = arith.muli %add3A_1065, %mul3A_1070 : i32
          %get3A_1072 = arith.index_cast %mul3A_1071 : i32 to index
          %get3A_1073 = tpu.vector_load %arg12[%get3A_1072] {strides = array<i32>} : memref<3072xf32, #tpu.memory_space<vmem>>, vector<16xf32>,
          %mul3A_1074 = arith.mulf %broadcast_in_dim3A, %get3A_1069 : vector<16xf32>
          %mul3A_1075 = arith.mulf %broadcast_in_dim3A_143, %get3A_1069 : vector<16xf32>
          %mul3A_1076 = arith.mulf %broadcast_in_dim3A, %get3A_1073 : vector<16xf32>
          %mul3A_1077 = arith.mulf %broadcast_in_dim3A_143, %get3A_1073 : vector<16xf32>
          %mul3A_1078 = arith.constant 96 : i32
          %mul3A_1079 = arith.muli %add3A_1065, %mul3A_1078 : i32
          %add3A_1080 = arith.addi %mul3A_166, %mul3A_1079 : i32
          %mul3A_1081 = arith.mulf %mul3A_1074, %get3A_863 : vector<16xf32>
          %mul3A_1082 = arith.mulf %mul3A_1075, %get3A_893 : vector<16xf32>
          %add3A_1083 = arith.addf %mul3A_1081, %mul3A_1082 : vector<16xf32>
          %mul3A_1084 = arith.mulf %mul3A_1076, %get3A_1008 : vector<16xf32>
          %mul3A_1085 = arith.mulf %mul3A_1077, %get3A_1038 : vector<16xf32>
          %add3A_1086 = arith.addf %mul3A_1084, %mul3A_1085 : vector<16xf32>
          %add3A_1087 = arith.addf %add3A_1083, %add3A_1086 : vector<16xf32>
          %add3A_1088 = arith.constant 0 : i32
          %add3A_1089 = arith.addi %add3A_1080, %add3A_1088 : i32
          %swap3A_1090 = arith.index_cast %add3A_1089 : i32 to index
          %swap3A_1091 = tpu.vector_load %arg17[%swap3A_1090] {strides = array<i32>} : memref<36864xf32, #tpu.memory_space<vmem>>, vector<16xf32>,
          tpu.vector_store %arg17[%swap3A_1090], %add3A_1087 {strides = array<i32>} : memref<36864xf32, #tpu.memory_space<vmem>>, vector<16xf32>,
          %mul3A_1092 = arith.mulf %mul3A_1074, %get3A_868 : vector<16xf32>
          %mul3A_1093 = arith.mulf %mul3A_1075, %get3A_898 : vector<16xf32>
          %add3A_1094 = arith.addf %mul3A_1092, %mul3A_1093 : vector<16xf32>
          %mul3A_1095 = arith.mulf %mul3A_1076, %get3A_1013 : vector<16xf32>
          %mul3A_1096 = arith.mulf %mul3A_1077, %get3A_1043 : vector<16xf32>
          %add3A_1097 = arith.addf %mul3A_1095, %mul3A_1096 : vector<16xf32>
          %add3A_1098 = arith.addf %add3A_1094, %add3A_1097 : vector<16xf32>
          %add3A_1099 = arith.constant 16 : i32
          %add3A_1100 = arith.addi %add3A_1080, %add3A_1099 : i32
          %swap3A_1101 = arith.index_cast %add3A_1100 : i32 to index
          %swap3A_1102 = tpu.vector_load %arg17[%swap3A_1101] {strides = array<i32>} : memref<36864xf32, #tpu.memory_space<vmem>>, vector<16xf32>,
          tpu.vector_store %arg17[%swap3A_1101], %add3A_1098 {strides = array<i32>} : memref<36864xf32, #tpu.memory_space<vmem>>, vector<16xf32>,
          %mul3A_1103 = arith.mulf %mul3A_1074, %get3A_873 : vector<16xf32>
          %mul3A_1104 = arith.mulf %mul3A_1075, %get3A_903 : vector<16xf32>
          %add3A_1105 = arith.addf %mul3A_1103, %mul3A_1104 : vector<16xf32>
          %mul3A_1106 = arith.mulf %mul3A_1076, %get3A_1018 : vector<16xf32>
          %mul3A_1107 = arith.mulf %mul3A_1077, %get3A_1048 : vector<16xf32>
          %add3A_1108 = arith.addf %mul3A_1106, %mul3A_1107 : vector<16xf32>
          %add3A_1109 = arith.addf %add3A_1105, %add3A_1108 : vector<16xf32>
          %add3A_1110 = arith.constant 32 : i32
          %add3A_1111 = arith.addi %add3A_1080, %add3A_1110 : i32
          %swap3A_1112 = arith.index_cast %add3A_1111 : i32 to index
          %swap3A_1113 = tpu.vector_load %arg17[%swap3A_1112] {strides = array<i32>} : memref<36864xf32, #tpu.memory_space<vmem>>, vector<16xf32>,
          tpu.vector_store %arg17[%swap3A_1112], %add3A_1109 {strides = array<i32>} : memref<36864xf32, #tpu.memory_space<vmem>>, vector<16xf32>,
          %mul3A_1114 = arith.mulf %mul3A_1074, %get3A_878 : vector<16xf32>
          %mul3A_1115 = arith.mulf %mul3A_1075, %get3A_908 : vector<16xf32>
          %add3A_1116 = arith.addf %mul3A_1114, %mul3A_1115 : vector<16xf32>
          %mul3A_1117 = arith.mulf %mul3A_1076, %get3A_1023 : vector<16xf32>
          %mul3A_1118 = arith.mulf %mul3A_1077, %get3A_1053 : vector<16xf32>
          %add3A_1119 = arith.addf %mul3A_1117, %mul3A_1118 : vector<16xf32>
          %add3A_1120 = arith.addf %add3A_1116, %add3A_1119 : vector<16xf32>
          %add3A_1121 = arith.constant 48 : i32
          %add3A_1122 = arith.addi %add3A_1080, %add3A_1121 : i32
          %swap3A_1123 = arith.index_cast %add3A_1122 : i32 to index
          %swap3A_1124 = tpu.vector_load %arg17[%swap3A_1123] {strides = array<i32>} : memref<36864xf32, #tpu.memory_space<vmem>>, vector<16xf32>,
          tpu.vector_store %arg17[%swap3A_1123], %add3A_1120 {strides = array<i32>} : memref<36864xf32, #tpu.memory_space<vmem>>, vector<16xf32>,
          %mul3A_1125 = arith.mulf %mul3A_1074, %get3A_883 : vector<16xf32>
          %mul3A_1126 = arith.mulf %mul3A_1075, %get3A_913 : vector<16xf32>
          %add3A_1127 = arith.addf %mul3A_1125, %mul3A_1126 : vector<16xf32>
          %mul3A_1128 = arith.mulf %mul3A_1076, %get3A_1028 : vector<16xf32>
          %mul3A_1129 = arith.mulf %mul3A_1077, %get3A_1058 : vector<16xf32>
          %add3A_1130 = arith.addf %mul3A_1128, %mul3A_1129 : vector<16xf32>
          %add3A_1131 = arith.addf %add3A_1127, %add3A_1130 : vector<16xf32>
          %add3A_1132 = arith.constant 64 : i32
          %add3A_1133 = arith.addi %add3A_1080, %add3A_1132 : i32
          %swap3A_1134 = arith.index_cast %add3A_1133 : i32 to index
          %swap3A_1135 = tpu.vector_load %arg17[%swap3A_1134] {strides = array<i32>} : memref<36864xf32, #tpu.memory_space<vmem>>, vector<16xf32>,
          tpu.vector_store %arg17[%swap3A_1134], %add3A_1131 {strides = array<i32>} : memref<36864xf32, #tpu.memory_space<vmem>>, vector<16xf32>,
          %mul3A_1136 = arith.mulf %mul3A_1074, %get3A_888 : vector<16xf32>
          %mul3A_1137 = arith.mulf %mul3A_1075, %get3A_918 : vector<16xf32>
          %add3A_1138 = arith.addf %mul3A_1136, %mul3A_1137 : vector<16xf32>
          %mul3A_1139 = arith.mulf %mul3A_1076, %get3A_1033 : vector<16xf32>
          %mul3A_1140 = arith.mulf %mul3A_1077, %get3A_1063 : vector<16xf32>
          %add3A_1141 = arith.addf %mul3A_1139, %mul3A_1140 : vector<16xf32>
          %add3A_1142 = arith.addf %add3A_1138, %add3A_1141 : vector<16xf32>
          %add3A_1143 = arith.constant 80 : i32
          %add3A_1144 = arith.addi %add3A_1080, %add3A_1143 : i32
          %swap3A_1145 = arith.index_cast %add3A_1144 : i32 to index
          %swap3A_1146 = tpu.vector_load %arg17[%swap3A_1145] {strides = array<i32>} : memref<36864xf32, #tpu.memory_space<vmem>>, vector<16xf32>,
          tpu.vector_store %arg17[%swap3A_1145], %add3A_1142 {strides = array<i32>} : memref<36864xf32, #tpu.memory_space<vmem>>, vector<16xf32>,
          %add3A_1147 = arith.constant 672 : i32
          %add3A_1148 = arith.addi %mul3A_217, %add3A_1147 : i32
          %add3A_1149 = arith.addi %mul3A_114, %add3A_1148 : i32
          %add3A_1150 = arith.constant 0 : i32
          %add3A_1151 = arith.addi %add3A_1149, %add3A_1150 : i32
          %get3A_1152 = arith.index_cast %add3A_1151 : i32 to index
          %get3A_1153 = tpu.vector_load %arg16[%get3A_1152] {strides = array<i32>} : memref<74496xf32, #tpu.memory_space<vmem>>, vector<16xf32>,
          %add3A_1154 = arith.addi %mul3A_114, %add3A_1148 : i32
          %add3A_1155 = arith.constant 16 : i32
          %add3A_1156 = arith.addi %add3A_1154, %add3A_1155 : i32
          %get3A_1157 = arith.index_cast %add3A_1156 : i32 to index
          %get3A_1158 = tpu.vector_load %arg16[%get3A_1157] {strides = array<i32>} : memref<74496xf32, #tpu.memory_space<vmem>>, vector<16xf32>,
          %add3A_1159 = arith.addi %mul3A_114, %add3A_1148 : i32
          %add3A_1160 = arith.constant 32 : i32
          %add3A_1161 = arith.addi %add3A_1159, %add3A_1160 : i32
          %get3A_1162 = arith.index_cast %add3A_1161 : i32 to index
          %get3A_1163 = tpu.vector_load %arg16[%get3A_1162] {strides = array<i32>} : memref<74496xf32, #tpu.memory_space<vmem>>, vector<16xf32>,
          %add3A_1164 = arith.addi %mul3A_114, %add3A_1148 : i32
          %add3A_1165 = arith.constant 48 : i32
          %add3A_1166 = arith.addi %add3A_1164, %add3A_1165 : i32
          %get3A_1167 = arith.index_cast %add3A_1166 : i32 to index
          %get3A_1168 = tpu.vector_load %arg16[%get3A_1167] {strides = array<i32>} : memref<74496xf32, #tpu.memory_space<vmem>>, vector<16xf32>,
          %add3A_1169 = arith.addi %mul3A_114, %add3A_1148 : i32
          %add3A_1170 = arith.constant 64 : i32
          %add3A_1171 = arith.addi %add3A_1169, %add3A_1170 : i32
          %get3A_1172 = arith.index_cast %add3A_1171 : i32 to index
          %get3A_1173 = tpu.vector_load %arg16[%get3A_1172] {strides = array<i32>} : memref<74496xf32, #tpu.memory_space<vmem>>, vector<16xf32>,
          %add3A_1174 = arith.addi %mul3A_114, %add3A_1148 : i32
          %add3A_1175 = arith.constant 80 : i32
          %add3A_1176 = arith.addi %add3A_1174, %add3A_1175 : i32
          %get3A_1177 = arith.index_cast %add3A_1176 : i32 to index
          %get3A_1178 = tpu.vector_load %arg16[%get3A_1177] {strides = array<i32>} : memref<74496xf32, #tpu.memory_space<vmem>>, vector<16xf32>,
          %add3A_1179 = arith.addi %mul3A_134, %add3A_1148 : i32
          %add3A_1180 = arith.constant 0 : i32
          %add3A_1181 = arith.addi %add3A_1179, %add3A_1180 : i32
          %get3A_1182 = arith.index_cast %add3A_1181 : i32 to index
          %get3A_1183 = tpu.vector_load %arg16[%get3A_1182] {strides = array<i32>} : memref<74496xf32, #tpu.memory_space<vmem>>, vector<16xf32>,
          %add3A_1184 = arith.addi %mul3A_134, %add3A_1148 : i32
          %add3A_1185 = arith.constant 16 : i32
          %add3A_1186 = arith.addi %add3A_1184, %add3A_1185 : i32
          %get3A_1187 = arith.index_cast %add3A_1186 : i32 to index
          %get3A_1188 = tpu.vector_load %arg16[%get3A_1187] {strides = array<i32>} : memref<74496xf32, #tpu.memory_space<vmem>>, vector<16xf32>,
          %add3A_1189 = arith.addi %mul3A_134, %add3A_1148 : i32
          %add3A_1190 = arith.constant 32 : i32
          %add3A_1191 = arith.addi %add3A_1189, %add3A_1190 : i32
          %get3A_1192 = arith.index_cast %add3A_1191 : i32 to index
          %get3A_1193 = tpu.vector_load %arg16[%get3A_1192] {strides = array<i32>} : memref<74496xf32, #tpu.memory_space<vmem>>, vector<16xf32>,
          %add3A_1194 = arith.addi %mul3A_134, %add3A_1148 : i32
          %add3A_1195 = arith.constant 48 : i32
          %add3A_1196 = arith.addi %add3A_1194, %add3A_1195 : i32
          %get3A_1197 = arith.index_cast %add3A_1196 : i32 to index
          %get3A_1198 = tpu.vector_load %arg16[%get3A_1197] {strides = array<i32>} : memref<74496xf32, #tpu.memory_space<vmem>>, vector<16xf32>,
          %add3A_1199 = arith.addi %mul3A_134, %add3A_1148 : i32
          %add3A_1200 = arith.constant 64 : i32
          %add3A_1201 = arith.addi %add3A_1199, %add3A_1200 : i32
          %get3A_1202 = arith.index_cast %add3A_1201 : i32 to index
          %get3A_1203 = tpu.vector_load %arg16[%get3A_1202] {strides = array<i32>} : memref<74496xf32, #tpu.memory_space<vmem>>, vector<16xf32>,
          %add3A_1204 = arith.addi %mul3A_134, %add3A_1148 : i32
          %add3A_1205 = arith.constant 80 : i32
          %add3A_1206 = arith.addi %add3A_1204, %add3A_1205 : i32
          %get3A_1207 = arith.index_cast %add3A_1206 : i32 to index
          %get3A_1208 = tpu.vector_load %arg16[%get3A_1207] {strides = array<i32>} : memref<74496xf32, #tpu.memory_space<vmem>>, vector<16xf32>,
          %add3A_1209 = arith.constant 6 : i32
          %add3A_1210 = arith.addi %add3A_214, %add3A_1209 : i32
          %mul3A_1211 = arith.constant 16 : i32
          %mul3A_1212 = arith.muli %add3A_1210, %mul3A_1211 : i32
          %get3A_1213 = arith.index_cast %mul3A_1212 : i32 to index
          %get3A_1214 = tpu.vector_load %arg11[%get3A_1213] {strides = array<i32>} : memref<3072xf32, #tpu.memory_space<vmem>>, vector<16xf32>,
          %mul3A_1215 = arith.constant 16 : i32
          %mul3A_1216 = arith.muli %add3A_1210, %mul3A_1215 : i32
          %get3A_1217 = arith.index_cast %mul3A_1216 : i32 to index
          %get3A_1218 = tpu.vector_load %arg12[%get3A_1217] {strides = array<i32>} : memref<3072xf32, #tpu.memory_space<vmem>>, vector<16xf32>,
          %mul3A_1219 = arith.mulf %broadcast_in_dim3A, %get3A_1214 : vector<16xf32>
          %mul3A_1220 = arith.mulf %broadcast_in_dim3A_143, %get3A_1214 : vector<16xf32>
          %mul3A_1221 = arith.mulf %broadcast_in_dim3A, %get3A_1218 : vector<16xf32>
          %mul3A_1222 = arith.mulf %broadcast_in_dim3A_143, %get3A_1218 : vector<16xf32>
          %mul3A_1223 = arith.constant 96 : i32
          %mul3A_1224 = arith.muli %add3A_1210, %mul3A_1223 : i32
          %add3A_1225 = arith.addi %mul3A_166, %mul3A_1224 : i32
          %mul3A_1226 = arith.mulf %mul3A_1219, %get3A_1008 : vector<16xf32>
          %mul3A_1227 = arith.mulf %mul3A_1220, %get3A_1038 : vector<16xf32>
          %add3A_1228 = arith.addf %mul3A_1226, %mul3A_1227 : vector<16xf32>
          %mul3A_1229 = arith.mulf %mul3A_1221, %get3A_1153 : vector<16xf32>
          %mul3A_1230 = arith.mulf %mul3A_1222, %get3A_1183 : vector<16xf32>
          %add3A_1231 = arith.addf %mul3A_1229, %mul3A_1230 : vector<16xf32>
          %add3A_1232 = arith.addf %add3A_1228, %add3A_1231 : vector<16xf32>
          %add3A_1233 = arith.constant 0 : i32
          %add3A_1234 = arith.addi %add3A_1225, %add3A_1233 : i32
          %swap3A_1235 = arith.index_cast %add3A_1234 : i32 to index
          %swap3A_1236 = tpu.vector_load %arg17[%swap3A_1235] {strides = array<i32>} : memref<36864xf32, #tpu.memory_space<vmem>>, vector<16xf32>,
          tpu.vector_store %arg17[%swap3A_1235], %add3A_1232 {strides = array<i32>} : memref<36864xf32, #tpu.memory_space<vmem>>, vector<16xf32>,
          %mul3A_1237 = arith.mulf %mul3A_1219, %get3A_1013 : vector<16xf32>
          %mul3A_1238 = arith.mulf %mul3A_1220, %get3A_1043 : vector<16xf32>
          %add3A_1239 = arith.addf %mul3A_1237, %mul3A_1238 : vector<16xf32>
          %mul3A_1240 = arith.mulf %mul3A_1221, %get3A_1158 : vector<16xf32>
          %mul3A_1241 = arith.mulf %mul3A_1222, %get3A_1188 : vector<16xf32>
          %add3A_1242 = arith.addf %mul3A_1240, %mul3A_1241 : vector<16xf32>
          %add3A_1243 = arith.addf %add3A_1239, %add3A_1242 : vector<16xf32>
          %add3A_1244 = arith.constant 16 : i32
          %add3A_1245 = arith.addi %add3A_1225, %add3A_1244 : i32
          %swap3A_1246 = arith.index_cast %add3A_1245 : i32 to index
          %swap3A_1247 = tpu.vector_load %arg17[%swap3A_1246] {strides = array<i32>} : memref<36864xf32, #tpu.memory_space<vmem>>, vector<16xf32>,
          tpu.vector_store %arg17[%swap3A_1246], %add3A_1243 {strides = array<i32>} : memref<36864xf32, #tpu.memory_space<vmem>>, vector<16xf32>,
          %mul3A_1248 = arith.mulf %mul3A_1219, %get3A_1018 : vector<16xf32>
          %mul3A_1249 = arith.mulf %mul3A_1220, %get3A_1048 : vector<16xf32>
          %add3A_1250 = arith.addf %mul3A_1248, %mul3A_1249 : vector<16xf32>
          %mul3A_1251 = arith.mulf %mul3A_1221, %get3A_1163 : vector<16xf32>
          %mul3A_1252 = arith.mulf %mul3A_1222, %get3A_1193 : vector<16xf32>
          %add3A_1253 = arith.addf %mul3A_1251, %mul3A_1252 : vector<16xf32>
          %add3A_1254 = arith.addf %add3A_1250, %add3A_1253 : vector<16xf32>
          %add3A_1255 = arith.constant 32 : i32
          %add3A_1256 = arith.addi %add3A_1225, %add3A_1255 : i32
          %swap3A_1257 = arith.index_cast %add3A_1256 : i32 to index
          %swap3A_1258 = tpu.vector_load %arg17[%swap3A_1257] {strides = array<i32>} : memref<36864xf32, #tpu.memory_space<vmem>>, vector<16xf32>,
          tpu.vector_store %arg17[%swap3A_1257], %add3A_1254 {strides = array<i32>} : memref<36864xf32, #tpu.memory_space<vmem>>, vector<16xf32>,
          %mul3A_1259 = arith.mulf %mul3A_1219, %get3A_1023 : vector<16xf32>
          %mul3A_1260 = arith.mulf %mul3A_1220, %get3A_1053 : vector<16xf32>
          %add3A_1261 = arith.addf %mul3A_1259, %mul3A_1260 : vector<16xf32>
          %mul3A_1262 = arith.mulf %mul3A_1221, %get3A_1168 : vector<16xf32>
          %mul3A_1263 = arith.mulf %mul3A_1222, %get3A_1198 : vector<16xf32>
          %add3A_1264 = arith.addf %mul3A_1262, %mul3A_1263 : vector<16xf32>
          %add3A_1265 = arith.addf %add3A_1261, %add3A_1264 : vector<16xf32>
          %add3A_1266 = arith.constant 48 : i32
          %add3A_1267 = arith.addi %add3A_1225, %add3A_1266 : i32
          %swap3A_1268 = arith.index_cast %add3A_1267 : i32 to index
          %swap3A_1269 = tpu.vector_load %arg17[%swap3A_1268] {strides = array<i32>} : memref<36864xf32, #tpu.memory_space<vmem>>, vector<16xf32>,
          tpu.vector_store %arg17[%swap3A_1268], %add3A_1265 {strides = array<i32>} : memref<36864xf32, #tpu.memory_space<vmem>>, vector<16xf32>,
          %mul3A_1270 = arith.mulf %mul3A_1219, %get3A_1028 : vector<16xf32>
          %mul3A_1271 = arith.mulf %mul3A_1220, %get3A_1058 : vector<16xf32>
          %add3A_1272 = arith.addf %mul3A_1270, %mul3A_1271 : vector<16xf32>
          %mul3A_1273 = arith.mulf %mul3A_1221, %get3A_1173 : vector<16xf32>
          %mul3A_1274 = arith.mulf %mul3A_1222, %get3A_1203 : vector<16xf32>
          %add3A_1275 = arith.addf %mul3A_1273, %mul3A_1274 : vector<16xf32>
          %add3A_1276 = arith.addf %add3A_1272, %add3A_1275 : vector<16xf32>
          %add3A_1277 = arith.constant 64 : i32
          %add3A_1278 = arith.addi %add3A_1225, %add3A_1277 : i32
          %swap3A_1279 = arith.index_cast %add3A_1278 : i32 to index
          %swap3A_1280 = tpu.vector_load %arg17[%swap3A_1279] {strides = array<i32>} : memref<36864xf32, #tpu.memory_space<vmem>>, vector<16xf32>,
          tpu.vector_store %arg17[%swap3A_1279], %add3A_1276 {strides = array<i32>} : memref<36864xf32, #tpu.memory_space<vmem>>, vector<16xf32>,
          %mul3A_1281 = arith.mulf %mul3A_1219, %get3A_1033 : vector<16xf32>
          %mul3A_1282 = arith.mulf %mul3A_1220, %get3A_1063 : vector<16xf32>
          %add3A_1283 = arith.addf %mul3A_1281, %mul3A_1282 : vector<16xf32>
          %mul3A_1284 = arith.mulf %mul3A_1221, %get3A_1178 : vector<16xf32>
          %mul3A_1285 = arith.mulf %mul3A_1222, %get3A_1208 : vector<16xf32>
          %add3A_1286 = arith.addf %mul3A_1284, %mul3A_1285 : vector<16xf32>
          %add3A_1287 = arith.addf %add3A_1283, %add3A_1286 : vector<16xf32>
          %add3A_1288 = arith.constant 80 : i32
          %add3A_1289 = arith.addi %add3A_1225, %add3A_1288 : i32
          %swap3A_1290 = arith.index_cast %add3A_1289 : i32 to index
          %swap3A_1291 = tpu.vector_load %arg17[%swap3A_1290] {strides = array<i32>} : memref<36864xf32, #tpu.memory_space<vmem>>, vector<16xf32>,
          tpu.vector_store %arg17[%swap3A_1290], %add3A_1287 {strides = array<i32>} : memref<36864xf32, #tpu.memory_space<vmem>>, vector<16xf32>,
          %add3A_1292 = arith.constant 768 : i32
          %add3A_1293 = arith.addi %mul3A_217, %add3A_1292 : i32
          %add3A_1294 = arith.addi %mul3A_114, %add3A_1293 : i32
          %add3A_1295 = arith.constant 0 : i32
          %add3A_1296 = arith.addi %add3A_1294, %add3A_1295 : i32
          %get3A_1297 = arith.index_cast %add3A_1296 : i32 to index
          %get3A_1298 = tpu.vector_load %arg16[%get3A_1297] {strides = array<i32>} : memref<74496xf32, #tpu.memory_space<vmem>>, vector<16xf32>,
          %add3A_1299 = arith.addi %mul3A_114, %add3A_1293 : i32
          %add3A_1300 = arith.constant 16 : i32
          %add3A_1301 = arith.addi %add3A_1299, %add3A_1300 : i32
          %get3A_1302 = arith.index_cast %add3A_1301 : i32 to index
          %get3A_1303 = tpu.vector_load %arg16[%get3A_1302] {strides = array<i32>} : memref<74496xf32, #tpu.memory_space<vmem>>, vector<16xf32>,
          %add3A_1304 = arith.addi %mul3A_114, %add3A_1293 : i32
          %add3A_1305 = arith.constant 32 : i32
          %add3A_1306 = arith.addi %add3A_1304, %add3A_1305 : i32
          %get3A_1307 = arith.index_cast %add3A_1306 : i32 to index
          %get3A_1308 = tpu.vector_load %arg16[%get3A_1307] {strides = array<i32>} : memref<74496xf32, #tpu.memory_space<vmem>>, vector<16xf32>,
          %add3A_1309 = arith.addi %mul3A_114, %add3A_1293 : i32
          %add3A_1310 = arith.constant 48 : i32
          %add3A_1311 = arith.addi %add3A_1309, %add3A_1310 : i32
          %get3A_1312 = arith.index_cast %add3A_1311 : i32 to index
          %get3A_1313 = tpu.vector_load %arg16[%get3A_1312] {strides = array<i32>} : memref<74496xf32, #tpu.memory_space<vmem>>, vector<16xf32>,
          %add3A_1314 = arith.addi %mul3A_114, %add3A_1293 : i32
          %add3A_1315 = arith.constant 64 : i32
          %add3A_1316 = arith.addi %add3A_1314, %add3A_1315 : i32
          %get3A_1317 = arith.index_cast %add3A_1316 : i32 to index
          %get3A_1318 = tpu.vector_load %arg16[%get3A_1317] {strides = array<i32>} : memref<74496xf32, #tpu.memory_space<vmem>>, vector<16xf32>,
          %add3A_1319 = arith.addi %mul3A_114, %add3A_1293 : i32
          %add3A_1320 = arith.constant 80 : i32
          %add3A_1321 = arith.addi %add3A_1319, %add3A_1320 : i32
          %get3A_1322 = arith.index_cast %add3A_1321 : i32 to index
          %get3A_1323 = tpu.vector_load %arg16[%get3A_1322] {strides = array<i32>} : memref<74496xf32, #tpu.memory_space<vmem>>, vector<16xf32>,
          %add3A_1324 = arith.addi %mul3A_134, %add3A_1293 : i32
          %add3A_1325 = arith.constant 0 : i32
          %add3A_1326 = arith.addi %add3A_1324, %add3A_1325 : i32
          %get3A_1327 = arith.index_cast %add3A_1326 : i32 to index
          %get3A_1328 = tpu.vector_load %arg16[%get3A_1327] {strides = array<i32>} : memref<74496xf32, #tpu.memory_space<vmem>>, vector<16xf32>,
          %add3A_1329 = arith.addi %mul3A_134, %add3A_1293 : i32
          %add3A_1330 = arith.constant 16 : i32
          %add3A_1331 = arith.addi %add3A_1329, %add3A_1330 : i32
          %get3A_1332 = arith.index_cast %add3A_1331 : i32 to index
          %get3A_1333 = tpu.vector_load %arg16[%get3A_1332] {strides = array<i32>} : memref<74496xf32, #tpu.memory_space<vmem>>, vector<16xf32>,
          %add3A_1334 = arith.addi %mul3A_134, %add3A_1293 : i32
          %add3A_1335 = arith.constant 32 : i32
          %add3A_1336 = arith.addi %add3A_1334, %add3A_1335 : i32
          %get3A_1337 = arith.index_cast %add3A_1336 : i32 to index
          %get3A_1338 = tpu.vector_load %arg16[%get3A_1337] {strides = array<i32>} : memref<74496xf32, #tpu.memory_space<vmem>>, vector<16xf32>,
          %add3A_1339 = arith.addi %mul3A_134, %add3A_1293 : i32
          %add3A_1340 = arith.constant 48 : i32
          %add3A_1341 = arith.addi %add3A_1339, %add3A_1340 : i32
          %get3A_1342 = arith.index_cast %add3A_1341 : i32 to index
          %get3A_1343 = tpu.vector_load %arg16[%get3A_1342] {strides = array<i32>} : memref<74496xf32, #tpu.memory_space<vmem>>, vector<16xf32>,
          %add3A_1344 = arith.addi %mul3A_134, %add3A_1293 : i32
          %add3A_1345 = arith.constant 64 : i32
          %add3A_1346 = arith.addi %add3A_1344, %add3A_1345 : i32
          %get3A_1347 = arith.index_cast %add3A_1346 : i32 to index
          %get3A_1348 = tpu.vector_load %arg16[%get3A_1347] {strides = array<i32>} : memref<74496xf32, #tpu.memory_space<vmem>>, vector<16xf32>,
          %add3A_1349 = arith.addi %mul3A_134, %add3A_1293 : i32
          %add3A_1350 = arith.constant 80 : i32
          %add3A_1351 = arith.addi %add3A_1349, %add3A_1350 : i32
          %get3A_1352 = arith.index_cast %add3A_1351 : i32 to index
          %get3A_1353 = tpu.vector_load %arg16[%get3A_1352] {strides = array<i32>} : memref<74496xf32, #tpu.memory_space<vmem>>, vector<16xf32>,
          %add3A_1354 = arith.constant 7 : i32
          %add3A_1355 = arith.addi %add3A_214, %add3A_1354 : i32
          %mul3A_1356 = arith.constant 16 : i32
          %mul3A_1357 = arith.muli %add3A_1355, %mul3A_1356 : i32
          %get3A_1358 = arith.index_cast %mul3A_1357 : i32 to index
          %get3A_1359 = tpu.vector_load %arg11[%get3A_1358] {strides = array<i32>} : memref<3072xf32, #tpu.memory_space<vmem>>, vector<16xf32>,
          %mul3A_1360 = arith.constant 16 : i32
          %mul3A_1361 = arith.muli %add3A_1355, %mul3A_1360 : i32
          %get3A_1362 = arith.index_cast %mul3A_1361 : i32 to index
          %get3A_1363 = tpu.vector_load %arg12[%get3A_1362] {strides = array<i32>} : memref<3072xf32, #tpu.memory_space<vmem>>, vector<16xf32>,
          %mul3A_1364 = arith.mulf %broadcast_in_dim3A, %get3A_1359 : vector<16xf32>
          %mul3A_1365 = arith.mulf %broadcast_in_dim3A_143, %get3A_1359 : vector<16xf32>
          %mul3A_1366 = arith.mulf %broadcast_in_dim3A, %get3A_1363 : vector<16xf32>
          %mul3A_1367 = arith.mulf %broadcast_in_dim3A_143, %get3A_1363 : vector<16xf32>
          %mul3A_1368 = arith.constant 96 : i32
          %mul3A_1369 = arith.muli %add3A_1355, %mul3A_1368 : i32
          %add3A_1370 = arith.addi %mul3A_166, %mul3A_1369 : i32
          %mul3A_1371 = arith.mulf %mul3A_1364, %get3A_1153 : vector<16xf32>
          %mul3A_1372 = arith.mulf %mul3A_1365, %get3A_1183 : vector<16xf32>
          %add3A_1373 = arith.addf %mul3A_1371, %mul3A_1372 : vector<16xf32>
          %mul3A_1374 = arith.mulf %mul3A_1366, %get3A_1298 : vector<16xf32>
          %mul3A_1375 = arith.mulf %mul3A_1367, %get3A_1328 : vector<16xf32>
          %add3A_1376 = arith.addf %mul3A_1374, %mul3A_1375 : vector<16xf32>
          %add3A_1377 = arith.addf %add3A_1373, %add3A_1376 : vector<16xf32>
          %add3A_1378 = arith.constant 0 : i32
          %add3A_1379 = arith.addi %add3A_1370, %add3A_1378 : i32
          %swap3A_1380 = arith.index_cast %add3A_1379 : i32 to index
          %swap3A_1381 = tpu.vector_load %arg17[%swap3A_1380] {strides = array<i32>} : memref<36864xf32, #tpu.memory_space<vmem>>, vector<16xf32>,
          tpu.vector_store %arg17[%swap3A_1380], %add3A_1377 {strides = array<i32>} : memref<36864xf32, #tpu.memory_space<vmem>>, vector<16xf32>,
          %mul3A_1382 = arith.mulf %mul3A_1364, %get3A_1158 : vector<16xf32>
          %mul3A_1383 = arith.mulf %mul3A_1365, %get3A_1188 : vector<16xf32>
          %add3A_1384 = arith.addf %mul3A_1382, %mul3A_1383 : vector<16xf32>
          %mul3A_1385 = arith.mulf %mul3A_1366, %get3A_1303 : vector<16xf32>
          %mul3A_1386 = arith.mulf %mul3A_1367, %get3A_1333 : vector<16xf32>
          %add3A_1387 = arith.addf %mul3A_1385, %mul3A_1386 : vector<16xf32>
          %add3A_1388 = arith.addf %add3A_1384, %add3A_1387 : vector<16xf32>
          %add3A_1389 = arith.constant 16 : i32
          %add3A_1390 = arith.addi %add3A_1370, %add3A_1389 : i32
          %swap3A_1391 = arith.index_cast %add3A_1390 : i32 to index
          %swap3A_1392 = tpu.vector_load %arg17[%swap3A_1391] {strides = array<i32>} : memref<36864xf32, #tpu.memory_space<vmem>>, vector<16xf32>,
          tpu.vector_store %arg17[%swap3A_1391], %add3A_1388 {strides = array<i32>} : memref<36864xf32, #tpu.memory_space<vmem>>, vector<16xf32>,
          %mul3A_1393 = arith.mulf %mul3A_1364, %get3A_1163 : vector<16xf32>
          %mul3A_1394 = arith.mulf %mul3A_1365, %get3A_1193 : vector<16xf32>
          %add3A_1395 = arith.addf %mul3A_1393, %mul3A_1394 : vector<16xf32>
          %mul3A_1396 = arith.mulf %mul3A_1366, %get3A_1308 : vector<16xf32>
          %mul3A_1397 = arith.mulf %mul3A_1367, %get3A_1338 : vector<16xf32>
          %add3A_1398 = arith.addf %mul3A_1396, %mul3A_1397 : vector<16xf32>
          %add3A_1399 = arith.addf %add3A_1395, %add3A_1398 : vector<16xf32>
          %add3A_1400 = arith.constant 32 : i32
          %add3A_1401 = arith.addi %add3A_1370, %add3A_1400 : i32
          %swap3A_1402 = arith.index_cast %add3A_1401 : i32 to index
          %swap3A_1403 = tpu.vector_load %arg17[%swap3A_1402] {strides = array<i32>} : memref<36864xf32, #tpu.memory_space<vmem>>, vector<16xf32>,
          tpu.vector_store %arg17[%swap3A_1402], %add3A_1399 {strides = array<i32>} : memref<36864xf32, #tpu.memory_space<vmem>>, vector<16xf32>,
          %mul3A_1404 = arith.mulf %mul3A_1364, %get3A_1168 : vector<16xf32>
          %mul3A_1405 = arith.mulf %mul3A_1365, %get3A_1198 : vector<16xf32>
          %add3A_1406 = arith.addf %mul3A_1404, %mul3A_1405 : vector<16xf32>
          %mul3A_1407 = arith.mulf %mul3A_1366, %get3A_1313 : vector<16xf32>
          %mul3A_1408 = arith.mulf %mul3A_1367, %get3A_1343 : vector<16xf32>
          %add3A_1409 = arith.addf %mul3A_1407, %mul3A_1408 : vector<16xf32>
          %add3A_1410 = arith.addf %add3A_1406, %add3A_1409 : vector<16xf32>
          %add3A_1411 = arith.constant 48 : i32
          %add3A_1412 = arith.addi %add3A_1370, %add3A_1411 : i32
          %swap3A_1413 = arith.index_cast %add3A_1412 : i32 to index
          %swap3A_1414 = tpu.vector_load %arg17[%swap3A_1413] {strides = array<i32>} : memref<36864xf32, #tpu.memory_space<vmem>>, vector<16xf32>,
          tpu.vector_store %arg17[%swap3A_1413], %add3A_1410 {strides = array<i32>} : memref<36864xf32, #tpu.memory_space<vmem>>, vector<16xf32>,
          %mul3A_1415 = arith.mulf %mul3A_1364, %get3A_1173 : vector<16xf32>
          %mul3A_1416 = arith.mulf %mul3A_1365, %get3A_1203 : vector<16xf32>
          %add3A_1417 = arith.addf %mul3A_1415, %mul3A_1416 : vector<16xf32>
          %mul3A_1418 = arith.mulf %mul3A_1366, %get3A_1318 : vector<16xf32>
          %mul3A_1419 = arith.mulf %mul3A_1367, %get3A_1348 : vector<16xf32>
          %add3A_1420 = arith.addf %mul3A_1418, %mul3A_1419 : vector<16xf32>
          %add3A_1421 = arith.addf %add3A_1417, %add3A_1420 : vector<16xf32>
          %add3A_1422 = arith.constant 64 : i32
          %add3A_1423 = arith.addi %add3A_1370, %add3A_1422 : i32
          %swap3A_1424 = arith.index_cast %add3A_1423 : i32 to index
          %swap3A_1425 = tpu.vector_load %arg17[%swap3A_1424] {strides = array<i32>} : memref<36864xf32, #tpu.memory_space<vmem>>, vector<16xf32>,
          tpu.vector_store %arg17[%swap3A_1424], %add3A_1421 {strides = array<i32>} : memref<36864xf32, #tpu.memory_space<vmem>>, vector<16xf32>,
          %mul3A_1426 = arith.mulf %mul3A_1364, %get3A_1178 : vector<16xf32>
          %mul3A_1427 = arith.mulf %mul3A_1365, %get3A_1208 : vector<16xf32>
          %add3A_1428 = arith.addf %mul3A_1426, %mul3A_1427 : vector<16xf32>
          %mul3A_1429 = arith.mulf %mul3A_1366, %get3A_1323 : vector<16xf32>
          %mul3A_1430 = arith.mulf %mul3A_1367, %get3A_1353 : vector<16xf32>
          %add3A_1431 = arith.addf %mul3A_1429, %mul3A_1430 : vector<16xf32>
          %add3A_1432 = arith.addf %add3A_1428, %add3A_1431 : vector<16xf32>
          %add3A_1433 = arith.constant 80 : i32
          %add3A_1434 = arith.addi %add3A_1370, %add3A_1433 : i32
          %swap3A_1435 = arith.index_cast %add3A_1434 : i32 to index
          %swap3A_1436 = tpu.vector_load %arg17[%swap3A_1435] {strides = array<i32>} : memref<36864xf32, #tpu.memory_space<vmem>>, vector<16xf32>,
          tpu.vector_store %arg17[%swap3A_1435], %add3A_1432 {strides = array<i32>} : memref<36864xf32, #tpu.memory_space<vmem>>, vector<16xf32>,
        }
        %while3A_187 = arith.constant 0 : i32
        %while3A_188 = arith.constant 192 : i32
        %while3A_189 = arith.subi %while3A_188, %squeeze3A_70 : i32
        %while3A_190 = arith.addi %squeeze3A_70, %while3A_189 : i32
        %while3A_191 = arith.constant 1 : i32
        %while3A_192 = arith.divsi %while3A_189, %while3A_191 : i32
        %while3A_193 = arith.muli %while3A_192, %while3A_191 : i32
        %while3A_194 = arith.addi %squeeze3A_70, %while3A_193 : i32
        %while3A_195 = arith.constant 1 : i32
        scf.for %while3A_211 = %squeeze3A_70 to %while3A_194 step %while3A_195  : i32 {
          %add3A_212 = arith.addi %while3A_211, %squeeze3A_60 : i32
          %max3A = arith.maxsi %add3A_212, %squeeze3A_62 : i32
          %min3A_213 = arith.minsi %max3A, %squeeze3A_64 : i32
          %mul3A_214 = arith.constant 96 : i32
          %mul3A_215 = arith.muli %min3A_213, %mul3A_214 : i32
          %mul3A_216 = arith.constant 16 : i32
          %mul3A_217 = arith.muli %while3A_211, %mul3A_216 : i32
          %get3A_218 = arith.index_cast %mul3A_217 : i32 to index
          %get3A_219 = tpu.vector_load %arg11[%get3A_218] {strides = array<i32>} : memref<3072xf32, #tpu.memory_space<vmem>>, vector<16xf32>,
          %mul3A_220 = arith.constant 16 : i32
          %mul3A_221 = arith.muli %while3A_211, %mul3A_220 : i32
          %get3A_222 = arith.index_cast %mul3A_221 : i32 to index
          %get3A_223 = tpu.vector_load %arg12[%get3A_222] {strides = array<i32>} : memref<3072xf32, #tpu.memory_space<vmem>>, vector<16xf32>,
          %mul3A_224 = arith.mulf %broadcast_in_dim3A, %get3A_219 : vector<16xf32>
          %mul3A_225 = arith.mulf %broadcast_in_dim3A_143, %get3A_219 : vector<16xf32>
          %mul3A_226 = arith.mulf %broadcast_in_dim3A, %get3A_223 : vector<16xf32>
          %mul3A_227 = arith.mulf %broadcast_in_dim3A_143, %get3A_223 : vector<16xf32>
          %mul3A_228 = arith.constant 96 : i32
          %mul3A_229 = arith.muli %while3A_211, %mul3A_228 : i32
          %add3A_230 = arith.addi %mul3A_166, %mul3A_229 : i32
          %add3A_231 = arith.addi %mul3A_114, %mul3A_215 : i32
          %add3A_232 = arith.constant 0 : i32
          %add3A_233 = arith.addi %add3A_231, %add3A_232 : i32
          %get3A_234 = arith.index_cast %add3A_233 : i32 to index
          %get3A_235 = tpu.vector_load %arg16[%get3A_234] {strides = array<i32>} : memref<74496xf32, #tpu.memory_space<vmem>>, vector<16xf32>,
          %add3A_236 = arith.addi %mul3A_134, %mul3A_215 : i32
          %add3A_237 = arith.constant 0 : i32
          %add3A_238 = arith.addi %add3A_236, %add3A_237 : i32
          %get3A_239 = arith.index_cast %add3A_238 : i32 to index
          %get3A_240 = tpu.vector_load %arg16[%get3A_239] {strides = array<i32>} : memref<74496xf32, #tpu.memory_space<vmem>>, vector<16xf32>,
          %add3A_241 = arith.addi %mul3A_114, %mul3A_215 : i32
          %add3A_242 = arith.constant 96 : i32
          %add3A_243 = arith.addi %add3A_241, %add3A_242 : i32
          %add3A_244 = arith.constant 0 : i32
          %add3A_245 = arith.addi %add3A_243, %add3A_244 : i32
          %get3A_246 = arith.index_cast %add3A_245 : i32 to index
          %get3A_247 = tpu.vector_load %arg16[%get3A_246] {strides = array<i32>} : memref<74496xf32, #tpu.memory_space<vmem>>, vector<16xf32>,
          %add3A_248 = arith.addi %mul3A_134, %mul3A_215 : i32
          %add3A_249 = arith.constant 96 : i32
          %add3A_250 = arith.addi %add3A_248, %add3A_249 : i32
          %add3A_251 = arith.constant 0 : i32
          %add3A_252 = arith.addi %add3A_250, %add3A_251 : i32
          %get3A_253 = arith.index_cast %add3A_252 : i32 to index
          %get3A_254 = tpu.vector_load %arg16[%get3A_253] {strides = array<i32>} : memref<74496xf32, #tpu.memory_space<vmem>>, vector<16xf32>,
          %mul3A_255 = arith.mulf %mul3A_224, %get3A_235 : vector<16xf32>
          %mul3A_256 = arith.mulf %mul3A_225, %get3A_240 : vector<16xf32>
          %add3A_257 = arith.addf %mul3A_255, %mul3A_256 : vector<16xf32>
          %mul3A_258 = arith.mulf %mul3A_226, %get3A_247 : vector<16xf32>
          %mul3A_259 = arith.mulf %mul3A_227, %get3A_254 : vector<16xf32>
          %add3A_260 = arith.addf %mul3A_258, %mul3A_259 : vector<16xf32>
          %add3A_261 = arith.addf %add3A_257, %add3A_260 : vector<16xf32>
          %add3A_262 = arith.constant 0 : i32
          %add3A_263 = arith.addi %add3A_230, %add3A_262 : i32
          %swap3A = arith.index_cast %add3A_263 : i32 to index
          %swap3A_264 = tpu.vector_load %arg17[%swap3A] {strides = array<i32>} : memref<36864xf32, #tpu.memory_space<vmem>>, vector<16xf32>,
          tpu.vector_store %arg17[%swap3A], %add3A_261 {strides = array<i32>} : memref<36864xf32, #tpu.memory_space<vmem>>, vector<16xf32>,
          %add3A_265 = arith.addi %mul3A_114, %mul3A_215 : i32
          %add3A_266 = arith.constant 16 : i32
          %add3A_267 = arith.addi %add3A_265, %add3A_266 : i32
          %get3A_268 = arith.index_cast %add3A_267 : i32 to index
          %get3A_269 = tpu.vector_load %arg16[%get3A_268] {strides = array<i32>} : memref<74496xf32, #tpu.memory_space<vmem>>, vector<16xf32>,
          %add3A_270 = arith.addi %mul3A_134, %mul3A_215 : i32
          %add3A_271 = arith.constant 16 : i32
          %add3A_272 = arith.addi %add3A_270, %add3A_271 : i32
          %get3A_273 = arith.index_cast %add3A_272 : i32 to index
          %get3A_274 = tpu.vector_load %arg16[%get3A_273] {strides = array<i32>} : memref<74496xf32, #tpu.memory_space<vmem>>, vector<16xf32>,
          %add3A_275 = arith.addi %mul3A_114, %mul3A_215 : i32
          %add3A_276 = arith.constant 96 : i32
          %add3A_277 = arith.addi %add3A_275, %add3A_276 : i32
          %add3A_278 = arith.constant 16 : i32
          %add3A_279 = arith.addi %add3A_277, %add3A_278 : i32
          %get3A_280 = arith.index_cast %add3A_279 : i32 to index
          %get3A_281 = tpu.vector_load %arg16[%get3A_280] {strides = array<i32>} : memref<74496xf32, #tpu.memory_space<vmem>>, vector<16xf32>,
          %add3A_282 = arith.addi %mul3A_134, %mul3A_215 : i32
          %add3A_283 = arith.constant 96 : i32
          %add3A_284 = arith.addi %add3A_282, %add3A_283 : i32
          %add3A_285 = arith.constant 16 : i32
          %add3A_286 = arith.addi %add3A_284, %add3A_285 : i32
          %get3A_287 = arith.index_cast %add3A_286 : i32 to index
          %get3A_288 = tpu.vector_load %arg16[%get3A_287] {strides = array<i32>} : memref<74496xf32, #tpu.memory_space<vmem>>, vector<16xf32>,
          %mul3A_289 = arith.mulf %mul3A_224, %get3A_269 : vector<16xf32>
          %mul3A_290 = arith.mulf %mul3A_225, %get3A_274 : vector<16xf32>
          %add3A_291 = arith.addf %mul3A_289, %mul3A_290 : vector<16xf32>
          %mul3A_292 = arith.mulf %mul3A_226, %get3A_281 : vector<16xf32>
          %mul3A_293 = arith.mulf %mul3A_227, %get3A_288 : vector<16xf32>
          %add3A_294 = arith.addf %mul3A_292, %mul3A_293 : vector<16xf32>
          %add3A_295 = arith.addf %add3A_291, %add3A_294 : vector<16xf32>
          %add3A_296 = arith.constant 16 : i32
          %add3A_297 = arith.addi %add3A_230, %add3A_296 : i32
          %swap3A_298 = arith.index_cast %add3A_297 : i32 to index
          %swap3A_299 = tpu.vector_load %arg17[%swap3A_298] {strides = array<i32>} : memref<36864xf32, #tpu.memory_space<vmem>>, vector<16xf32>,
          tpu.vector_store %arg17[%swap3A_298], %add3A_295 {strides = array<i32>} : memref<36864xf32, #tpu.memory_space<vmem>>, vector<16xf32>,
          %add3A_300 = arith.addi %mul3A_114, %mul3A_215 : i32
          %add3A_301 = arith.constant 32 : i32
          %add3A_302 = arith.addi %add3A_300, %add3A_301 : i32
          %get3A_303 = arith.index_cast %add3A_302 : i32 to index
          %get3A_304 = tpu.vector_load %arg16[%get3A_303] {strides = array<i32>} : memref<74496xf32, #tpu.memory_space<vmem>>, vector<16xf32>,
          %add3A_305 = arith.addi %mul3A_134, %mul3A_215 : i32
          %add3A_306 = arith.constant 32 : i32
          %add3A_307 = arith.addi %add3A_305, %add3A_306 : i32
          %get3A_308 = arith.index_cast %add3A_307 : i32 to index
          %get3A_309 = tpu.vector_load %arg16[%get3A_308] {strides = array<i32>} : memref<74496xf32, #tpu.memory_space<vmem>>, vector<16xf32>,
          %add3A_310 = arith.addi %mul3A_114, %mul3A_215 : i32
          %add3A_311 = arith.constant 96 : i32
          %add3A_312 = arith.addi %add3A_310, %add3A_311 : i32
          %add3A_313 = arith.constant 32 : i32
          %add3A_314 = arith.addi %add3A_312, %add3A_313 : i32
          %get3A_315 = arith.index_cast %add3A_314 : i32 to index
          %get3A_316 = tpu.vector_load %arg16[%get3A_315] {strides = array<i32>} : memref<74496xf32, #tpu.memory_space<vmem>>, vector<16xf32>,
          %add3A_317 = arith.addi %mul3A_134, %mul3A_215 : i32
          %add3A_318 = arith.constant 96 : i32
          %add3A_319 = arith.addi %add3A_317, %add3A_318 : i32
          %add3A_320 = arith.constant 32 : i32
          %add3A_321 = arith.addi %add3A_319, %add3A_320 : i32
          %get3A_322 = arith.index_cast %add3A_321 : i32 to index
          %get3A_323 = tpu.vector_load %arg16[%get3A_322] {strides = array<i32>} : memref<74496xf32, #tpu.memory_space<vmem>>, vector<16xf32>,
          %mul3A_324 = arith.mulf %mul3A_224, %get3A_304 : vector<16xf32>
          %mul3A_325 = arith.mulf %mul3A_225, %get3A_309 : vector<16xf32>
          %add3A_326 = arith.addf %mul3A_324, %mul3A_325 : vector<16xf32>
          %mul3A_327 = arith.mulf %mul3A_226, %get3A_316 : vector<16xf32>
          %mul3A_328 = arith.mulf %mul3A_227, %get3A_323 : vector<16xf32>
          %add3A_329 = arith.addf %mul3A_327, %mul3A_328 : vector<16xf32>
          %add3A_330 = arith.addf %add3A_326, %add3A_329 : vector<16xf32>
          %add3A_331 = arith.constant 32 : i32
          %add3A_332 = arith.addi %add3A_230, %add3A_331 : i32
          %swap3A_333 = arith.index_cast %add3A_332 : i32 to index
          %swap3A_334 = tpu.vector_load %arg17[%swap3A_333] {strides = array<i32>} : memref<36864xf32, #tpu.memory_space<vmem>>, vector<16xf32>,
          tpu.vector_store %arg17[%swap3A_333], %add3A_330 {strides = array<i32>} : memref<36864xf32, #tpu.memory_space<vmem>>, vector<16xf32>,
          %add3A_335 = arith.addi %mul3A_114, %mul3A_215 : i32
          %add3A_336 = arith.constant 48 : i32
          %add3A_337 = arith.addi %add3A_335, %add3A_336 : i32
          %get3A_338 = arith.index_cast %add3A_337 : i32 to index
          %get3A_339 = tpu.vector_load %arg16[%get3A_338] {strides = array<i32>} : memref<74496xf32, #tpu.memory_space<vmem>>, vector<16xf32>,
          %add3A_340 = arith.addi %mul3A_134, %mul3A_215 : i32
          %add3A_341 = arith.constant 48 : i32
          %add3A_342 = arith.addi %add3A_340, %add3A_341 : i32
          %get3A_343 = arith.index_cast %add3A_342 : i32 to index
          %get3A_344 = tpu.vector_load %arg16[%get3A_343] {strides = array<i32>} : memref<74496xf32, #tpu.memory_space<vmem>>, vector<16xf32>,
          %add3A_345 = arith.addi %mul3A_114, %mul3A_215 : i32
          %add3A_346 = arith.constant 96 : i32
          %add3A_347 = arith.addi %add3A_345, %add3A_346 : i32
          %add3A_348 = arith.constant 48 : i32
          %add3A_349 = arith.addi %add3A_347, %add3A_348 : i32
          %get3A_350 = arith.index_cast %add3A_349 : i32 to index
          %get3A_351 = tpu.vector_load %arg16[%get3A_350] {strides = array<i32>} : memref<74496xf32, #tpu.memory_space<vmem>>, vector<16xf32>,
          %add3A_352 = arith.addi %mul3A_134, %mul3A_215 : i32
          %add3A_353 = arith.constant 96 : i32
          %add3A_354 = arith.addi %add3A_352, %add3A_353 : i32
          %add3A_355 = arith.constant 48 : i32
          %add3A_356 = arith.addi %add3A_354, %add3A_355 : i32
          %get3A_357 = arith.index_cast %add3A_356 : i32 to index
          %get3A_358 = tpu.vector_load %arg16[%get3A_357] {strides = array<i32>} : memref<74496xf32, #tpu.memory_space<vmem>>, vector<16xf32>,
          %mul3A_359 = arith.mulf %mul3A_224, %get3A_339 : vector<16xf32>
          %mul3A_360 = arith.mulf %mul3A_225, %get3A_344 : vector<16xf32>
          %add3A_361 = arith.addf %mul3A_359, %mul3A_360 : vector<16xf32>
          %mul3A_362 = arith.mulf %mul3A_226, %get3A_351 : vector<16xf32>
          %mul3A_363 = arith.mulf %mul3A_227, %get3A_358 : vector<16xf32>
          %add3A_364 = arith.addf %mul3A_362, %mul3A_363 : vector<16xf32>
          %add3A_365 = arith.addf %add3A_361, %add3A_364 : vector<16xf32>
          %add3A_366 = arith.constant 48 : i32
          %add3A_367 = arith.addi %add3A_230, %add3A_366 : i32
          %swap3A_368 = arith.index_cast %add3A_367 : i32 to index
          %swap3A_369 = tpu.vector_load %arg17[%swap3A_368] {strides = array<i32>} : memref<36864xf32, #tpu.memory_space<vmem>>, vector<16xf32>,
          tpu.vector_store %arg17[%swap3A_368], %add3A_365 {strides = array<i32>} : memref<36864xf32, #tpu.memory_space<vmem>>, vector<16xf32>,
          %add3A_370 = arith.addi %mul3A_114, %mul3A_215 : i32
          %add3A_371 = arith.constant 64 : i32
          %add3A_372 = arith.addi %add3A_370, %add3A_371 : i32
          %get3A_373 = arith.index_cast %add3A_372 : i32 to index
          %get3A_374 = tpu.vector_load %arg16[%get3A_373] {strides = array<i32>} : memref<74496xf32, #tpu.memory_space<vmem>>, vector<16xf32>,
          %add3A_375 = arith.addi %mul3A_134, %mul3A_215 : i32
          %add3A_376 = arith.constant 64 : i32
          %add3A_377 = arith.addi %add3A_375, %add3A_376 : i32
          %get3A_378 = arith.index_cast %add3A_377 : i32 to index
          %get3A_379 = tpu.vector_load %arg16[%get3A_378] {strides = array<i32>} : memref<74496xf32, #tpu.memory_space<vmem>>, vector<16xf32>,
          %add3A_380 = arith.addi %mul3A_114, %mul3A_215 : i32
          %add3A_381 = arith.constant 96 : i32
          %add3A_382 = arith.addi %add3A_380, %add3A_381 : i32
          %add3A_383 = arith.constant 64 : i32
          %add3A_384 = arith.addi %add3A_382, %add3A_383 : i32
          %get3A_385 = arith.index_cast %add3A_384 : i32 to index
          %get3A_386 = tpu.vector_load %arg16[%get3A_385] {strides = array<i32>} : memref<74496xf32, #tpu.memory_space<vmem>>, vector<16xf32>,
          %add3A_387 = arith.addi %mul3A_134, %mul3A_215 : i32
          %add3A_388 = arith.constant 96 : i32
          %add3A_389 = arith.addi %add3A_387, %add3A_388 : i32
          %add3A_390 = arith.constant 64 : i32
          %add3A_391 = arith.addi %add3A_389, %add3A_390 : i32
          %get3A_392 = arith.index_cast %add3A_391 : i32 to index
          %get3A_393 = tpu.vector_load %arg16[%get3A_392] {strides = array<i32>} : memref<74496xf32, #tpu.memory_space<vmem>>, vector<16xf32>,
          %mul3A_394 = arith.mulf %mul3A_224, %get3A_374 : vector<16xf32>
          %mul3A_395 = arith.mulf %mul3A_225, %get3A_379 : vector<16xf32>
          %add3A_396 = arith.addf %mul3A_394, %mul3A_395 : vector<16xf32>
          %mul3A_397 = arith.mulf %mul3A_226, %get3A_386 : vector<16xf32>
          %mul3A_398 = arith.mulf %mul3A_227, %get3A_393 : vector<16xf32>
          %add3A_399 = arith.addf %mul3A_397, %mul3A_398 : vector<16xf32>
          %add3A_400 = arith.addf %add3A_396, %add3A_399 : vector<16xf32>
          %add3A_401 = arith.constant 64 : i32
          %add3A_402 = arith.addi %add3A_230, %add3A_401 : i32
          %swap3A_403 = arith.index_cast %add3A_402 : i32 to index
          %swap3A_404 = tpu.vector_load %arg17[%swap3A_403] {strides = array<i32>} : memref<36864xf32, #tpu.memory_space<vmem>>, vector<16xf32>,
          tpu.vector_store %arg17[%swap3A_403], %add3A_400 {strides = array<i32>} : memref<36864xf32, #tpu.memory_space<vmem>>, vector<16xf32>,
          %add3A_405 = arith.addi %mul3A_114, %mul3A_215 : i32
          %add3A_406 = arith.constant 80 : i32
          %add3A_407 = arith.addi %add3A_405, %add3A_406 : i32
          %get3A_408 = arith.index_cast %add3A_407 : i32 to index
          %get3A_409 = tpu.vector_load %arg16[%get3A_408] {strides = array<i32>} : memref<74496xf32, #tpu.memory_space<vmem>>, vector<16xf32>,
          %add3A_410 = arith.addi %mul3A_134, %mul3A_215 : i32
          %add3A_411 = arith.constant 80 : i32
          %add3A_412 = arith.addi %add3A_410, %add3A_411 : i32
          %get3A_413 = arith.index_cast %add3A_412 : i32 to index
          %get3A_414 = tpu.vector_load %arg16[%get3A_413] {strides = array<i32>} : memref<74496xf32, #tpu.memory_space<vmem>>, vector<16xf32>,
          %add3A_415 = arith.addi %mul3A_114, %mul3A_215 : i32
          %add3A_416 = arith.constant 96 : i32
          %add3A_417 = arith.addi %add3A_415, %add3A_416 : i32
          %add3A_418 = arith.constant 80 : i32
          %add3A_419 = arith.addi %add3A_417, %add3A_418 : i32
          %get3A_420 = arith.index_cast %add3A_419 : i32 to index
          %get3A_421 = tpu.vector_load %arg16[%get3A_420] {strides = array<i32>} : memref<74496xf32, #tpu.memory_space<vmem>>, vector<16xf32>,
          %add3A_422 = arith.addi %mul3A_134, %mul3A_215 : i32
          %add3A_423 = arith.constant 96 : i32
          %add3A_424 = arith.addi %add3A_422, %add3A_423 : i32
          %add3A_425 = arith.constant 80 : i32
          %add3A_426 = arith.addi %add3A_424, %add3A_425 : i32
          %get3A_427 = arith.index_cast %add3A_426 : i32 to index
          %get3A_428 = tpu.vector_load %arg16[%get3A_427] {strides = array<i32>} : memref<74496xf32, #tpu.memory_space<vmem>>, vector<16xf32>,
          %mul3A_429 = arith.mulf %mul3A_224, %get3A_409 : vector<16xf32>
          %mul3A_430 = arith.mulf %mul3A_225, %get3A_414 : vector<16xf32>
          %add3A_431 = arith.addf %mul3A_429, %mul3A_430 : vector<16xf32>
          %mul3A_432 = arith.mulf %mul3A_226, %get3A_421 : vector<16xf32>
          %mul3A_433 = arith.mulf %mul3A_227, %get3A_428 : vector<16xf32>
          %add3A_434 = arith.addf %mul3A_432, %mul3A_433 : vector<16xf32>
          %add3A_435 = arith.addf %add3A_431, %add3A_434 : vector<16xf32>
          %add3A_436 = arith.constant 80 : i32
          %add3A_437 = arith.addi %add3A_230, %add3A_436 : i32
          %swap3A_438 = arith.index_cast %add3A_437 : i32 to index
          %swap3A_439 = tpu.vector_load %arg17[%swap3A_438] {strides = array<i32>} : memref<36864xf32, #tpu.memory_space<vmem>>, vector<16xf32>,
          tpu.vector_store %arg17[%swap3A_438], %add3A_435 {strides = array<i32>} : memref<36864xf32, #tpu.memory_space<vmem>>, vector<16xf32>,
        }
        %while3A_196 = arith.constant 1 : i32
        scf.for %while3A_211 = %while3A_194 to %while3A_190 step %while3A_196  : i32 {
          %add3A_212 = arith.addi %while3A_211, %squeeze3A_60 : i32
          %max3A = arith.maxsi %add3A_212, %squeeze3A_62 : i32
          %min3A_213 = arith.minsi %max3A, %squeeze3A_64 : i32
          %mul3A_214 = arith.constant 96 : i32
          %mul3A_215 = arith.muli %min3A_213, %mul3A_214 : i32
          %mul3A_216 = arith.constant 16 : i32
          %mul3A_217 = arith.muli %while3A_211, %mul3A_216 : i32
          %get3A_218 = arith.index_cast %mul3A_217 : i32 to index
          %get3A_219 = tpu.vector_load %arg11[%get3A_218] {strides = array<i32>} : memref<3072xf32, #tpu.memory_space<vmem>>, vector<16xf32>,
          %mul3A_220 = arith.constant 16 : i32
          %mul3A_221 = arith.muli %while3A_211, %mul3A_220 : i32
          %get3A_222 = arith.index_cast %mul3A_221 : i32 to index
          %get3A_223 = tpu.vector_load %arg12[%get3A_222] {strides = array<i32>} : memref<3072xf32, #tpu.memory_space<vmem>>, vector<16xf32>,
          %mul3A_224 = arith.mulf %broadcast_in_dim3A, %get3A_219 : vector<16xf32>
          %mul3A_225 = arith.mulf %broadcast_in_dim3A_143, %get3A_219 : vector<16xf32>
          %mul3A_226 = arith.mulf %broadcast_in_dim3A, %get3A_223 : vector<16xf32>
          %mul3A_227 = arith.mulf %broadcast_in_dim3A_143, %get3A_223 : vector<16xf32>
          %mul3A_228 = arith.constant 96 : i32
          %mul3A_229 = arith.muli %while3A_211, %mul3A_228 : i32
          %add3A_230 = arith.addi %mul3A_166, %mul3A_229 : i32
          %add3A_231 = arith.addi %mul3A_114, %mul3A_215 : i32
          %add3A_232 = arith.constant 0 : i32
          %add3A_233 = arith.addi %add3A_231, %add3A_232 : i32
          %get3A_234 = arith.index_cast %add3A_233 : i32 to index
          %get3A_235 = tpu.vector_load %arg16[%get3A_234] {strides = array<i32>} : memref<74496xf32, #tpu.memory_space<vmem>>, vector<16xf32>,
          %add3A_236 = arith.addi %mul3A_134, %mul3A_215 : i32
          %add3A_237 = arith.constant 0 : i32
          %add3A_238 = arith.addi %add3A_236, %add3A_237 : i32
          %get3A_239 = arith.index_cast %add3A_238 : i32 to index
          %get3A_240 = tpu.vector_load %arg16[%get3A_239] {strides = array<i32>} : memref<74496xf32, #tpu.memory_space<vmem>>, vector<16xf32>,
          %add3A_241 = arith.addi %mul3A_114, %mul3A_215 : i32
          %add3A_242 = arith.constant 96 : i32
          %add3A_243 = arith.addi %add3A_241, %add3A_242 : i32
          %add3A_244 = arith.constant 0 : i32
          %add3A_245 = arith.addi %add3A_243, %add3A_244 : i32
          %get3A_246 = arith.index_cast %add3A_245 : i32 to index
          %get3A_247 = tpu.vector_load %arg16[%get3A_246] {strides = array<i32>} : memref<74496xf32, #tpu.memory_space<vmem>>, vector<16xf32>,
          %add3A_248 = arith.addi %mul3A_134, %mul3A_215 : i32
          %add3A_249 = arith.constant 96 : i32
          %add3A_250 = arith.addi %add3A_248, %add3A_249 : i32
          %add3A_251 = arith.constant 0 : i32
          %add3A_252 = arith.addi %add3A_250, %add3A_251 : i32
          %get3A_253 = arith.index_cast %add3A_252 : i32 to index
          %get3A_254 = tpu.vector_load %arg16[%get3A_253] {strides = array<i32>} : memref<74496xf32, #tpu.memory_space<vmem>>, vector<16xf32>,
          %mul3A_255 = arith.mulf %mul3A_224, %get3A_235 : vector<16xf32>
          %mul3A_256 = arith.mulf %mul3A_225, %get3A_240 : vector<16xf32>
          %add3A_257 = arith.addf %mul3A_255, %mul3A_256 : vector<16xf32>
          %mul3A_258 = arith.mulf %mul3A_226, %get3A_247 : vector<16xf32>
          %mul3A_259 = arith.mulf %mul3A_227, %get3A_254 : vector<16xf32>
          %add3A_260 = arith.addf %mul3A_258, %mul3A_259 : vector<16xf32>
          %add3A_261 = arith.addf %add3A_257, %add3A_260 : vector<16xf32>
          %add3A_262 = arith.constant 0 : i32
          %add3A_263 = arith.addi %add3A_230, %add3A_262 : i32
          %swap3A = arith.index_cast %add3A_263 : i32 to index
          %swap3A_264 = tpu.vector_load %arg17[%swap3A] {strides = array<i32>} : memref<36864xf32, #tpu.memory_space<vmem>>, vector<16xf32>,
          tpu.vector_store %arg17[%swap3A], %add3A_261 {strides = array<i32>} : memref<36864xf32, #tpu.memory_space<vmem>>, vector<16xf32>,
          %add3A_265 = arith.addi %mul3A_114, %mul3A_215 : i32
          %add3A_266 = arith.constant 16 : i32
          %add3A_267 = arith.addi %add3A_265, %add3A_266 : i32
          %get3A_268 = arith.index_cast %add3A_267 : i32 to index
          %get3A_269 = tpu.vector_load %arg16[%get3A_268] {strides = array<i32>} : memref<74496xf32, #tpu.memory_space<vmem>>, vector<16xf32>,
          %add3A_270 = arith.addi %mul3A_134, %mul3A_215 : i32
          %add3A_271 = arith.constant 16 : i32
          %add3A_272 = arith.addi %add3A_270, %add3A_271 : i32
          %get3A_273 = arith.index_cast %add3A_272 : i32 to index
          %get3A_274 = tpu.vector_load %arg16[%get3A_273] {strides = array<i32>} : memref<74496xf32, #tpu.memory_space<vmem>>, vector<16xf32>,
          %add3A_275 = arith.addi %mul3A_114, %mul3A_215 : i32
          %add3A_276 = arith.constant 96 : i32
          %add3A_277 = arith.addi %add3A_275, %add3A_276 : i32
          %add3A_278 = arith.constant 16 : i32
          %add3A_279 = arith.addi %add3A_277, %add3A_278 : i32
          %get3A_280 = arith.index_cast %add3A_279 : i32 to index
          %get3A_281 = tpu.vector_load %arg16[%get3A_280] {strides = array<i32>} : memref<74496xf32, #tpu.memory_space<vmem>>, vector<16xf32>,
          %add3A_282 = arith.addi %mul3A_134, %mul3A_215 : i32
          %add3A_283 = arith.constant 96 : i32
          %add3A_284 = arith.addi %add3A_282, %add3A_283 : i32
          %add3A_285 = arith.constant 16 : i32
          %add3A_286 = arith.addi %add3A_284, %add3A_285 : i32
          %get3A_287 = arith.index_cast %add3A_286 : i32 to index
          %get3A_288 = tpu.vector_load %arg16[%get3A_287] {strides = array<i32>} : memref<74496xf32, #tpu.memory_space<vmem>>, vector<16xf32>,
          %mul3A_289 = arith.mulf %mul3A_224, %get3A_269 : vector<16xf32>
          %mul3A_290 = arith.mulf %mul3A_225, %get3A_274 : vector<16xf32>
          %add3A_291 = arith.addf %mul3A_289, %mul3A_290 : vector<16xf32>
          %mul3A_292 = arith.mulf %mul3A_226, %get3A_281 : vector<16xf32>
          %mul3A_293 = arith.mulf %mul3A_227, %get3A_288 : vector<16xf32>
          %add3A_294 = arith.addf %mul3A_292, %mul3A_293 : vector<16xf32>
          %add3A_295 = arith.addf %add3A_291, %add3A_294 : vector<16xf32>
          %add3A_296 = arith.constant 16 : i32
          %add3A_297 = arith.addi %add3A_230, %add3A_296 : i32
          %swap3A_298 = arith.index_cast %add3A_297 : i32 to index
          %swap3A_299 = tpu.vector_load %arg17[%swap3A_298] {strides = array<i32>} : memref<36864xf32, #tpu.memory_space<vmem>>, vector<16xf32>,
          tpu.vector_store %arg17[%swap3A_298], %add3A_295 {strides = array<i32>} : memref<36864xf32, #tpu.memory_space<vmem>>, vector<16xf32>,
          %add3A_300 = arith.addi %mul3A_114, %mul3A_215 : i32
          %add3A_301 = arith.constant 32 : i32
          %add3A_302 = arith.addi %add3A_300, %add3A_301 : i32
          %get3A_303 = arith.index_cast %add3A_302 : i32 to index
          %get3A_304 = tpu.vector_load %arg16[%get3A_303] {strides = array<i32>} : memref<74496xf32, #tpu.memory_space<vmem>>, vector<16xf32>,
          %add3A_305 = arith.addi %mul3A_134, %mul3A_215 : i32
          %add3A_306 = arith.constant 32 : i32
          %add3A_307 = arith.addi %add3A_305, %add3A_306 : i32
          %get3A_308 = arith.index_cast %add3A_307 : i32 to index
          %get3A_309 = tpu.vector_load %arg16[%get3A_308] {strides = array<i32>} : memref<74496xf32, #tpu.memory_space<vmem>>, vector<16xf32>,
          %add3A_310 = arith.addi %mul3A_114, %mul3A_215 : i32
          %add3A_311 = arith.constant 96 : i32
          %add3A_312 = arith.addi %add3A_310, %add3A_311 : i32
          %add3A_313 = arith.constant 32 : i32
          %add3A_314 = arith.addi %add3A_312, %add3A_313 : i32
          %get3A_315 = arith.index_cast %add3A_314 : i32 to index
          %get3A_316 = tpu.vector_load %arg16[%get3A_315] {strides = array<i32>} : memref<74496xf32, #tpu.memory_space<vmem>>, vector<16xf32>,
          %add3A_317 = arith.addi %mul3A_134, %mul3A_215 : i32
          %add3A_318 = arith.constant 96 : i32
          %add3A_319 = arith.addi %add3A_317, %add3A_318 : i32
          %add3A_320 = arith.constant 32 : i32
          %add3A_321 = arith.addi %add3A_319, %add3A_320 : i32
          %get3A_322 = arith.index_cast %add3A_321 : i32 to index
          %get3A_323 = tpu.vector_load %arg16[%get3A_322] {strides = array<i32>} : memref<74496xf32, #tpu.memory_space<vmem>>, vector<16xf32>,
          %mul3A_324 = arith.mulf %mul3A_224, %get3A_304 : vector<16xf32>
          %mul3A_325 = arith.mulf %mul3A_225, %get3A_309 : vector<16xf32>
          %add3A_326 = arith.addf %mul3A_324, %mul3A_325 : vector<16xf32>
          %mul3A_327 = arith.mulf %mul3A_226, %get3A_316 : vector<16xf32>
          %mul3A_328 = arith.mulf %mul3A_227, %get3A_323 : vector<16xf32>
          %add3A_329 = arith.addf %mul3A_327, %mul3A_328 : vector<16xf32>
          %add3A_330 = arith.addf %add3A_326, %add3A_329 : vector<16xf32>
          %add3A_331 = arith.constant 32 : i32
          %add3A_332 = arith.addi %add3A_230, %add3A_331 : i32
          %swap3A_333 = arith.index_cast %add3A_332 : i32 to index
          %swap3A_334 = tpu.vector_load %arg17[%swap3A_333] {strides = array<i32>} : memref<36864xf32, #tpu.memory_space<vmem>>, vector<16xf32>,
          tpu.vector_store %arg17[%swap3A_333], %add3A_330 {strides = array<i32>} : memref<36864xf32, #tpu.memory_space<vmem>>, vector<16xf32>,
          %add3A_335 = arith.addi %mul3A_114, %mul3A_215 : i32
          %add3A_336 = arith.constant 48 : i32
          %add3A_337 = arith.addi %add3A_335, %add3A_336 : i32
          %get3A_338 = arith.index_cast %add3A_337 : i32 to index
          %get3A_339 = tpu.vector_load %arg16[%get3A_338] {strides = array<i32>} : memref<74496xf32, #tpu.memory_space<vmem>>, vector<16xf32>,
          %add3A_340 = arith.addi %mul3A_134, %mul3A_215 : i32
          %add3A_341 = arith.constant 48 : i32
          %add3A_342 = arith.addi %add3A_340, %add3A_341 : i32
          %get3A_343 = arith.index_cast %add3A_342 : i32 to index
          %get3A_344 = tpu.vector_load %arg16[%get3A_343] {strides = array<i32>} : memref<74496xf32, #tpu.memory_space<vmem>>, vector<16xf32>,
          %add3A_345 = arith.addi %mul3A_114, %mul3A_215 : i32
          %add3A_346 = arith.constant 96 : i32
          %add3A_347 = arith.addi %add3A_345, %add3A_346 : i32
          %add3A_348 = arith.constant 48 : i32
          %add3A_349 = arith.addi %add3A_347, %add3A_348 : i32
          %get3A_350 = arith.index_cast %add3A_349 : i32 to index
          %get3A_351 = tpu.vector_load %arg16[%get3A_350] {strides = array<i32>} : memref<74496xf32, #tpu.memory_space<vmem>>, vector<16xf32>,
          %add3A_352 = arith.addi %mul3A_134, %mul3A_215 : i32
          %add3A_353 = arith.constant 96 : i32
          %add3A_354 = arith.addi %add3A_352, %add3A_353 : i32
          %add3A_355 = arith.constant 48 : i32
          %add3A_356 = arith.addi %add3A_354, %add3A_355 : i32
          %get3A_357 = arith.index_cast %add3A_356 : i32 to index
          %get3A_358 = tpu.vector_load %arg16[%get3A_357] {strides = array<i32>} : memref<74496xf32, #tpu.memory_space<vmem>>, vector<16xf32>,
          %mul3A_359 = arith.mulf %mul3A_224, %get3A_339 : vector<16xf32>
          %mul3A_360 = arith.mulf %mul3A_225, %get3A_344 : vector<16xf32>
          %add3A_361 = arith.addf %mul3A_359, %mul3A_360 : vector<16xf32>
          %mul3A_362 = arith.mulf %mul3A_226, %get3A_351 : vector<16xf32>
          %mul3A_363 = arith.mulf %mul3A_227, %get3A_358 : vector<16xf32>
          %add3A_364 = arith.addf %mul3A_362, %mul3A_363 : vector<16xf32>
          %add3A_365 = arith.addf %add3A_361, %add3A_364 : vector<16xf32>
          %add3A_366 = arith.constant 48 : i32
          %add3A_367 = arith.addi %add3A_230, %add3A_366 : i32
          %swap3A_368 = arith.index_cast %add3A_367 : i32 to index
          %swap3A_369 = tpu.vector_load %arg17[%swap3A_368] {strides = array<i32>} : memref<36864xf32, #tpu.memory_space<vmem>>, vector<16xf32>,
          tpu.vector_store %arg17[%swap3A_368], %add3A_365 {strides = array<i32>} : memref<36864xf32, #tpu.memory_space<vmem>>, vector<16xf32>,
          %add3A_370 = arith.addi %mul3A_114, %mul3A_215 : i32
          %add3A_371 = arith.constant 64 : i32
          %add3A_372 = arith.addi %add3A_370, %add3A_371 : i32
          %get3A_373 = arith.index_cast %add3A_372 : i32 to index
          %get3A_374 = tpu.vector_load %arg16[%get3A_373] {strides = array<i32>} : memref<74496xf32, #tpu.memory_space<vmem>>, vector<16xf32>,
          %add3A_375 = arith.addi %mul3A_134, %mul3A_215 : i32
          %add3A_376 = arith.constant 64 : i32
          %add3A_377 = arith.addi %add3A_375, %add3A_376 : i32
          %get3A_378 = arith.index_cast %add3A_377 : i32 to index
          %get3A_379 = tpu.vector_load %arg16[%get3A_378] {strides = array<i32>} : memref<74496xf32, #tpu.memory_space<vmem>>, vector<16xf32>,
          %add3A_380 = arith.addi %mul3A_114, %mul3A_215 : i32
          %add3A_381 = arith.constant 96 : i32
          %add3A_382 = arith.addi %add3A_380, %add3A_381 : i32
          %add3A_383 = arith.constant 64 : i32
          %add3A_384 = arith.addi %add3A_382, %add3A_383 : i32
          %get3A_385 = arith.index_cast %add3A_384 : i32 to index
          %get3A_386 = tpu.vector_load %arg16[%get3A_385] {strides = array<i32>} : memref<74496xf32, #tpu.memory_space<vmem>>, vector<16xf32>,
          %add3A_387 = arith.addi %mul3A_134, %mul3A_215 : i32
          %add3A_388 = arith.constant 96 : i32
          %add3A_389 = arith.addi %add3A_387, %add3A_388 : i32
          %add3A_390 = arith.constant 64 : i32
          %add3A_391 = arith.addi %add3A_389, %add3A_390 : i32
          %get3A_392 = arith.index_cast %add3A_391 : i32 to index
          %get3A_393 = tpu.vector_load %arg16[%get3A_392] {strides = array<i32>} : memref<74496xf32, #tpu.memory_space<vmem>>, vector<16xf32>,
          %mul3A_394 = arith.mulf %mul3A_224, %get3A_374 : vector<16xf32>
          %mul3A_395 = arith.mulf %mul3A_225, %get3A_379 : vector<16xf32>
          %add3A_396 = arith.addf %mul3A_394, %mul3A_395 : vector<16xf32>
          %mul3A_397 = arith.mulf %mul3A_226, %get3A_386 : vector<16xf32>
          %mul3A_398 = arith.mulf %mul3A_227, %get3A_393 : vector<16xf32>
          %add3A_399 = arith.addf %mul3A_397, %mul3A_398 : vector<16xf32>
          %add3A_400 = arith.addf %add3A_396, %add3A_399 : vector<16xf32>
          %add3A_401 = arith.constant 64 : i32
          %add3A_402 = arith.addi %add3A_230, %add3A_401 : i32
          %swap3A_403 = arith.index_cast %add3A_402 : i32 to index
          %swap3A_404 = tpu.vector_load %arg17[%swap3A_403] {strides = array<i32>} : memref<36864xf32, #tpu.memory_space<vmem>>, vector<16xf32>,
          tpu.vector_store %arg17[%swap3A_403], %add3A_400 {strides = array<i32>} : memref<36864xf32, #tpu.memory_space<vmem>>, vector<16xf32>,
          %add3A_405 = arith.addi %mul3A_114, %mul3A_215 : i32
          %add3A_406 = arith.constant 80 : i32
          %add3A_407 = arith.addi %add3A_405, %add3A_406 : i32
          %get3A_408 = arith.index_cast %add3A_407 : i32 to index
          %get3A_409 = tpu.vector_load %arg16[%get3A_408] {strides = array<i32>} : memref<74496xf32, #tpu.memory_space<vmem>>, vector<16xf32>,
          %add3A_410 = arith.addi %mul3A_134, %mul3A_215 : i32
          %add3A_411 = arith.constant 80 : i32
          %add3A_412 = arith.addi %add3A_410, %add3A_411 : i32
          %get3A_413 = arith.index_cast %add3A_412 : i32 to index
          %get3A_414 = tpu.vector_load %arg16[%get3A_413] {strides = array<i32>} : memref<74496xf32, #tpu.memory_space<vmem>>, vector<16xf32>,
          %add3A_415 = arith.addi %mul3A_114, %mul3A_215 : i32
          %add3A_416 = arith.constant 96 : i32
          %add3A_417 = arith.addi %add3A_415, %add3A_416 : i32
          %add3A_418 = arith.constant 80 : i32
          %add3A_419 = arith.addi %add3A_417, %add3A_418 : i32
          %get3A_420 = arith.index_cast %add3A_419 : i32 to index
          %get3A_421 = tpu.vector_load %arg16[%get3A_420] {strides = array<i32>} : memref<74496xf32, #tpu.memory_space<vmem>>, vector<16xf32>,
          %add3A_422 = arith.addi %mul3A_134, %mul3A_215 : i32
          %add3A_423 = arith.constant 96 : i32
          %add3A_424 = arith.addi %add3A_422, %add3A_423 : i32
          %add3A_425 = arith.constant 80 : i32
          %add3A_426 = arith.addi %add3A_424, %add3A_425 : i32
          %get3A_427 = arith.index_cast %add3A_426 : i32 to index
          %get3A_428 = tpu.vector_load %arg16[%get3A_427] {strides = array<i32>} : memref<74496xf32, #tpu.memory_space<vmem>>, vector<16xf32>,
          %mul3A_429 = arith.mulf %mul3A_224, %get3A_409 : vector<16xf32>
          %mul3A_430 = arith.mulf %mul3A_225, %get3A_414 : vector<16xf32>
          %add3A_431 = arith.addf %mul3A_429, %mul3A_430 : vector<16xf32>
          %mul3A_432 = arith.mulf %mul3A_226, %get3A_421 : vector<16xf32>
          %mul3A_433 = arith.mulf %mul3A_227, %get3A_428 : vector<16xf32>
          %add3A_434 = arith.addf %mul3A_432, %mul3A_433 : vector<16xf32>
          %add3A_435 = arith.addf %add3A_431, %add3A_434 : vector<16xf32>
          %add3A_436 = arith.constant 80 : i32
          %add3A_437 = arith.addi %add3A_230, %add3A_436 : i32
          %swap3A_438 = arith.index_cast %add3A_437 : i32 to index
          %swap3A_439 = tpu.vector_load %arg17[%swap3A_438] {strides = array<i32>} : memref<36864xf32, #tpu.memory_space<vmem>>, vector<16xf32>,
          tpu.vector_store %arg17[%swap3A_438], %add3A_435 {strides = array<i32>} : memref<36864xf32, #tpu.memory_space<vmem>>, vector<16xf32>,
        }
        %add3A_197 = arith.addi %mul3A_32, %scan3A_85 : i32
        %mul3A_198 = arith.constant 147456 : i32
        %mul3A_199 = arith.muli %scan3A_55, %mul3A_198 : i32
        %mul3A_200 = arith.constant 384 : i32
        %mul3A_201 = arith.muli %add3A_197, %mul3A_200 : i32
        %add3A_202 = arith.addi %mul3A_199, %mul3A_201 : i32
        %add3A_203 = arith.addi %add3A_202, %mul3A_34 : i32
        %mul3A_204 = arith.constant 96 : i32
        %mul3A_205 = arith.muli %add3A_203, %mul3A_204 : i32
        %mul3A_206 = arith.constant 18432 : i32
        %mul3A_207 = arith.muli %select_n3A_159, %mul3A_206 : i32
        %dma_start3A = tpu.memref_slice %arg17[%mul3A_207] : memref<36864xf32, #tpu.memory_space<vmem>> -> memref<18432xf32, #tpu.memory_space<vmem>>
        %dma_start3A_208 = tpu.memref_slice %arg9[%mul3A_205] : memref<56623104xf32, #tpu.memory_space<hbm>> -> memref<18432xf32, #tpu.memory_space<hbm>>
        %dma_start3A_209 = tpu.memref_slice %arg9[%mul3A_205] : memref<56623104xf32, #tpu.memory_space<hbm>> -> memref<18432xf32, #tpu.memory_space<hbm>>
        %dma_start3A_210 = tpu.memref_slice %arg17[%mul3A_207] : memref<36864xf32, #tpu.memory_space<vmem>> -> memref<18432xf32, #tpu.memory_space<vmem>>
        tpu.enqueue_dma source(%dma_start3A_210 : memref<18432xf32, #tpu.memory_space<vmem>>) target(%dma_start3A_209 : memref<18432xf32, #tpu.memory_space<hbm>>) target_semaphore(%arg19 : memref<!tpu.dma_semaphore, #tpu.memory_space<semaphore_mem>>)
        scf.yield %while3A, %while3A_96 : i32, i32
      }
      %scan3A_84 = arith.constant 24 : i32
    }
    %scan3A_39 = arith.constant 4 : i32
    %dma_wait3A = arith.constant 0 : i32
    %dma_wait3A_40 = tpu.memref_slice %arg17[%dma_wait3A] : memref<36864xf32, #tpu.memory_space<vmem>> -> memref<18432xf32, #tpu.memory_space<vmem>>
    %dma_wait3A_41 = arith.constant 0 : i32
    %dma_wait3A_42 = tpu.memref_slice %arg9[%dma_wait3A_41] : memref<56623104xf32, #tpu.memory_space<hbm>> -> memref<18432xf32, #tpu.memory_space<hbm>>
    %dma_wait3A_43 = arith.constant 0 : i32
    %dma_wait3A_44 = tpu.memref_slice %arg9[%dma_wait3A_43] : memref<56623104xf32, #tpu.memory_space<hbm>> -> memref<18432xf32, #tpu.memory_space<hbm>>
    %dma_wait3A_45 = arith.constant 0 : i32
    %dma_wait3A_46 = tpu.memref_slice %arg17[%dma_wait3A_45] : memref<36864xf32, #tpu.memory_space<vmem>> -> memref<18432xf32, #tpu.memory_space<vmem>>
    tpu.wait_dma2 semaphore(%arg19 : memref<!tpu.dma_semaphore, #tpu.memory_space<semaphore_mem>>) src(%dma_wait3A_46 : memref<18432xf32, #tpu.memory_space<vmem>>) dst(%dma_wait3A_44 : memref<18432xf32, #tpu.memory_space<hbm>>)
    %dma_wait3A_47 = arith.constant 0 : i32
    %dma_wait3A_48 = tpu.memref_slice %arg17[%dma_wait3A_47] : memref<36864xf32, #tpu.memory_space<vmem>> -> memref<18432xf32, #tpu.memory_space<vmem>>
    %dma_wait3A_49 = arith.constant 0 : i32
    %dma_wait3A_50 = tpu.memref_slice %arg9[%dma_wait3A_49] : memref<56623104xf32, #tpu.memory_space<hbm>> -> memref<18432xf32, #tpu.memory_space<hbm>>
    %dma_wait3A_51 = arith.constant 0 : i32
    %dma_wait3A_52 = tpu.memref_slice %arg9[%dma_wait3A_51] : memref<56623104xf32, #tpu.memory_space<hbm>> -> memref<18432xf32, #tpu.memory_space<hbm>>
    %dma_wait3A_53 = arith.constant 0 : i32
    %dma_wait3A_54 = tpu.memref_slice %arg17[%dma_wait3A_53] : memref<36864xf32, #tpu.memory_space<vmem>> -> memref<18432xf32, #tpu.memory_space<vmem>>
    tpu.wait_dma2 semaphore(%arg19 : memref<!tpu.dma_semaphore, #tpu.memory_space<semaphore_mem>>) src(%dma_wait3A_54 : memref<18432xf32, #tpu.memory_space<vmem>>) dst(%dma_wait3A_52 : memref<18432xf32, #tpu.memory_space<hbm>>)
    return
  }
}

</mosaic_0001>

<sc_bundles>
// kernel: kernel.3.cloned.1.call-start
scs
__scs_entry_jumppad:
0x0: {  	(pc) =	sbr.rel $0x88, $3  }
0x1: {  	(tag) =	ssettag $0x0;
	lr =	simm.s32 $0x1  }
0x2: {  	[smem:$0x3F9E] =	sst lr;
	_ =	strace $0xD0000000  }
0x3: {  	_ = 	snop  }
0x4: {  	_ = 	snop  }
0x5: {  	_ = 	snop  }
0x6: {  	_ = 	snop  }
0x7: {  	_ = 	snop  }
__scs_overlays_trampoline_lowered:
0x8: {  	[smem:$0x3FAD] =	sst s0  }
0x9: {  	[smem:$0x3FAE] =	sst s1  }
0xa: {  	[smem:$0x3FAF] =	sst s2  }
0xb: {  	[smem:$0x3FB0] =	sst s3  }
0xc: {  	[smem:$0x3FB1] =	sst s4  }
0xd: {  	[smem:$0x3FB2] =	sst s5  }
0xe: {  	[smem:$0x3FB3] =	sst s6  }
0xf: {  	[smem:$0x3FB4] =	sst s7  }
0x10: {  	[smem:$0x3FB5] =	sst s8  }
0x11: {  	[smem:$0x3FB6] =	sst s9;
	s0 =	simm.s32 @!p0 $0x0  }
0x12: {  	s1 =	sld [smem:$0x3F9C];
	s0 =	simm.s32 @p0 $0x1  }
0x13: {  	[smem:$0x3FB7] =	sst s0;
	s0 =	simm.s32 @!p1 $0x0  }
0x14: {  	s2 =	sld [smem:$0x3F9B];
	s0 =	simm.s32 @p1 $0x1  }
0x15: {  	[smem:$0x3FB8] =	sst s0;
	s0 =	simm.s32 @!p2 $0x0  }
0x16: {  	s3 =	sld [smem:$0x3FDB];
	s0 =	simm.s32 @p2 $0x1  }
0x17: {  	s4 =	simm.s32 $0x1BF5;
	[smem:$0x3FBA] =	sst s0  }
0x18: {  	s0 =	sld [smem:$0x3F9D];
	_ =	swait.ge [sflag:s4], $0x0  }
0x19: {  	s7 =	sld [smem:$0x3F9E]  }
0x1a: {  	s8 =	sadd.s32 $0xFFFFE003, lr  }
0x1b: {  	s9 =	sadd.s32 $0xFFFFFEF7, lr;
	s5 =	simm.s32 $0xFFFFFFFF;
	p2 =	slt.u32 s8, $0xFFFFF086  }
0x1c: {  	p1 =	slt.u32 s9, $0xF7A;
	s5 =	simm.s32 @!p2 $0x0  }
0x1d: {  	s5 =	simm.s32 @p1 $0x1;
	p0 =	seq.s32 s7, s2  }
0x1e: {  	s7 =	smul.u32 @!p0 $0xF7A, s2;
	p2 =	seq.s32 @!p0 s5, $0x0  }
0x1f: {  	s9 =	smul.u32 $0xF7A, s1;
	s8 =	simm.s32 @!p0 $0x1BF5;
	p2 =	por !p2, p0  }
0x20: {  	[sflag:s8] =	ssyncset.s32 @!p0 $0xFFFFF086;
	s6 =	sadd.s32 @!p0 s3, s7;
	s7 =	simm.s32 @!p0 $0x108  }
0x21: {  	s3 =	sadd.s32 s3, s9;
	s6 =	sadd.s32 @!p0 $0x88, s6;
	s7 =	simm.s32 @p2 $0x1082  }
0x22: {  	[simem:s7], [sflag:s8] =	dma.local @!p0 [hbm:s6], $0xF7A  }
0x23: {  	s9 =	sor.u32 $0xD0000000, s2;
	s6 =	simm.s32 $0x108;
	_ =	swait.ge @!p0 [sflag:s8], $0x0  }
0x24: {  	s3 =	sadd.s32 $0x88, s3;
	s6 =	simm.s32 @!p1 $0x1082;
	[sflag:s4] =	ssyncset.s32 $0xFFFFF086  }
0x25: {  	[simem:s6], [sflag:s4] =	dma.local [hbm:s3], $0xF7A  }
0x26: {  	[smem:$0x3F9E] =	sst s1;
	(tag) =	ssettag s2;
	_ =	strace s9  }
0x27: {  	s1 =	sld [smem:$0x3FAE]  }
0x28: {  	s2 =	sld [smem:$0x3FAF]  }
0x29: {  	s4 =	sld [smem:$0x3FB1]  }
0x2a: {  	p0 =	seq.s32 s5, $0x0;
	s5 =	sld [smem:$0x3FB2]  }
0x2b: {  	s6 =	sld [smem:$0x3FB3]  }
0x2c: {  	s7 =	sld [smem:$0x3FB4]  }
0x2d: {  	s3 =	simm.s32 $0x108;
	s8 =	sld [smem:$0x3FB5]  }
0x2e: {  	s3 =	simm.s32 @!p0 $0x1082;
	s9 =	sld [smem:$0x3FB6]  }
0x2f: {  	lr =	sadd.s32 s0, s3;
	s0 =	sld [smem:$0x3FAD]  }
0x30: {  	s3 =	sld [smem:$0x3FB0]  }
0x31: {  	[smem:$0x3FB9] =	sst s10  }
0x32: {  	s10 =	sld [smem:$0x3FB7];
	_ =	sdelay $0x3  }
0x33: {  	p0 =	seq.s32 s10, $0x1;
	s10 =	sld [smem:$0x3FB9];
	_ =	sdelay $0x3  }
0x34: {  	[smem:$0x3FB9] =	sst s10  }
0x35: {  	s10 =	sld [smem:$0x3FB8];
	_ =	sdelay $0x3  }
0x36: {  	p1 =	seq.s32 s10, $0x1;
	s10 =	sld [smem:$0x3FB9];
	_ =	sdelay $0x3  }
0x37: {  	[smem:$0x3FB9] =	sst s10  }
0x38: {  	s10 =	sld [smem:$0x3FBA]  }
0x39: {  	_ = 	snop;
	(pc) =	sbr.ind lr, $3  }
0x3a: {  	_ = 	snop  }
0x3b: {  	_ = 	snop  }
0x3c: {  	p2 =	seq.s32 s10, $0x1;
	s10 =	sld [smem:$0x3FB9]  }
0x3d: {  	_ =	shalt  }
0x3e: {  	_ =	shalt  }
0x3f: {  	_ =	shalt  }
0x40: {  	_ =	shalt  }
0x41: {  	_ =	shalt  }
0x42: {  	_ =	shalt  }
0x43: {  	_ =	shalt  }
0x44: {  	_ =	shalt  }
0x45: {  	_ =	shalt  }
0x46: {  	_ =	shalt  }
0x47: {  	_ =	shalt  }
0x48: {  	_ =	shalt  }
0x49: {  	_ =	shalt  }
0x4a: {  	_ =	shalt  }
0x4b: {  	_ =	shalt  }
0x4c: {  	_ =	shalt  }
0x4d: {  	_ =	shalt  }
0x4e: {  	_ =	shalt  }
0x4f: {  	_ =	shalt  }
0x50: {  	_ =	shalt  }
0x51: {  	_ =	shalt  }
0x52: {  	_ =	shalt  }
0x53: {  	_ =	shalt  }
0x54: {  	_ =	shalt  }
0x55: {  	_ =	shalt  }
0x56: {  	_ =	shalt  }
0x57: {  	_ =	shalt  }
0x58: {  	_ =	shalt  }
0x59: {  	_ =	shalt  }
0x5a: {  	_ =	shalt  }
0x5b: {  	_ =	shalt  }
0x5c: {  	_ =	shalt  }
0x5d: {  	_ =	shalt  }
0x5e: {  	_ =	shalt  }
0x5f: {  	_ =	shalt  }
0x60: {  	_ =	shalt  }
0x61: {  	_ =	shalt  }
0x62: {  	_ =	shalt  }
0x63: {  	_ =	shalt  }
0x64: {  	_ =	shalt  }
0x65: {  	_ =	shalt  }
0x66: {  	_ =	shalt  }
0x67: {  	_ =	shalt  }
0x68: {  	_ =	shalt  }
0x69: {  	_ =	shalt  }
0x6a: {  	_ =	shalt  }
0x6b: {  	_ =	shalt  }
0x6c: {  	_ =	shalt  }
0x6d: {  	_ =	shalt  }
0x6e: {  	_ =	shalt  }
0x6f: {  	_ =	shalt  }
0x70: {  	_ =	shalt  }
0x71: {  	_ =	shalt  }
0x72: {  	_ =	shalt  }
0x73: {  	_ =	shalt  }
0x74: {  	_ =	shalt  }
0x75: {  	_ =	shalt  }
0x76: {  	_ =	shalt  }
0x77: {  	_ =	shalt  }
0x78: {  	_ =	shalt  }
0x79: {  	_ =	shalt  }
0x7a: {  	_ =	shalt  }
0x7b: {  	_ =	shalt  }
0x7c: {  	_ =	shalt  }
0x7d: {  	_ =	shalt  }
0x7e: {  	_ =	shalt  }
0x7f: {  	_ =	shalt  }
0x80: {  	_ =	shalt  }
0x81: {  	_ =	shalt  }
0x82: {  	_ =	shalt  }
0x83: {  	_ =	shalt  }
0x84: {  	_ =	shalt  }
0x85: {  	_ =	shalt  }
0x86: {  	_ =	shalt  }
0x87: {  	_ =	shalt  }
.Lfunc_end0:
.L_simem_size_0:
called_computation_lowered:
.L_overlay_start_0:
0x88: {  	s2 =	sld [smem:$0x3FD9]  }
0x89: {  	s3 =	sld [smem:$0x3FFE];
	_ =	sdelay $0x1  }
0x8a: {  	s1 =	srdreg.scid  }
0x8b: {  	s0 =	sand.u32 $0x1, s1  }
0x8c: {  	s17 =	sshll.u32 s0, $0xA;
	s2 =	sadd.s32 s3, s2  }
0x8d: {  	s2 =	sadd.s32 s2, s17  }
0x8e: {  	[smem:$0x3FC5] =	sst s2  }
0x8f: {  	_ = 	snop  }
0x90: {  	s2 =	sld [smem:$0x3FD0];
	(tm) =	ssettm $0x1  }
0x91: {  	s18 =	sld [smem:$0x3FFB];
	_ =	sdelay $0x3  }
0x92: {  	_ =	strace s18  }
0x93: {  	s3 =	sld [smem:$0x3FFC];
	_ =	sdelay $0x3  }
0x94: {  	_ =	strace s3  }
0x95: {  	s3 =	sld [smem:$0x3FFD];
	_ =	sdelay $0x3  }
0x96: {  	_ =	strace s3  }
0x97: {  	_ =	strace $0x8FFFFFFF  }
0x98: {  	s19 =	sld [smem:$0x3FDB];
	_ =	sdelay $0x1  }
0x99: {  	s4 =	simm.s32 $_scs_section_size  }
0x9a: {  	s5 =	simm.s32 $_size__tile_overlayer_lowered;
	s6 =	simm.s32 $_tile_overlayer_lowered  }
0x9b: {  	s22 =	simm.s32 $0x1BFF;
	s21 =	sshll.u32 s6, $0x1;
	s3 =	sadd.s32 s4, s19  }
0x9c: {  	s7 =	simm.s32 $0x0;
	s20 =	sshll.u32 s5, $0x1;
	s5 =	sadd.s32 s21, s3  }
0x9d: {  	[timem:s7], [sflag:s22] =	dma.local [hbm:s5], s20  }
0x9e: {  	_ =	swait.ge [sflag:s22], s20  }
0x9f: {  	s4 =	ssub.s32 $0x0, s20;
	[sflag:s22] =	ssyncset.done $0x0  }
0xa0: {  	[sflag:s22] =	ssyncadd.s32 s4;
	_ =	sdelay $0x1  }
0xa1: {  	s23 =	simm.s32 $0x1B8B  }
0xa2: {  	_ =	swait.ge [sflag:s23], $0x1  }
0xa3: {  	[sflag:s23] =	ssyncset.done $0x0  }
0xa4: {  	s25 =	simm.s32 $0x1B8E;
	s24 =	sld [smem:$0x3FFE];
	[sflag:s23] =	ssyncadd.s32 $0xFFFFFFFF  }
0xa5: {  	s26 =	simm.s32 $execute0_lowered;
	[smem:$0x3FD2] =	sst s25  }
0xa6: {  	s5 =	sshll.u32 s26, $0x1;
	_ =	strace $0x80000046;
	[dreg:$0x1] =	wrdreg $0xFFFFFFFF  }
0xa7: {  	s28 =	simm.s32 $_size_execute0_lowered;
	s3 =	sadd.s32 s3, s5;
	[dreg:$0x0] =	wrdreg $0x0  }
0xa8: {  	s5 =	sshll.u32 s28, $0x1;
	[dreg:$0x2] =	wrdreg s3  }
0xa9: {  	[dreg:$0x3] =	wrdreg s5  }
0xaa: {  	[dreg:$0x4] =	wrdreg $0xC0  }
0xab: {  	_ =	task [dreg:s7], $0x5FFFF  }
0xac: {  	[dreg:$0x1] =	wrdreg $0xFFFFFFFF  }
0xad: {  	[dreg:$0x0] =	wrdreg $0x60  }
0xae: {  	[dreg:$0x2] =	wrdreg s2  }
0xaf: {  	[dreg:$0x3] =	wrdreg s24  }
0xb0: {  	[dreg:$0x4] =	wrdreg $0x9  }
0xb1: {  	_ =	task.clear_ibuf [dreg:s7], $0x5FFFF;
	_ =	strace $0x90000046  }
0xb2: {  	s29 =	simm.s32 $0x9;
	_ =	strace $0x80000048  }
0xb3: {  	_ =	swait.ge [sflag:s29], $0x1  }
0xb4: {  	[sflag:s29] =	ssyncadd.s32 $0xFFFFFFFF  }
0xb5: {  	_ =	strace $0x90000048  }
0xb6: {  	_ =	sfence  }
0xb7: {  	s30 =	sld [smem:$0x0];
	_ =	sdelay $0x2  }
0xb8: {  	s31 =	sshll.u32 s1, $0xD;
	s1 =	sshrl.u32 s1, $0x2  }
0xb9: {  	s3 =	sand.u32 $0x4000, s31;
	s1 =	sadd.s32 s1, s30  }
0xba: {  	s0 =	sor.u32 s3, s0;
	s1 =	sshll.u32 s1, $0x11  }
0xbb: {  	s0 =	sor.u32 s1, s0  }
0xbc: {  	s0 =	sadd.s32 $0x8F2B, s0  }
0xbd: {  	[sflag:s0] =	ssyncadd.remote.s32 $0x1  }
0xbe: {  	_ =	sfence.sel $0xFFFF  }
0xbf: {  	[dreg:$0x0] =	wrdreg $0xFFFFFFFF;
	(pc) =	sbr.abs _section_cstart, $3  }
0xc0: {  	[dreg:$0x1] =	wrdreg $0xFFFFFFFF  }
0xc1: {  	_ =	task.clear_ibuf [dreg:s7], $0x2FFFF;
	_ =	strace $0x9FFFFFFF  }
0xc2: {  	(tm) =	ssettm $0x7FFFFFFF  }
0xc3: {  	_ =	shalt  }
tec
execute0_lowered:
.L_overlay_start_1:
0x0: {  	(tag) =	ssettag $0x1  }
0x1: {  	s2 =	rddreg [dreg:$0x0];
	s0 =	srdreg.scid  }
0x2: {  	s6 =	stileid.u32;
	s1 =	rddreg [dreg:$0x1];
	s3 =	simm.s32 $0x0  }
0x3: {  	s5 =	simm.s32 $0x1;
	s0 =	sand.u32 $0x1, s0;
	s4 =	sshll.u32 s6, $0x1  }
0x4: {  	[smem:$0x7FF] =	sst s3;
	s7 =	sadd.s32 $0x2200, s1;
	s21 =	sadd.s32 $0x1600, s1  }
0x5: {  	s22 =	sadd.s32 $0xE00, s1;
	_ =	strace $0x80000047;
	[dreg:$0x3] =	wrdreg s7  }
0x6: {  	s23 =	sadd.s32 $0x1200, s1;
	s25 =	sadd.s32 $0x1000, s1;
	[dreg:$0x4] =	wrdreg s21  }
0x7: {  	s4 =	sor.u32 s0, s4;
	p1 =	seq.s32 s0, $0x1;
	[dreg:$0x5] =	wrdreg s22  }
0x8: {  	[dreg:$0x6] =	wrdreg s23;
	s24 =	ssub.s32 $0x2, s0;
	s9 =	smul.u32 $0xC0, s0  }
0x9: {  	[dreg:$0x7] =	wrdreg s25;
	s0 =	smul.u32 $0xC00, s0;
	p0 =	seq.s32 s4, $0x0  }
0xa: {  	s4 =	sshll.u32 s4, $0x1;
	s26 =	sshrl.u32 s24, $0x1;
	p0 =	por !p0, !p1  }
0xb: {  	s4 =	sadd.s32 s4, s1;
	[dreg:$0x8] =	wrdreg s9;
	p0 =	por !p0, !p0  }
.Ltmp0:
0xc: {  	s28 =	ssub.s32 s24, s26;
	s5 =	simm.s32 @!p0 $0x0;
	(pc) =	sbr.rel .LBB2_1-.Ltmp0, $4  }
0xd: {  	[dreg:$0x9] =	wrdreg s0;
	s29 =	sadd.s32 $0x1400, s4;
	s5 =	ssub.s32 s6, s5  }
0xe: {  	s31 =	smax.u32 s28, $0x1;
	[dreg:$0xa] =	wrdreg s29;
	s30 =	smul.u32 $0x30, s5  }
0xf: {  	s13 =	simm.s32 $0x1;
	s11 =	sadd.s32 $0x2E00, s1;
	[dreg:$0xc] =	wrdreg s31  }
0x10: {  	s4 =	simm.s32 $0x0;
	s8 =	smul.u32 $0x18, s5;
	[dreg:$0xb] =	wrdreg s30  }
.LBB2_24:
0x11: {  	s1 =	simm.s32 $0x2  }
0x12: {  	_ =	swait.ge [sflag:s1], $0x4800  }
0x13: {  	[sflag:s1] =	ssyncset.done $0x0  }
0x14: {  	[sflag:s1] =	ssyncadd.s32 $0xFFFFB800  }
0x15: {  	_ =	swait.ge [sflag:s1], $0x4800  }
0x16: {  	s4 =	rddreg [dreg:$0xd]  }
0x17: {  	s0 =	rddreg [dreg:$0xc];
	s4 =	sadd.s32 $0x1, s4  }
0x18: {  	p0 =	sne.s32 s4, s0  }
.Ltmp1:
0x19: {  	_ = 	snop;
	(pc) =	sbr.rel @!p0 .LBB2_25-.Ltmp1, $3  }
0x1a: {  	_ =	sdelay $0x1  }
0x1b: {  	[sflag:s1] =	ssyncset.done $0x0  }
0x1c: {  	[sflag:s1] =	ssyncadd.s32 $0xFFFFB800  }
.LBB2_1:
.Ltmp2:
0x1d: {  	(pc) =	sbr.rel .LBB2_2-.Ltmp2, $2  }
0x1e: {  	_ =	sdelay $0x2  }
0x1f: {  	[dreg:$0xd] =	wrdreg s4;
	s7 =	simm.s32 $0x0;
	s10 =	simm.s32 $0x0  }
.LBB2_23:
0x20: {  	s10 =	rddreg [dreg:$0xf]  }
0x21: {  	s10 =	sadd.s32 $0x1, s10  }
0x22: {  	p0 =	sne.s32 s10, $0x4  }
.Ltmp3:
0x23: {  	_ = 	snop;
	(pc) =	sbr.rel @!p0 .LBB2_24-.Ltmp3, $3  }
0x24: {  	_ =	sdelay $0x1  }
0x25: {  	s7 =	rddreg [dreg:$0xe]  }
0x26: {  	s7 =	sadd.s32 $0x180, s7  }
.LBB2_2:
0x27: {  	s0 =	sshll.u32 s10, $0x6;
	s1 =	rddreg [dreg:$0xa]  }
0x28: {  	s28 =	simm.s32 $0x0;
	s4 =	simm.s32 $0x3;
	s0 =	sadd.s32 s0, s1  }
0x29: {  	[tilespmem:s28], [sflag:$0x3] =	stream.linear.gather [hbm4b:s0+s28], $0x10, $0x38;
	[tilespmem:$0x1CBA0] =	vst v63  }
0x2a: {  	s6 =	smul.u32 $0x1800, s10;
	_ =	swait.ge [sflag:s4], $0x10  }
0x2b: {  	s9 =	rddreg [dreg:$0x9]  }
0x2c: {  	s0 =	sadd.s32 s9, s6  }
0x2d: {  	[sflag:s4] =	ssyncset.done $0x0;
	s12 =	rddreg [dreg:$0x3];
	s0 =	sshrl.u32 s0, $0x3  }
0x2e: {  	s5 =	simm.s32 $0x10;
	[sflag:s4] =	ssyncadd.s32 $0xFFFFFFF0;
	s1 =	sadd.s32 s12, s0  }
0x2f: {  	[tilespmem:s5], [sflag:$0x3] =	stream.linear.gather [hbm4b:s1+s28], $0xC00, $0x38;
	[tilespmem:$0x1CBA0] =	vst v63  }
0x30: {  	_ =	swait.ge [sflag:s4], $0xC00  }
0x31: {  	[sflag:s4] =	ssyncset.done $0x0;
	s14 =	rddreg [dreg:$0x4]  }
0x32: {  	s16 =	simm.s32 $0xC10;
	[sflag:s4] =	ssyncadd.s32 $0xFFFFF400;
	s0 =	sadd.s32 s14, s0  }
0x33: {  	[tilespmem:s16], [sflag:$0x3] =	stream.linear.gather [hbm4b:s0+s28], $0xC00, $0x38;
	[tilespmem:$0x1CBA0] =	vst v63  }
0x34: {  	s15 =	smul.u32 $0x300, s10;
	_ =	swait.ge [sflag:s4], $0xC00  }
0x35: {  	s17 =	rddreg [dreg:$0xb]  }
0x36: {  	s0 =	sadd.s32 s17, s15  }
0x37: {  	[sflag:s4] =	ssyncset.done $0x0;
	s18 =	rddreg [dreg:$0x5];
	s0 =	sshrl.u32 s0, $0x3  }
0x38: {  	s19 =	simm.s32 $0x1810;
	[sflag:s4] =	ssyncadd.s32 $0xFFFFF400;
	s1 =	sadd.s32 s18, s0  }
0x39: {  	[tilespmem:s19], [sflag:$0x3] =	stream.linear.gather [hbm4b:s1+s28], $0x30, $0x38;
	[tilespmem:$0x1CBA0] =	vst v63  }
0x3a: {  	_ =	swait.ge [sflag:s4], $0x30  }
0x3b: {  	[sflag:s4] =	ssyncset.done $0x0;
	s20 =	rddreg [dreg:$0x6]  }
0x3c: {  	s21 =	simm.s32 $0x1840;
	[sflag:s4] =	ssyncadd.s32 $0xFFFFFFD0;
	s1 =	sadd.s32 s20, s0  }
0x3d: {  	[tilespmem:s21], [sflag:$0x3] =	stream.linear.gather [hbm4b:s1+s28], $0x30, $0x38;
	[tilespmem:$0x1CBA0] =	vst v63  }
0x3e: {  	_ =	swait.ge [sflag:s4], $0x30  }
0x3f: {  	[sflag:s4] =	ssyncset.done $0x0;
	s22 =	rddreg [dreg:$0x7]  }
0x40: {  	s23 =	simm.s32 $0x1870;
	[sflag:s4] =	ssyncadd.s32 $0xFFFFFFD0;
	s0 =	sadd.s32 s22, s0  }
0x41: {  	[tilespmem:s23], [sflag:$0x3] =	stream.linear.gather [hbm4b:s0+s28], $0x30, $0x38;
	[tilespmem:$0x1CBA0] =	vst v63  }
0x42: {  	_ =	swait.ge [sflag:s4], $0x30  }
0x43: {  	[sflag:s4] =	ssyncset.done $0x0  }
0x44: {  	[sflag:s4] =	ssyncadd.s32 $0xFFFFFFD0  }
0x45: {  	v0 =	vld [tilespmem:$0x0];
	_ =	sdelay $0x4  }
0x46: {  	(v2sf) =	vpush v0, $0x0  }
0x47: {  	(v2sf) =	vpush v0, $0x1  }
0x48: {  	(v2sf) =	vpush v0, $0x2  }
0x49: {  	(v2sf) =	vpush v0, $0x3  }
0x4a: {  	(v2sf) =	vpush v0, $0x4  }
0x4b: {  	v1 =	vld [tilespmem:$0x1827];
	(v2sf) =	vpush v0, $0x5  }
0x4c: {  	(v2sf) =	vpush v0, $0x6;
	_ =	sdelay $0x1  }
0x4d: {  	(v2sf) =	vpush v0, $0x7;
	_ =	sdelay $0x1  }
0x4e: {  	(v2sf) =	vpush v1, $0x0;
	_ =	sdelay $0x2  }
0x4f: {  	s29 =	smul.u32 $0x24000, s10  }
0x50: {  	s18 =	smul.u32 $0x18, s10  }
0x51: {  	[dreg:$0xf] =	wrdreg s10;
	s24 =	spop (v2sf)  }
0x52: {  	[dreg:$0xe] =	wrdreg s7;
	s25 =	spop (v2sf)  }
0x53: {  	s14 =	rddreg [dreg:$0x8];
	s23 =	spop (v2sf)  }
0x54: {  	s0 =	smul.u32 $0x60, s24;
	s30 =	spop (v2sf)  }
0x55: {  	s10 =	simm.s32 $0x0;
	s19 =	sor.u32 s14, s29;
	s9 =	spop (v2sf)  }
0x56: {  	s4 =	sadd.s32 s7, s25;
	[dreg:$0x11] =	wrdreg s0;
	s1 =	spop (v2sf)  }
0x57: {  	[dreg:$0x12] =	wrdreg s4;
	s12 =	spop (v2sf);
	s6 =	sadd.s32 s23, s1  }
0x58: {  	s15 =	sshll.u32 s1, $0x6;
	s17 =	smul.u32 $0x180, s1;
	p0 =	slt.s32 s1, $0x1  }
0x59: {  	s16 =	spop (v2sf);
	s31 =	smul.u32 $0x180, s6;
	s5 =	sshra.s32 s15, $0x2  }
0x5a: {  	[dreg:$0x10] =	wrdreg s12;
	p1 =	slt.s32 s12, $0x1;
	s12 =	simm.s32 $0x0  }
0x5b: {  	s26 =	spop (v2sf);
	s20 =	sadd.s32 $0xC50, s5;
	s22 =	sshra.s32 s17, $0x2  }
0x5c: {  	s25 =	sshll.u32 s16, $0x6;
	s24 =	sadd.s32 $0x2, s26;
	s26 =	smul.u32 $0x180, s16  }
.Ltmp4:
0x5d: {  	s5 =	sadd.s32 $0x50, s5;
	[dreg:$0x13] =	wrdreg s20;
	(pc) =	sbr.rel .LBB2_3-.Ltmp4, $4  }
0x5e: {  	p2 =	sgt.s32 s16, $0xBF;
	s0 =	sshra.s32 s31, $0x2;
	[dreg:$0x14] =	wrdreg s5  }
0x5f: {  	s21 =	sadd.s32 $0x1A50, s0;
	s0 =	sadd.s32 $0x13D20, s22;
	s31 =	sshra.s32 s26, $0x2  }
0x60: {  	s29 =	sshra.s32 s25, $0x2;
	[dreg:$0x15] =	wrdreg s0;
	s0 =	sadd.s32 $0x13BD0, s31  }
0x61: {  	s6 =	sadd.s32 $0x10, s29;
	s7 =	sadd.s32 $0xC10, s29;
	[dreg:$0x16] =	wrdreg s0  }
.LBB2_21:
0x62: {  	_ = 	snop  }
0x63: {  	v0 =	vadd.f32 v9, v8;
	_ =	sdelay $0x1  }
0x64: {  	[tilespmem:s0+$0x10] =	vst v0  }
0x65: {  	v0 =	vld.idx.msk [tilespmem:v2+s4+$0x50 ss:$0x1], $0xffff  }
0x66: {  	v1 =	vld.idx.msk [tilespmem:v3+s4+$0xB0 ss:$0x1], $0xffff  }
0x67: {  	v62 =	vld.idx.msk [tilespmem:v3+s4+$0x50 ss:$0x1], $0xffff  }
0x68: {  	v63 =	vld.idx.msk [tilespmem:v2+s4+$0xB0 ss:$0x1], $0xffff;
	_ =	sdelay $0x3  }
0x69: {  	v1 =	vmul.f32 v1, v5;
	v0 =	vmul.f32 v0, v7  }
0x6a: {  	v3 =	vmul.f32 v62, v6;
	v2 =	vmul.f32 v63, v4;
	_ =	sdelay $0x1  }
0x6b: {  	v0 =	vadd.f32 v3, v0;
	v1 =	vadd.f32 v1, v2;
	_ =	sdelay $0x1  }
0x6c: {  	v0 =	vadd.f32 v1, v0;
	_ =	sdelay $0x1  }
0x6d: {  	[tilespmem:s0+$0x20] =	vst v0  }
.LBB2_22:
0x6e: {  	s0 =	sadd.s32 s8, s10  }
0x6f: {  	s0 =	smul.u32 $0x180, s0;
	_ =	sdelay $0x1  }
0x70: {  	s10 =	sadd.s32 $0x1, s10;
	s0 =	sadd.s32 s0, s19  }
0x71: {  	p3 =	sne.s32 s10, $0x18;
	s0 =	smul.u32 $0x60, s0  }
.Ltmp5:
0x72: {  	_ = 	snop;
	(pc) =	sbr.rel @!p3 .LBB2_23-.Ltmp5, $4  }
0x73: {  	_ = 	snop  }
0x74: {  	s0 =	sshrl.u32 s0, $0x3  }
0x75: {  	s4 =	sadd.s32 $0x13BA0, s14;
	s0 =	sadd.s32 s11, s0  }
0x76: {  	[hbm4b:s0+s3] =	stream.linear.scatter [tilespmem:s4], [sflag:$0x2], $0x4800, $0x38;
	[tilespmem:$0x1CBA0] =	vst v63  }
.LBB2_3:
0x77: {  	v0 =	vld [tilespmem:s10+$0x1810];
	_ =	sdelay $0x4  }
0x78: {  	(v2sf) =	vpush v0, $0x0;
	_ =	sdelay $0xe  }
0x79: {  	s4 =	spop (v2sf)  }
0x7a: {  	s5 =	sadd.s32 $0x4, s4  }
0x7b: {  	s0 =	smov.u32 s24;
	p3 =	slt.s32 s5, s24  }
0x7c: {  	s0 =	smov.u32 @p3 s5  }
0x7d: {  	p3 =	sge.s32 s12, s0  }
.Ltmp6:
0x7e: {  	_ = 	snop;
	(pc) =	sbr.rel @p3 .LBB2_7-.Ltmp6, $1  }
0x7f: {  	_ =	sdelay $0x3  }
0x80: {  	s5 =	rddreg [dreg:$0x12]  }
0x81: {  	s5 =	sadd.s32 s12, s5  }
0x82: {  	s5 =	smul.u32 $0x9000, s5  }
0x83: {  	s14 =	rddreg [dreg:$0x11]  }
0x84: {  	s15 =	sadd.s32 s5, s14;
	s5 =	sadd.s32 $0x1, s12  }
0x85: {  	p3 =	seq.s32 s0, s5  }
.Ltmp7:
0x86: {  	s26 =	sand.u32 $0x3, s12;
	(pc) =	sbr.rel @p3 .LBB2_6-.Ltmp7, $3  }
0x87: {  	s29 =	smul.u32 $0x12300, s26;
	_ =	sdelay $0x1  }
0x88: {  	s31 =	sshrl.u32 s29, $0x2;
	s17 =	sshrl.u32 s15, $0x3  }
0x89: {  	s14 =	sadd.s32 $0x18A0, s31;
	s12 =	sadd.s32 $0x9000, s15;
	s17 =	sadd.s32 s2, s17  }
.LBB2_5:
0x8a: {  	[tilespmem:s14], [sflag:$0x1] =	stream.linear.gather [hbm4b:s17+s3], $0x48C0, $0x38;
	[tilespmem:$0x1CBA0] =	vst v63  }
0x8b: {  	s14 =	sand.u32 $0x3, s5;
	s5 =	sadd.s32 $0x1, s5  }
0x8c: {  	p3 =	seq.s32 s0, s5  }
.Ltmp8:
0x8d: {  	(pc) =	sbr.rel @!p3 .LBB2_5-.Ltmp8, $3  }
0x8e: {  	s14 =	smul.u32 $0x12300, s14;
	_ =	sdelay $0x1  }
0x8f: {  	s15 =	sshrl.u32 s12, $0x3;
	s14 =	sshrl.u32 s14, $0x2  }
0x90: {  	s12 =	sadd.s32 $0x9000, s12;
	s17 =	sadd.s32 s2, s15;
	s14 =	sadd.s32 $0x18A0, s14  }
.LBB2_6:
0x91: {  	[tilespmem:s14], [sflag:$0x1] =	stream.linear.gather [hbm4b:s17+s3], $0x48C0, $0x38;
	[tilespmem:$0x1CBA0] =	vst v63  }
0x92: {  	s12 =	smov.u32 s0  }
.LBB2_7:
0x93: {  	s0 =	sadd.s32 $0x2, s4  }
0x94: {  	p3 =	sge.s32 s28, s0  }
.Ltmp9:
0x95: {  	_ = 	snop;
	(pc) =	sbr.rel @p3 .LBB2_11-.Ltmp9, $1  }
0x96: {  	_ =	sdelay $0x3  }
0x97: {  	s5 =	ssub.s32 s4, s28  }
0x98: {  	s5 =	sadd.s32 $0x2, s5  }
0x99: {  	p3 =	sne.s32 s5, $0x1  }
.Ltmp10:
0x9a: {  	_ = 	snop;
	(pc) =	sbr.rel @!p3 .LBB2_10-.Ltmp10, $3  }
0x9b: {  	_ =	sdelay $0x1  }
0x9c: {  	_ =	swait.ge [sflag:s13], $0x48C0  }
0x9d: {  	[sflag:s13] =	ssyncset.done $0x0;
	s5 =	sadd.s32 $0xFFFFFFFF, s5  }
.LBB2_9:
0x9e: {  	p3 =	sne.s32 s5, $0x1;
	s5 =	sadd.s32 $0xFFFFFFFF, s5;
	[sflag:s13] =	ssyncadd.s32 $0xFFFFB740  }
.Ltmp11:
0x9f: {  	(pc) =	sbr.rel @p3 .LBB2_9-.Ltmp11, $3  }
0xa0: {  	_ =	sdelay $0x1  }
0xa1: {  	_ =	swait.ge [sflag:s13], $0x48C0  }
0xa2: {  	[sflag:s13] =	ssyncset.done $0x0  }
.LBB2_10:
0xa3: {  	[sflag:s13] =	ssyncadd.s32 $0xFFFFB740;
	s28 =	smov.u32 s0  }
.LBB2_11:
0xa4: {  	s0 =	sadd.s32 s18, s10  }
0xa5: {  	p3 =	slt.u32 s0, $0x2;
	s0 =	sand.u32 $0x3, s4  }
0xa6: {  	s15 =	smul.u32 $0x48C0, s0  }
.Ltmp12:
0xa7: {  	s31 =	sadd.s32 $0x1, s4;
	(pc) =	sbr.rel @p0 .LBB2_15-.Ltmp12, $4  }
0xa8: {  	v0 =	vld.msk [tilespmem:s10+$0x1840 ss:$0x0], $0xffff;
	s14 =	sand.u32 $0x1, s10;
	s4 =	sand.u32 $0x3, s31;
	s5 =	simm.s32 @!p3 $0x2  }
0xa9: {  	v1 =	vld.msk [tilespmem:s10+$0x1870 ss:$0x0], $0xffff;
	s17 =	smul.u32 $0x48C0, s4;
	_ =	swait.ge @!p3 [sflag:s5], $0x4800;
	s20 =	sadd.s32 $0x18A0, s15  }
0xaa: {  	p4 =	seq.s32 s14, $0x1;
	s14 =	simm.s32 $0x4800;
	[sflag:s5] =	ssyncset.done @!p3 $0x0;
	v2 =	vmov s20  }
0xab: {  	s14 =	simm.s32 @!p4 $0x0;
	s15 =	sadd.s32 $0x18A0, s17;
	[sflag:s5] =	ssyncadd.s32 @!p3 $0xFFFFB800  }
0xac: {  	p3 =	sgt.s32 s23, s30;
	s5 =	smov.u32 s30  }
0xad: {  	v3 =	vmov s15;
	s5 =	smov.u32 @p3 s23  }
0xae: {  	s20 =	smov.u32 s9;
	p3 =	slt.s32 s5, s9  }
0xaf: {  	s22 =	simm.s32 $0x10;
	s20 =	smov.u32 @p3 s5  }
0xb0: {  	s25 =	simm.s32 $0xC10;
	v7 =	vld [tilespmem:s22+$0x0];
	s26 =	smul.u32 $0x60, s20  }
0xb1: {  	v4 =	vld [tilespmem:s25+$0x0]  }
0xb2: {  	v8 =	vld.idx.msk [tilespmem:v3+s26+$0x60 ss:$0x1], $0xffff  }
0xb3: {  	v9 =	vld.idx.msk [tilespmem:v2+s26+$0x60 ss:$0x1], $0xffff  }
0xb4: {  	v10 =	vld.idx.msk [tilespmem:v3+s26+$0x0 ss:$0x1], $0xffff  }
0xb5: {  	v11 =	vld.idx.msk [tilespmem:v2+s26+$0x0 ss:$0x1], $0xffff;
	_ =	sdelay $0x1  }
0xb6: {  	v5 =	vmul.f32 v4, v1;
	v4 =	vmul.f32 v4, v0  }
0xb7: {  	v6 =	vmul.f32 v7, v1;
	v7 =	vmul.f32 v7, v0  }
0xb8: {  	v8 =	vmul.f32 v8, v5;
	v9 =	vmul.f32 v9, v4  }
0xb9: {  	v10 =	vmul.f32 v10, v6;
	v11 =	vmul.f32 v11, v7;
	_ =	sdelay $0x1  }
0xba: {  	v8 =	vadd.f32 v8, v9;
	v9 =	vadd.f32 v10, v11;
	_ =	sdelay $0x1  }
0xbb: {  	v8 =	vadd.f32 v8, v9  }
0xbc: {  	s17 =	sadd.s32 $0x13BD0, s14  }
0xbd: {  	[tilespmem:s17+$0xFFFFFFD0] =	vst v8  }
0xbe: {  	v8 =	vld.idx.msk [tilespmem:v2+s26+$0x70 ss:$0x1], $0xffff  }
0xbf: {  	v9 =	vld.idx.msk [tilespmem:v2+s26+$0x10 ss:$0x1], $0xffff  }
0xc0: {  	v10 =	vld.idx.msk [tilespmem:v3+s26+$0x10 ss:$0x1], $0xffff  }
0xc1: {  	v11 =	vld.idx.msk [tilespmem:v3+s26+$0x70 ss:$0x1], $0xffff;
	_ =	sdelay $0x3  }
0xc2: {  	v10 =	vmul.f32 v10, v6;
	v8 =	vmul.f32 v8, v4  }
0xc3: {  	v9 =	vmul.f32 v9, v7;
	v11 =	vmul.f32 v11, v5;
	_ =	sdelay $0x1  }
0xc4: {  	v9 =	vadd.f32 v10, v9;
	v8 =	vadd.f32 v11, v8;
	_ =	sdelay $0x1  }
0xc5: {  	v8 =	vadd.f32 v8, v9;
	_ =	sdelay $0x1  }
0xc6: {  	[tilespmem:s17+$0xFFFFFFE0] =	vst v8  }
0xc7: {  	v8 =	vld.idx.msk [tilespmem:v3+s26+$0x20 ss:$0x1], $0xffff  }
0xc8: {  	v9 =	vld.idx.msk [tilespmem:v3+s26+$0x80 ss:$0x1], $0xffff  }
0xc9: {  	v10 =	vld.idx.msk [tilespmem:v2+s26+$0x20 ss:$0x1], $0xffff  }
0xca: {  	v11 =	vld.idx.msk [tilespmem:v2+s26+$0x80 ss:$0x1], $0xffff;
	_ =	sdelay $0x3  }
0xcb: {  	v8 =	vmul.f32 v8, v6;
	v9 =	vmul.f32 v9, v5  }
0xcc: {  	v10 =	vmul.f32 v10, v7;
	v11 =	vmul.f32 v11, v4;
	_ =	sdelay $0x1  }
0xcd: {  	v8 =	vadd.f32 v8, v10;
	v9 =	vadd.f32 v9, v11;
	_ =	sdelay $0x1  }
0xce: {  	v8 =	vadd.f32 v9, v8;
	_ =	sdelay $0x1  }
0xcf: {  	[tilespmem:s17+$0xFFFFFFF0] =	vst v8  }
0xd0: {  	v8 =	vld.idx.msk [tilespmem:v3+s26+$0x30 ss:$0x1], $0xffff  }
0xd1: {  	v9 =	vld.idx.msk [tilespmem:v3+s26+$0x90 ss:$0x1], $0xffff  }
0xd2: {  	v10 =	vld.idx.msk [tilespmem:v2+s26+$0x90 ss:$0x1], $0xffff  }
0xd3: {  	v11 =	vld.idx.msk [tilespmem:v2+s26+$0x30 ss:$0x1], $0xffff;
	_ =	sdelay $0x3  }
0xd4: {  	v8 =	vmul.f32 v8, v6;
	v10 =	vmul.f32 v10, v4  }
0xd5: {  	v9 =	vmul.f32 v9, v5;
	v11 =	vmul.f32 v11, v7;
	_ =	sdelay $0x1  }
0xd6: {  	v9 =	vadd.f32 v9, v10;
	v8 =	vadd.f32 v8, v11;
	_ =	sdelay $0x1  }
0xd7: {  	v8 =	vadd.f32 v9, v8;
	_ =	sdelay $0x1  }
0xd8: {  	[tilespmem:s17+$0x0] =	vst v8  }
0xd9: {  	v8 =	vld.idx.msk [tilespmem:v2+s26+$0x40 ss:$0x1], $0xffff  }
0xda: {  	v9 =	vld.idx.msk [tilespmem:v3+s26+$0x40 ss:$0x1], $0xffff  }
0xdb: {  	v10 =	vld.idx.msk [tilespmem:v2+s26+$0xA0 ss:$0x1], $0xffff  }
0xdc: {  	v11 =	vld.idx.msk [tilespmem:v3+s26+$0xA0 ss:$0x1], $0xffff;
	_ =	sdelay $0x2  }
0xdd: {  	p3 =	seq.s32 s1, $0x1  }
.Ltmp13:
0xde: {  	v9 =	vmul.f32 v9, v6;
	v10 =	vmul.f32 v10, v4;
	(pc) =	sbr.rel @p3 .LBB2_14-.Ltmp13, $3  }
0xdf: {  	v8 =	vmul.f32 v8, v7;
	v11 =	vmul.f32 v11, v5;
	_ =	sdelay $0x1  }
0xe0: {  	v8 =	vadd.f32 v9, v8;
	v9 =	vadd.f32 v11, v10  }
0xe1: {  	s29 =	smov.u32 s23;
	s5 =	sadd.s32 $0xFFFFFFFF, s1;
	s20 =	sadd.s32 $0x60, s17  }
.LBB2_13:
0xe2: {  	v8 =	vadd.f32 v9, v8;
	s22 =	sadd.s32 $0x10, s22;
	s25 =	sadd.s32 $0x10, s25;
	s29 =	sadd.s32 $0x1, s29  }
0xe3: {  	p3 =	seq.s32 s5, $0x1;
	s5 =	sadd.s32 $0xFFFFFFFF, s5  }
0xe4: {  	[tilespmem:s17+$0x10] =	vst v8  }
0xe5: {  	v8 =	vld.idx.msk [tilespmem:v2+s26+$0x50 ss:$0x1], $0xffff  }
0xe6: {  	v9 =	vld.idx.msk [tilespmem:v3+s26+$0xB0 ss:$0x1], $0xffff  }
0xe7: {  	v10 =	vld.idx.msk [tilespmem:v3+s26+$0x50 ss:$0x1], $0xffff  }
0xe8: {  	v11 =	vld.idx.msk [tilespmem:v2+s26+$0xB0 ss:$0x1], $0xffff;
	_ =	sdelay $0x3  }
0xe9: {  	v5 =	vmul.f32 v9, v5  }
0xea: {  	v7 =	vmul.f32 v8, v7;
	v6 =	vmul.f32 v10, v6  }
0xeb: {  	v4 =	vmul.f32 v11, v4  }
0xec: {  	v6 =	vadd.f32 v6, v7  }
0xed: {  	v4 =	vadd.f32 v5, v4  }
0xee: {  	p4 =	sgt.s32 s29, s30;
	s26 =	smov.u32 s30  }
0xef: {  	s26 =	smov.u32 @p4 s29;
	v4 =	vadd.f32 v4, v6  }
0xf0: {  	s31 =	smov.u32 s9;
	p4 =	slt.s32 s26, s9  }
0xf1: {  	s31 =	smov.u32 @p4 s26;
	[tilespmem:s17+$0x20] =	vst v4;
	s17 =	smov.u32 s20  }
0xf2: {  	s26 =	smul.u32 $0x60, s31;
	v7 =	vld [tilespmem:s22+$0x0]  }
0xf3: {  	v4 =	vld [tilespmem:s25+$0x0]  }
0xf4: {  	v8 =	vld.idx.msk [tilespmem:v3+s26+$0x60 ss:$0x1], $0xffff  }
0xf5: {  	v9 =	vld.idx.msk [tilespmem:v2+s26+$0x60 ss:$0x1], $0xffff  }
0xf6: {  	v10 =	vld.idx.msk [tilespmem:v3+s26+$0x0 ss:$0x1], $0xffff  }
0xf7: {  	v11 =	vld.idx.msk [tilespmem:v2+s26+$0x0 ss:$0x1], $0xffff  }
0xf8: {  	v5 =	vmul.f32 v4, v1  }
0xf9: {  	v4 =	vmul.f32 v4, v0  }
0xfa: {  	v6 =	vmul.f32 v7, v1;
	v8 =	vmul.f32 v8, v5  }
0xfb: {  	v7 =	vmul.f32 v7, v0;
	v9 =	vmul.f32 v9, v4  }
0xfc: {  	v10 =	vmul.f32 v10, v6  }
0xfd: {  	v11 =	vmul.f32 v11, v7;
	v8 =	vadd.f32 v8, v9;
	_ =	sdelay $0x1  }
0xfe: {  	v9 =	vadd.f32 v10, v11;
	_ =	sdelay $0x1  }
0xff: {  	v8 =	vadd.f32 v8, v9;
	_ =	sdelay $0x1  }
0x100: {  	[tilespmem:s20+$0xFFFFFFD0] =	vst v8  }
0x101: {  	v8 =	vld.idx.msk [tilespmem:v2+s26+$0x70 ss:$0x1], $0xffff  }
0x102: {  	v9 =	vld.idx.msk [tilespmem:v2+s26+$0x10 ss:$0x1], $0xffff  }
0x103: {  	v10 =	vld.idx.msk [tilespmem:v3+s26+$0x10 ss:$0x1], $0xffff  }
0x104: {  	v11 =	vld.idx.msk [tilespmem:v3+s26+$0x70 ss:$0x1], $0xffff;
	_ =	sdelay $0x4  }
0x105: {  	v8 =	vmul.f32 v8, v4;
	v10 =	vmul.f32 v10, v6  }
0x106: {  	v9 =	vmul.f32 v9, v7;
	v11 =	vmul.f32 v11, v5;
	_ =	sdelay $0x1  }
0x107: {  	v9 =	vadd.f32 v10, v9;
	v8 =	vadd.f32 v11, v8;
	_ =	sdelay $0x1  }
0x108: {  	v8 =	vadd.f32 v8, v9;
	_ =	sdelay $0x1  }
0x109: {  	[tilespmem:s20+$0xFFFFFFE0] =	vst v8  }
0x10a: {  	v8 =	vld.idx.msk [tilespmem:v3+s26+$0x20 ss:$0x1], $0xffff  }
0x10b: {  	v9 =	vld.idx.msk [tilespmem:v3+s26+$0x80 ss:$0x1], $0xffff  }
0x10c: {  	v10 =	vld.idx.msk [tilespmem:v2+s26+$0x20 ss:$0x1], $0xffff  }
0x10d: {  	v11 =	vld.idx.msk [tilespmem:v2+s26+$0x80 ss:$0x1], $0xffff;
	_ =	sdelay $0x3  }
0x10e: {  	v8 =	vmul.f32 v8, v6;
	v9 =	vmul.f32 v9, v5  }
0x10f: {  	v10 =	vmul.f32 v10, v7  }
0x110: {  	v11 =	vmul.f32 v11, v4  }
0x111: {  	v8 =	vadd.f32 v8, v10  }
0x112: {  	v9 =	vadd.f32 v9, v11;
	_ =	sdelay $0x1  }
0x113: {  	v8 =	vadd.f32 v9, v8;
	_ =	sdelay $0x1  }
0x114: {  	[tilespmem:s20+$0xFFFFFFF0] =	vst v8  }
0x115: {  	v8 =	vld.idx.msk [tilespmem:v3+s26+$0x30 ss:$0x1], $0xffff  }
0x116: {  	v9 =	vld.idx.msk [tilespmem:v3+s26+$0x90 ss:$0x1], $0xffff  }
0x117: {  	v10 =	vld.idx.msk [tilespmem:v2+s26+$0x90 ss:$0x1], $0xffff  }
0x118: {  	v11 =	vld.idx.msk [tilespmem:v2+s26+$0x30 ss:$0x1], $0xffff;
	_ =	sdelay $0x3  }
0x119: {  	v8 =	vmul.f32 v8, v6  }
0x11a: {  	v9 =	vmul.f32 v9, v5;
	v10 =	vmul.f32 v10, v4  }
0x11b: {  	v11 =	vmul.f32 v11, v7  }
0x11c: {  	v9 =	vadd.f32 v9, v10  }
0x11d: {  	v8 =	vadd.f32 v8, v11;
	_ =	sdelay $0x1  }
0x11e: {  	v8 =	vadd.f32 v9, v8;
	_ =	sdelay $0x1  }
0x11f: {  	[tilespmem:s20+$0x0] =	vst v8  }
0x120: {  	v8 =	vld.idx.msk [tilespmem:v2+s26+$0x40 ss:$0x1], $0xffff  }
0x121: {  	v9 =	vld.idx.msk [tilespmem:v3+s26+$0x40 ss:$0x1], $0xffff  }
0x122: {  	v10 =	vld.idx.msk [tilespmem:v2+s26+$0xA0 ss:$0x1], $0xffff  }
0x123: {  	v11 =	vld.idx.msk [tilespmem:v3+s26+$0xA0 ss:$0x1], $0xffff;
	_ =	sdelay $0x3  }
0x124: {  	v9 =	vmul.f32 v9, v6  }
.Ltmp14:
0x125: {  	v10 =	vmul.f32 v10, v4;
	(pc) =	sbr.rel @!p3 .LBB2_13-.Ltmp14, $3  }
0x126: {  	v8 =	vmul.f32 v8, v7;
	v11 =	vmul.f32 v11, v5;
	_ =	sdelay $0x1  }
0x127: {  	v8 =	vadd.f32 v9, v8;
	v9 =	vadd.f32 v11, v10  }
0x128: {  	s20 =	sadd.s32 $0x60, s20  }
.LBB2_14:
0x129: {  	_ = 	snop  }
0x12a: {  	v8 =	vadd.f32 v9, v8;
	_ =	sdelay $0x1  }
0x12b: {  	[tilespmem:s17+$0x10] =	vst v8  }
0x12c: {  	v8 =	vld.idx.msk [tilespmem:v2+s26+$0x50 ss:$0x1], $0xffff  }
0x12d: {  	v63 =	vld.idx.msk [tilespmem:v3+s26+$0xB0 ss:$0x1], $0xffff  }
0x12e: {  	v3 =	vld.idx.msk [tilespmem:v3+s26+$0x50 ss:$0x1], $0xffff  }
0x12f: {  	v10 =	vld.idx.msk [tilespmem:v2+s26+$0xB0 ss:$0x1], $0xffff;
	_ =	sdelay $0x3  }
0x130: {  	v5 =	vmul.f32 v63, v5;
	v7 =	vmul.f32 v8, v7  }
0x131: {  	v3 =	vmul.f32 v3, v6;
	v4 =	vmul.f32 v10, v4;
	_ =	sdelay $0x1  }
0x132: {  	v3 =	vadd.f32 v3, v7;
	v4 =	vadd.f32 v5, v4;
	_ =	sdelay $0x1  }
0x133: {  	v3 =	vadd.f32 v4, v3;
	_ =	sdelay $0x1  }
0x134: {  	[tilespmem:s17+$0x20] =	vst v3  }
.LBB2_15:
.Ltmp15:
0x135: {  	(pc) =	sbr.rel @p1 .LBB2_18-.Ltmp15, $1  }
0x136: {  	_ =	sdelay $0x3  }
0x137: {  	s4 =	smul.u32 $0x12300, s4  }
0x138: {  	s0 =	smul.u32 $0x12300, s0;
	s31 =	rddreg [dreg:$0x15]  }
0x139: {  	s22 =	rddreg [dreg:$0x13];
	s4 =	sshrl.u32 s4, $0x2  }
0x13a: {  	s0 =	sshrl.u32 s0, $0x2;
	s17 =	sadd.s32 s4, s21;
	s4 =	rddreg [dreg:$0x14]  }
0x13b: {  	s26 =	sadd.s32 s14, s31;
	s25 =	sadd.s32 s0, s21;
	s0 =	rddreg [dreg:$0x10]  }
.LBB2_17:
0x13c: {  	v3 =	vld [tilespmem:s25+$0xFFFFFE50]  }
0x13d: {  	v4 =	vld [tilespmem:s25+$0xFFFFFE60]  }
0x13e: {  	v5 =	vld [tilespmem:s25+$0xFFFFFE70]  }
0x13f: {  	v6 =	vld [tilespmem:s25+$0xFFFFFE80]  }
0x140: {  	v7 =	vld [tilespmem:s25+$0xFFFFFE90]  }
0x141: {  	v8 =	vld [tilespmem:s25+$0xFFFFFEA0]  }
0x142: {  	v9 =	vld [tilespmem:s17+$0xFFFFFE50]  }
0x143: {  	v10 =	vld [tilespmem:s17+$0xFFFFFE60]  }
0x144: {  	v11 =	vld [tilespmem:s17+$0xFFFFFE70]  }
0x145: {  	v12 =	vld [tilespmem:s17+$0xFFFFFE80]  }
0x146: {  	v13 =	vld [tilespmem:s4+$0xFFFFFFC0]  }
0x147: {  	v14 =	vld [tilespmem:s22+$0xFFFFFFC0]  }
0x148: {  	v15 =	vld [tilespmem:s25+$0xFFFFFEB0]  }
0x149: {  	v16 =	vld [tilespmem:s17+$0xFFFFFEB0]  }
0x14a: {  	v17 =	vld [tilespmem:s25+$0xFFFFFEC0]  }
0x14b: {  	v18 =	vld [tilespmem:s17+$0xFFFFFEC0];
	v19 =	vmul.f32 v13, v0;
	v13 =	vmul.f32 v13, v1  }
0x14c: {  	v23 =	vld [tilespmem:s25+$0xFFFFFED0];
	v21 =	vmul.f32 v14, v0;
	v14 =	vmul.f32 v14, v1  }
0x14d: {  	v26 =	vld [tilespmem:s17+$0xFFFFFED0];
	v3 =	vmul.f32 v19, v3;
	v9 =	vmul.f32 v13, v9  }
0x14e: {  	v27 =	vld [tilespmem:s25+$0xFFFFFEE0];
	v24 =	vmul.f32 v21, v15;
	v25 =	vmul.f32 v14, v16  }
0x14f: {  	v30 =	vld [tilespmem:s17+$0xFFFFFEE0];
	v4 =	vmul.f32 v19, v4;
	v10 =	vmul.f32 v13, v10  }
0x150: {  	v20 =	vld [tilespmem:s17+$0xFFFFFE90];
	v28 =	vmul.f32 v21, v17;
	v29 =	vmul.f32 v14, v18  }
0x151: {  	v22 =	vld [tilespmem:s17+$0xFFFFFEA0];
	v5 =	vmul.f32 v19, v5;
	v61 =	vmul.f32 v13, v11  }
0x152: {  	v11 =	vld [tilespmem:s25+$0xFFFFFF00];
	v62 =	vmul.f32 v21, v23;
	v63 =	vmul.f32 v14, v26  }
0x153: {  	v6 =	vmul.f32 v19, v6;
	v32 =	vmul.f32 v13, v12;
	v59 =	vadd.f32 v25, v24;
	v24 =	vld [tilespmem:s25+$0xFFFFFEF0]  }
0x154: {  	v33 =	vmul.f32 v21, v27;
	v34 =	vmul.f32 v14, v30;
	v3 =	vadd.f32 v9, v3;
	v25 =	vld [tilespmem:s17+$0xFFFFFEF0]  }
0x155: {  	v8 =	vmul.f32 v19, v8;
	v4 =	vadd.f32 v10, v4;
	v60 =	vadd.f32 v29, v28;
	v29 =	vld [tilespmem:s17+$0xFFFFFF00]  }
0x156: {  	v38 =	vmul.f32 v13, v22;
	v5 =	vadd.f32 v61, v5;
	v10 =	vadd.f32 v63, v62  }
0x157: {  	v7 =	vmul.f32 v19, v7;
	v6 =	vadd.f32 v32, v6;
	v12 =	vadd.f32 v34, v33  }
0x158: {  	v35 =	vmul.f32 v13, v20;
	v42 =	vadd.f32 v38, v8;
	v3 =	vadd.f32 v59, v3  }
0x159: {  	v4 =	vadd.f32 v60, v4;
	v36 =	vmul.f32 v21, v24;
	v37 =	vmul.f32 v14, v25  }
0x15a: {  	v5 =	vadd.f32 v10, v5;
	v39 =	vmul.f32 v21, v11;
	v40 =	vmul.f32 v14, v29  }
0x15b: {  	[tilespmem:s26+$0xFFFFFE80] =	vst v3;
	v3 =	vadd.f32 v35, v7;
	v41 =	vadd.f32 v37, v36  }
0x15c: {  	v6 =	vadd.f32 v12, v6;
	[tilespmem:s26+$0xFFFFFE90] =	vst v4;
	v43 =	vadd.f32 v40, v39  }
0x15d: {  	[tilespmem:s26+$0xFFFFFEA0] =	vst v5;
	v3 =	vadd.f32 v41, v3  }
0x15e: {  	[tilespmem:s26+$0xFFFFFEB0] =	vst v6;
	v4 =	vadd.f32 v43, v42  }
0x15f: {  	[tilespmem:s26+$0xFFFFFEC0] =	vst v3  }
0x160: {  	[tilespmem:s26+$0xFFFFFED0] =	vst v4  }
0x161: {  	v3 =	vld [tilespmem:s4+$0xFFFFFFD0]  }
0x162: {  	v4 =	vld [tilespmem:s22+$0xFFFFFFD0];
	_ =	sdelay $0x1  }
0x163: {  	v5 =	vld [tilespmem:s25+$0xFFFFFF10]  }
0x164: {  	v6 =	vld [tilespmem:s17+$0xFFFFFF10]  }
0x165: {  	v7 =	vld [tilespmem:s25+$0xFFFFFF20];
	v44 =	vmul.f32 v3, v0  }
0x166: {  	v8 =	vld [tilespmem:s17+$0xFFFFFF20];
	v3 =	vmul.f32 v3, v1;
	v45 =	vmul.f32 v4, v0  }
0x167: {  	v14 =	vld [tilespmem:s25+$0xFFFFFF30];
	v4 =	vmul.f32 v4, v1;
	v46 =	vmul.f32 v44, v15  }
0x168: {  	v19 =	vld [tilespmem:s17+$0xFFFFFF30];
	v47 =	vmul.f32 v3, v16;
	v48 =	vmul.f32 v45, v5  }
0x169: {  	v20 =	vld [tilespmem:s25+$0xFFFFFF40];
	v49 =	vmul.f32 v4, v6;
	v17 =	vmul.f32 v44, v17  }
0x16a: {  	v28 =	vld [tilespmem:s17+$0xFFFFFF40];
	v18 =	vmul.f32 v3, v18;
	v50 =	vmul.f32 v45, v7  }
0x16b: {  	v51 =	vmul.f32 v4, v8;
	v55 =	vmul.f32 v44, v23  }
0x16c: {  	v56 =	vmul.f32 v3, v26;
	v57 =	vmul.f32 v45, v14  }
0x16d: {  	v22 =	vld [tilespmem:s25+$0xFFFFFF60];
	v58 =	vmul.f32 v4, v19;
	v59 =	vmul.f32 v44, v27  }
0x16e: {  	v15 =	vld [tilespmem:s25+$0xFFFFFF50];
	v60 =	vmul.f32 v3, v30;
	v61 =	vmul.f32 v45, v20  }
0x16f: {  	v62 =	vmul.f32 v4, v28;
	v24 =	vmul.f32 v44, v24;
	v53 =	vadd.f32 v18, v17;
	v18 =	vld [tilespmem:s17+$0xFFFFFF50]  }
0x170: {  	v26 =	vld [tilespmem:s17+$0xFFFFFF60];
	v25 =	vmul.f32 v3, v25;
	v12 =	vadd.f32 v47, v46;
	v52 =	vadd.f32 v49, v48  }
0x171: {  	v9 =	vmul.f32 v44, v11;
	v54 =	vadd.f32 v51, v50;
	v13 =	vadd.f32 v56, v55  }
0x172: {  	v3 =	vmul.f32 v3, v29;
	v17 =	vadd.f32 v58, v57;
	v21 =	vadd.f32 v60, v59  }
0x173: {  	v10 =	vmul.f32 v45, v22;
	v23 =	vadd.f32 v62, v61;
	v35 =	vadd.f32 v25, v24  }
0x174: {  	v12 =	vadd.f32 v52, v12;
	v63 =	vmul.f32 v45, v15;
	v33 =	vmul.f32 v4, v18  }
0x175: {  	v3 =	vadd.f32 v3, v9;
	v16 =	vadd.f32 v54, v53;
	v4 =	vmul.f32 v4, v26  }
0x176: {  	v13 =	vadd.f32 v17, v13;
	[tilespmem:s26+$0xFFFFFEE0] =	vst v12;
	v36 =	vadd.f32 v33, v63  }
0x177: {  	v34 =	vadd.f32 v23, v21;
	[tilespmem:s26+$0xFFFFFEF0] =	vst v16;
	v4 =	vadd.f32 v4, v10  }
0x178: {  	[tilespmem:s26+$0xFFFFFF00] =	vst v13;
	v37 =	vadd.f32 v36, v35  }
0x179: {  	[tilespmem:s26+$0xFFFFFF10] =	vst v34;
	v3 =	vadd.f32 v4, v3  }
0x17a: {  	[tilespmem:s26+$0xFFFFFF20] =	vst v37  }
0x17b: {  	[tilespmem:s26+$0xFFFFFF30] =	vst v3  }
0x17c: {  	v3 =	vld [tilespmem:s4+$0xFFFFFFE0]  }
0x17d: {  	v38 =	vld [tilespmem:s22+$0xFFFFFFE0]  }
0x17e: {  	v9 =	vld [tilespmem:s25+$0xFFFFFF70]  }
0x17f: {  	v39 =	vld [tilespmem:s17+$0xFFFFFF70]  }
0x180: {  	v11 =	vld [tilespmem:s25+$0xFFFFFF80]  }
0x181: {  	v40 =	vld [tilespmem:s17+$0xFFFFFF80];
	v41 =	vmul.f32 v3, v0;
	v3 =	vmul.f32 v3, v1  }
0x182: {  	v17 =	vld [tilespmem:s25+$0xFFFFFF90];
	v42 =	vmul.f32 v38, v0;
	v4 =	vmul.f32 v38, v1  }
0x183: {  	v45 =	vld [tilespmem:s17+$0xFFFFFF90];
	v5 =	vmul.f32 v41, v5;
	v6 =	vmul.f32 v3, v6  }
0x184: {  	v25 =	vld [tilespmem:s25+$0xFFFFFFA0];
	v43 =	vmul.f32 v42, v9;
	v44 =	vmul.f32 v4, v39  }
0x185: {  	v48 =	vld [tilespmem:s17+$0xFFFFFFA0];
	v7 =	vmul.f32 v41, v7;
	v8 =	vmul.f32 v3, v8  }
0x186: {  	v46 =	vmul.f32 v42, v11;
	v47 =	vmul.f32 v4, v40  }
0x187: {  	v21 =	vld [tilespmem:s25+$0xFFFFFFB0];
	v51 =	vmul.f32 v41, v14;
	v52 =	vmul.f32 v3, v19  }
0x188: {  	v23 =	vld [tilespmem:s17+$0xFFFFFFB0];
	v53 =	vmul.f32 v42, v17;
	v54 =	vmul.f32 v4, v45  }
0x189: {  	v56 =	vmul.f32 v41, v20;
	v57 =	vmul.f32 v3, v28  }
0x18a: {  	v58 =	vmul.f32 v42, v25;
	v59 =	vmul.f32 v4, v48  }
0x18b: {  	v55 =	vld [tilespmem:s17+$0xFFFFFFC0];
	v15 =	vmul.f32 v41, v15;
	v18 =	vmul.f32 v3, v18  }
0x18c: {  	v19 =	vld [tilespmem:s25+$0xFFFFFFC0];
	v61 =	vmul.f32 v42, v21;
	v5 =	vadd.f32 v6, v5;
	v49 =	vadd.f32 v44, v43  }
0x18d: {  	v62 =	vmul.f32 v4, v23;
	v7 =	vadd.f32 v8, v7;
	v50 =	vadd.f32 v47, v46  }
0x18e: {  	v63 =	vmul.f32 v41, v22;
	v6 =	vadd.f32 v52, v51;
	v8 =	vadd.f32 v54, v53  }
0x18f: {  	v3 =	vmul.f32 v3, v26;
	v14 =	vadd.f32 v57, v56;
	v60 =	vadd.f32 v59, v58  }
0x190: {  	v4 =	vmul.f32 v4, v55;
	v26 =	vadd.f32 v18, v15;
	v5 =	vadd.f32 v49, v5  }
0x191: {  	v31 =	vadd.f32 v62, v61;
	v7 =	vadd.f32 v50, v7;
	v22 =	vmul.f32 v42, v19  }
0x192: {  	v3 =	vadd.f32 v3, v63;
	v6 =	vadd.f32 v8, v6;
	[tilespmem:s26+$0xFFFFFF40] =	vst v5  }
0x193: {  	v20 =	vadd.f32 v60, v14;
	[tilespmem:s26+$0xFFFFFF50] =	vst v7;
	v4 =	vadd.f32 v4, v22  }
0x194: {  	[tilespmem:s26+$0xFFFFFF60] =	vst v6;
	v5 =	vadd.f32 v31, v26  }
0x195: {  	[tilespmem:s26+$0xFFFFFF70] =	vst v20;
	v3 =	vadd.f32 v4, v3  }
0x196: {  	[tilespmem:s26+$0xFFFFFF80] =	vst v5  }
0x197: {  	[tilespmem:s26+$0xFFFFFF90] =	vst v3  }
0x198: {  	v3 =	vld [tilespmem:s4+$0xFFFFFFF0]  }
0x199: {  	v32 =	vld [tilespmem:s22+$0xFFFFFFF0]  }
0x19a: {  	v5 =	vld [tilespmem:s25+$0xFFFFFFD0]  }
0x19b: {  	v6 =	vld [tilespmem:s17+$0xFFFFFFD0]  }
0x19c: {  	v7 =	vld [tilespmem:s25+$0xFFFFFFE0]  }
0x19d: {  	v33 =	vld [tilespmem:s17+$0xFFFFFFE0];
	v34 =	vmul.f32 v3, v0;
	v3 =	vmul.f32 v3, v1  }
0x19e: {  	v15 =	vld [tilespmem:s25+$0xFFFFFFF0];
	v35 =	vmul.f32 v32, v0;
	v4 =	vmul.f32 v32, v1  }
0x19f: {  	v38 =	vld [tilespmem:s17+$0xFFFFFFF0];
	v9 =	vmul.f32 v34, v9;
	v10 =	vmul.f32 v3, v39  }
0x1a0: {  	v22 =	vld [tilespmem:s25+$0x0];
	v36 =	vmul.f32 v35, v5;
	v37 =	vmul.f32 v4, v6  }
0x1a1: {  	v28 =	vld [tilespmem:s17+$0x0];
	v11 =	vmul.f32 v34, v11;
	v12 =	vmul.f32 v3, v40  }
0x1a2: {  	v39 =	vmul.f32 v35, v7;
	v40 =	vmul.f32 v4, v33  }
0x1a3: {  	v18 =	vld [tilespmem:s17+$0x10];
	v43 =	vmul.f32 v34, v17;
	v44 =	vmul.f32 v3, v45  }
0x1a4: {  	v45 =	vmul.f32 v35, v15;
	v46 =	vmul.f32 v4, v38  }
0x1a5: {  	v47 =	vmul.f32 v34, v25;
	v48 =	vmul.f32 v3, v48  }
0x1a6: {  	v24 =	vld [tilespmem:s25+$0x20];
	v49 =	vmul.f32 v35, v22;
	v50 =	vmul.f32 v4, v28  }
0x1a7: {  	v27 =	vld [tilespmem:s17+$0x20];
	v21 =	vmul.f32 v34, v21;
	v23 =	vmul.f32 v3, v23  }
0x1a8: {  	v16 =	vld [tilespmem:s25+$0x10];
	v53 =	vmul.f32 v4, v18;
	v9 =	vadd.f32 v10, v9;
	v41 =	vadd.f32 v37, v36  }
0x1a9: {  	v54 =	vmul.f32 v34, v19;
	v11 =	vadd.f32 v12, v11;
	v42 =	vadd.f32 v40, v39  }
0x1aa: {  	v3 =	vmul.f32 v3, v55;
	v10 =	vadd.f32 v44, v43;
	v12 =	vadd.f32 v46, v45  }
0x1ab: {  	v14 =	vmul.f32 v35, v24;
	v17 =	vadd.f32 v48, v47;
	v51 =	vadd.f32 v50, v49  }
0x1ac: {  	v4 =	vmul.f32 v4, v27;
	v56 =	vadd.f32 v23, v21;
	v9 =	vadd.f32 v41, v9  }
0x1ad: {  	v52 =	vmul.f32 v35, v16;
	v3 =	vadd.f32 v3, v54;
	v11 =	vadd.f32 v42, v11  }
0x1ae: {  	v4 =	vadd.f32 v4, v14;
	v10 =	vadd.f32 v12, v10;
	[tilespmem:s26+$0xFFFFFFA0] =	vst v9  }
0x1af: {  	v57 =	vadd.f32 v53, v52;
	v55 =	vadd.f32 v51, v17;
	[tilespmem:s26+$0xFFFFFFB0] =	vst v11  }
0x1b0: {  	v3 =	vadd.f32 v4, v3;
	[tilespmem:s26+$0xFFFFFFC0] =	vst v10  }
0x1b1: {  	v9 =	vadd.f32 v57, v56;
	[tilespmem:s26+$0xFFFFFFD0] =	vst v55  }
0x1b2: {  	[tilespmem:s26+$0xFFFFFFF0] =	vst v3  }
0x1b3: {  	[tilespmem:s26+$0xFFFFFFE0] =	vst v9  }
0x1b4: {  	v3 =	vld [tilespmem:s4+$0x0]  }
0x1b5: {  	v58 =	vld [tilespmem:s22+$0x0]  }
0x1b6: {  	v9 =	vld [tilespmem:s25+$0x30]  }
0x1b7: {  	v10 =	vld [tilespmem:s17+$0x30]  }
0x1b8: {  	v11 =	vld [tilespmem:s25+$0x40]  }
0x1b9: {  	v59 =	vld [tilespmem:s17+$0x40];
	v60 =	vmul.f32 v3, v0;
	v3 =	vmul.f32 v3, v1  }
0x1ba: {  	v17 =	vld [tilespmem:s25+$0x50];
	v61 =	vmul.f32 v58, v0;
	v4 =	vmul.f32 v58, v1  }
0x1bb: {  	v23 =	vld [tilespmem:s17+$0x50];
	v5 =	vmul.f32 v60, v5;
	v6 =	vmul.f32 v3, v6  }
0x1bc: {  	v25 =	vld [tilespmem:s25+$0x60];
	v62 =	vmul.f32 v61, v9;
	v63 =	vmul.f32 v4, v10  }
0x1bd: {  	v30 =	vld [tilespmem:s17+$0x60];
	v7 =	vmul.f32 v60, v7;
	v8 =	vmul.f32 v3, v33  }
0x1be: {  	v33 =	vmul.f32 v61, v11;
	v34 =	vmul.f32 v4, v59  }
0x1bf: {  	v21 =	vld [tilespmem:s17+$0x70];
	v37 =	vmul.f32 v60, v15;
	v38 =	vmul.f32 v3, v38  }
0x1c0: {  	v39 =	vmul.f32 v61, v17;
	v40 =	vmul.f32 v4, v23  }
0x1c1: {  	v41 =	vmul.f32 v60, v22;
	v42 =	vmul.f32 v3, v28  }
0x1c2: {  	v20 =	vld [tilespmem:s25+$0x80];
	v43 =	vmul.f32 v61, v25;
	v44 =	vmul.f32 v4, v30  }
0x1c3: {  	v29 =	vld [tilespmem:s17+$0x80];
	v16 =	vmul.f32 v60, v16;
	v18 =	vmul.f32 v3, v18  }
0x1c4: {  	v19 =	vld [tilespmem:s25+$0x70];
	v47 =	vmul.f32 v4, v21;
	v5 =	vadd.f32 v6, v5;
	v35 =	vadd.f32 v63, v62  }
0x1c5: {  	v48 =	vmul.f32 v60, v24;
	v7 =	vadd.f32 v8, v7;
	v36 =	vadd.f32 v34, v33  }
0x1c6: {  	v3 =	vmul.f32 v3, v27;
	v6 =	vadd.f32 v38, v37;
	v8 =	vadd.f32 v40, v39  }
0x1c7: {  	v14 =	vmul.f32 v61, v20;
	v15 =	vadd.f32 v42, v41;
	v45 =	vadd.f32 v44, v43  }
0x1c8: {  	v4 =	vmul.f32 v4, v29;
	v50 =	vadd.f32 v18, v16;
	v5 =	vadd.f32 v35, v5  }
0x1c9: {  	v46 =	vmul.f32 v61, v19;
	v3 =	vadd.f32 v3, v48;
	v7 =	vadd.f32 v36, v7  }
0x1ca: {  	v4 =	vadd.f32 v4, v14;
	v6 =	vadd.f32 v8, v6;
	[tilespmem:s26+$0x0] =	vst v5  }
0x1cb: {  	v51 =	vadd.f32 v47, v46;
	v49 =	vadd.f32 v45, v15;
	[tilespmem:s26+$0x10] =	vst v7  }
0x1cc: {  	v3 =	vadd.f32 v4, v3;
	[tilespmem:s26+$0x20] =	vst v6  }
0x1cd: {  	v5 =	vadd.f32 v51, v50;
	[tilespmem:s26+$0x30] =	vst v49  }
0x1ce: {  	[tilespmem:s26+$0x50] =	vst v3  }
0x1cf: {  	[tilespmem:s26+$0x40] =	vst v5  }
0x1d0: {  	v3 =	vld [tilespmem:s4+$0x10]  }
0x1d1: {  	v52 =	vld [tilespmem:s22+$0x10]  }
0x1d2: {  	v5 =	vld [tilespmem:s25+$0x90]  }
0x1d3: {  	v6 =	vld [tilespmem:s17+$0x90]  }
0x1d4: {  	v7 =	vld [tilespmem:s25+$0xA0]  }
0x1d5: {  	v53 =	vld [tilespmem:s17+$0xA0];
	v54 =	vmul.f32 v3, v0;
	v3 =	vmul.f32 v3, v1  }
0x1d6: {  	v15 =	vld [tilespmem:s25+$0xB0];
	v55 =	vmul.f32 v52, v0;
	v4 =	vmul.f32 v52, v1  }
0x1d7: {  	v58 =	vld [tilespmem:s17+$0xB0];
	v9 =	vmul.f32 v54, v9;
	v10 =	vmul.f32 v3, v10  }
0x1d8: {  	v24 =	vld [tilespmem:s25+$0xC0];
	v56 =	vmul.f32 v55, v5;
	v57 =	vmul.f32 v4, v6  }
0x1d9: {  	v28 =	vld [tilespmem:s17+$0xC0];
	v11 =	vmul.f32 v54, v11;
	v12 =	vmul.f32 v3, v59  }
0x1da: {  	v59 =	vmul.f32 v55, v7;
	v60 =	vmul.f32 v4, v53  }
0x1db: {  	v16 =	vld [tilespmem:s25+$0xD0];
	v63 =	vmul.f32 v54, v17;
	v31 =	vmul.f32 v3, v23  }
0x1dc: {  	v18 =	vld [tilespmem:s17+$0xD0];
	v32 =	vmul.f32 v55, v15;
	v33 =	vmul.f32 v4, v58  }
0x1dd: {  	v34 =	vmul.f32 v54, v25;
	v35 =	vmul.f32 v3, v30  }
0x1de: {  	v36 =	vmul.f32 v55, v24;
	v37 =	vmul.f32 v4, v28  }
0x1df: {  	v27 =	vld [tilespmem:s17+$0xE0];
	v19 =	vmul.f32 v54, v19;
	v21 =	vmul.f32 v3, v21  }
0x1e0: {  	v23 =	vld [tilespmem:s25+$0xE0];
	v39 =	vmul.f32 v55, v16;
	v9 =	vadd.f32 v10, v9;
	v61 =	vadd.f32 v57, v56  }
0x1e1: {  	v40 =	vmul.f32 v4, v18;
	v11 =	vadd.f32 v12, v11;
	v62 =	vadd.f32 v60, v59  }
0x1e2: {  	v41 =	vmul.f32 v54, v20;
	v10 =	vadd.f32 v31, v63;
	v12 =	vadd.f32 v33, v32  }
0x1e3: {  	v3 =	vmul.f32 v3, v29;
	v17 =	vadd.f32 v35, v34;
	v38 =	vadd.f32 v37, v36  }
0x1e4: {  	v4 =	vmul.f32 v4, v27;
	v43 =	vadd.f32 v21, v19;
	v9 =	vadd.f32 v61, v9  }
0x1e5: {  	v44 =	vadd.f32 v40, v39;
	v11 =	vadd.f32 v62, v11;
	v14 =	vmul.f32 v55, v23  }
0x1e6: {  	v3 =	vadd.f32 v3, v41;
	v10 =	vadd.f32 v12, v10;
	[tilespmem:s26+$0x60] =	vst v9  }
0x1e7: {  	v42 =	vadd.f32 v38, v17;
	[tilespmem:s26+$0x70] =	vst v11;
	v4 =	vadd.f32 v4, v14  }
0x1e8: {  	[tilespmem:s26+$0x80] =	vst v10;
	v9 =	vadd.f32 v44, v43  }
0x1e9: {  	[tilespmem:s26+$0x90] =	vst v42;
	v3 =	vadd.f32 v4, v3  }
0x1ea: {  	[tilespmem:s26+$0xA0] =	vst v9  }
0x1eb: {  	[tilespmem:s26+$0xB0] =	vst v3  }
0x1ec: {  	v3 =	vld [tilespmem:s4+$0x20]  }
0x1ed: {  	v45 =	vld [tilespmem:s22+$0x20]  }
0x1ee: {  	v9 =	vld [tilespmem:s25+$0xF0]  }
0x1ef: {  	v10 =	vld [tilespmem:s17+$0xF0]  }
0x1f0: {  	v11 =	vld [tilespmem:s25+$0x100]  }
0x1f1: {  	v46 =	vld [tilespmem:s17+$0x100];
	v47 =	vmul.f32 v3, v0;
	v3 =	vmul.f32 v3, v1  }
0x1f2: {  	v17 =	vld [tilespmem:s25+$0x110];
	v48 =	vmul.f32 v45, v0;
	v4 =	vmul.f32 v45, v1  }
0x1f3: {  	v51 =	vld [tilespmem:s17+$0x110];
	v5 =	vmul.f32 v47, v5;
	v6 =	vmul.f32 v3, v6  }
0x1f4: {  	v25 =	vld [tilespmem:s25+$0x120];
	v49 =	vmul.f32 v48, v9;
	v50 =	vmul.f32 v4, v10  }
0x1f5: {  	v30 =	vld [tilespmem:s17+$0x120];
	v7 =	vmul.f32 v47, v7;
	v8 =	vmul.f32 v3, v53  }
0x1f6: {  	v52 =	vmul.f32 v48, v11;
	v53 =	vmul.f32 v4, v46  }
0x1f7: {  	v20 =	vld [tilespmem:s17+$0x130];
	v56 =	vmul.f32 v47, v15;
	v57 =	vmul.f32 v3, v58  }
0x1f8: {  	v58 =	vmul.f32 v48, v17;
	v59 =	vmul.f32 v4, v51  }
0x1f9: {  	v60 =	vmul.f32 v47, v24;
	v61 =	vmul.f32 v3, v28  }
0x1fa: {  	v22 =	vld [tilespmem:s25+$0x140];
	v62 =	vmul.f32 v48, v25;
	v63 =	vmul.f32 v4, v30  }
0x1fb: {  	v29 =	vld [tilespmem:s17+$0x140];
	v16 =	vmul.f32 v47, v16;
	v18 =	vmul.f32 v3, v18  }
0x1fc: {  	v19 =	vld [tilespmem:s25+$0x130];
	v34 =	vmul.f32 v4, v20;
	v5 =	vadd.f32 v6, v5;
	v54 =	vadd.f32 v50, v49  }
0x1fd: {  	v35 =	vmul.f32 v47, v23;
	v7 =	vadd.f32 v8, v7;
	v55 =	vadd.f32 v53, v52  }
0x1fe: {  	v3 =	vmul.f32 v3, v27;
	v6 =	vadd.f32 v57, v56;
	v8 =	vadd.f32 v59, v58  }
0x1ff: {  	v14 =	vmul.f32 v48, v22;
	v15 =	vadd.f32 v61, v60;
	v32 =	vadd.f32 v63, v62  }
0x200: {  	v4 =	vmul.f32 v4, v29;
	v37 =	vadd.f32 v18, v16;
	v5 =	vadd.f32 v54, v5  }
0x201: {  	v33 =	vmul.f32 v48, v19;
	v3 =	vadd.f32 v3, v35;
	v7 =	vadd.f32 v55, v7  }
0x202: {  	v4 =	vadd.f32 v4, v14;
	v6 =	vadd.f32 v8, v6;
	[tilespmem:s26+$0xC0] =	vst v5  }
0x203: {  	v38 =	vadd.f32 v34, v33;
	v36 =	vadd.f32 v32, v15;
	[tilespmem:s26+$0xD0] =	vst v7  }
0x204: {  	v3 =	vadd.f32 v4, v3;
	[tilespmem:s26+$0xE0] =	vst v6  }
0x205: {  	v5 =	vadd.f32 v38, v37;
	[tilespmem:s26+$0xF0] =	vst v36  }
0x206: {  	[tilespmem:s26+$0x110] =	vst v3  }
0x207: {  	[tilespmem:s26+$0x100] =	vst v5  }
0x208: {  	v3 =	vld [tilespmem:s4+$0x30]  }
0x209: {  	v39 =	vld [tilespmem:s22+$0x30];
	_ =	sdelay $0x1  }
0x20a: {  	v5 =	vld [tilespmem:s25+$0x150]  }
0x20b: {  	v6 =	vld [tilespmem:s17+$0x150]  }
0x20c: {  	v7 =	vld [tilespmem:s25+$0x160];
	v41 =	vmul.f32 v3, v0  }
0x20d: {  	v40 =	vld [tilespmem:s17+$0x160];
	v3 =	vmul.f32 v3, v1;
	v42 =	vmul.f32 v39, v0  }
0x20e: {  	v43 =	vld [tilespmem:s25+$0x170];
	v4 =	vmul.f32 v39, v1;
	v9 =	vmul.f32 v41, v9  }
0x20f: {  	v44 =	vld [tilespmem:s17+$0x170];
	v10 =	vmul.f32 v3, v10;
	v5 =	vmul.f32 v42, v5  }
0x210: {  	v45 =	vld [tilespmem:s25+$0x180];
	v6 =	vmul.f32 v4, v6;
	v11 =	vmul.f32 v41, v11  }
0x211: {  	v12 =	vmul.f32 v3, v46;
	v7 =	vmul.f32 v42, v7  }
0x212: {  	v8 =	vmul.f32 v4, v40;
	v50 =	vmul.f32 v41, v17  }
0x213: {  	v47 =	vld [tilespmem:s25+$0x190];
	v51 =	vmul.f32 v3, v51;
	v53 =	vmul.f32 v42, v43  }
0x214: {  	v49 =	vld [tilespmem:s17+$0x190];
	v54 =	vmul.f32 v4, v44;
	v56 =	vmul.f32 v41, v25  }
0x215: {  	v52 =	vld [tilespmem:s25+$0x1A0];
	v57 =	vmul.f32 v3, v30;
	v58 =	vmul.f32 v42, v45  }
0x216: {  	v46 =	vld [tilespmem:s17+$0x180];
	v60 =	vmul.f32 v41, v19;
	v61 =	vmul.f32 v3, v20;
	v9 =	vadd.f32 v10, v9  }
0x217: {  	v55 =	vld [tilespmem:s17+$0x1A0];
	v62 =	vmul.f32 v41, v22;
	v5 =	vadd.f32 v6, v5;
	v48 =	vadd.f32 v12, v11  }
0x218: {  	v3 =	vmul.f32 v3, v29;
	v7 =	vadd.f32 v8, v7;
	v10 =	vadd.f32 v54, v53  }
0x219: {  	v11 =	vadd.f32 v57, v56;
	v6 =	vmul.f32 v42, v47;
	v8 =	vmul.f32 v4, v49  }
0x21a: {  	v12 =	vmul.f32 v42, v52;
	v63 =	vadd.f32 v61, v60;
	v3 =	vadd.f32 v3, v62  }
0x21b: {  	v5 =	vadd.f32 v5, v9;
	v9 =	vadd.f32 v51, v50;
	v59 =	vmul.f32 v4, v46  }
0x21c: {  	v7 =	vadd.f32 v7, v48;
	v6 =	vadd.f32 v8, v6;
	v4 =	vmul.f32 v4, v55  }
0x21d: {  	p3 =	seq.s32 s0, $0x1;
	v9 =	vadd.f32 v10, v9;
	[tilespmem:s26+$0x120] =	vst v5;
	v15 =	vadd.f32 v59, v58  }
.Ltmp16:
0x21e: {  	[tilespmem:s26+$0x130] =	vst v7;
	v5 =	vadd.f32 v6, v63;
	v4 =	vadd.f32 v4, v12;
	(pc) =	sbr.rel @!p3 .LBB2_17-.Ltmp16, $4  }
0x21f: {  	[tilespmem:s26+$0x140] =	vst v9;
	v11 =	vadd.f32 v15, v11  }
0x220: {  	[tilespmem:s26+$0x160] =	vst v5;
	v3 =	vadd.f32 v4, v3  }
0x221: {  	s0 =	sadd.s32 $0xFFFFFFFF, s0;
	s25 =	sadd.s32 $0x300, s25;
	s22 =	sadd.s32 $0x80, s22;
	[tilespmem:s26+$0x150] =	vst v11  }
0x222: {  	s4 =	sadd.s32 $0x80, s4;
	s17 =	sadd.s32 $0x300, s17;
	[tilespmem:s26+$0x170] =	vst v3;
	s26 =	sadd.s32 $0x300, s26  }
.LBB2_18:
.Ltmp17:
0x223: {  	(pc) =	sbr.rel @p2 .LBB2_22-.Ltmp17, $1  }
0x224: {  	_ =	sdelay $0x3  }
0x225: {  	s4 =	sadd.s32 s16, s23  }
0x226: {  	s5 =	smov.u32 s30;
	p3 =	sgt.s32 s4, s30  }
0x227: {  	v3 =	vmov s15;
	s5 =	smov.u32 @p3 s4  }
0x228: {  	s4 =	smov.u32 s9;
	p3 =	slt.s32 s5, s9  }
0x229: {  	s4 =	smov.u32 @p3 s5  }
0x22a: {  	v7 =	vld [tilespmem:s6+$0x0];
	s4 =	smul.u32 $0x60, s4  }
0x22b: {  	v4 =	vld [tilespmem:s7+$0x0]  }
0x22c: {  	v8 =	vld.idx.msk [tilespmem:v3+s4+$0x60 ss:$0x1], $0xffff  }
0x22d: {  	v9 =	vld.idx.msk [tilespmem:v2+s4+$0x60 ss:$0x1], $0xffff  }
0x22e: {  	v10 =	vld.idx.msk [tilespmem:v3+s4+$0x0 ss:$0x1], $0xffff  }
0x22f: {  	v11 =	vld.idx.msk [tilespmem:v2+s4+$0x0 ss:$0x1], $0xffff;
	_ =	sdelay $0x1  }
0x230: {  	v5 =	vmul.f32 v4, v1;
	v4 =	vmul.f32 v4, v0  }
0x231: {  	v6 =	vmul.f32 v7, v1;
	v7 =	vmul.f32 v7, v0  }
0x232: {  	v8 =	vmul.f32 v8, v5;
	v9 =	vmul.f32 v9, v4  }
0x233: {  	v10 =	vmul.f32 v10, v6;
	v11 =	vmul.f32 v11, v7;
	_ =	sdelay $0x1  }
0x234: {  	v8 =	vadd.f32 v8, v9;
	v9 =	vadd.f32 v10, v11;
	_ =	sdelay $0x1  }
0x235: {  	s0 =	rddreg [dreg:$0x16];
	v8 =	vadd.f32 v8, v9  }
0x236: {  	s0 =	sadd.s32 s14, s0  }
0x237: {  	[tilespmem:s0+$0xFFFFFFD0] =	vst v8  }
0x238: {  	v8 =	vld.idx.msk [tilespmem:v2+s4+$0x70 ss:$0x1], $0xffff  }
0x239: {  	v9 =	vld.idx.msk [tilespmem:v2+s4+$0x10 ss:$0x1], $0xffff  }
0x23a: {  	v10 =	vld.idx.msk [tilespmem:v3+s4+$0x10 ss:$0x1], $0xffff  }
0x23b: {  	v11 =	vld.idx.msk [tilespmem:v3+s4+$0x70 ss:$0x1], $0xffff;
	_ =	sdelay $0x3  }
0x23c: {  	v10 =	vmul.f32 v10, v6;
	v8 =	vmul.f32 v8, v4  }
0x23d: {  	v9 =	vmul.f32 v9, v7;
	v11 =	vmul.f32 v11, v5;
	_ =	sdelay $0x1  }
0x23e: {  	v9 =	vadd.f32 v10, v9;
	v8 =	vadd.f32 v11, v8;
	_ =	sdelay $0x1  }
0x23f: {  	v8 =	vadd.f32 v8, v9;
	_ =	sdelay $0x1  }
0x240: {  	[tilespmem:s0+$0xFFFFFFE0] =	vst v8  }
0x241: {  	v8 =	vld.idx.msk [tilespmem:v3+s4+$0x20 ss:$0x1], $0xffff  }
0x242: {  	v9 =	vld.idx.msk [tilespmem:v3+s4+$0x80 ss:$0x1], $0xffff  }
0x243: {  	v10 =	vld.idx.msk [tilespmem:v2+s4+$0x20 ss:$0x1], $0xffff  }
0x244: {  	v11 =	vld.idx.msk [tilespmem:v2+s4+$0x80 ss:$0x1], $0xffff;
	_ =	sdelay $0x3  }
0x245: {  	v8 =	vmul.f32 v8, v6;
	v9 =	vmul.f32 v9, v5  }
0x246: {  	v10 =	vmul.f32 v10, v7;
	v11 =	vmul.f32 v11, v4;
	_ =	sdelay $0x1  }
0x247: {  	v8 =	vadd.f32 v8, v10;
	v9 =	vadd.f32 v9, v11;
	_ =	sdelay $0x1  }
0x248: {  	v8 =	vadd.f32 v9, v8;
	_ =	sdelay $0x1  }
0x249: {  	[tilespmem:s0+$0xFFFFFFF0] =	vst v8  }
0x24a: {  	v8 =	vld.idx.msk [tilespmem:v3+s4+$0x30 ss:$0x1], $0xffff  }
0x24b: {  	v9 =	vld.idx.msk [tilespmem:v3+s4+$0x90 ss:$0x1], $0xffff  }
0x24c: {  	v10 =	vld.idx.msk [tilespmem:v2+s4+$0x90 ss:$0x1], $0xffff  }
0x24d: {  	v11 =	vld.idx.msk [tilespmem:v2+s4+$0x30 ss:$0x1], $0xffff;
	_ =	sdelay $0x3  }
0x24e: {  	v8 =	vmul.f32 v8, v6;
	v10 =	vmul.f32 v10, v4  }
0x24f: {  	v9 =	vmul.f32 v9, v5;
	v11 =	vmul.f32 v11, v7;
	_ =	sdelay $0x1  }
0x250: {  	v9 =	vadd.f32 v9, v10;
	v8 =	vadd.f32 v8, v11;
	_ =	sdelay $0x1  }
0x251: {  	v8 =	vadd.f32 v9, v8;
	_ =	sdelay $0x1  }
0x252: {  	[tilespmem:s0+$0x0] =	vst v8  }
0x253: {  	v8 =	vld.idx.msk [tilespmem:v2+s4+$0x40 ss:$0x1], $0xffff  }
0x254: {  	v9 =	vld.idx.msk [tilespmem:v3+s4+$0x40 ss:$0x1], $0xffff  }
0x255: {  	v10 =	vld.idx.msk [tilespmem:v2+s4+$0xA0 ss:$0x1], $0xffff  }
0x256: {  	v11 =	vld.idx.msk [tilespmem:v3+s4+$0xA0 ss:$0x1], $0xffff;
	_ =	sdelay $0x2  }
0x257: {  	p3 =	sne.s32 s16, $0xBF  }
.Ltmp18:
0x258: {  	v9 =	vmul.f32 v9, v6;
	v10 =	vmul.f32 v10, v4;
	(pc) =	sbr.rel @!p3 .LBB2_21-.Ltmp18, $3  }
0x259: {  	v8 =	vmul.f32 v8, v7;
	v11 =	vmul.f32 v11, v5;
	_ =	sdelay $0x1  }
0x25a: {  	s15 =	sadd.s32 $0x1, s16;
	v8 =	vadd.f32 v9, v8;
	v9 =	vadd.f32 v11, v10  }
0x25b: {  	s17 =	smov.u32 s7;
	s20 =	smov.u32 s0;
	s5 =	smov.u32 s6  }
.LBB2_20:
0x25c: {  	v8 =	vadd.f32 v9, v8;
	s5 =	sadd.s32 $0x10, s5;
	s17 =	sadd.s32 $0x10, s17;
	s20 =	sadd.s32 $0x60, s20  }
0x25d: {  	p3 =	sne.s32 s15, $0xBF;
	s22 =	smov.u32 s15;
	s15 =	sadd.s32 $0x1, s15  }
0x25e: {  	[tilespmem:s0+$0x10] =	vst v8  }
0x25f: {  	v8 =	vld.idx.msk [tilespmem:v2+s4+$0x50 ss:$0x1], $0xffff  }
0x260: {  	v9 =	vld.idx.msk [tilespmem:v3+s4+$0xB0 ss:$0x1], $0xffff  }
0x261: {  	v10 =	vld.idx.msk [tilespmem:v3+s4+$0x50 ss:$0x1], $0xffff  }
0x262: {  	v11 =	vld.idx.msk [tilespmem:v2+s4+$0xB0 ss:$0x1], $0xffff;
	_ =	sdelay $0x3  }
0x263: {  	v5 =	vmul.f32 v9, v5  }
0x264: {  	v7 =	vmul.f32 v8, v7;
	v6 =	vmul.f32 v10, v6  }
0x265: {  	v4 =	vmul.f32 v11, v4  }
0x266: {  	v6 =	vadd.f32 v6, v7  }
0x267: {  	s4 =	sadd.s32 s22, s23;
	v4 =	vadd.f32 v5, v4  }
0x268: {  	s22 =	smov.u32 s30;
	p4 =	sgt.s32 s4, s30  }
0x269: {  	s22 =	smov.u32 @p4 s4;
	v4 =	vadd.f32 v4, v6  }
0x26a: {  	s4 =	smov.u32 s9;
	p4 =	slt.s32 s22, s9  }
0x26b: {  	s4 =	smov.u32 @p4 s22;
	[tilespmem:s0+$0x20] =	vst v4;
	s0 =	smov.u32 s20  }
0x26c: {  	s4 =	smul.u32 $0x60, s4;
	v7 =	vld [tilespmem:s5+$0x0]  }
0x26d: {  	v4 =	vld [tilespmem:s17+$0x0]  }
0x26e: {  	v8 =	vld.idx.msk [tilespmem:v3+s4+$0x60 ss:$0x1], $0xffff  }
0x26f: {  	v9 =	vld.idx.msk [tilespmem:v2+s4+$0x60 ss:$0x1], $0xffff  }
0x270: {  	v10 =	vld.idx.msk [tilespmem:v3+s4+$0x0 ss:$0x1], $0xffff  }
0x271: {  	v11 =	vld.idx.msk [tilespmem:v2+s4+$0x0 ss:$0x1], $0xffff  }
0x272: {  	v5 =	vmul.f32 v4, v1  }
0x273: {  	v4 =	vmul.f32 v4, v0  }
0x274: {  	v6 =	vmul.f32 v7, v1;
	v8 =	vmul.f32 v8, v5  }
0x275: {  	v7 =	vmul.f32 v7, v0;
	v9 =	vmul.f32 v9, v4  }
0x276: {  	v10 =	vmul.f32 v10, v6  }
0x277: {  	v11 =	vmul.f32 v11, v7;
	v8 =	vadd.f32 v8, v9;
	_ =	sdelay $0x1  }
0x278: {  	v9 =	vadd.f32 v10, v11;
	_ =	sdelay $0x1  }
0x279: {  	v8 =	vadd.f32 v8, v9;
	_ =	sdelay $0x1  }
0x27a: {  	[tilespmem:s20+$0xFFFFFFD0] =	vst v8  }
0x27b: {  	v8 =	vld.idx.msk [tilespmem:v2+s4+$0x70 ss:$0x1], $0xffff  }
0x27c: {  	v9 =	vld.idx.msk [tilespmem:v2+s4+$0x10 ss:$0x1], $0xffff  }
0x27d: {  	v10 =	vld.idx.msk [tilespmem:v3+s4+$0x10 ss:$0x1], $0xffff  }
0x27e: {  	v11 =	vld.idx.msk [tilespmem:v3+s4+$0x70 ss:$0x1], $0xffff;
	_ =	sdelay $0x4  }
0x27f: {  	v8 =	vmul.f32 v8, v4;
	v10 =	vmul.f32 v10, v6  }
0x280: {  	v9 =	vmul.f32 v9, v7;
	v11 =	vmul.f32 v11, v5;
	_ =	sdelay $0x1  }
0x281: {  	v9 =	vadd.f32 v10, v9;
	v8 =	vadd.f32 v11, v8;
	_ =	sdelay $0x1  }
0x282: {  	v8 =	vadd.f32 v8, v9;
	_ =	sdelay $0x1  }
0x283: {  	[tilespmem:s20+$0xFFFFFFE0] =	vst v8  }
0x284: {  	v8 =	vld.idx.msk [tilespmem:v3+s4+$0x20 ss:$0x1], $0xffff  }
0x285: {  	v9 =	vld.idx.msk [tilespmem:v3+s4+$0x80 ss:$0x1], $0xffff  }
0x286: {  	v10 =	vld.idx.msk [tilespmem:v2+s4+$0x20 ss:$0x1], $0xffff  }
0x287: {  	v11 =	vld.idx.msk [tilespmem:v2+s4+$0x80 ss:$0x1], $0xffff;
	_ =	sdelay $0x3  }
0x288: {  	v8 =	vmul.f32 v8, v6;
	v9 =	vmul.f32 v9, v5  }
0x289: {  	v10 =	vmul.f32 v10, v7  }
0x28a: {  	v11 =	vmul.f32 v11, v4  }
0x28b: {  	v8 =	vadd.f32 v8, v10  }
0x28c: {  	v9 =	vadd.f32 v9, v11;
	_ =	sdelay $0x1  }
0x28d: {  	v8 =	vadd.f32 v9, v8;
	_ =	sdelay $0x1  }
0x28e: {  	[tilespmem:s20+$0xFFFFFFF0] =	vst v8  }
0x28f: {  	v8 =	vld.idx.msk [tilespmem:v3+s4+$0x30 ss:$0x1], $0xffff  }
0x290: {  	v9 =	vld.idx.msk [tilespmem:v3+s4+$0x90 ss:$0x1], $0xffff  }
0x291: {  	v10 =	vld.idx.msk [tilespmem:v2+s4+$0x90 ss:$0x1], $0xffff  }
0x292: {  	v11 =	vld.idx.msk [tilespmem:v2+s4+$0x30 ss:$0x1], $0xffff;
	_ =	sdelay $0x3  }
0x293: {  	v8 =	vmul.f32 v8, v6  }
0x294: {  	v9 =	vmul.f32 v9, v5;
	v10 =	vmul.f32 v10, v4  }
0x295: {  	v11 =	vmul.f32 v11, v7  }
0x296: {  	v9 =	vadd.f32 v9, v10  }
0x297: {  	v8 =	vadd.f32 v8, v11;
	_ =	sdelay $0x1  }
0x298: {  	v8 =	vadd.f32 v9, v8;
	_ =	sdelay $0x1  }
0x299: {  	[tilespmem:s20+$0x0] =	vst v8  }
0x29a: {  	v8 =	vld.idx.msk [tilespmem:v2+s4+$0x40 ss:$0x1], $0xffff  }
0x29b: {  	v9 =	vld.idx.msk [tilespmem:v3+s4+$0x40 ss:$0x1], $0xffff  }
0x29c: {  	v10 =	vld.idx.msk [tilespmem:v2+s4+$0xA0 ss:$0x1], $0xffff  }
0x29d: {  	v11 =	vld.idx.msk [tilespmem:v3+s4+$0xA0 ss:$0x1], $0xffff;
	_ =	sdelay $0x3  }
.Ltmp19:
0x29e: {  	v9 =	vmul.f32 v9, v6;
	(pc) =	sbr.rel @p3 .LBB2_20-.Ltmp19, $3  }
0x29f: {  	v10 =	vmul.f32 v10, v4  }
0x2a0: {  	v8 =	vmul.f32 v8, v7;
	v11 =	vmul.f32 v11, v5;
	_ =	sdelay $0x1  }
0x2a1: {  	v8 =	vadd.f32 v9, v8;
	v9 =	vadd.f32 v11, v10  }
.Ltmp20:
0x2a2: {  	_ = 	snop;
	(pc) =	sbr.rel .LBB2_21-.Ltmp20, $1  }
0x2a3: {  	_ =	sdelay $0x3  }
.LBB2_25:
0x2a4: {  	_ =	sfence.sel $0x180000  }
0x2a5: {  	[bflag:$0x0] =	sbarrier.arrive $0xFFFF  }
0x2a6: {  	_ =	strace $0x90000047  }
0x2a7: {  	s0 =	stileid.u32;
	[bflag:$0x2] =	sbarrier.arrive $0xFFFF  }
0x2a8: {  	p0 =	sne.s32 s0, $0x0;
	s0 =	rddreg [dreg:$0x2]  }
0x2a9: {  	s0 =	sadd.s32 @!p0 $0x100000, s0  }
0x2aa: {  	[sflag:s0] =	ssyncadd.tile.s32 @!p0 $0x1;
	_ =	shalt  }
.Lfunc_end2:
_tile_overlayer_lowered:
.L_overlay_start_2:
0x2ab: {  	(tag) =	ssettag $0x2  }
0x2ac: {  	s0 =	rddreg [dreg:$0x0];
	s2 =	stileid.u32  }
0x2ad: {  	s1 =	rddreg [dreg:$0x1];
	p0 =	sne.s32 s2, $0x0  }
0x2ae: {  	s3 =	rddreg [dreg:$0x2];
	[bflag:$0x3] =	sbarrier.arrive $0xFFFF;
	s2 =	simm.s32 @!p0 $0x1C03  }
0x2af: {  	[timem:s3], [sflag:s2] =	dma.local @!p0 [hbm:s0], s1  }
0x2b0: {  	s0 =	simm.s32 @!p0 $0x3  }
0x2b1: {  	_ =	swait.ge @!p0 [sflag:s0], s1  }
0x2b2: {  	s1 =	ssub.s32 @!p0 $0x0, s1;
	[sflag:s0] =	ssyncset.done @!p0 $0x0  }
0x2b3: {  	[sflag:s0] =	ssyncadd.s32 @!p0 s1  }
0x2b4: {  	[bflag:$0x3] =	sbarrier.arrive $0xFFFF  }
0x2b5: {  	_ =	shalt  }

</sc_bundles>
